<compile_context>
chip_gen: v7x
topology: tpu7x:2x2x1
jax: 0.10.2.dev20260603
libtpu: 0.0.44.dev20260713+nightly
codegen_flags: <defaults>
</compile_context>

<pallas_src>
import jax
import jax.numpy as jnp
from jax import lax
from jax.experimental import pallas as pl
from jax.experimental.pallas import tpu as pltpu
from jax.experimental.pallas import tpu_sc as plsc

B = 16384
D = 64
N_NEG = 20
LANES = 16
NW = 32
PER_W = B // NW
C = 16
NCHUNK = PER_W // C
NPAIR = NCHUNK // 2
NR = C * N_NEG
W128 = 128
VROWS = (1000000 * D) // W128


def _sc_body(pos_u_hbm, pos_v_hbm, neg_v_hbm, u_hbm, v_hbm,
             pos_out_hbm, neg_out_hbm,
             idx_u_st, idx_pv_st, idx_nv_st,
             t_u0, t_pv0, t_na0, t_nb0, t_nc0,
             t_u1, t_pv1, t_na1, t_nb1, t_nc1,
             u_r0, pv_r0, nv_r0, u_r1, pv_r1, nv_r1,
             out_pos, out_neg, sem0, sem1):
    wid = lax.axis_index("s") * 2 + lax.axis_index("c")
    lane = lax.iota(jnp.int32, LANES)

    pltpu.sync_copy(pos_u_hbm.at[pl.ds(wid * PER_W, PER_W)], idx_u_st)
    pltpu.sync_copy(pos_v_hbm.at[pl.ds(wid * PER_W, PER_W)], idx_pv_st)
    pltpu.sync_copy(neg_v_hbm.at[pl.ds(wid * PER_W * N_NEG, PER_W * N_NEG)],
                    idx_nv_st)

    def decode(c, t_u, t_pv, t_na, t_nb, t_nc):
        t_u[...] = idx_u_st[pl.ds(c * C, C)] >> 1
        t_pv[...] = idx_pv_st[pl.ds(c * C, C)] >> 1
        for j in range(8):
            t_na[pl.ds(j * LANES, LANES)] = (
                idx_nv_st[pl.ds(c * NR + j * LANES, LANES)] >> 1)
        for j in range(8):
            t_nb[pl.ds(j * LANES, LANES)] = (
                idx_nv_st[pl.ds(c * NR + (8 + j) * LANES, LANES)] >> 1)
        for j in range(4):
            t_nc[pl.ds(j * LANES, LANES)] = (
                idx_nv_st[pl.ds(c * NR + (16 + j) * LANES, LANES)] >> 1)

    def fire(t_u, t_pv, t_na, t_nb, t_nc, u_r, pv_r, nv_r, sem):
        pltpu.async_copy(u_hbm.at[t_u], u_r, sem)
        pltpu.async_copy(v_hbm.at[t_pv], pv_r, sem)
        pltpu.async_copy(v_hbm.at[t_na], nv_r.at[pl.ds(0, 128)], sem)
        pltpu.async_copy(v_hbm.at[t_nb], nv_r.at[pl.ds(128, 128)], sem)
        pltpu.async_copy(v_hbm.at[t_nc], nv_r.at[pl.ds(256, 64)], sem)

    def drain(u_r, pv_r, nv_r, sem):
        pltpu.make_async_copy(u_hbm.at[pl.ds(0, C)], u_r, sem).wait()
        pltpu.make_async_copy(v_hbm.at[pl.ds(0, C)], pv_r, sem).wait()
        pltpu.make_async_copy(v_hbm.at[pl.ds(0, NR)], nv_r, sem).wait()

    def dots(u_r, hu, refs, rows, hcols):
        k = len(refs)

        def step(d, accs):
            rot = (lane + d) & (D - 1)
            gu = plsc.load_gather(u_r, [lane, hu + rot])
            out = []
            for j in range(k):
                g = plsc.load_gather(refs[j], [rows[j], hcols[j] + rot])
                out.append(accs[j] + gu * g)
            return tuple(out)

        zero = jnp.zeros((LANES,), jnp.float32)
        return lax.fori_loop(0, D, step, tuple([zero] * k))

    def compute(c, u_r, pv_r, nv_r):
        hu = (idx_u_st[pl.ds(c * C, C)] & 1) << 6
        hpv = (idx_pv_st[pl.ds(c * C, C)] & 1) << 6
        hn = []
        for n in range(N_NEG):
            iv = plsc.load_gather(idx_nv_st, [lane * N_NEG + (c * NR + n)])
            hn.append((iv & 1) << 6)
        nrows = [lane * N_NEG + n for n in range(N_NEG)]

        accs_a = dots(u_r, hu,
                      [pv_r] + [nv_r] * 10,
                      [lane] + nrows[:10],
                      [hpv] + hn[:10])
        out_pos[pl.ds(c * C, C)] = accs_a[0]
        for n in range(10):
            out_neg[pl.ds(n * PER_W + c * C, C)] = accs_a[1 + n]

        accs_b = dots(u_r, hu, [nv_r] * 10, nrows[10:], hn[10:])
        for n in range(10):
            out_neg[pl.ds((10 + n) * PER_W + c * C, C)] = accs_b[n]

    decode(0, t_u0, t_pv0, t_na0, t_nb0, t_nc0)
    fire(t_u0, t_pv0, t_na0, t_nb0, t_nc0, u_r0, pv_r0, nv_r0, sem0)

    def pair(i, carry):
        c = 2 * i
        decode(c + 1, t_u1, t_pv1, t_na1, t_nb1, t_nc1)
        fire(t_u1, t_pv1, t_na1, t_nb1, t_nc1, u_r1, pv_r1, nv_r1, sem1)
        drain(u_r0, pv_r0, nv_r0, sem0)
        compute(c, u_r0, pv_r0, nv_r0)

        @pl.when(i < NPAIR - 1)
        def _():
            decode(c + 2, t_u0, t_pv0, t_na0, t_nb0, t_nc0)
            fire(t_u0, t_pv0, t_na0, t_nb0, t_nc0, u_r0, pv_r0, nv_r0, sem0)

        drain(u_r1, pv_r1, nv_r1, sem1)
        compute(c + 1, u_r1, pv_r1, nv_r1)
        return carry

    lax.fori_loop(0, NPAIR, pair, 0)

    pltpu.sync_copy(out_pos, pos_out_hbm.at[pl.ds(wid * PER_W, PER_W)])
    for n in range(N_NEG):
        pltpu.sync_copy(out_neg.at[pl.ds(n * PER_W, PER_W)],
                        neg_out_hbm.at[pl.ds(n * B + wid * PER_W, PER_W)])


def kernel(pos_u, pos_v, neg_v, U, V):
    pos_u_i = pos_u.astype(jnp.int32)
    pos_v_i = pos_v.astype(jnp.int32).reshape(B)
    neg_v_i = neg_v.astype(jnp.int32).reshape(B * N_NEG)
    u2 = U.reshape(VROWS, W128)
    v2 = V.reshape(VROWS, W128)

    mesh = plsc.VectorSubcoreMesh(core_axis_name="c", subcore_axis_name="s")
    run = pl.kernel(
        _sc_body,
        out_type=(jax.ShapeDtypeStruct((B,), jnp.float32),
                  jax.ShapeDtypeStruct((N_NEG * B,), jnp.float32)),
        mesh=mesh,
        compiler_params=pltpu.CompilerParams(needs_layout_passes=False),
        scratch_types=[
            pltpu.VMEM((PER_W,), jnp.int32),
            pltpu.VMEM((PER_W,), jnp.int32),
            pltpu.VMEM((PER_W * N_NEG,), jnp.int32),
            pltpu.VMEM((C,), jnp.int32),
            pltpu.VMEM((C,), jnp.int32),
            pltpu.VMEM((128,), jnp.int32),
            pltpu.VMEM((128,), jnp.int32),
            pltpu.VMEM((64,), jnp.int32),
            pltpu.VMEM((C,), jnp.int32),
            pltpu.VMEM((C,), jnp.int32),
            pltpu.VMEM((128,), jnp.int32),
            pltpu.VMEM((128,), jnp.int32),
            pltpu.VMEM((64,), jnp.int32),
            pltpu.VMEM((C, W128), jnp.float32),
            pltpu.VMEM((C, W128), jnp.float32),
            pltpu.VMEM((NR, W128), jnp.float32),
            pltpu.VMEM((C, W128), jnp.float32),
            pltpu.VMEM((C, W128), jnp.float32),
            pltpu.VMEM((NR, W128), jnp.float32),
            pltpu.VMEM((PER_W,), jnp.float32),
            pltpu.VMEM((PER_W * N_NEG,), jnp.float32),
            pltpu.SemaphoreType.DMA,
            pltpu.SemaphoreType.DMA,
        ],
    )
    pos_flat, neg_flat = run(pos_u_i, pos_v_i, neg_v_i, u2, v2)
    return (pos_flat.reshape(B, 1),
            neg_flat.reshape(N_NEG, B).T)

# --- scband reference (transcript-rebuilt; emitter-appended) ---
"""Pipeline reference for scband-skip-gram-59124519796767 (READ-ONLY COPY).

The authoritative reference and input builder live on the scoring server;
editing this copy changes nothing except your own understanding.
"""

import jax, jax.numpy as jnp
import numpy as np

VOCAB = 1000000
EMB_DIM = 64
B = 16384
N_NEG = 20

def setup_inputs(seed: int = 0) -> dict:
    key = jax.random.key(seed)
    k1, k2, k3, k4, k5 = jax.random.split(key, 5)
    pos_u = jax.random.randint(k1, (B,), 0, VOCAB, dtype=jnp.int64) if jax.config.jax_enable_x64 else jax.random.randint(k1, (B,), 0, VOCAB).astype(jnp.int32)
    pos_v = jax.random.randint(k2, (B, 1), 0, VOCAB).astype(pos_u.dtype)
    neg_v = jax.random.randint(k3, (B, N_NEG), 0, VOCAB).astype(pos_u.dtype)
    std = EMB_DIM ** (-0.25)
    U = jax.random.normal(k4, (VOCAB, EMB_DIM), dtype=jnp.float32) * std
    V = jax.random.normal(k5, (VOCAB, EMB_DIM), dtype=jnp.float32) * std
    return {"pos_u": pos_u, "pos_v": pos_v, "neg_v": neg_v, "U": U, "V": V}

def reference(pos_u, pos_v, neg_v, U, V):
    # emb lookups (gather)
    emb_pos_u = jnp.take(U, pos_u, axis=0)          # [B, D]
    emb_pos_v = jnp.take(V, pos_v, axis=0)          # [B, 1, D]
    emb_neg_v = jnp.take(V, neg_v, axis=0)          # [B, N, D]
    # bmm(emb_pos_v, emb_pos_u[..., None]) -> [B, 1]
    pos_s = jnp.einsum('bcd,bd->bc', emb_pos_v, emb_pos_u)
    # bmm(emb_neg_v, emb_pos_u[..., None]) -> [B, N]
    neg_s = jnp.einsum('bnd,bd->bn', emb_neg_v, emb_pos_u)
    return (pos_s, neg_s)

if __name__ == "__main__":
    import jax
    _d = setup_inputs()
    print(jax.jit(kernel)(*tuple(_d.values())))

</pallas_src>

<mosaic_0001>
#map = affine_map<(d0, d1) -> (0)>
#map1 = affine_map<(d0, d1) -> (0, 0)>
module attributes {stable_mosaic.version = 14 : i64} {
  func.func @_sc_body(%arg0: i32, %arg1: i32, %arg2: memref<16384xi32, #tpu.memory_space<hbm>>, %arg3: memref<16384xi32, #tpu.memory_space<hbm>>, %arg4: memref<327680xi32, #tpu.memory_space<hbm>>, %arg5: memref<500000x128xf32, #tpu.memory_space<hbm>>, %arg6: memref<500000x128xf32, #tpu.memory_space<hbm>>, %arg7: memref<16384xf32, #tpu.memory_space<hbm>>, %arg8: memref<327680xf32, #tpu.memory_space<hbm>>, %arg9: memref<512xi32, #tpu.memory_space<vmem>>, %arg10: memref<512xi32, #tpu.memory_space<vmem>>, %arg11: memref<10240xi32, #tpu.memory_space<vmem>>, %arg12: memref<16xi32, #tpu.memory_space<vmem>>, %arg13: memref<16xi32, #tpu.memory_space<vmem>>, %arg14: memref<128xi32, #tpu.memory_space<vmem>>, %arg15: memref<128xi32, #tpu.memory_space<vmem>>, %arg16: memref<64xi32, #tpu.memory_space<vmem>>, %arg17: memref<16xi32, #tpu.memory_space<vmem>>, %arg18: memref<16xi32, #tpu.memory_space<vmem>>, %arg19: memref<128xi32, #tpu.memory_space<vmem>>, %arg20: memref<128xi32, #tpu.memory_space<vmem>>, %arg21: memref<64xi32, #tpu.memory_space<vmem>>, %arg22: memref<16x128xf32, #tpu.memory_space<vmem>>, %arg23: memref<16x128xf32, #tpu.memory_space<vmem>>, %arg24: memref<320x128xf32, #tpu.memory_space<vmem>>, %arg25: memref<16x128xf32, #tpu.memory_space<vmem>>, %arg26: memref<16x128xf32, #tpu.memory_space<vmem>>, %arg27: memref<320x128xf32, #tpu.memory_space<vmem>>, %arg28: memref<512xf32, #tpu.memory_space<vmem>>, %arg29: memref<10240xf32, #tpu.memory_space<vmem>>, %arg30: memref<!tpu.dma_semaphore, #tpu.memory_space<semaphore_mem>>, %arg31: memref<!tpu.dma_semaphore, #tpu.memory_space<semaphore_mem>>) attributes {dimension_semantics = [#tpu.dimension_semantics<core_parallel>, #tpu.dimension_semantics<subcore_parallel>], iteration_bounds = array<i64: 2, 16>, scalar_prefetch = 0 : i64, scratch_operands = 23 : i64, tpu.core_type = #tpu.core_type<sc_vector_subcore>, window_params = [{transform_indices = #map}, {transform_indices = #map}, {transform_indices = #map}, {transform_indices = #map1}, {transform_indices = #map1}, {transform_indices = #map}, {transform_indices = #map}]} {
    %mul3A = arith.constant 2 : i32
    %mul3A_0 = arith.muli %arg1, %mul3A : i32
    %add3A = arith.addi %mul3A_0, %arg0 : i32
    %iota3A = tpu.iota {dimensions = array<i32: 0>} : vector<16xi32>
    %mul3A_1 = arith.constant 512 : i32
    %mul3A_2 = arith.muli %add3A, %mul3A_1 : i32
    "tpu.region"() ({
      %run_scoped3A = tpu.sem_alloc : memref<!tpu.dma_semaphore, #tpu.memory_space<semaphore_mem>>
      %dma_start3A_270 = tpu.memref_slice %arg2[%mul3A_2] : memref<16384xi32, #tpu.memory_space<hbm>> -> memref<512xi32, #tpu.memory_space<hbm>>
      %dma_start3A_271 = tpu.memref_slice %arg2[%mul3A_2] : memref<16384xi32, #tpu.memory_space<hbm>> -> memref<512xi32, #tpu.memory_space<hbm>>
      tpu.enqueue_dma source(%dma_start3A_271 : memref<512xi32, #tpu.memory_space<hbm>>) target(%arg9 : memref<512xi32, #tpu.memory_space<vmem>>) target_semaphore(%run_scoped3A : memref<!tpu.dma_semaphore, #tpu.memory_space<semaphore_mem>>)
      %dma_wait3A = tpu.memref_slice %arg2[%mul3A_2] : memref<16384xi32, #tpu.memory_space<hbm>> -> memref<512xi32, #tpu.memory_space<hbm>>
      %dma_wait3A_272 = tpu.memref_slice %arg2[%mul3A_2] : memref<16384xi32, #tpu.memory_space<hbm>> -> memref<512xi32, #tpu.memory_space<hbm>>
      tpu.wait_dma2 semaphore(%run_scoped3A : memref<!tpu.dma_semaphore, #tpu.memory_space<semaphore_mem>>) src(%dma_wait3A_272 : memref<512xi32, #tpu.memory_space<hbm>>) dst(%arg9 : memref<512xi32, #tpu.memory_space<vmem>>)
      tpu.yield
    }) : () -> ()
    %mul3A_3 = arith.constant 512 : i32
    %mul3A_4 = arith.muli %add3A, %mul3A_3 : i32
    "tpu.region"() ({
      %run_scoped3A = tpu.sem_alloc : memref<!tpu.dma_semaphore, #tpu.memory_space<semaphore_mem>>
      %dma_start3A_270 = tpu.memref_slice %arg3[%mul3A_4] : memref<16384xi32, #tpu.memory_space<hbm>> -> memref<512xi32, #tpu.memory_space<hbm>>
      %dma_start3A_271 = tpu.memref_slice %arg3[%mul3A_4] : memref<16384xi32, #tpu.memory_space<hbm>> -> memref<512xi32, #tpu.memory_space<hbm>>
      tpu.enqueue_dma source(%dma_start3A_271 : memref<512xi32, #tpu.memory_space<hbm>>) target(%arg10 : memref<512xi32, #tpu.memory_space<vmem>>) target_semaphore(%run_scoped3A : memref<!tpu.dma_semaphore, #tpu.memory_space<semaphore_mem>>)
      %dma_wait3A = tpu.memref_slice %arg3[%mul3A_4] : memref<16384xi32, #tpu.memory_space<hbm>> -> memref<512xi32, #tpu.memory_space<hbm>>
      %dma_wait3A_272 = tpu.memref_slice %arg3[%mul3A_4] : memref<16384xi32, #tpu.memory_space<hbm>> -> memref<512xi32, #tpu.memory_space<hbm>>
      tpu.wait_dma2 semaphore(%run_scoped3A : memref<!tpu.dma_semaphore, #tpu.memory_space<semaphore_mem>>) src(%dma_wait3A_272 : memref<512xi32, #tpu.memory_space<hbm>>) dst(%arg10 : memref<512xi32, #tpu.memory_space<vmem>>)
      tpu.yield
    }) : () -> ()
    %mul3A_5 = arith.constant 512 : i32
    %mul3A_6 = arith.muli %add3A, %mul3A_5 : i32
    %mul3A_7 = arith.constant 20 : i32
    %mul3A_8 = arith.muli %mul3A_6, %mul3A_7 : i32
    "tpu.region"() ({
      %run_scoped3A = tpu.sem_alloc : memref<!tpu.dma_semaphore, #tpu.memory_space<semaphore_mem>>
      %dma_start3A_270 = tpu.memref_slice %arg4[%mul3A_8] : memref<327680xi32, #tpu.memory_space<hbm>> -> memref<10240xi32, #tpu.memory_space<hbm>>
      %dma_start3A_271 = tpu.memref_slice %arg4[%mul3A_8] : memref<327680xi32, #tpu.memory_space<hbm>> -> memref<10240xi32, #tpu.memory_space<hbm>>
      tpu.enqueue_dma source(%dma_start3A_271 : memref<10240xi32, #tpu.memory_space<hbm>>) target(%arg11 : memref<10240xi32, #tpu.memory_space<vmem>>) target_semaphore(%run_scoped3A : memref<!tpu.dma_semaphore, #tpu.memory_space<semaphore_mem>>)
      %dma_wait3A = tpu.memref_slice %arg4[%mul3A_8] : memref<327680xi32, #tpu.memory_space<hbm>> -> memref<10240xi32, #tpu.memory_space<hbm>>
      %dma_wait3A_272 = tpu.memref_slice %arg4[%mul3A_8] : memref<327680xi32, #tpu.memory_space<hbm>> -> memref<10240xi32, #tpu.memory_space<hbm>>
      tpu.wait_dma2 semaphore(%run_scoped3A : memref<!tpu.dma_semaphore, #tpu.memory_space<semaphore_mem>>) src(%dma_wait3A_272 : memref<10240xi32, #tpu.memory_space<hbm>>) dst(%arg11 : memref<10240xi32, #tpu.memory_space<vmem>>)
      tpu.yield
    }) : () -> ()
    %get3A = arith.constant 0 : index
    %get3A_9 = tpu.vector_load %arg9[%get3A] {strides = array<i32>} : memref<512xi32, #tpu.memory_space<vmem>>, vector<16xi32>,
    %shift_right_arithmetic3A = arith.constant 1 : i32
    %shift_right_arithmetic3A_10 = vector.broadcast %shift_right_arithmetic3A : i32 to vector<16xi32>
    %shift_right_arithmetic3A_11 = arith.shrsi %get3A_9, %shift_right_arithmetic3A_10 : vector<16xi32>
    %swap3A = arith.constant 0 : index
    %swap3A_12 = tpu.vector_load %arg12[%swap3A] {strides = array<i32>} : memref<16xi32, #tpu.memory_space<vmem>>, vector<16xi32>,
    tpu.vector_store %arg12[%swap3A], %shift_right_arithmetic3A_11 {strides = array<i32>} : memref<16xi32, #tpu.memory_space<vmem>>, vector<16xi32>,
    %get3A_13 = arith.constant 0 : index
    %get3A_14 = tpu.vector_load %arg10[%get3A_13] {strides = array<i32>} : memref<512xi32, #tpu.memory_space<vmem>>, vector<16xi32>,
    %shift_right_arithmetic3A_15 = arith.constant 1 : i32
    %shift_right_arithmetic3A_16 = vector.broadcast %shift_right_arithmetic3A_15 : i32 to vector<16xi32>
    %shift_right_arithmetic3A_17 = arith.shrsi %get3A_14, %shift_right_arithmetic3A_16 : vector<16xi32>
    %swap3A_18 = arith.constant 0 : index
    %swap3A_19 = tpu.vector_load %arg13[%swap3A_18] {strides = array<i32>} : memref<16xi32, #tpu.memory_space<vmem>>, vector<16xi32>,
    tpu.vector_store %arg13[%swap3A_18], %shift_right_arithmetic3A_17 {strides = array<i32>} : memref<16xi32, #tpu.memory_space<vmem>>, vector<16xi32>,
    %get3A_20 = arith.constant 0 : index
    %get3A_21 = tpu.vector_load %arg11[%get3A_20] {strides = array<i32>} : memref<10240xi32, #tpu.memory_space<vmem>>, vector<16xi32>,
    %shift_right_arithmetic3A_22 = arith.constant 1 : i32
    %shift_right_arithmetic3A_23 = vector.broadcast %shift_right_arithmetic3A_22 : i32 to vector<16xi32>
    %shift_right_arithmetic3A_24 = arith.shrsi %get3A_21, %shift_right_arithmetic3A_23 : vector<16xi32>
    %swap3A_25 = arith.constant 0 : index
    %swap3A_26 = tpu.vector_load %arg14[%swap3A_25] {strides = array<i32>} : memref<128xi32, #tpu.memory_space<vmem>>, vector<16xi32>,
    tpu.vector_store %arg14[%swap3A_25], %shift_right_arithmetic3A_24 {strides = array<i32>} : memref<128xi32, #tpu.memory_space<vmem>>, vector<16xi32>,
    %get3A_27 = arith.constant 16 : index
    %get3A_28 = tpu.vector_load %arg11[%get3A_27] {strides = array<i32>} : memref<10240xi32, #tpu.memory_space<vmem>>, vector<16xi32>,
    %shift_right_arithmetic3A_29 = arith.constant 1 : i32
    %shift_right_arithmetic3A_30 = vector.broadcast %shift_right_arithmetic3A_29 : i32 to vector<16xi32>
    %shift_right_arithmetic3A_31 = arith.shrsi %get3A_28, %shift_right_arithmetic3A_30 : vector<16xi32>
    %swap3A_32 = arith.constant 16 : index
    %swap3A_33 = tpu.vector_load %arg14[%swap3A_32] {strides = array<i32>} : memref<128xi32, #tpu.memory_space<vmem>>, vector<16xi32>,
    tpu.vector_store %arg14[%swap3A_32], %shift_right_arithmetic3A_31 {strides = array<i32>} : memref<128xi32, #tpu.memory_space<vmem>>, vector<16xi32>,
    %get3A_34 = arith.constant 32 : index
    %get3A_35 = tpu.vector_load %arg11[%get3A_34] {strides = array<i32>} : memref<10240xi32, #tpu.memory_space<vmem>>, vector<16xi32>,
    %shift_right_arithmetic3A_36 = arith.constant 1 : i32
    %shift_right_arithmetic3A_37 = vector.broadcast %shift_right_arithmetic3A_36 : i32 to vector<16xi32>
    %shift_right_arithmetic3A_38 = arith.shrsi %get3A_35, %shift_right_arithmetic3A_37 : vector<16xi32>
    %swap3A_39 = arith.constant 32 : index
    %swap3A_40 = tpu.vector_load %arg14[%swap3A_39] {strides = array<i32>} : memref<128xi32, #tpu.memory_space<vmem>>, vector<16xi32>,
    tpu.vector_store %arg14[%swap3A_39], %shift_right_arithmetic3A_38 {strides = array<i32>} : memref<128xi32, #tpu.memory_space<vmem>>, vector<16xi32>,
    %get3A_41 = arith.constant 48 : index
    %get3A_42 = tpu.vector_load %arg11[%get3A_41] {strides = array<i32>} : memref<10240xi32, #tpu.memory_space<vmem>>, vector<16xi32>,
    %shift_right_arithmetic3A_43 = arith.constant 1 : i32
    %shift_right_arithmetic3A_44 = vector.broadcast %shift_right_arithmetic3A_43 : i32 to vector<16xi32>
    %shift_right_arithmetic3A_45 = arith.shrsi %get3A_42, %shift_right_arithmetic3A_44 : vector<16xi32>
    %swap3A_46 = arith.constant 48 : index
    %swap3A_47 = tpu.vector_load %arg14[%swap3A_46] {strides = array<i32>} : memref<128xi32, #tpu.memory_space<vmem>>, vector<16xi32>,
    tpu.vector_store %arg14[%swap3A_46], %shift_right_arithmetic3A_45 {strides = array<i32>} : memref<128xi32, #tpu.memory_space<vmem>>, vector<16xi32>,
    %get3A_48 = arith.constant 64 : index
    %get3A_49 = tpu.vector_load %arg11[%get3A_48] {strides = array<i32>} : memref<10240xi32, #tpu.memory_space<vmem>>, vector<16xi32>,
    %shift_right_arithmetic3A_50 = arith.constant 1 : i32
    %shift_right_arithmetic3A_51 = vector.broadcast %shift_right_arithmetic3A_50 : i32 to vector<16xi32>
    %shift_right_arithmetic3A_52 = arith.shrsi %get3A_49, %shift_right_arithmetic3A_51 : vector<16xi32>
    %swap3A_53 = arith.constant 64 : index
    %swap3A_54 = tpu.vector_load %arg14[%swap3A_53] {strides = array<i32>} : memref<128xi32, #tpu.memory_space<vmem>>, vector<16xi32>,
    tpu.vector_store %arg14[%swap3A_53], %shift_right_arithmetic3A_52 {strides = array<i32>} : memref<128xi32, #tpu.memory_space<vmem>>, vector<16xi32>,
    %get3A_55 = arith.constant 80 : index
    %get3A_56 = tpu.vector_load %arg11[%get3A_55] {strides = array<i32>} : memref<10240xi32, #tpu.memory_space<vmem>>, vector<16xi32>,
    %shift_right_arithmetic3A_57 = arith.constant 1 : i32
    %shift_right_arithmetic3A_58 = vector.broadcast %shift_right_arithmetic3A_57 : i32 to vector<16xi32>
    %shift_right_arithmetic3A_59 = arith.shrsi %get3A_56, %shift_right_arithmetic3A_58 : vector<16xi32>
    %swap3A_60 = arith.constant 80 : index
    %swap3A_61 = tpu.vector_load %arg14[%swap3A_60] {strides = array<i32>} : memref<128xi32, #tpu.memory_space<vmem>>, vector<16xi32>,
    tpu.vector_store %arg14[%swap3A_60], %shift_right_arithmetic3A_59 {strides = array<i32>} : memref<128xi32, #tpu.memory_space<vmem>>, vector<16xi32>,
    %get3A_62 = arith.constant 96 : index
    %get3A_63 = tpu.vector_load %arg11[%get3A_62] {strides = array<i32>} : memref<10240xi32, #tpu.memory_space<vmem>>, vector<16xi32>,
    %shift_right_arithmetic3A_64 = arith.constant 1 : i32
    %shift_right_arithmetic3A_65 = vector.broadcast %shift_right_arithmetic3A_64 : i32 to vector<16xi32>
    %shift_right_arithmetic3A_66 = arith.shrsi %get3A_63, %shift_right_arithmetic3A_65 : vector<16xi32>
    %swap3A_67 = arith.constant 96 : index
    %swap3A_68 = tpu.vector_load %arg14[%swap3A_67] {strides = array<i32>} : memref<128xi32, #tpu.memory_space<vmem>>, vector<16xi32>,
    tpu.vector_store %arg14[%swap3A_67], %shift_right_arithmetic3A_66 {strides = array<i32>} : memref<128xi32, #tpu.memory_space<vmem>>, vector<16xi32>,
    %get3A_69 = arith.constant 112 : index
    %get3A_70 = tpu.vector_load %arg11[%get3A_69] {strides = array<i32>} : memref<10240xi32, #tpu.memory_space<vmem>>, vector<16xi32>,
    %shift_right_arithmetic3A_71 = arith.constant 1 : i32
    %shift_right_arithmetic3A_72 = vector.broadcast %shift_right_arithmetic3A_71 : i32 to vector<16xi32>
    %shift_right_arithmetic3A_73 = arith.shrsi %get3A_70, %shift_right_arithmetic3A_72 : vector<16xi32>
    %swap3A_74 = arith.constant 112 : index
    %swap3A_75 = tpu.vector_load %arg14[%swap3A_74] {strides = array<i32>} : memref<128xi32, #tpu.memory_space<vmem>>, vector<16xi32>,
    tpu.vector_store %arg14[%swap3A_74], %shift_right_arithmetic3A_73 {strides = array<i32>} : memref<128xi32, #tpu.memory_space<vmem>>, vector<16xi32>,
    %get3A_76 = arith.constant 128 : index
    %get3A_77 = tpu.vector_load %arg11[%get3A_76] {strides = array<i32>} : memref<10240xi32, #tpu.memory_space<vmem>>, vector<16xi32>,
    %shift_right_arithmetic3A_78 = arith.constant 1 : i32
    %shift_right_arithmetic3A_79 = vector.broadcast %shift_right_arithmetic3A_78 : i32 to vector<16xi32>
    %shift_right_arithmetic3A_80 = arith.shrsi %get3A_77, %shift_right_arithmetic3A_79 : vector<16xi32>
    %swap3A_81 = arith.constant 0 : index
    %swap3A_82 = tpu.vector_load %arg15[%swap3A_81] {strides = array<i32>} : memref<128xi32, #tpu.memory_space<vmem>>, vector<16xi32>,
    tpu.vector_store %arg15[%swap3A_81], %shift_right_arithmetic3A_80 {strides = array<i32>} : memref<128xi32, #tpu.memory_space<vmem>>, vector<16xi32>,
    %get3A_83 = arith.constant 144 : index
    %get3A_84 = tpu.vector_load %arg11[%get3A_83] {strides = array<i32>} : memref<10240xi32, #tpu.memory_space<vmem>>, vector<16xi32>,
    %shift_right_arithmetic3A_85 = arith.constant 1 : i32
    %shift_right_arithmetic3A_86 = vector.broadcast %shift_right_arithmetic3A_85 : i32 to vector<16xi32>
    %shift_right_arithmetic3A_87 = arith.shrsi %get3A_84, %shift_right_arithmetic3A_86 : vector<16xi32>
    %swap3A_88 = arith.constant 16 : index
    %swap3A_89 = tpu.vector_load %arg15[%swap3A_88] {strides = array<i32>} : memref<128xi32, #tpu.memory_space<vmem>>, vector<16xi32>,
    tpu.vector_store %arg15[%swap3A_88], %shift_right_arithmetic3A_87 {strides = array<i32>} : memref<128xi32, #tpu.memory_space<vmem>>, vector<16xi32>,
    %get3A_90 = arith.constant 160 : index
    %get3A_91 = tpu.vector_load %arg11[%get3A_90] {strides = array<i32>} : memref<10240xi32, #tpu.memory_space<vmem>>, vector<16xi32>,
    %shift_right_arithmetic3A_92 = arith.constant 1 : i32
    %shift_right_arithmetic3A_93 = vector.broadcast %shift_right_arithmetic3A_92 : i32 to vector<16xi32>
    %shift_right_arithmetic3A_94 = arith.shrsi %get3A_91, %shift_right_arithmetic3A_93 : vector<16xi32>
    %swap3A_95 = arith.constant 32 : index
    %swap3A_96 = tpu.vector_load %arg15[%swap3A_95] {strides = array<i32>} : memref<128xi32, #tpu.memory_space<vmem>>, vector<16xi32>,
    tpu.vector_store %arg15[%swap3A_95], %shift_right_arithmetic3A_94 {strides = array<i32>} : memref<128xi32, #tpu.memory_space<vmem>>, vector<16xi32>,
    %get3A_97 = arith.constant 176 : index
    %get3A_98 = tpu.vector_load %arg11[%get3A_97] {strides = array<i32>} : memref<10240xi32, #tpu.memory_space<vmem>>, vector<16xi32>,
    %shift_right_arithmetic3A_99 = arith.constant 1 : i32
    %shift_right_arithmetic3A_100 = vector.broadcast %shift_right_arithmetic3A_99 : i32 to vector<16xi32>
    %shift_right_arithmetic3A_101 = arith.shrsi %get3A_98, %shift_right_arithmetic3A_100 : vector<16xi32>
    %swap3A_102 = arith.constant 48 : index
    %swap3A_103 = tpu.vector_load %arg15[%swap3A_102] {strides = array<i32>} : memref<128xi32, #tpu.memory_space<vmem>>, vector<16xi32>,
    tpu.vector_store %arg15[%swap3A_102], %shift_right_arithmetic3A_101 {strides = array<i32>} : memref<128xi32, #tpu.memory_space<vmem>>, vector<16xi32>,
    %get3A_104 = arith.constant 192 : index
    %get3A_105 = tpu.vector_load %arg11[%get3A_104] {strides = array<i32>} : memref<10240xi32, #tpu.memory_space<vmem>>, vector<16xi32>,
    %shift_right_arithmetic3A_106 = arith.constant 1 : i32
    %shift_right_arithmetic3A_107 = vector.broadcast %shift_right_arithmetic3A_106 : i32 to vector<16xi32>
    %shift_right_arithmetic3A_108 = arith.shrsi %get3A_105, %shift_right_arithmetic3A_107 : vector<16xi32>
    %swap3A_109 = arith.constant 64 : index
    %swap3A_110 = tpu.vector_load %arg15[%swap3A_109] {strides = array<i32>} : memref<128xi32, #tpu.memory_space<vmem>>, vector<16xi32>,
    tpu.vector_store %arg15[%swap3A_109], %shift_right_arithmetic3A_108 {strides = array<i32>} : memref<128xi32, #tpu.memory_space<vmem>>, vector<16xi32>,
    %get3A_111 = arith.constant 208 : index
    %get3A_112 = tpu.vector_load %arg11[%get3A_111] {strides = array<i32>} : memref<10240xi32, #tpu.memory_space<vmem>>, vector<16xi32>,
    %shift_right_arithmetic3A_113 = arith.constant 1 : i32
    %shift_right_arithmetic3A_114 = vector.broadcast %shift_right_arithmetic3A_113 : i32 to vector<16xi32>
    %shift_right_arithmetic3A_115 = arith.shrsi %get3A_112, %shift_right_arithmetic3A_114 : vector<16xi32>
    %swap3A_116 = arith.constant 80 : index
    %swap3A_117 = tpu.vector_load %arg15[%swap3A_116] {strides = array<i32>} : memref<128xi32, #tpu.memory_space<vmem>>, vector<16xi32>,
    tpu.vector_store %arg15[%swap3A_116], %shift_right_arithmetic3A_115 {strides = array<i32>} : memref<128xi32, #tpu.memory_space<vmem>>, vector<16xi32>,
    %get3A_118 = arith.constant 224 : index
    %get3A_119 = tpu.vector_load %arg11[%get3A_118] {strides = array<i32>} : memref<10240xi32, #tpu.memory_space<vmem>>, vector<16xi32>,
    %shift_right_arithmetic3A_120 = arith.constant 1 : i32
    %shift_right_arithmetic3A_121 = vector.broadcast %shift_right_arithmetic3A_120 : i32 to vector<16xi32>
    %shift_right_arithmetic3A_122 = arith.shrsi %get3A_119, %shift_right_arithmetic3A_121 : vector<16xi32>
    %swap3A_123 = arith.constant 96 : index
    %swap3A_124 = tpu.vector_load %arg15[%swap3A_123] {strides = array<i32>} : memref<128xi32, #tpu.memory_space<vmem>>, vector<16xi32>,
    tpu.vector_store %arg15[%swap3A_123], %shift_right_arithmetic3A_122 {strides = array<i32>} : memref<128xi32, #tpu.memory_space<vmem>>, vector<16xi32>,
    %get3A_125 = arith.constant 240 : index
    %get3A_126 = tpu.vector_load %arg11[%get3A_125] {strides = array<i32>} : memref<10240xi32, #tpu.memory_space<vmem>>, vector<16xi32>,
    %shift_right_arithmetic3A_127 = arith.constant 1 : i32
    %shift_right_arithmetic3A_128 = vector.broadcast %shift_right_arithmetic3A_127 : i32 to vector<16xi32>
    %shift_right_arithmetic3A_129 = arith.shrsi %get3A_126, %shift_right_arithmetic3A_128 : vector<16xi32>
    %swap3A_130 = arith.constant 112 : index
    %swap3A_131 = tpu.vector_load %arg15[%swap3A_130] {strides = array<i32>} : memref<128xi32, #tpu.memory_space<vmem>>, vector<16xi32>,
    tpu.vector_store %arg15[%swap3A_130], %shift_right_arithmetic3A_129 {strides = array<i32>} : memref<128xi32, #tpu.memory_space<vmem>>, vector<16xi32>,
    %get3A_132 = arith.constant 256 : index
    %get3A_133 = tpu.vector_load %arg11[%get3A_132] {strides = array<i32>} : memref<10240xi32, #tpu.memory_space<vmem>>, vector<16xi32>,
    %shift_right_arithmetic3A_134 = arith.constant 1 : i32
    %shift_right_arithmetic3A_135 = vector.broadcast %shift_right_arithmetic3A_134 : i32 to vector<16xi32>
    %shift_right_arithmetic3A_136 = arith.shrsi %get3A_133, %shift_right_arithmetic3A_135 : vector<16xi32>
    %swap3A_137 = arith.constant 0 : index
    %swap3A_138 = tpu.vector_load %arg16[%swap3A_137] {strides = array<i32>} : memref<64xi32, #tpu.memory_space<vmem>>, vector<16xi32>,
    tpu.vector_store %arg16[%swap3A_137], %shift_right_arithmetic3A_136 {strides = array<i32>} : memref<64xi32, #tpu.memory_space<vmem>>, vector<16xi32>,
    %get3A_139 = arith.constant 272 : index
    %get3A_140 = tpu.vector_load %arg11[%get3A_139] {strides = array<i32>} : memref<10240xi32, #tpu.memory_space<vmem>>, vector<16xi32>,
    %shift_right_arithmetic3A_141 = arith.constant 1 : i32
    %shift_right_arithmetic3A_142 = vector.broadcast %shift_right_arithmetic3A_141 : i32 to vector<16xi32>
    %shift_right_arithmetic3A_143 = arith.shrsi %get3A_140, %shift_right_arithmetic3A_142 : vector<16xi32>
    %swap3A_144 = arith.constant 16 : index
    %swap3A_145 = tpu.vector_load %arg16[%swap3A_144] {strides = array<i32>} : memref<64xi32, #tpu.memory_space<vmem>>, vector<16xi32>,
    tpu.vector_store %arg16[%swap3A_144], %shift_right_arithmetic3A_143 {strides = array<i32>} : memref<64xi32, #tpu.memory_space<vmem>>, vector<16xi32>,
    %get3A_146 = arith.constant 288 : index
    %get3A_147 = tpu.vector_load %arg11[%get3A_146] {strides = array<i32>} : memref<10240xi32, #tpu.memory_space<vmem>>, vector<16xi32>,
    %shift_right_arithmetic3A_148 = arith.constant 1 : i32
    %shift_right_arithmetic3A_149 = vector.broadcast %shift_right_arithmetic3A_148 : i32 to vector<16xi32>
    %shift_right_arithmetic3A_150 = arith.shrsi %get3A_147, %shift_right_arithmetic3A_149 : vector<16xi32>
    %swap3A_151 = arith.constant 32 : index
    %swap3A_152 = tpu.vector_load %arg16[%swap3A_151] {strides = array<i32>} : memref<64xi32, #tpu.memory_space<vmem>>, vector<16xi32>,
    tpu.vector_store %arg16[%swap3A_151], %shift_right_arithmetic3A_150 {strides = array<i32>} : memref<64xi32, #tpu.memory_space<vmem>>, vector<16xi32>,
    %get3A_153 = arith.constant 304 : index
    %get3A_154 = tpu.vector_load %arg11[%get3A_153] {strides = array<i32>} : memref<10240xi32, #tpu.memory_space<vmem>>, vector<16xi32>,
    %shift_right_arithmetic3A_155 = arith.constant 1 : i32
    %shift_right_arithmetic3A_156 = vector.broadcast %shift_right_arithmetic3A_155 : i32 to vector<16xi32>
    %shift_right_arithmetic3A_157 = arith.shrsi %get3A_154, %shift_right_arithmetic3A_156 : vector<16xi32>
    %swap3A_158 = arith.constant 48 : index
    %swap3A_159 = tpu.vector_load %arg16[%swap3A_158] {strides = array<i32>} : memref<64xi32, #tpu.memory_space<vmem>>, vector<16xi32>,
    tpu.vector_store %arg16[%swap3A_158], %shift_right_arithmetic3A_157 {strides = array<i32>} : memref<64xi32, #tpu.memory_space<vmem>>, vector<16xi32>,
    %dma_start3A = arith.constant 0 : i32
    %dma_start3A_160 = arith.constant 0 : i32
    %dma_start3A_161 = tpu.memref_slice %arg5[%dma_start3A, %dma_start3A_160] : memref<500000x128xf32, #tpu.memory_space<hbm>> -> memref<500000x128xf32, #tpu.memory_space<hbm>>
    tpu.enqueue_indirect_dma source(%dma_start3A_161 : memref<500000x128xf32, #tpu.memory_space<hbm>>) target(%arg22 : memref<16x128xf32, #tpu.memory_space<vmem>>) offsets(%arg12 : memref<16xi32, #tpu.memory_space<vmem>>) semaphore(%arg30 : memref<!tpu.dma_semaphore, #tpu.memory_space<semaphore_mem>>)
    %dma_start3A_162 = arith.constant 0 : i32
    %dma_start3A_163 = arith.constant 0 : i32
    %dma_start3A_164 = tpu.memref_slice %arg6[%dma_start3A_162, %dma_start3A_163] : memref<500000x128xf32, #tpu.memory_space<hbm>> -> memref<500000x128xf32, #tpu.memory_space<hbm>>
    tpu.enqueue_indirect_dma source(%dma_start3A_164 : memref<500000x128xf32, #tpu.memory_space<hbm>>) target(%arg23 : memref<16x128xf32, #tpu.memory_space<vmem>>) offsets(%arg13 : memref<16xi32, #tpu.memory_space<vmem>>) semaphore(%arg30 : memref<!tpu.dma_semaphore, #tpu.memory_space<semaphore_mem>>)
    %dma_start3A_165 = arith.constant 0 : i32
    %dma_start3A_166 = arith.constant 0 : i32
    %dma_start3A_167 = tpu.memref_slice %arg24[%dma_start3A_165, %dma_start3A_166] : memref<320x128xf32, #tpu.memory_space<vmem>> -> memref<128x128xf32, #tpu.memory_space<vmem>>
    %dma_start3A_168 = arith.constant 0 : i32
    %dma_start3A_169 = arith.constant 0 : i32
    %dma_start3A_170 = tpu.memref_slice %arg6[%dma_start3A_168, %dma_start3A_169] : memref<500000x128xf32, #tpu.memory_space<hbm>> -> memref<500000x128xf32, #tpu.memory_space<hbm>>
    tpu.enqueue_indirect_dma source(%dma_start3A_170 : memref<500000x128xf32, #tpu.memory_space<hbm>>) target(%dma_start3A_167 : memref<128x128xf32, #tpu.memory_space<vmem>>) offsets(%arg14 : memref<128xi32, #tpu.memory_space<vmem>>) semaphore(%arg30 : memref<!tpu.dma_semaphore, #tpu.memory_space<semaphore_mem>>)
    %dma_start3A_171 = arith.constant 128 : i32
    %dma_start3A_172 = arith.constant 0 : i32
    %dma_start3A_173 = tpu.memref_slice %arg24[%dma_start3A_171, %dma_start3A_172] : memref<320x128xf32, #tpu.memory_space<vmem>> -> memref<128x128xf32, #tpu.memory_space<vmem>>
    %dma_start3A_174 = arith.constant 0 : i32
    %dma_start3A_175 = arith.constant 0 : i32
    %dma_start3A_176 = tpu.memref_slice %arg6[%dma_start3A_174, %dma_start3A_175] : memref<500000x128xf32, #tpu.memory_space<hbm>> -> memref<500000x128xf32, #tpu.memory_space<hbm>>
    tpu.enqueue_indirect_dma source(%dma_start3A_176 : memref<500000x128xf32, #tpu.memory_space<hbm>>) target(%dma_start3A_173 : memref<128x128xf32, #tpu.memory_space<vmem>>) offsets(%arg15 : memref<128xi32, #tpu.memory_space<vmem>>) semaphore(%arg30 : memref<!tpu.dma_semaphore, #tpu.memory_space<semaphore_mem>>)
    %dma_start3A_177 = arith.constant 256 : i32
    %dma_start3A_178 = arith.constant 0 : i32
    %dma_start3A_179 = tpu.memref_slice %arg24[%dma_start3A_177, %dma_start3A_178] : memref<320x128xf32, #tpu.memory_space<vmem>> -> memref<64x128xf32, #tpu.memory_space<vmem>>
    %dma_start3A_180 = arith.constant 0 : i32
    %dma_start3A_181 = arith.constant 0 : i32
    %dma_start3A_182 = tpu.memref_slice %arg6[%dma_start3A_180, %dma_start3A_181] : memref<500000x128xf32, #tpu.memory_space<hbm>> -> memref<500000x128xf32, #tpu.memory_space<hbm>>
    tpu.enqueue_indirect_dma source(%dma_start3A_182 : memref<500000x128xf32, #tpu.memory_space<hbm>>) target(%dma_start3A_179 : memref<64x128xf32, #tpu.memory_space<vmem>>) offsets(%arg16 : memref<64xi32, #tpu.memory_space<vmem>>) semaphore(%arg30 : memref<!tpu.dma_semaphore, #tpu.memory_space<semaphore_mem>>)
    %scan3A = arith.constant 0 : i32
    %scan3A_183 = arith.constant 0 : i32
    %scan3A_184 = arith.constant 16 : i32
    %scan3A_185 = arith.addi %scan3A_183, %scan3A_184 : i32
    %scan3A_186 = arith.constant 1 : i32
    scf.for %scan3A_270 = %scan3A_183 to %scan3A_185 step %scan3A_186  : i32 {
      %mul3A_271 = arith.constant 2 : i32
      %mul3A_272 = arith.muli %mul3A_271, %scan3A_270 : i32
      %add3A_273 = arith.constant 1 : i32
      %add3A_274 = arith.addi %mul3A_272, %add3A_273 : i32
      %mul3A_275 = arith.constant 16 : i32
      %mul3A_276 = arith.muli %add3A_274, %mul3A_275 : i32
      %get3A_277 = arith.index_cast %mul3A_276 : i32 to index
      %get3A_278 = tpu.vector_load %arg9[%get3A_277] {strides = array<i32>} : memref<512xi32, #tpu.memory_space<vmem>>, vector<16xi32>,
      %shift_right_arithmetic3A_279 = arith.constant 1 : i32
      %shift_right_arithmetic3A_280 = vector.broadcast %shift_right_arithmetic3A_279 : i32 to vector<16xi32>
      %shift_right_arithmetic3A_281 = arith.shrsi %get3A_278, %shift_right_arithmetic3A_280 : vector<16xi32>
      %swap3A_282 = arith.constant 0 : index
      %swap3A_283 = tpu.vector_load %arg17[%swap3A_282] {strides = array<i32>} : memref<16xi32, #tpu.memory_space<vmem>>, vector<16xi32>,
      tpu.vector_store %arg17[%swap3A_282], %shift_right_arithmetic3A_281 {strides = array<i32>} : memref<16xi32, #tpu.memory_space<vmem>>, vector<16xi32>,
      %mul3A_284 = arith.constant 16 : i32
      %mul3A_285 = arith.muli %add3A_274, %mul3A_284 : i32
      %get3A_286 = arith.index_cast %mul3A_285 : i32 to index
      %get3A_287 = tpu.vector_load %arg10[%get3A_286] {strides = array<i32>} : memref<512xi32, #tpu.memory_space<vmem>>, vector<16xi32>,
      %shift_right_arithmetic3A_288 = arith.constant 1 : i32
      %shift_right_arithmetic3A_289 = vector.broadcast %shift_right_arithmetic3A_288 : i32 to vector<16xi32>
      %shift_right_arithmetic3A_290 = arith.shrsi %get3A_287, %shift_right_arithmetic3A_289 : vector<16xi32>
      %swap3A_291 = arith.constant 0 : index
      %swap3A_292 = tpu.vector_load %arg18[%swap3A_291] {strides = array<i32>} : memref<16xi32, #tpu.memory_space<vmem>>, vector<16xi32>,
      tpu.vector_store %arg18[%swap3A_291], %shift_right_arithmetic3A_290 {strides = array<i32>} : memref<16xi32, #tpu.memory_space<vmem>>, vector<16xi32>,
      %mul3A_293 = arith.constant 320 : i32
      %mul3A_294 = arith.muli %add3A_274, %mul3A_293 : i32
      %add3A_295 = arith.constant 0 : i32
      %add3A_296 = arith.addi %mul3A_294, %add3A_295 : i32
      %get3A_297 = arith.index_cast %add3A_296 : i32 to index
      %get3A_298 = tpu.vector_load %arg11[%get3A_297] {strides = array<i32>} : memref<10240xi32, #tpu.memory_space<vmem>>, vector<16xi32>,
      %shift_right_arithmetic3A_299 = arith.constant 1 : i32
      %shift_right_arithmetic3A_300 = vector.broadcast %shift_right_arithmetic3A_299 : i32 to vector<16xi32>
      %shift_right_arithmetic3A_301 = arith.shrsi %get3A_298, %shift_right_arithmetic3A_300 : vector<16xi32>
      %swap3A_302 = arith.constant 0 : index
      %swap3A_303 = tpu.vector_load %arg19[%swap3A_302] {strides = array<i32>} : memref<128xi32, #tpu.memory_space<vmem>>, vector<16xi32>,
      tpu.vector_store %arg19[%swap3A_302], %shift_right_arithmetic3A_301 {strides = array<i32>} : memref<128xi32, #tpu.memory_space<vmem>>, vector<16xi32>,
      %mul3A_304 = arith.constant 320 : i32
      %mul3A_305 = arith.muli %add3A_274, %mul3A_304 : i32
      %add3A_306 = arith.constant 16 : i32
      %add3A_307 = arith.addi %mul3A_305, %add3A_306 : i32
      %get3A_308 = arith.index_cast %add3A_307 : i32 to index
      %get3A_309 = tpu.vector_load %arg11[%get3A_308] {strides = array<i32>} : memref<10240xi32, #tpu.memory_space<vmem>>, vector<16xi32>,
      %shift_right_arithmetic3A_310 = arith.constant 1 : i32
      %shift_right_arithmetic3A_311 = vector.broadcast %shift_right_arithmetic3A_310 : i32 to vector<16xi32>
      %shift_right_arithmetic3A_312 = arith.shrsi %get3A_309, %shift_right_arithmetic3A_311 : vector<16xi32>
      %swap3A_313 = arith.constant 16 : index
      %swap3A_314 = tpu.vector_load %arg19[%swap3A_313] {strides = array<i32>} : memref<128xi32, #tpu.memory_space<vmem>>, vector<16xi32>,
      tpu.vector_store %arg19[%swap3A_313], %shift_right_arithmetic3A_312 {strides = array<i32>} : memref<128xi32, #tpu.memory_space<vmem>>, vector<16xi32>,
      %mul3A_315 = arith.constant 320 : i32
      %mul3A_316 = arith.muli %add3A_274, %mul3A_315 : i32
      %add3A_317 = arith.constant 32 : i32
      %add3A_318 = arith.addi %mul3A_316, %add3A_317 : i32
      %get3A_319 = arith.index_cast %add3A_318 : i32 to index
      %get3A_320 = tpu.vector_load %arg11[%get3A_319] {strides = array<i32>} : memref<10240xi32, #tpu.memory_space<vmem>>, vector<16xi32>,
      %shift_right_arithmetic3A_321 = arith.constant 1 : i32
      %shift_right_arithmetic3A_322 = vector.broadcast %shift_right_arithmetic3A_321 : i32 to vector<16xi32>
      %shift_right_arithmetic3A_323 = arith.shrsi %get3A_320, %shift_right_arithmetic3A_322 : vector<16xi32>
      %swap3A_324 = arith.constant 32 : index
      %swap3A_325 = tpu.vector_load %arg19[%swap3A_324] {strides = array<i32>} : memref<128xi32, #tpu.memory_space<vmem>>, vector<16xi32>,
      tpu.vector_store %arg19[%swap3A_324], %shift_right_arithmetic3A_323 {strides = array<i32>} : memref<128xi32, #tpu.memory_space<vmem>>, vector<16xi32>,
      %mul3A_326 = arith.constant 320 : i32
      %mul3A_327 = arith.muli %add3A_274, %mul3A_326 : i32
      %add3A_328 = arith.constant 48 : i32
      %add3A_329 = arith.addi %mul3A_327, %add3A_328 : i32
      %get3A_330 = arith.index_cast %add3A_329 : i32 to index
      %get3A_331 = tpu.vector_load %arg11[%get3A_330] {strides = array<i32>} : memref<10240xi32, #tpu.memory_space<vmem>>, vector<16xi32>,
      %shift_right_arithmetic3A_332 = arith.constant 1 : i32
      %shift_right_arithmetic3A_333 = vector.broadcast %shift_right_arithmetic3A_332 : i32 to vector<16xi32>
      %shift_right_arithmetic3A_334 = arith.shrsi %get3A_331, %shift_right_arithmetic3A_333 : vector<16xi32>
      %swap3A_335 = arith.constant 48 : index
      %swap3A_336 = tpu.vector_load %arg19[%swap3A_335] {strides = array<i32>} : memref<128xi32, #tpu.memory_space<vmem>>, vector<16xi32>,
      tpu.vector_store %arg19[%swap3A_335], %shift_right_arithmetic3A_334 {strides = array<i32>} : memref<128xi32, #tpu.memory_space<vmem>>, vector<16xi32>,
      %mul3A_337 = arith.constant 320 : i32
      %mul3A_338 = arith.muli %add3A_274, %mul3A_337 : i32
      %add3A_339 = arith.constant 64 : i32
      %add3A_340 = arith.addi %mul3A_338, %add3A_339 : i32
      %get3A_341 = arith.index_cast %add3A_340 : i32 to index
      %get3A_342 = tpu.vector_load %arg11[%get3A_341] {strides = array<i32>} : memref<10240xi32, #tpu.memory_space<vmem>>, vector<16xi32>,
      %shift_right_arithmetic3A_343 = arith.constant 1 : i32
      %shift_right_arithmetic3A_344 = vector.broadcast %shift_right_arithmetic3A_343 : i32 to vector<16xi32>
      %shift_right_arithmetic3A_345 = arith.shrsi %get3A_342, %shift_right_arithmetic3A_344 : vector<16xi32>
      %swap3A_346 = arith.constant 64 : index
      %swap3A_347 = tpu.vector_load %arg19[%swap3A_346] {strides = array<i32>} : memref<128xi32, #tpu.memory_space<vmem>>, vector<16xi32>,
      tpu.vector_store %arg19[%swap3A_346], %shift_right_arithmetic3A_345 {strides = array<i32>} : memref<128xi32, #tpu.memory_space<vmem>>, vector<16xi32>,
      %mul3A_348 = arith.constant 320 : i32
      %mul3A_349 = arith.muli %add3A_274, %mul3A_348 : i32
      %add3A_350 = arith.constant 80 : i32
      %add3A_351 = arith.addi %mul3A_349, %add3A_350 : i32
      %get3A_352 = arith.index_cast %add3A_351 : i32 to index
      %get3A_353 = tpu.vector_load %arg11[%get3A_352] {strides = array<i32>} : memref<10240xi32, #tpu.memory_space<vmem>>, vector<16xi32>,
      %shift_right_arithmetic3A_354 = arith.constant 1 : i32
      %shift_right_arithmetic3A_355 = vector.broadcast %shift_right_arithmetic3A_354 : i32 to vector<16xi32>
      %shift_right_arithmetic3A_356 = arith.shrsi %get3A_353, %shift_right_arithmetic3A_355 : vector<16xi32>
      %swap3A_357 = arith.constant 80 : index
      %swap3A_358 = tpu.vector_load %arg19[%swap3A_357] {strides = array<i32>} : memref<128xi32, #tpu.memory_space<vmem>>, vector<16xi32>,
      tpu.vector_store %arg19[%swap3A_357], %shift_right_arithmetic3A_356 {strides = array<i32>} : memref<128xi32, #tpu.memory_space<vmem>>, vector<16xi32>,
      %mul3A_359 = arith.constant 320 : i32
      %mul3A_360 = arith.muli %add3A_274, %mul3A_359 : i32
      %add3A_361 = arith.constant 96 : i32
      %add3A_362 = arith.addi %mul3A_360, %add3A_361 : i32
      %get3A_363 = arith.index_cast %add3A_362 : i32 to index
      %get3A_364 = tpu.vector_load %arg11[%get3A_363] {strides = array<i32>} : memref<10240xi32, #tpu.memory_space<vmem>>, vector<16xi32>,
      %shift_right_arithmetic3A_365 = arith.constant 1 : i32
      %shift_right_arithmetic3A_366 = vector.broadcast %shift_right_arithmetic3A_365 : i32 to vector<16xi32>
      %shift_right_arithmetic3A_367 = arith.shrsi %get3A_364, %shift_right_arithmetic3A_366 : vector<16xi32>
      %swap3A_368 = arith.constant 96 : index
      %swap3A_369 = tpu.vector_load %arg19[%swap3A_368] {strides = array<i32>} : memref<128xi32, #tpu.memory_space<vmem>>, vector<16xi32>,
      tpu.vector_store %arg19[%swap3A_368], %shift_right_arithmetic3A_367 {strides = array<i32>} : memref<128xi32, #tpu.memory_space<vmem>>, vector<16xi32>,
      %mul3A_370 = arith.constant 320 : i32
      %mul3A_371 = arith.muli %add3A_274, %mul3A_370 : i32
      %add3A_372 = arith.constant 112 : i32
      %add3A_373 = arith.addi %mul3A_371, %add3A_372 : i32
      %get3A_374 = arith.index_cast %add3A_373 : i32 to index
      %get3A_375 = tpu.vector_load %arg11[%get3A_374] {strides = array<i32>} : memref<10240xi32, #tpu.memory_space<vmem>>, vector<16xi32>,
      %shift_right_arithmetic3A_376 = arith.constant 1 : i32
      %shift_right_arithmetic3A_377 = vector.broadcast %shift_right_arithmetic3A_376 : i32 to vector<16xi32>
      %shift_right_arithmetic3A_378 = arith.shrsi %get3A_375, %shift_right_arithmetic3A_377 : vector<16xi32>
      %swap3A_379 = arith.constant 112 : index
      %swap3A_380 = tpu.vector_load %arg19[%swap3A_379] {strides = array<i32>} : memref<128xi32, #tpu.memory_space<vmem>>, vector<16xi32>,
      tpu.vector_store %arg19[%swap3A_379], %shift_right_arithmetic3A_378 {strides = array<i32>} : memref<128xi32, #tpu.memory_space<vmem>>, vector<16xi32>,
      %mul3A_381 = arith.constant 320 : i32
      %mul3A_382 = arith.muli %add3A_274, %mul3A_381 : i32
      %add3A_383 = arith.constant 128 : i32
      %add3A_384 = arith.addi %mul3A_382, %add3A_383 : i32
      %get3A_385 = arith.index_cast %add3A_384 : i32 to index
      %get3A_386 = tpu.vector_load %arg11[%get3A_385] {strides = array<i32>} : memref<10240xi32, #tpu.memory_space<vmem>>, vector<16xi32>,
      %shift_right_arithmetic3A_387 = arith.constant 1 : i32
      %shift_right_arithmetic3A_388 = vector.broadcast %shift_right_arithmetic3A_387 : i32 to vector<16xi32>
      %shift_right_arithmetic3A_389 = arith.shrsi %get3A_386, %shift_right_arithmetic3A_388 : vector<16xi32>
      %swap3A_390 = arith.constant 0 : index
      %swap3A_391 = tpu.vector_load %arg20[%swap3A_390] {strides = array<i32>} : memref<128xi32, #tpu.memory_space<vmem>>, vector<16xi32>,
      tpu.vector_store %arg20[%swap3A_390], %shift_right_arithmetic3A_389 {strides = array<i32>} : memref<128xi32, #tpu.memory_space<vmem>>, vector<16xi32>,
      %mul3A_392 = arith.constant 320 : i32
      %mul3A_393 = arith.muli %add3A_274, %mul3A_392 : i32
      %add3A_394 = arith.constant 144 : i32
      %add3A_395 = arith.addi %mul3A_393, %add3A_394 : i32
      %get3A_396 = arith.index_cast %add3A_395 : i32 to index
      %get3A_397 = tpu.vector_load %arg11[%get3A_396] {strides = array<i32>} : memref<10240xi32, #tpu.memory_space<vmem>>, vector<16xi32>,
      %shift_right_arithmetic3A_398 = arith.constant 1 : i32
      %shift_right_arithmetic3A_399 = vector.broadcast %shift_right_arithmetic3A_398 : i32 to vector<16xi32>
      %shift_right_arithmetic3A_400 = arith.shrsi %get3A_397, %shift_right_arithmetic3A_399 : vector<16xi32>
      %swap3A_401 = arith.constant 16 : index
      %swap3A_402 = tpu.vector_load %arg20[%swap3A_401] {strides = array<i32>} : memref<128xi32, #tpu.memory_space<vmem>>, vector<16xi32>,
      tpu.vector_store %arg20[%swap3A_401], %shift_right_arithmetic3A_400 {strides = array<i32>} : memref<128xi32, #tpu.memory_space<vmem>>, vector<16xi32>,
      %mul3A_403 = arith.constant 320 : i32
      %mul3A_404 = arith.muli %add3A_274, %mul3A_403 : i32
      %add3A_405 = arith.constant 160 : i32
      %add3A_406 = arith.addi %mul3A_404, %add3A_405 : i32
      %get3A_407 = arith.index_cast %add3A_406 : i32 to index
      %get3A_408 = tpu.vector_load %arg11[%get3A_407] {strides = array<i32>} : memref<10240xi32, #tpu.memory_space<vmem>>, vector<16xi32>,
      %shift_right_arithmetic3A_409 = arith.constant 1 : i32
      %shift_right_arithmetic3A_410 = vector.broadcast %shift_right_arithmetic3A_409 : i32 to vector<16xi32>
      %shift_right_arithmetic3A_411 = arith.shrsi %get3A_408, %shift_right_arithmetic3A_410 : vector<16xi32>
      %swap3A_412 = arith.constant 32 : index
      %swap3A_413 = tpu.vector_load %arg20[%swap3A_412] {strides = array<i32>} : memref<128xi32, #tpu.memory_space<vmem>>, vector<16xi32>,
      tpu.vector_store %arg20[%swap3A_412], %shift_right_arithmetic3A_411 {strides = array<i32>} : memref<128xi32, #tpu.memory_space<vmem>>, vector<16xi32>,
      %mul3A_414 = arith.constant 320 : i32
      %mul3A_415 = arith.muli %add3A_274, %mul3A_414 : i32
      %add3A_416 = arith.constant 176 : i32
      %add3A_417 = arith.addi %mul3A_415, %add3A_416 : i32
      %get3A_418 = arith.index_cast %add3A_417 : i32 to index
      %get3A_419 = tpu.vector_load %arg11[%get3A_418] {strides = array<i32>} : memref<10240xi32, #tpu.memory_space<vmem>>, vector<16xi32>,
      %shift_right_arithmetic3A_420 = arith.constant 1 : i32
      %shift_right_arithmetic3A_421 = vector.broadcast %shift_right_arithmetic3A_420 : i32 to vector<16xi32>
      %shift_right_arithmetic3A_422 = arith.shrsi %get3A_419, %shift_right_arithmetic3A_421 : vector<16xi32>
      %swap3A_423 = arith.constant 48 : index
      %swap3A_424 = tpu.vector_load %arg20[%swap3A_423] {strides = array<i32>} : memref<128xi32, #tpu.memory_space<vmem>>, vector<16xi32>,
      tpu.vector_store %arg20[%swap3A_423], %shift_right_arithmetic3A_422 {strides = array<i32>} : memref<128xi32, #tpu.memory_space<vmem>>, vector<16xi32>,
      %mul3A_425 = arith.constant 320 : i32
      %mul3A_426 = arith.muli %add3A_274, %mul3A_425 : i32
      %add3A_427 = arith.constant 192 : i32
      %add3A_428 = arith.addi %mul3A_426, %add3A_427 : i32
      %get3A_429 = arith.index_cast %add3A_428 : i32 to index
      %get3A_430 = tpu.vector_load %arg11[%get3A_429] {strides = array<i32>} : memref<10240xi32, #tpu.memory_space<vmem>>, vector<16xi32>,
      %shift_right_arithmetic3A_431 = arith.constant 1 : i32
      %shift_right_arithmetic3A_432 = vector.broadcast %shift_right_arithmetic3A_431 : i32 to vector<16xi32>
      %shift_right_arithmetic3A_433 = arith.shrsi %get3A_430, %shift_right_arithmetic3A_432 : vector<16xi32>
      %swap3A_434 = arith.constant 64 : index
      %swap3A_435 = tpu.vector_load %arg20[%swap3A_434] {strides = array<i32>} : memref<128xi32, #tpu.memory_space<vmem>>, vector<16xi32>,
      tpu.vector_store %arg20[%swap3A_434], %shift_right_arithmetic3A_433 {strides = array<i32>} : memref<128xi32, #tpu.memory_space<vmem>>, vector<16xi32>,
      %mul3A_436 = arith.constant 320 : i32
      %mul3A_437 = arith.muli %add3A_274, %mul3A_436 : i32
      %add3A_438 = arith.constant 208 : i32
      %add3A_439 = arith.addi %mul3A_437, %add3A_438 : i32
      %get3A_440 = arith.index_cast %add3A_439 : i32 to index
      %get3A_441 = tpu.vector_load %arg11[%get3A_440] {strides = array<i32>} : memref<10240xi32, #tpu.memory_space<vmem>>, vector<16xi32>,
      %shift_right_arithmetic3A_442 = arith.constant 1 : i32
      %shift_right_arithmetic3A_443 = vector.broadcast %shift_right_arithmetic3A_442 : i32 to vector<16xi32>
      %shift_right_arithmetic3A_444 = arith.shrsi %get3A_441, %shift_right_arithmetic3A_443 : vector<16xi32>
      %swap3A_445 = arith.constant 80 : index
      %swap3A_446 = tpu.vector_load %arg20[%swap3A_445] {strides = array<i32>} : memref<128xi32, #tpu.memory_space<vmem>>, vector<16xi32>,
      tpu.vector_store %arg20[%swap3A_445], %shift_right_arithmetic3A_444 {strides = array<i32>} : memref<128xi32, #tpu.memory_space<vmem>>, vector<16xi32>,
      %mul3A_447 = arith.constant 320 : i32
      %mul3A_448 = arith.muli %add3A_274, %mul3A_447 : i32
      %add3A_449 = arith.constant 224 : i32
      %add3A_450 = arith.addi %mul3A_448, %add3A_449 : i32
      %get3A_451 = arith.index_cast %add3A_450 : i32 to index
      %get3A_452 = tpu.vector_load %arg11[%get3A_451] {strides = array<i32>} : memref<10240xi32, #tpu.memory_space<vmem>>, vector<16xi32>,
      %shift_right_arithmetic3A_453 = arith.constant 1 : i32
      %shift_right_arithmetic3A_454 = vector.broadcast %shift_right_arithmetic3A_453 : i32 to vector<16xi32>
      %shift_right_arithmetic3A_455 = arith.shrsi %get3A_452, %shift_right_arithmetic3A_454 : vector<16xi32>
      %swap3A_456 = arith.constant 96 : index
      %swap3A_457 = tpu.vector_load %arg20[%swap3A_456] {strides = array<i32>} : memref<128xi32, #tpu.memory_space<vmem>>, vector<16xi32>,
      tpu.vector_store %arg20[%swap3A_456], %shift_right_arithmetic3A_455 {strides = array<i32>} : memref<128xi32, #tpu.memory_space<vmem>>, vector<16xi32>,
      %mul3A_458 = arith.constant 320 : i32
      %mul3A_459 = arith.muli %add3A_274, %mul3A_458 : i32
      %add3A_460 = arith.constant 240 : i32
      %add3A_461 = arith.addi %mul3A_459, %add3A_460 : i32
      %get3A_462 = arith.index_cast %add3A_461 : i32 to index
      %get3A_463 = tpu.vector_load %arg11[%get3A_462] {strides = array<i32>} : memref<10240xi32, #tpu.memory_space<vmem>>, vector<16xi32>,
      %shift_right_arithmetic3A_464 = arith.constant 1 : i32
      %shift_right_arithmetic3A_465 = vector.broadcast %shift_right_arithmetic3A_464 : i32 to vector<16xi32>
      %shift_right_arithmetic3A_466 = arith.shrsi %get3A_463, %shift_right_arithmetic3A_465 : vector<16xi32>
      %swap3A_467 = arith.constant 112 : index
      %swap3A_468 = tpu.vector_load %arg20[%swap3A_467] {strides = array<i32>} : memref<128xi32, #tpu.memory_space<vmem>>, vector<16xi32>,
      tpu.vector_store %arg20[%swap3A_467], %shift_right_arithmetic3A_466 {strides = array<i32>} : memref<128xi32, #tpu.memory_space<vmem>>, vector<16xi32>,
      %mul3A_469 = arith.constant 320 : i32
      %mul3A_470 = arith.muli %add3A_274, %mul3A_469 : i32
      %add3A_471 = arith.constant 256 : i32
      %add3A_472 = arith.addi %mul3A_470, %add3A_471 : i32
      %get3A_473 = arith.index_cast %add3A_472 : i32 to index
      %get3A_474 = tpu.vector_load %arg11[%get3A_473] {strides = array<i32>} : memref<10240xi32, #tpu.memory_space<vmem>>, vector<16xi32>,
      %shift_right_arithmetic3A_475 = arith.constant 1 : i32
      %shift_right_arithmetic3A_476 = vector.broadcast %shift_right_arithmetic3A_475 : i32 to vector<16xi32>
      %shift_right_arithmetic3A_477 = arith.shrsi %get3A_474, %shift_right_arithmetic3A_476 : vector<16xi32>
      %swap3A_478 = arith.constant 0 : index
      %swap3A_479 = tpu.vector_load %arg21[%swap3A_478] {strides = array<i32>} : memref<64xi32, #tpu.memory_space<vmem>>, vector<16xi32>,
      tpu.vector_store %arg21[%swap3A_478], %shift_right_arithmetic3A_477 {strides = array<i32>} : memref<64xi32, #tpu.memory_space<vmem>>, vector<16xi32>,
      %mul3A_480 = arith.constant 320 : i32
      %mul3A_481 = arith.muli %add3A_274, %mul3A_480 : i32
      %add3A_482 = arith.constant 272 : i32
      %add3A_483 = arith.addi %mul3A_481, %add3A_482 : i32
      %get3A_484 = arith.index_cast %add3A_483 : i32 to index
      %get3A_485 = tpu.vector_load %arg11[%get3A_484] {strides = array<i32>} : memref<10240xi32, #tpu.memory_space<vmem>>, vector<16xi32>,
      %shift_right_arithmetic3A_486 = arith.constant 1 : i32
      %shift_right_arithmetic3A_487 = vector.broadcast %shift_right_arithmetic3A_486 : i32 to vector<16xi32>
      %shift_right_arithmetic3A_488 = arith.shrsi %get3A_485, %shift_right_arithmetic3A_487 : vector<16xi32>
      %swap3A_489 = arith.constant 16 : index
      %swap3A_490 = tpu.vector_load %arg21[%swap3A_489] {strides = array<i32>} : memref<64xi32, #tpu.memory_space<vmem>>, vector<16xi32>,
      tpu.vector_store %arg21[%swap3A_489], %shift_right_arithmetic3A_488 {strides = array<i32>} : memref<64xi32, #tpu.memory_space<vmem>>, vector<16xi32>,
      %mul3A_491 = arith.constant 320 : i32
      %mul3A_492 = arith.muli %add3A_274, %mul3A_491 : i32
      %add3A_493 = arith.constant 288 : i32
      %add3A_494 = arith.addi %mul3A_492, %add3A_493 : i32
      %get3A_495 = arith.index_cast %add3A_494 : i32 to index
      %get3A_496 = tpu.vector_load %arg11[%get3A_495] {strides = array<i32>} : memref<10240xi32, #tpu.memory_space<vmem>>, vector<16xi32>,
      %shift_right_arithmetic3A_497 = arith.constant 1 : i32
      %shift_right_arithmetic3A_498 = vector.broadcast %shift_right_arithmetic3A_497 : i32 to vector<16xi32>
      %shift_right_arithmetic3A_499 = arith.shrsi %get3A_496, %shift_right_arithmetic3A_498 : vector<16xi32>
      %swap3A_500 = arith.constant 32 : index
      %swap3A_501 = tpu.vector_load %arg21[%swap3A_500] {strides = array<i32>} : memref<64xi32, #tpu.memory_space<vmem>>, vector<16xi32>,
      tpu.vector_store %arg21[%swap3A_500], %shift_right_arithmetic3A_499 {strides = array<i32>} : memref<64xi32, #tpu.memory_space<vmem>>, vector<16xi32>,
      %mul3A_502 = arith.constant 320 : i32
      %mul3A_503 = arith.muli %add3A_274, %mul3A_502 : i32
      %add3A_504 = arith.constant 304 : i32
      %add3A_505 = arith.addi %mul3A_503, %add3A_504 : i32
      %get3A_506 = arith.index_cast %add3A_505 : i32 to index
      %get3A_507 = tpu.vector_load %arg11[%get3A_506] {strides = array<i32>} : memref<10240xi32, #tpu.memory_space<vmem>>, vector<16xi32>,
      %shift_right_arithmetic3A_508 = arith.constant 1 : i32
      %shift_right_arithmetic3A_509 = vector.broadcast %shift_right_arithmetic3A_508 : i32 to vector<16xi32>
      %shift_right_arithmetic3A_510 = arith.shrsi %get3A_507, %shift_right_arithmetic3A_509 : vector<16xi32>
      %swap3A_511 = arith.constant 48 : index
      %swap3A_512 = tpu.vector_load %arg21[%swap3A_511] {strides = array<i32>} : memref<64xi32, #tpu.memory_space<vmem>>, vector<16xi32>,
      tpu.vector_store %arg21[%swap3A_511], %shift_right_arithmetic3A_510 {strides = array<i32>} : memref<64xi32, #tpu.memory_space<vmem>>, vector<16xi32>,
      %dma_start3A_513 = arith.constant 0 : i32
      %dma_start3A_514 = arith.constant 0 : i32
      %dma_start3A_515 = tpu.memref_slice %arg5[%dma_start3A_513, %dma_start3A_514] : memref<500000x128xf32, #tpu.memory_space<hbm>> -> memref<500000x128xf32, #tpu.memory_space<hbm>>
      tpu.enqueue_indirect_dma source(%dma_start3A_515 : memref<500000x128xf32, #tpu.memory_space<hbm>>) target(%arg25 : memref<16x128xf32, #tpu.memory_space<vmem>>) offsets(%arg17 : memref<16xi32, #tpu.memory_space<vmem>>) semaphore(%arg31 : memref<!tpu.dma_semaphore, #tpu.memory_space<semaphore_mem>>)
      %dma_start3A_516 = arith.constant 0 : i32
      %dma_start3A_517 = arith.constant 0 : i32
      %dma_start3A_518 = tpu.memref_slice %arg6[%dma_start3A_516, %dma_start3A_517] : memref<500000x128xf32, #tpu.memory_space<hbm>> -> memref<500000x128xf32, #tpu.memory_space<hbm>>
      tpu.enqueue_indirect_dma source(%dma_start3A_518 : memref<500000x128xf32, #tpu.memory_space<hbm>>) target(%arg26 : memref<16x128xf32, #tpu.memory_space<vmem>>) offsets(%arg18 : memref<16xi32, #tpu.memory_space<vmem>>) semaphore(%arg31 : memref<!tpu.dma_semaphore, #tpu.memory_space<semaphore_mem>>)
      %dma_start3A_519 = arith.constant 0 : i32
      %dma_start3A_520 = arith.constant 0 : i32
      %dma_start3A_521 = tpu.memref_slice %arg27[%dma_start3A_519, %dma_start3A_520] : memref<320x128xf32, #tpu.memory_space<vmem>> -> memref<128x128xf32, #tpu.memory_space<vmem>>
      %dma_start3A_522 = arith.constant 0 : i32
      %dma_start3A_523 = arith.constant 0 : i32
      %dma_start3A_524 = tpu.memref_slice %arg6[%dma_start3A_522, %dma_start3A_523] : memref<500000x128xf32, #tpu.memory_space<hbm>> -> memref<500000x128xf32, #tpu.memory_space<hbm>>
      tpu.enqueue_indirect_dma source(%dma_start3A_524 : memref<500000x128xf32, #tpu.memory_space<hbm>>) target(%dma_start3A_521 : memref<128x128xf32, #tpu.memory_space<vmem>>) offsets(%arg19 : memref<128xi32, #tpu.memory_space<vmem>>) semaphore(%arg31 : memref<!tpu.dma_semaphore, #tpu.memory_space<semaphore_mem>>)
      %dma_start3A_525 = arith.constant 128 : i32
      %dma_start3A_526 = arith.constant 0 : i32
      %dma_start3A_527 = tpu.memref_slice %arg27[%dma_start3A_525, %dma_start3A_526] : memref<320x128xf32, #tpu.memory_space<vmem>> -> memref<128x128xf32, #tpu.memory_space<vmem>>
      %dma_start3A_528 = arith.constant 0 : i32
      %dma_start3A_529 = arith.constant 0 : i32
      %dma_start3A_530 = tpu.memref_slice %arg6[%dma_start3A_528, %dma_start3A_529] : memref<500000x128xf32, #tpu.memory_space<hbm>> -> memref<500000x128xf32, #tpu.memory_space<hbm>>
      tpu.enqueue_indirect_dma source(%dma_start3A_530 : memref<500000x128xf32, #tpu.memory_space<hbm>>) target(%dma_start3A_527 : memref<128x128xf32, #tpu.memory_space<vmem>>) offsets(%arg20 : memref<128xi32, #tpu.memory_space<vmem>>) semaphore(%arg31 : memref<!tpu.dma_semaphore, #tpu.memory_space<semaphore_mem>>)
      %dma_start3A_531 = arith.constant 256 : i32
      %dma_start3A_532 = arith.constant 0 : i32
      %dma_start3A_533 = tpu.memref_slice %arg27[%dma_start3A_531, %dma_start3A_532] : memref<320x128xf32, #tpu.memory_space<vmem>> -> memref<64x128xf32, #tpu.memory_space<vmem>>
      %dma_start3A_534 = arith.constant 0 : i32
      %dma_start3A_535 = arith.constant 0 : i32
      %dma_start3A_536 = tpu.memref_slice %arg6[%dma_start3A_534, %dma_start3A_535] : memref<500000x128xf32, #tpu.memory_space<hbm>> -> memref<500000x128xf32, #tpu.memory_space<hbm>>
      tpu.enqueue_indirect_dma source(%dma_start3A_536 : memref<500000x128xf32, #tpu.memory_space<hbm>>) target(%dma_start3A_533 : memref<64x128xf32, #tpu.memory_space<vmem>>) offsets(%arg21 : memref<64xi32, #tpu.memory_space<vmem>>) semaphore(%arg31 : memref<!tpu.dma_semaphore, #tpu.memory_space<semaphore_mem>>)
      %dma_wait3A = arith.constant 0 : i32
      %dma_wait3A_537 = arith.constant 0 : i32
      %dma_wait3A_538 = tpu.memref_slice %arg5[%dma_wait3A, %dma_wait3A_537] : memref<500000x128xf32, #tpu.memory_space<hbm>> -> memref<16x128xf32, #tpu.memory_space<hbm>>
      %dma_wait3A_539 = arith.constant 0 : i32
      %dma_wait3A_540 = arith.constant 0 : i32
      %dma_wait3A_541 = tpu.memref_slice %arg5[%dma_wait3A_539, %dma_wait3A_540] : memref<500000x128xf32, #tpu.memory_space<hbm>> -> memref<16x128xf32, #tpu.memory_space<hbm>>
      tpu.wait_dma2 semaphore(%arg30 : memref<!tpu.dma_semaphore, #tpu.memory_space<semaphore_mem>>) src(%dma_wait3A_541 : memref<16x128xf32, #tpu.memory_space<hbm>>) dst(%arg22 : memref<16x128xf32, #tpu.memory_space<vmem>>)
      %dma_wait3A_542 = arith.constant 0 : i32
      %dma_wait3A_543 = arith.constant 0 : i32
      %dma_wait3A_544 = tpu.memref_slice %arg6[%dma_wait3A_542, %dma_wait3A_543] : memref<500000x128xf32, #tpu.memory_space<hbm>> -> memref<16x128xf32, #tpu.memory_space<hbm>>
      %dma_wait3A_545 = arith.constant 0 : i32
      %dma_wait3A_546 = arith.constant 0 : i32
      %dma_wait3A_547 = tpu.memref_slice %arg6[%dma_wait3A_545, %dma_wait3A_546] : memref<500000x128xf32, #tpu.memory_space<hbm>> -> memref<16x128xf32, #tpu.memory_space<hbm>>
      tpu.wait_dma2 semaphore(%arg30 : memref<!tpu.dma_semaphore, #tpu.memory_space<semaphore_mem>>) src(%dma_wait3A_547 : memref<16x128xf32, #tpu.memory_space<hbm>>) dst(%arg23 : memref<16x128xf32, #tpu.memory_space<vmem>>)
      %dma_wait3A_548 = arith.constant 0 : i32
      %dma_wait3A_549 = arith.constant 0 : i32
      %dma_wait3A_550 = tpu.memref_slice %arg6[%dma_wait3A_548, %dma_wait3A_549] : memref<500000x128xf32, #tpu.memory_space<hbm>> -> memref<320x128xf32, #tpu.memory_space<hbm>>
      %dma_wait3A_551 = arith.constant 0 : i32
      %dma_wait3A_552 = arith.constant 0 : i32
      %dma_wait3A_553 = tpu.memref_slice %arg6[%dma_wait3A_551, %dma_wait3A_552] : memref<500000x128xf32, #tpu.memory_space<hbm>> -> memref<320x128xf32, #tpu.memory_space<hbm>>
      tpu.wait_dma2 semaphore(%arg30 : memref<!tpu.dma_semaphore, #tpu.memory_space<semaphore_mem>>) src(%dma_wait3A_553 : memref<320x128xf32, #tpu.memory_space<hbm>>) dst(%arg24 : memref<320x128xf32, #tpu.memory_space<vmem>>)
      %mul3A_554 = arith.constant 16 : i32
      %mul3A_555 = arith.muli %mul3A_272, %mul3A_554 : i32
      %get3A_556 = arith.index_cast %mul3A_555 : i32 to index
      %get3A_557 = tpu.vector_load %arg9[%get3A_556] {strides = array<i32>} : memref<512xi32, #tpu.memory_space<vmem>>, vector<16xi32>,
      %and3A = arith.constant 1 : i32
      %and3A_558 = vector.broadcast %and3A : i32 to vector<16xi32>
      %and3A_559 = arith.andi %get3A_557, %and3A_558 : vector<16xi32>
      %shift_left3A = arith.constant 6 : i32
      %shift_left3A_560 = vector.broadcast %shift_left3A : i32 to vector<16xi32>
      %shift_left3A_561 = arith.shli %and3A_559, %shift_left3A_560 : vector<16xi32>
      %mul3A_562 = arith.constant 16 : i32
      %mul3A_563 = arith.muli %mul3A_272, %mul3A_562 : i32
      %get3A_564 = arith.index_cast %mul3A_563 : i32 to index
      %get3A_565 = tpu.vector_load %arg10[%get3A_564] {strides = array<i32>} : memref<512xi32, #tpu.memory_space<vmem>>, vector<16xi32>,
      %and3A_566 = arith.constant 1 : i32
      %and3A_567 = vector.broadcast %and3A_566 : i32 to vector<16xi32>
      %and3A_568 = arith.andi %get3A_565, %and3A_567 : vector<16xi32>
      %shift_left3A_569 = arith.constant 6 : i32
      %shift_left3A_570 = vector.broadcast %shift_left3A_569 : i32 to vector<16xi32>
      %shift_left3A_571 = arith.shli %and3A_568, %shift_left3A_570 : vector<16xi32>
      %mul3A_572 = arith.constant 20 : i32
      %mul3A_573 = vector.broadcast %mul3A_572 : i32 to vector<16xi32>
      %mul3A_574 = arith.muli %iota3A, %mul3A_573 : vector<16xi32>
      %mul3A_575 = arith.constant 320 : i32
      %mul3A_576 = arith.muli %mul3A_272, %mul3A_575 : i32
      %add3A_577 = arith.constant 0 : i32
      %add3A_578 = arith.addi %mul3A_576, %add3A_577 : i32
      %add3A_579 = vector.broadcast %add3A_578 : i32 to vector<16xi32>
      %add3A_580 = arith.addi %mul3A_574, %add3A_579 : vector<16xi32>
      %gather3A = tpu.vector_load_idx %arg11[%add3A_580] : memref<10240xi32, #tpu.memory_space<vmem>>[vector<16xi32>], vector<16xi32>,
      %and3A_581 = arith.constant 1 : i32
      %and3A_582 = vector.broadcast %and3A_581 : i32 to vector<16xi32>
      %and3A_583 = arith.andi %gather3A, %and3A_582 : vector<16xi32>
      %shift_left3A_584 = arith.constant 6 : i32
      %shift_left3A_585 = vector.broadcast %shift_left3A_584 : i32 to vector<16xi32>
      %shift_left3A_586 = arith.shli %and3A_583, %shift_left3A_585 : vector<16xi32>
      %mul3A_587 = arith.constant 20 : i32
      %mul3A_588 = vector.broadcast %mul3A_587 : i32 to vector<16xi32>
      %mul3A_589 = arith.muli %iota3A, %mul3A_588 : vector<16xi32>
      %mul3A_590 = arith.constant 320 : i32
      %mul3A_591 = arith.muli %mul3A_272, %mul3A_590 : i32
      %add3A_592 = arith.constant 1 : i32
      %add3A_593 = arith.addi %mul3A_591, %add3A_592 : i32
      %add3A_594 = vector.broadcast %add3A_593 : i32 to vector<16xi32>
      %add3A_595 = arith.addi %mul3A_589, %add3A_594 : vector<16xi32>
      %gather3A_596 = tpu.vector_load_idx %arg11[%add3A_595] : memref<10240xi32, #tpu.memory_space<vmem>>[vector<16xi32>], vector<16xi32>,
      %and3A_597 = arith.constant 1 : i32
      %and3A_598 = vector.broadcast %and3A_597 : i32 to vector<16xi32>
      %and3A_599 = arith.andi %gather3A_596, %and3A_598 : vector<16xi32>
      %shift_left3A_600 = arith.constant 6 : i32
      %shift_left3A_601 = vector.broadcast %shift_left3A_600 : i32 to vector<16xi32>
      %shift_left3A_602 = arith.shli %and3A_599, %shift_left3A_601 : vector<16xi32>
      %mul3A_603 = arith.constant 20 : i32
      %mul3A_604 = vector.broadcast %mul3A_603 : i32 to vector<16xi32>
      %mul3A_605 = arith.muli %iota3A, %mul3A_604 : vector<16xi32>
      %mul3A_606 = arith.constant 320 : i32
      %mul3A_607 = arith.muli %mul3A_272, %mul3A_606 : i32
      %add3A_608 = arith.constant 2 : i32
      %add3A_609 = arith.addi %mul3A_607, %add3A_608 : i32
      %add3A_610 = vector.broadcast %add3A_609 : i32 to vector<16xi32>
      %add3A_611 = arith.addi %mul3A_605, %add3A_610 : vector<16xi32>
      %gather3A_612 = tpu.vector_load_idx %arg11[%add3A_611] : memref<10240xi32, #tpu.memory_space<vmem>>[vector<16xi32>], vector<16xi32>,
      %and3A_613 = arith.constant 1 : i32
      %and3A_614 = vector.broadcast %and3A_613 : i32 to vector<16xi32>
      %and3A_615 = arith.andi %gather3A_612, %and3A_614 : vector<16xi32>
      %shift_left3A_616 = arith.constant 6 : i32
      %shift_left3A_617 = vector.broadcast %shift_left3A_616 : i32 to vector<16xi32>
      %shift_left3A_618 = arith.shli %and3A_615, %shift_left3A_617 : vector<16xi32>
      %mul3A_619 = arith.constant 20 : i32
      %mul3A_620 = vector.broadcast %mul3A_619 : i32 to vector<16xi32>
      %mul3A_621 = arith.muli %iota3A, %mul3A_620 : vector<16xi32>
      %mul3A_622 = arith.constant 320 : i32
      %mul3A_623 = arith.muli %mul3A_272, %mul3A_622 : i32
      %add3A_624 = arith.constant 3 : i32
      %add3A_625 = arith.addi %mul3A_623, %add3A_624 : i32
      %add3A_626 = vector.broadcast %add3A_625 : i32 to vector<16xi32>
      %add3A_627 = arith.addi %mul3A_621, %add3A_626 : vector<16xi32>
      %gather3A_628 = tpu.vector_load_idx %arg11[%add3A_627] : memref<10240xi32, #tpu.memory_space<vmem>>[vector<16xi32>], vector<16xi32>,
      %and3A_629 = arith.constant 1 : i32
      %and3A_630 = vector.broadcast %and3A_629 : i32 to vector<16xi32>
      %and3A_631 = arith.andi %gather3A_628, %and3A_630 : vector<16xi32>
      %shift_left3A_632 = arith.constant 6 : i32
      %shift_left3A_633 = vector.broadcast %shift_left3A_632 : i32 to vector<16xi32>
      %shift_left3A_634 = arith.shli %and3A_631, %shift_left3A_633 : vector<16xi32>
      %mul3A_635 = arith.constant 20 : i32
      %mul3A_636 = vector.broadcast %mul3A_635 : i32 to vector<16xi32>
      %mul3A_637 = arith.muli %iota3A, %mul3A_636 : vector<16xi32>
      %mul3A_638 = arith.constant 320 : i32
      %mul3A_639 = arith.muli %mul3A_272, %mul3A_638 : i32
      %add3A_640 = arith.constant 4 : i32
      %add3A_641 = arith.addi %mul3A_639, %add3A_640 : i32
      %add3A_642 = vector.broadcast %add3A_641 : i32 to vector<16xi32>
      %add3A_643 = arith.addi %mul3A_637, %add3A_642 : vector<16xi32>
      %gather3A_644 = tpu.vector_load_idx %arg11[%add3A_643] : memref<10240xi32, #tpu.memory_space<vmem>>[vector<16xi32>], vector<16xi32>,
      %and3A_645 = arith.constant 1 : i32
      %and3A_646 = vector.broadcast %and3A_645 : i32 to vector<16xi32>
      %and3A_647 = arith.andi %gather3A_644, %and3A_646 : vector<16xi32>
      %shift_left3A_648 = arith.constant 6 : i32
      %shift_left3A_649 = vector.broadcast %shift_left3A_648 : i32 to vector<16xi32>
      %shift_left3A_650 = arith.shli %and3A_647, %shift_left3A_649 : vector<16xi32>
      %mul3A_651 = arith.constant 20 : i32
      %mul3A_652 = vector.broadcast %mul3A_651 : i32 to vector<16xi32>
      %mul3A_653 = arith.muli %iota3A, %mul3A_652 : vector<16xi32>
      %mul3A_654 = arith.constant 320 : i32
      %mul3A_655 = arith.muli %mul3A_272, %mul3A_654 : i32
      %add3A_656 = arith.constant 5 : i32
      %add3A_657 = arith.addi %mul3A_655, %add3A_656 : i32
      %add3A_658 = vector.broadcast %add3A_657 : i32 to vector<16xi32>
      %add3A_659 = arith.addi %mul3A_653, %add3A_658 : vector<16xi32>
      %gather3A_660 = tpu.vector_load_idx %arg11[%add3A_659] : memref<10240xi32, #tpu.memory_space<vmem>>[vector<16xi32>], vector<16xi32>,
      %and3A_661 = arith.constant 1 : i32
      %and3A_662 = vector.broadcast %and3A_661 : i32 to vector<16xi32>
      %and3A_663 = arith.andi %gather3A_660, %and3A_662 : vector<16xi32>
      %shift_left3A_664 = arith.constant 6 : i32
      %shift_left3A_665 = vector.broadcast %shift_left3A_664 : i32 to vector<16xi32>
      %shift_left3A_666 = arith.shli %and3A_663, %shift_left3A_665 : vector<16xi32>
      %mul3A_667 = arith.constant 20 : i32
      %mul3A_668 = vector.broadcast %mul3A_667 : i32 to vector<16xi32>
      %mul3A_669 = arith.muli %iota3A, %mul3A_668 : vector<16xi32>
      %mul3A_670 = arith.constant 320 : i32
      %mul3A_671 = arith.muli %mul3A_272, %mul3A_670 : i32
      %add3A_672 = arith.constant 6 : i32
      %add3A_673 = arith.addi %mul3A_671, %add3A_672 : i32
      %add3A_674 = vector.broadcast %add3A_673 : i32 to vector<16xi32>
      %add3A_675 = arith.addi %mul3A_669, %add3A_674 : vector<16xi32>
      %gather3A_676 = tpu.vector_load_idx %arg11[%add3A_675] : memref<10240xi32, #tpu.memory_space<vmem>>[vector<16xi32>], vector<16xi32>,
      %and3A_677 = arith.constant 1 : i32
      %and3A_678 = vector.broadcast %and3A_677 : i32 to vector<16xi32>
      %and3A_679 = arith.andi %gather3A_676, %and3A_678 : vector<16xi32>
      %shift_left3A_680 = arith.constant 6 : i32
      %shift_left3A_681 = vector.broadcast %shift_left3A_680 : i32 to vector<16xi32>
      %shift_left3A_682 = arith.shli %and3A_679, %shift_left3A_681 : vector<16xi32>
      %mul3A_683 = arith.constant 20 : i32
      %mul3A_684 = vector.broadcast %mul3A_683 : i32 to vector<16xi32>
      %mul3A_685 = arith.muli %iota3A, %mul3A_684 : vector<16xi32>
      %mul3A_686 = arith.constant 320 : i32
      %mul3A_687 = arith.muli %mul3A_272, %mul3A_686 : i32
      %add3A_688 = arith.constant 7 : i32
      %add3A_689 = arith.addi %mul3A_687, %add3A_688 : i32
      %add3A_690 = vector.broadcast %add3A_689 : i32 to vector<16xi32>
      %add3A_691 = arith.addi %mul3A_685, %add3A_690 : vector<16xi32>
      %gather3A_692 = tpu.vector_load_idx %arg11[%add3A_691] : memref<10240xi32, #tpu.memory_space<vmem>>[vector<16xi32>], vector<16xi32>,
      %and3A_693 = arith.constant 1 : i32
      %and3A_694 = vector.broadcast %and3A_693 : i32 to vector<16xi32>
      %and3A_695 = arith.andi %gather3A_692, %and3A_694 : vector<16xi32>
      %shift_left3A_696 = arith.constant 6 : i32
      %shift_left3A_697 = vector.broadcast %shift_left3A_696 : i32 to vector<16xi32>
      %shift_left3A_698 = arith.shli %and3A_695, %shift_left3A_697 : vector<16xi32>
      %mul3A_699 = arith.constant 20 : i32
      %mul3A_700 = vector.broadcast %mul3A_699 : i32 to vector<16xi32>
      %mul3A_701 = arith.muli %iota3A, %mul3A_700 : vector<16xi32>
      %mul3A_702 = arith.constant 320 : i32
      %mul3A_703 = arith.muli %mul3A_272, %mul3A_702 : i32
      %add3A_704 = arith.constant 8 : i32
      %add3A_705 = arith.addi %mul3A_703, %add3A_704 : i32
      %add3A_706 = vector.broadcast %add3A_705 : i32 to vector<16xi32>
      %add3A_707 = arith.addi %mul3A_701, %add3A_706 : vector<16xi32>
      %gather3A_708 = tpu.vector_load_idx %arg11[%add3A_707] : memref<10240xi32, #tpu.memory_space<vmem>>[vector<16xi32>], vector<16xi32>,
      %and3A_709 = arith.constant 1 : i32
      %and3A_710 = vector.broadcast %and3A_709 : i32 to vector<16xi32>
      %and3A_711 = arith.andi %gather3A_708, %and3A_710 : vector<16xi32>
      %shift_left3A_712 = arith.constant 6 : i32
      %shift_left3A_713 = vector.broadcast %shift_left3A_712 : i32 to vector<16xi32>
      %shift_left3A_714 = arith.shli %and3A_711, %shift_left3A_713 : vector<16xi32>
      %mul3A_715 = arith.constant 20 : i32
      %mul3A_716 = vector.broadcast %mul3A_715 : i32 to vector<16xi32>
      %mul3A_717 = arith.muli %iota3A, %mul3A_716 : vector<16xi32>
      %mul3A_718 = arith.constant 320 : i32
      %mul3A_719 = arith.muli %mul3A_272, %mul3A_718 : i32
      %add3A_720 = arith.constant 9 : i32
      %add3A_721 = arith.addi %mul3A_719, %add3A_720 : i32
      %add3A_722 = vector.broadcast %add3A_721 : i32 to vector<16xi32>
      %add3A_723 = arith.addi %mul3A_717, %add3A_722 : vector<16xi32>
      %gather3A_724 = tpu.vector_load_idx %arg11[%add3A_723] : memref<10240xi32, #tpu.memory_space<vmem>>[vector<16xi32>], vector<16xi32>,
      %and3A_725 = arith.constant 1 : i32
      %and3A_726 = vector.broadcast %and3A_725 : i32 to vector<16xi32>
      %and3A_727 = arith.andi %gather3A_724, %and3A_726 : vector<16xi32>
      %shift_left3A_728 = arith.constant 6 : i32
      %shift_left3A_729 = vector.broadcast %shift_left3A_728 : i32 to vector<16xi32>
      %shift_left3A_730 = arith.shli %and3A_727, %shift_left3A_729 : vector<16xi32>
      %mul3A_731 = arith.constant 20 : i32
      %mul3A_732 = vector.broadcast %mul3A_731 : i32 to vector<16xi32>
      %mul3A_733 = arith.muli %iota3A, %mul3A_732 : vector<16xi32>
      %mul3A_734 = arith.constant 320 : i32
      %mul3A_735 = arith.muli %mul3A_272, %mul3A_734 : i32
      %add3A_736 = arith.constant 10 : i32
      %add3A_737 = arith.addi %mul3A_735, %add3A_736 : i32
      %add3A_738 = vector.broadcast %add3A_737 : i32 to vector<16xi32>
      %add3A_739 = arith.addi %mul3A_733, %add3A_738 : vector<16xi32>
      %gather3A_740 = tpu.vector_load_idx %arg11[%add3A_739] : memref<10240xi32, #tpu.memory_space<vmem>>[vector<16xi32>], vector<16xi32>,
      %and3A_741 = arith.constant 1 : i32
      %and3A_742 = vector.broadcast %and3A_741 : i32 to vector<16xi32>
      %and3A_743 = arith.andi %gather3A_740, %and3A_742 : vector<16xi32>
      %shift_left3A_744 = arith.constant 6 : i32
      %shift_left3A_745 = vector.broadcast %shift_left3A_744 : i32 to vector<16xi32>
      %shift_left3A_746 = arith.shli %and3A_743, %shift_left3A_745 : vector<16xi32>
      %mul3A_747 = arith.constant 20 : i32
      %mul3A_748 = vector.broadcast %mul3A_747 : i32 to vector<16xi32>
      %mul3A_749 = arith.muli %iota3A, %mul3A_748 : vector<16xi32>
      %mul3A_750 = arith.constant 320 : i32
      %mul3A_751 = arith.muli %mul3A_272, %mul3A_750 : i32
      %add3A_752 = arith.constant 11 : i32
      %add3A_753 = arith.addi %mul3A_751, %add3A_752 : i32
      %add3A_754 = vector.broadcast %add3A_753 : i32 to vector<16xi32>
      %add3A_755 = arith.addi %mul3A_749, %add3A_754 : vector<16xi32>
      %gather3A_756 = tpu.vector_load_idx %arg11[%add3A_755] : memref<10240xi32, #tpu.memory_space<vmem>>[vector<16xi32>], vector<16xi32>,
      %and3A_757 = arith.constant 1 : i32
      %and3A_758 = vector.broadcast %and3A_757 : i32 to vector<16xi32>
      %and3A_759 = arith.andi %gather3A_756, %and3A_758 : vector<16xi32>
      %shift_left3A_760 = arith.constant 6 : i32
      %shift_left3A_761 = vector.broadcast %shift_left3A_760 : i32 to vector<16xi32>
      %shift_left3A_762 = arith.shli %and3A_759, %shift_left3A_761 : vector<16xi32>
      %mul3A_763 = arith.constant 20 : i32
      %mul3A_764 = vector.broadcast %mul3A_763 : i32 to vector<16xi32>
      %mul3A_765 = arith.muli %iota3A, %mul3A_764 : vector<16xi32>
      %mul3A_766 = arith.constant 320 : i32
      %mul3A_767 = arith.muli %mul3A_272, %mul3A_766 : i32
      %add3A_768 = arith.constant 12 : i32
      %add3A_769 = arith.addi %mul3A_767, %add3A_768 : i32
      %add3A_770 = vector.broadcast %add3A_769 : i32 to vector<16xi32>
      %add3A_771 = arith.addi %mul3A_765, %add3A_770 : vector<16xi32>
      %gather3A_772 = tpu.vector_load_idx %arg11[%add3A_771] : memref<10240xi32, #tpu.memory_space<vmem>>[vector<16xi32>], vector<16xi32>,
      %and3A_773 = arith.constant 1 : i32
      %and3A_774 = vector.broadcast %and3A_773 : i32 to vector<16xi32>
      %and3A_775 = arith.andi %gather3A_772, %and3A_774 : vector<16xi32>
      %shift_left3A_776 = arith.constant 6 : i32
      %shift_left3A_777 = vector.broadcast %shift_left3A_776 : i32 to vector<16xi32>
      %shift_left3A_778 = arith.shli %and3A_775, %shift_left3A_777 : vector<16xi32>
      %mul3A_779 = arith.constant 20 : i32
      %mul3A_780 = vector.broadcast %mul3A_779 : i32 to vector<16xi32>
      %mul3A_781 = arith.muli %iota3A, %mul3A_780 : vector<16xi32>
      %mul3A_782 = arith.constant 320 : i32
      %mul3A_783 = arith.muli %mul3A_272, %mul3A_782 : i32
      %add3A_784 = arith.constant 13 : i32
      %add3A_785 = arith.addi %mul3A_783, %add3A_784 : i32
      %add3A_786 = vector.broadcast %add3A_785 : i32 to vector<16xi32>
      %add3A_787 = arith.addi %mul3A_781, %add3A_786 : vector<16xi32>
      %gather3A_788 = tpu.vector_load_idx %arg11[%add3A_787] : memref<10240xi32, #tpu.memory_space<vmem>>[vector<16xi32>], vector<16xi32>,
      %and3A_789 = arith.constant 1 : i32
      %and3A_790 = vector.broadcast %and3A_789 : i32 to vector<16xi32>
      %and3A_791 = arith.andi %gather3A_788, %and3A_790 : vector<16xi32>
      %shift_left3A_792 = arith.constant 6 : i32
      %shift_left3A_793 = vector.broadcast %shift_left3A_792 : i32 to vector<16xi32>
      %shift_left3A_794 = arith.shli %and3A_791, %shift_left3A_793 : vector<16xi32>
      %mul3A_795 = arith.constant 20 : i32
      %mul3A_796 = vector.broadcast %mul3A_795 : i32 to vector<16xi32>
      %mul3A_797 = arith.muli %iota3A, %mul3A_796 : vector<16xi32>
      %mul3A_798 = arith.constant 320 : i32
      %mul3A_799 = arith.muli %mul3A_272, %mul3A_798 : i32
      %add3A_800 = arith.constant 14 : i32
      %add3A_801 = arith.addi %mul3A_799, %add3A_800 : i32
      %add3A_802 = vector.broadcast %add3A_801 : i32 to vector<16xi32>
      %add3A_803 = arith.addi %mul3A_797, %add3A_802 : vector<16xi32>
      %gather3A_804 = tpu.vector_load_idx %arg11[%add3A_803] : memref<10240xi32, #tpu.memory_space<vmem>>[vector<16xi32>], vector<16xi32>,
      %and3A_805 = arith.constant 1 : i32
      %and3A_806 = vector.broadcast %and3A_805 : i32 to vector<16xi32>
      %and3A_807 = arith.andi %gather3A_804, %and3A_806 : vector<16xi32>
      %shift_left3A_808 = arith.constant 6 : i32
      %shift_left3A_809 = vector.broadcast %shift_left3A_808 : i32 to vector<16xi32>
      %shift_left3A_810 = arith.shli %and3A_807, %shift_left3A_809 : vector<16xi32>
      %mul3A_811 = arith.constant 20 : i32
      %mul3A_812 = vector.broadcast %mul3A_811 : i32 to vector<16xi32>
      %mul3A_813 = arith.muli %iota3A, %mul3A_812 : vector<16xi32>
      %mul3A_814 = arith.constant 320 : i32
      %mul3A_815 = arith.muli %mul3A_272, %mul3A_814 : i32
      %add3A_816 = arith.constant 15 : i32
      %add3A_817 = arith.addi %mul3A_815, %add3A_816 : i32
      %add3A_818 = vector.broadcast %add3A_817 : i32 to vector<16xi32>
      %add3A_819 = arith.addi %mul3A_813, %add3A_818 : vector<16xi32>
      %gather3A_820 = tpu.vector_load_idx %arg11[%add3A_819] : memref<10240xi32, #tpu.memory_space<vmem>>[vector<16xi32>], vector<16xi32>,
      %and3A_821 = arith.constant 1 : i32
      %and3A_822 = vector.broadcast %and3A_821 : i32 to vector<16xi32>
      %and3A_823 = arith.andi %gather3A_820, %and3A_822 : vector<16xi32>
      %shift_left3A_824 = arith.constant 6 : i32
      %shift_left3A_825 = vector.broadcast %shift_left3A_824 : i32 to vector<16xi32>
      %shift_left3A_826 = arith.shli %and3A_823, %shift_left3A_825 : vector<16xi32>
      %mul3A_827 = arith.constant 20 : i32
      %mul3A_828 = vector.broadcast %mul3A_827 : i32 to vector<16xi32>
      %mul3A_829 = arith.muli %iota3A, %mul3A_828 : vector<16xi32>
      %mul3A_830 = arith.constant 320 : i32
      %mul3A_831 = arith.muli %mul3A_272, %mul3A_830 : i32
      %add3A_832 = arith.constant 16 : i32
      %add3A_833 = arith.addi %mul3A_831, %add3A_832 : i32
      %add3A_834 = vector.broadcast %add3A_833 : i32 to vector<16xi32>
      %add3A_835 = arith.addi %mul3A_829, %add3A_834 : vector<16xi32>
      %gather3A_836 = tpu.vector_load_idx %arg11[%add3A_835] : memref<10240xi32, #tpu.memory_space<vmem>>[vector<16xi32>], vector<16xi32>,
      %and3A_837 = arith.constant 1 : i32
      %and3A_838 = vector.broadcast %and3A_837 : i32 to vector<16xi32>
      %and3A_839 = arith.andi %gather3A_836, %and3A_838 : vector<16xi32>
      %shift_left3A_840 = arith.constant 6 : i32
      %shift_left3A_841 = vector.broadcast %shift_left3A_840 : i32 to vector<16xi32>
      %shift_left3A_842 = arith.shli %and3A_839, %shift_left3A_841 : vector<16xi32>
      %mul3A_843 = arith.constant 20 : i32
      %mul3A_844 = vector.broadcast %mul3A_843 : i32 to vector<16xi32>
      %mul3A_845 = arith.muli %iota3A, %mul3A_844 : vector<16xi32>
      %mul3A_846 = arith.constant 320 : i32
      %mul3A_847 = arith.muli %mul3A_272, %mul3A_846 : i32
      %add3A_848 = arith.constant 17 : i32
      %add3A_849 = arith.addi %mul3A_847, %add3A_848 : i32
      %add3A_850 = vector.broadcast %add3A_849 : i32 to vector<16xi32>
      %add3A_851 = arith.addi %mul3A_845, %add3A_850 : vector<16xi32>
      %gather3A_852 = tpu.vector_load_idx %arg11[%add3A_851] : memref<10240xi32, #tpu.memory_space<vmem>>[vector<16xi32>], vector<16xi32>,
      %and3A_853 = arith.constant 1 : i32
      %and3A_854 = vector.broadcast %and3A_853 : i32 to vector<16xi32>
      %and3A_855 = arith.andi %gather3A_852, %and3A_854 : vector<16xi32>
      %shift_left3A_856 = arith.constant 6 : i32
      %shift_left3A_857 = vector.broadcast %shift_left3A_856 : i32 to vector<16xi32>
      %shift_left3A_858 = arith.shli %and3A_855, %shift_left3A_857 : vector<16xi32>
      %mul3A_859 = arith.constant 20 : i32
      %mul3A_860 = vector.broadcast %mul3A_859 : i32 to vector<16xi32>
      %mul3A_861 = arith.muli %iota3A, %mul3A_860 : vector<16xi32>
      %mul3A_862 = arith.constant 320 : i32
      %mul3A_863 = arith.muli %mul3A_272, %mul3A_862 : i32
      %add3A_864 = arith.constant 18 : i32
      %add3A_865 = arith.addi %mul3A_863, %add3A_864 : i32
      %add3A_866 = vector.broadcast %add3A_865 : i32 to vector<16xi32>
      %add3A_867 = arith.addi %mul3A_861, %add3A_866 : vector<16xi32>
      %gather3A_868 = tpu.vector_load_idx %arg11[%add3A_867] : memref<10240xi32, #tpu.memory_space<vmem>>[vector<16xi32>], vector<16xi32>,
      %and3A_869 = arith.constant 1 : i32
      %and3A_870 = vector.broadcast %and3A_869 : i32 to vector<16xi32>
      %and3A_871 = arith.andi %gather3A_868, %and3A_870 : vector<16xi32>
      %shift_left3A_872 = arith.constant 6 : i32
      %shift_left3A_873 = vector.broadcast %shift_left3A_872 : i32 to vector<16xi32>
      %shift_left3A_874 = arith.shli %and3A_871, %shift_left3A_873 : vector<16xi32>
      %mul3A_875 = arith.constant 20 : i32
      %mul3A_876 = vector.broadcast %mul3A_875 : i32 to vector<16xi32>
      %mul3A_877 = arith.muli %iota3A, %mul3A_876 : vector<16xi32>
      %mul3A_878 = arith.constant 320 : i32
      %mul3A_879 = arith.muli %mul3A_272, %mul3A_878 : i32
      %add3A_880 = arith.constant 19 : i32
      %add3A_881 = arith.addi %mul3A_879, %add3A_880 : i32
      %add3A_882 = vector.broadcast %add3A_881 : i32 to vector<16xi32>
      %add3A_883 = arith.addi %mul3A_877, %add3A_882 : vector<16xi32>
      %gather3A_884 = tpu.vector_load_idx %arg11[%add3A_883] : memref<10240xi32, #tpu.memory_space<vmem>>[vector<16xi32>], vector<16xi32>,
      %and3A_885 = arith.constant 1 : i32
      %and3A_886 = vector.broadcast %and3A_885 : i32 to vector<16xi32>
      %and3A_887 = arith.andi %gather3A_884, %and3A_886 : vector<16xi32>
      %shift_left3A_888 = arith.constant 6 : i32
      %shift_left3A_889 = vector.broadcast %shift_left3A_888 : i32 to vector<16xi32>
      %shift_left3A_890 = arith.shli %and3A_887, %shift_left3A_889 : vector<16xi32>
      %mul3A_891 = arith.constant 20 : i32
      %mul3A_892 = vector.broadcast %mul3A_891 : i32 to vector<16xi32>
      %mul3A_893 = arith.muli %iota3A, %mul3A_892 : vector<16xi32>
      %add3A_894 = arith.constant 0 : i32
      %add3A_895 = vector.broadcast %add3A_894 : i32 to vector<16xi32>
      %add3A_896 = arith.addi %mul3A_893, %add3A_895 : vector<16xi32>
      %mul3A_897 = arith.constant 20 : i32
      %mul3A_898 = vector.broadcast %mul3A_897 : i32 to vector<16xi32>
      %mul3A_899 = arith.muli %iota3A, %mul3A_898 : vector<16xi32>
      %add3A_900 = arith.constant 1 : i32
      %add3A_901 = vector.broadcast %add3A_900 : i32 to vector<16xi32>
      %add3A_902 = arith.addi %mul3A_899, %add3A_901 : vector<16xi32>
      %mul3A_903 = arith.constant 20 : i32
      %mul3A_904 = vector.broadcast %mul3A_903 : i32 to vector<16xi32>
      %mul3A_905 = arith.muli %iota3A, %mul3A_904 : vector<16xi32>
      %add3A_906 = arith.constant 2 : i32
      %add3A_907 = vector.broadcast %add3A_906 : i32 to vector<16xi32>
      %add3A_908 = arith.addi %mul3A_905, %add3A_907 : vector<16xi32>
      %mul3A_909 = arith.constant 20 : i32
      %mul3A_910 = vector.broadcast %mul3A_909 : i32 to vector<16xi32>
      %mul3A_911 = arith.muli %iota3A, %mul3A_910 : vector<16xi32>
      %add3A_912 = arith.constant 3 : i32
      %add3A_913 = vector.broadcast %add3A_912 : i32 to vector<16xi32>
      %add3A_914 = arith.addi %mul3A_911, %add3A_913 : vector<16xi32>
      %mul3A_915 = arith.constant 20 : i32
      %mul3A_916 = vector.broadcast %mul3A_915 : i32 to vector<16xi32>
      %mul3A_917 = arith.muli %iota3A, %mul3A_916 : vector<16xi32>
      %add3A_918 = arith.constant 4 : i32
      %add3A_919 = vector.broadcast %add3A_918 : i32 to vector<16xi32>
      %add3A_920 = arith.addi %mul3A_917, %add3A_919 : vector<16xi32>
      %mul3A_921 = arith.constant 20 : i32
      %mul3A_922 = vector.broadcast %mul3A_921 : i32 to vector<16xi32>
      %mul3A_923 = arith.muli %iota3A, %mul3A_922 : vector<16xi32>
      %add3A_924 = arith.constant 5 : i32
      %add3A_925 = vector.broadcast %add3A_924 : i32 to vector<16xi32>
      %add3A_926 = arith.addi %mul3A_923, %add3A_925 : vector<16xi32>
      %mul3A_927 = arith.constant 20 : i32
      %mul3A_928 = vector.broadcast %mul3A_927 : i32 to vector<16xi32>
      %mul3A_929 = arith.muli %iota3A, %mul3A_928 : vector<16xi32>
      %add3A_930 = arith.constant 6 : i32
      %add3A_931 = vector.broadcast %add3A_930 : i32 to vector<16xi32>
      %add3A_932 = arith.addi %mul3A_929, %add3A_931 : vector<16xi32>
      %mul3A_933 = arith.constant 20 : i32
      %mul3A_934 = vector.broadcast %mul3A_933 : i32 to vector<16xi32>
      %mul3A_935 = arith.muli %iota3A, %mul3A_934 : vector<16xi32>
      %add3A_936 = arith.constant 7 : i32
      %add3A_937 = vector.broadcast %add3A_936 : i32 to vector<16xi32>
      %add3A_938 = arith.addi %mul3A_935, %add3A_937 : vector<16xi32>
      %mul3A_939 = arith.constant 20 : i32
      %mul3A_940 = vector.broadcast %mul3A_939 : i32 to vector<16xi32>
      %mul3A_941 = arith.muli %iota3A, %mul3A_940 : vector<16xi32>
      %add3A_942 = arith.constant 8 : i32
      %add3A_943 = vector.broadcast %add3A_942 : i32 to vector<16xi32>
      %add3A_944 = arith.addi %mul3A_941, %add3A_943 : vector<16xi32>
      %mul3A_945 = arith.constant 20 : i32
      %mul3A_946 = vector.broadcast %mul3A_945 : i32 to vector<16xi32>
      %mul3A_947 = arith.muli %iota3A, %mul3A_946 : vector<16xi32>
      %add3A_948 = arith.constant 9 : i32
      %add3A_949 = vector.broadcast %add3A_948 : i32 to vector<16xi32>
      %add3A_950 = arith.addi %mul3A_947, %add3A_949 : vector<16xi32>
      %mul3A_951 = arith.constant 20 : i32
      %mul3A_952 = vector.broadcast %mul3A_951 : i32 to vector<16xi32>
      %mul3A_953 = arith.muli %iota3A, %mul3A_952 : vector<16xi32>
      %add3A_954 = arith.constant 10 : i32
      %add3A_955 = vector.broadcast %add3A_954 : i32 to vector<16xi32>
      %add3A_956 = arith.addi %mul3A_953, %add3A_955 : vector<16xi32>
      %mul3A_957 = arith.constant 20 : i32
      %mul3A_958 = vector.broadcast %mul3A_957 : i32 to vector<16xi32>
      %mul3A_959 = arith.muli %iota3A, %mul3A_958 : vector<16xi32>
      %add3A_960 = arith.constant 11 : i32
      %add3A_961 = vector.broadcast %add3A_960 : i32 to vector<16xi32>
      %add3A_962 = arith.addi %mul3A_959, %add3A_961 : vector<16xi32>
      %mul3A_963 = arith.constant 20 : i32
      %mul3A_964 = vector.broadcast %mul3A_963 : i32 to vector<16xi32>
      %mul3A_965 = arith.muli %iota3A, %mul3A_964 : vector<16xi32>
      %add3A_966 = arith.constant 12 : i32
      %add3A_967 = vector.broadcast %add3A_966 : i32 to vector<16xi32>
      %add3A_968 = arith.addi %mul3A_965, %add3A_967 : vector<16xi32>
      %mul3A_969 = arith.constant 20 : i32
      %mul3A_970 = vector.broadcast %mul3A_969 : i32 to vector<16xi32>
      %mul3A_971 = arith.muli %iota3A, %mul3A_970 : vector<16xi32>
      %add3A_972 = arith.constant 13 : i32
      %add3A_973 = vector.broadcast %add3A_972 : i32 to vector<16xi32>
      %add3A_974 = arith.addi %mul3A_971, %add3A_973 : vector<16xi32>
      %mul3A_975 = arith.constant 20 : i32
      %mul3A_976 = vector.broadcast %mul3A_975 : i32 to vector<16xi32>
      %mul3A_977 = arith.muli %iota3A, %mul3A_976 : vector<16xi32>
      %add3A_978 = arith.constant 14 : i32
      %add3A_979 = vector.broadcast %add3A_978 : i32 to vector<16xi32>
      %add3A_980 = arith.addi %mul3A_977, %add3A_979 : vector<16xi32>
      %mul3A_981 = arith.constant 20 : i32
      %mul3A_982 = vector.broadcast %mul3A_981 : i32 to vector<16xi32>
      %mul3A_983 = arith.muli %iota3A, %mul3A_982 : vector<16xi32>
      %add3A_984 = arith.constant 15 : i32
      %add3A_985 = vector.broadcast %add3A_984 : i32 to vector<16xi32>
      %add3A_986 = arith.addi %mul3A_983, %add3A_985 : vector<16xi32>
      %mul3A_987 = arith.constant 20 : i32
      %mul3A_988 = vector.broadcast %mul3A_987 : i32 to vector<16xi32>
      %mul3A_989 = arith.muli %iota3A, %mul3A_988 : vector<16xi32>
      %add3A_990 = arith.constant 16 : i32
      %add3A_991 = vector.broadcast %add3A_990 : i32 to vector<16xi32>
      %add3A_992 = arith.addi %mul3A_989, %add3A_991 : vector<16xi32>
      %mul3A_993 = arith.constant 20 : i32
      %mul3A_994 = vector.broadcast %mul3A_993 : i32 to vector<16xi32>
      %mul3A_995 = arith.muli %iota3A, %mul3A_994 : vector<16xi32>
      %add3A_996 = arith.constant 17 : i32
      %add3A_997 = vector.broadcast %add3A_996 : i32 to vector<16xi32>
      %add3A_998 = arith.addi %mul3A_995, %add3A_997 : vector<16xi32>
      %mul3A_999 = arith.constant 20 : i32
      %mul3A_1000 = vector.broadcast %mul3A_999 : i32 to vector<16xi32>
      %mul3A_1001 = arith.muli %iota3A, %mul3A_1000 : vector<16xi32>
      %add3A_1002 = arith.constant 18 : i32
      %add3A_1003 = vector.broadcast %add3A_1002 : i32 to vector<16xi32>
      %add3A_1004 = arith.addi %mul3A_1001, %add3A_1003 : vector<16xi32>
      %mul3A_1005 = arith.constant 20 : i32
      %mul3A_1006 = vector.broadcast %mul3A_1005 : i32 to vector<16xi32>
      %mul3A_1007 = arith.muli %iota3A, %mul3A_1006 : vector<16xi32>
      %add3A_1008 = arith.constant 19 : i32
      %add3A_1009 = vector.broadcast %add3A_1008 : i32 to vector<16xi32>
      %add3A_1010 = arith.addi %mul3A_1007, %add3A_1009 : vector<16xi32>
      %broadcast_in_dim3A = arith.constant 0.000000e+00 : f32
      %broadcast_in_dim3A_1011 = vector.broadcast %broadcast_in_dim3A : f32 to vector<16xf32>
      %scan3A_1012 = arith.constant 0 : i32
      %scan3A_1013 = arith.constant 64 : i32
      %scan3A_1014 = arith.addi %scan3A_1012, %scan3A_1013 : i32
      %scan3A_1015 = arith.constant 1 : i32
      %scan3A_1016:11 = scf.for %scan3A_1772 = %scan3A_1012 to %scan3A_1014 step %scan3A_1015 iter_args(%scan3A_1773 = %broadcast_in_dim3A_1011, %scan3A_1774 = %broadcast_in_dim3A_1011, %scan3A_1775 = %broadcast_in_dim3A_1011, %scan3A_1776 = %broadcast_in_dim3A_1011, %scan3A_1777 = %broadcast_in_dim3A_1011, %scan3A_1778 = %broadcast_in_dim3A_1011, %scan3A_1779 = %broadcast_in_dim3A_1011, %scan3A_1780 = %broadcast_in_dim3A_1011, %scan3A_1781 = %broadcast_in_dim3A_1011, %scan3A_1782 = %broadcast_in_dim3A_1011, %scan3A_1783 = %broadcast_in_dim3A_1011) -> (vector<16xf32>, vector<16xf32>, vector<16xf32>, vector<16xf32>, vector<16xf32>, vector<16xf32>, vector<16xf32>, vector<16xf32>, vector<16xf32>, vector<16xf32>, vector<16xf32>)  : i32 {
        %add3A_1784 = vector.broadcast %scan3A_1772 : i32 to vector<16xi32>
        %add3A_1785 = arith.addi %iota3A, %add3A_1784 : vector<16xi32>
        %and3A_1786 = arith.constant 63 : i32
        %and3A_1787 = vector.broadcast %and3A_1786 : i32 to vector<16xi32>
        %and3A_1788 = arith.andi %add3A_1785, %and3A_1787 : vector<16xi32>
        %add3A_1789 = arith.addi %shift_left3A_561, %and3A_1788 : vector<16xi32>
        %gather3A_1790 = tpu.vector_load_idx %arg22[%iota3A, %add3A_1789] : memref<16x128xf32, #tpu.memory_space<vmem>>[vector<16xi32>, vector<16xi32>], vector<16xf32>,
        %add3A_1791 = arith.addi %shift_left3A_571, %and3A_1788 : vector<16xi32>
        %gather3A_1792 = tpu.vector_load_idx %arg23[%iota3A, %add3A_1791] : memref<16x128xf32, #tpu.memory_space<vmem>>[vector<16xi32>, vector<16xi32>], vector<16xf32>,
        %mul3A_1793 = arith.mulf %gather3A_1790, %gather3A_1792 : vector<16xf32>
        %add3A_1794 = arith.addf %scan3A_1773, %mul3A_1793 : vector<16xf32>
        %add3A_1795 = arith.addi %shift_left3A_586, %and3A_1788 : vector<16xi32>
        %gather3A_1796 = tpu.vector_load_idx %arg24[%add3A_896, %add3A_1795] : memref<320x128xf32, #tpu.memory_space<vmem>>[vector<16xi32>, vector<16xi32>], vector<16xf32>,
        %mul3A_1797 = arith.mulf %gather3A_1790, %gather3A_1796 : vector<16xf32>
        %add3A_1798 = arith.addf %scan3A_1774, %mul3A_1797 : vector<16xf32>
        %add3A_1799 = arith.addi %shift_left3A_602, %and3A_1788 : vector<16xi32>
        %gather3A_1800 = tpu.vector_load_idx %arg24[%add3A_902, %add3A_1799] : memref<320x128xf32, #tpu.memory_space<vmem>>[vector<16xi32>, vector<16xi32>], vector<16xf32>,
        %mul3A_1801 = arith.mulf %gather3A_1790, %gather3A_1800 : vector<16xf32>
        %add3A_1802 = arith.addf %scan3A_1775, %mul3A_1801 : vector<16xf32>
        %add3A_1803 = arith.addi %shift_left3A_618, %and3A_1788 : vector<16xi32>
        %gather3A_1804 = tpu.vector_load_idx %arg24[%add3A_908, %add3A_1803] : memref<320x128xf32, #tpu.memory_space<vmem>>[vector<16xi32>, vector<16xi32>], vector<16xf32>,
        %mul3A_1805 = arith.mulf %gather3A_1790, %gather3A_1804 : vector<16xf32>
        %add3A_1806 = arith.addf %scan3A_1776, %mul3A_1805 : vector<16xf32>
        %add3A_1807 = arith.addi %shift_left3A_634, %and3A_1788 : vector<16xi32>
        %gather3A_1808 = tpu.vector_load_idx %arg24[%add3A_914, %add3A_1807] : memref<320x128xf32, #tpu.memory_space<vmem>>[vector<16xi32>, vector<16xi32>], vector<16xf32>,
        %mul3A_1809 = arith.mulf %gather3A_1790, %gather3A_1808 : vector<16xf32>
        %add3A_1810 = arith.addf %scan3A_1777, %mul3A_1809 : vector<16xf32>
        %add3A_1811 = arith.addi %shift_left3A_650, %and3A_1788 : vector<16xi32>
        %gather3A_1812 = tpu.vector_load_idx %arg24[%add3A_920, %add3A_1811] : memref<320x128xf32, #tpu.memory_space<vmem>>[vector<16xi32>, vector<16xi32>], vector<16xf32>,
        %mul3A_1813 = arith.mulf %gather3A_1790, %gather3A_1812 : vector<16xf32>
        %add3A_1814 = arith.addf %scan3A_1778, %mul3A_1813 : vector<16xf32>
        %add3A_1815 = arith.addi %shift_left3A_666, %and3A_1788 : vector<16xi32>
        %gather3A_1816 = tpu.vector_load_idx %arg24[%add3A_926, %add3A_1815] : memref<320x128xf32, #tpu.memory_space<vmem>>[vector<16xi32>, vector<16xi32>], vector<16xf32>,
        %mul3A_1817 = arith.mulf %gather3A_1790, %gather3A_1816 : vector<16xf32>
        %add3A_1818 = arith.addf %scan3A_1779, %mul3A_1817 : vector<16xf32>
        %add3A_1819 = arith.addi %shift_left3A_682, %and3A_1788 : vector<16xi32>
        %gather3A_1820 = tpu.vector_load_idx %arg24[%add3A_932, %add3A_1819] : memref<320x128xf32, #tpu.memory_space<vmem>>[vector<16xi32>, vector<16xi32>], vector<16xf32>,
        %mul3A_1821 = arith.mulf %gather3A_1790, %gather3A_1820 : vector<16xf32>
        %add3A_1822 = arith.addf %scan3A_1780, %mul3A_1821 : vector<16xf32>
        %add3A_1823 = arith.addi %shift_left3A_698, %and3A_1788 : vector<16xi32>
        %gather3A_1824 = tpu.vector_load_idx %arg24[%add3A_938, %add3A_1823] : memref<320x128xf32, #tpu.memory_space<vmem>>[vector<16xi32>, vector<16xi32>], vector<16xf32>,
        %mul3A_1825 = arith.mulf %gather3A_1790, %gather3A_1824 : vector<16xf32>
        %add3A_1826 = arith.addf %scan3A_1781, %mul3A_1825 : vector<16xf32>
        %add3A_1827 = arith.addi %shift_left3A_714, %and3A_1788 : vector<16xi32>
        %gather3A_1828 = tpu.vector_load_idx %arg24[%add3A_944, %add3A_1827] : memref<320x128xf32, #tpu.memory_space<vmem>>[vector<16xi32>, vector<16xi32>], vector<16xf32>,
        %mul3A_1829 = arith.mulf %gather3A_1790, %gather3A_1828 : vector<16xf32>
        %add3A_1830 = arith.addf %scan3A_1782, %mul3A_1829 : vector<16xf32>
        %add3A_1831 = arith.addi %shift_left3A_730, %and3A_1788 : vector<16xi32>
        %gather3A_1832 = tpu.vector_load_idx %arg24[%add3A_950, %add3A_1831] : memref<320x128xf32, #tpu.memory_space<vmem>>[vector<16xi32>, vector<16xi32>], vector<16xf32>,
        %mul3A_1833 = arith.mulf %gather3A_1790, %gather3A_1832 : vector<16xf32>
        %add3A_1834 = arith.addf %scan3A_1783, %mul3A_1833 : vector<16xf32>
        scf.yield %add3A_1794, %add3A_1798, %add3A_1802, %add3A_1806, %add3A_1810, %add3A_1814, %add3A_1818, %add3A_1822, %add3A_1826, %add3A_1830, %add3A_1834 : vector<16xf32>, vector<16xf32>, vector<16xf32>, vector<16xf32>, vector<16xf32>, vector<16xf32>, vector<16xf32>, vector<16xf32>, vector<16xf32>, vector<16xf32>, vector<16xf32>
      }
      %scan3A_1017 = arith.constant 64 : i32
      %mul3A_1018 = arith.constant 16 : i32
      %mul3A_1019 = arith.muli %mul3A_272, %mul3A_1018 : i32
      %swap3A_1020 = arith.index_cast %mul3A_1019 : i32 to index
      %swap3A_1021 = tpu.vector_load %arg28[%swap3A_1020] {strides = array<i32>} : memref<512xf32, #tpu.memory_space<vmem>>, vector<16xf32>,
      tpu.vector_store %arg28[%swap3A_1020], %scan3A_1016#0 {strides = array<i32>} : memref<512xf32, #tpu.memory_space<vmem>>, vector<16xf32>,
      %mul3A_1022 = arith.constant 16 : i32
      %mul3A_1023 = arith.muli %mul3A_272, %mul3A_1022 : i32
      %add3A_1024 = arith.constant 0 : i32
      %add3A_1025 = arith.addi %add3A_1024, %mul3A_1023 : i32
      %swap3A_1026 = arith.index_cast %add3A_1025 : i32 to index
      %swap3A_1027 = tpu.vector_load %arg29[%swap3A_1026] {strides = array<i32>} : memref<10240xf32, #tpu.memory_space<vmem>>, vector<16xf32>,
      tpu.vector_store %arg29[%swap3A_1026], %scan3A_1016#1 {strides = array<i32>} : memref<10240xf32, #tpu.memory_space<vmem>>, vector<16xf32>,
      %mul3A_1028 = arith.constant 16 : i32
      %mul3A_1029 = arith.muli %mul3A_272, %mul3A_1028 : i32
      %add3A_1030 = arith.constant 512 : i32
      %add3A_1031 = arith.addi %add3A_1030, %mul3A_1029 : i32
      %swap3A_1032 = arith.index_cast %add3A_1031 : i32 to index
      %swap3A_1033 = tpu.vector_load %arg29[%swap3A_1032] {strides = array<i32>} : memref<10240xf32, #tpu.memory_space<vmem>>, vector<16xf32>,
      tpu.vector_store %arg29[%swap3A_1032], %scan3A_1016#2 {strides = array<i32>} : memref<10240xf32, #tpu.memory_space<vmem>>, vector<16xf32>,
      %mul3A_1034 = arith.constant 16 : i32
      %mul3A_1035 = arith.muli %mul3A_272, %mul3A_1034 : i32
      %add3A_1036 = arith.constant 1024 : i32
      %add3A_1037 = arith.addi %add3A_1036, %mul3A_1035 : i32
      %swap3A_1038 = arith.index_cast %add3A_1037 : i32 to index
      %swap3A_1039 = tpu.vector_load %arg29[%swap3A_1038] {strides = array<i32>} : memref<10240xf32, #tpu.memory_space<vmem>>, vector<16xf32>,
      tpu.vector_store %arg29[%swap3A_1038], %scan3A_1016#3 {strides = array<i32>} : memref<10240xf32, #tpu.memory_space<vmem>>, vector<16xf32>,
      %mul3A_1040 = arith.constant 16 : i32
      %mul3A_1041 = arith.muli %mul3A_272, %mul3A_1040 : i32
      %add3A_1042 = arith.constant 1536 : i32
      %add3A_1043 = arith.addi %add3A_1042, %mul3A_1041 : i32
      %swap3A_1044 = arith.index_cast %add3A_1043 : i32 to index
      %swap3A_1045 = tpu.vector_load %arg29[%swap3A_1044] {strides = array<i32>} : memref<10240xf32, #tpu.memory_space<vmem>>, vector<16xf32>,
      tpu.vector_store %arg29[%swap3A_1044], %scan3A_1016#4 {strides = array<i32>} : memref<10240xf32, #tpu.memory_space<vmem>>, vector<16xf32>,
      %mul3A_1046 = arith.constant 16 : i32
      %mul3A_1047 = arith.muli %mul3A_272, %mul3A_1046 : i32
      %add3A_1048 = arith.constant 2048 : i32
      %add3A_1049 = arith.addi %add3A_1048, %mul3A_1047 : i32
      %swap3A_1050 = arith.index_cast %add3A_1049 : i32 to index
      %swap3A_1051 = tpu.vector_load %arg29[%swap3A_1050] {strides = array<i32>} : memref<10240xf32, #tpu.memory_space<vmem>>, vector<16xf32>,
      tpu.vector_store %arg29[%swap3A_1050], %scan3A_1016#5 {strides = array<i32>} : memref<10240xf32, #tpu.memory_space<vmem>>, vector<16xf32>,
      %mul3A_1052 = arith.constant 16 : i32
      %mul3A_1053 = arith.muli %mul3A_272, %mul3A_1052 : i32
      %add3A_1054 = arith.constant 2560 : i32
      %add3A_1055 = arith.addi %add3A_1054, %mul3A_1053 : i32
      %swap3A_1056 = arith.index_cast %add3A_1055 : i32 to index
      %swap3A_1057 = tpu.vector_load %arg29[%swap3A_1056] {strides = array<i32>} : memref<10240xf32, #tpu.memory_space<vmem>>, vector<16xf32>,
      tpu.vector_store %arg29[%swap3A_1056], %scan3A_1016#6 {strides = array<i32>} : memref<10240xf32, #tpu.memory_space<vmem>>, vector<16xf32>,
      %mul3A_1058 = arith.constant 16 : i32
      %mul3A_1059 = arith.muli %mul3A_272, %mul3A_1058 : i32
      %add3A_1060 = arith.constant 3072 : i32
      %add3A_1061 = arith.addi %add3A_1060, %mul3A_1059 : i32
      %swap3A_1062 = arith.index_cast %add3A_1061 : i32 to index
      %swap3A_1063 = tpu.vector_load %arg29[%swap3A_1062] {strides = array<i32>} : memref<10240xf32, #tpu.memory_space<vmem>>, vector<16xf32>,
      tpu.vector_store %arg29[%swap3A_1062], %scan3A_1016#7 {strides = array<i32>} : memref<10240xf32, #tpu.memory_space<vmem>>, vector<16xf32>,
      %mul3A_1064 = arith.constant 16 : i32
      %mul3A_1065 = arith.muli %mul3A_272, %mul3A_1064 : i32
      %add3A_1066 = arith.constant 3584 : i32
      %add3A_1067 = arith.addi %add3A_1066, %mul3A_1065 : i32
      %swap3A_1068 = arith.index_cast %add3A_1067 : i32 to index
      %swap3A_1069 = tpu.vector_load %arg29[%swap3A_1068] {strides = array<i32>} : memref<10240xf32, #tpu.memory_space<vmem>>, vector<16xf32>,
      tpu.vector_store %arg29[%swap3A_1068], %scan3A_1016#8 {strides = array<i32>} : memref<10240xf32, #tpu.memory_space<vmem>>, vector<16xf32>,
      %mul3A_1070 = arith.constant 16 : i32
      %mul3A_1071 = arith.muli %mul3A_272, %mul3A_1070 : i32
      %add3A_1072 = arith.constant 4096 : i32
      %add3A_1073 = arith.addi %add3A_1072, %mul3A_1071 : i32
      %swap3A_1074 = arith.index_cast %add3A_1073 : i32 to index
      %swap3A_1075 = tpu.vector_load %arg29[%swap3A_1074] {strides = array<i32>} : memref<10240xf32, #tpu.memory_space<vmem>>, vector<16xf32>,
      tpu.vector_store %arg29[%swap3A_1074], %scan3A_1016#9 {strides = array<i32>} : memref<10240xf32, #tpu.memory_space<vmem>>, vector<16xf32>,
      %mul3A_1076 = arith.constant 16 : i32
      %mul3A_1077 = arith.muli %mul3A_272, %mul3A_1076 : i32
      %add3A_1078 = arith.constant 4608 : i32
      %add3A_1079 = arith.addi %add3A_1078, %mul3A_1077 : i32
      %swap3A_1080 = arith.index_cast %add3A_1079 : i32 to index
      %swap3A_1081 = tpu.vector_load %arg29[%swap3A_1080] {strides = array<i32>} : memref<10240xf32, #tpu.memory_space<vmem>>, vector<16xf32>,
      tpu.vector_store %arg29[%swap3A_1080], %scan3A_1016#10 {strides = array<i32>} : memref<10240xf32, #tpu.memory_space<vmem>>, vector<16xf32>,
      %broadcast_in_dim3A_1082 = arith.constant 0.000000e+00 : f32
      %broadcast_in_dim3A_1083 = vector.broadcast %broadcast_in_dim3A_1082 : f32 to vector<16xf32>
      %scan3A_1084 = arith.constant 0 : i32
      %scan3A_1085 = arith.constant 64 : i32
      %scan3A_1086 = arith.addi %scan3A_1084, %scan3A_1085 : i32
      %scan3A_1087 = arith.constant 1 : i32
      %scan3A_1088:10 = scf.for %scan3A_1772 = %scan3A_1084 to %scan3A_1086 step %scan3A_1087 iter_args(%scan3A_1773 = %broadcast_in_dim3A_1083, %scan3A_1774 = %broadcast_in_dim3A_1083, %scan3A_1775 = %broadcast_in_dim3A_1083, %scan3A_1776 = %broadcast_in_dim3A_1083, %scan3A_1777 = %broadcast_in_dim3A_1083, %scan3A_1778 = %broadcast_in_dim3A_1083, %scan3A_1779 = %broadcast_in_dim3A_1083, %scan3A_1780 = %broadcast_in_dim3A_1083, %scan3A_1781 = %broadcast_in_dim3A_1083, %scan3A_1782 = %broadcast_in_dim3A_1083) -> (vector<16xf32>, vector<16xf32>, vector<16xf32>, vector<16xf32>, vector<16xf32>, vector<16xf32>, vector<16xf32>, vector<16xf32>, vector<16xf32>, vector<16xf32>)  : i32 {
        %add3A_1783 = vector.broadcast %scan3A_1772 : i32 to vector<16xi32>
        %add3A_1784 = arith.addi %iota3A, %add3A_1783 : vector<16xi32>
        %and3A_1785 = arith.constant 63 : i32
        %and3A_1786 = vector.broadcast %and3A_1785 : i32 to vector<16xi32>
        %and3A_1787 = arith.andi %add3A_1784, %and3A_1786 : vector<16xi32>
        %add3A_1788 = arith.addi %shift_left3A_561, %and3A_1787 : vector<16xi32>
        %gather3A_1789 = tpu.vector_load_idx %arg22[%iota3A, %add3A_1788] : memref<16x128xf32, #tpu.memory_space<vmem>>[vector<16xi32>, vector<16xi32>], vector<16xf32>,
        %add3A_1790 = arith.addi %shift_left3A_746, %and3A_1787 : vector<16xi32>
        %gather3A_1791 = tpu.vector_load_idx %arg24[%add3A_956, %add3A_1790] : memref<320x128xf32, #tpu.memory_space<vmem>>[vector<16xi32>, vector<16xi32>], vector<16xf32>,
        %mul3A_1792 = arith.mulf %gather3A_1789, %gather3A_1791 : vector<16xf32>
        %add3A_1793 = arith.addf %scan3A_1773, %mul3A_1792 : vector<16xf32>
        %add3A_1794 = arith.addi %shift_left3A_762, %and3A_1787 : vector<16xi32>
        %gather3A_1795 = tpu.vector_load_idx %arg24[%add3A_962, %add3A_1794] : memref<320x128xf32, #tpu.memory_space<vmem>>[vector<16xi32>, vector<16xi32>], vector<16xf32>,
        %mul3A_1796 = arith.mulf %gather3A_1789, %gather3A_1795 : vector<16xf32>
        %add3A_1797 = arith.addf %scan3A_1774, %mul3A_1796 : vector<16xf32>
        %add3A_1798 = arith.addi %shift_left3A_778, %and3A_1787 : vector<16xi32>
        %gather3A_1799 = tpu.vector_load_idx %arg24[%add3A_968, %add3A_1798] : memref<320x128xf32, #tpu.memory_space<vmem>>[vector<16xi32>, vector<16xi32>], vector<16xf32>,
        %mul3A_1800 = arith.mulf %gather3A_1789, %gather3A_1799 : vector<16xf32>
        %add3A_1801 = arith.addf %scan3A_1775, %mul3A_1800 : vector<16xf32>
        %add3A_1802 = arith.addi %shift_left3A_794, %and3A_1787 : vector<16xi32>
        %gather3A_1803 = tpu.vector_load_idx %arg24[%add3A_974, %add3A_1802] : memref<320x128xf32, #tpu.memory_space<vmem>>[vector<16xi32>, vector<16xi32>], vector<16xf32>,
        %mul3A_1804 = arith.mulf %gather3A_1789, %gather3A_1803 : vector<16xf32>
        %add3A_1805 = arith.addf %scan3A_1776, %mul3A_1804 : vector<16xf32>
        %add3A_1806 = arith.addi %shift_left3A_810, %and3A_1787 : vector<16xi32>
        %gather3A_1807 = tpu.vector_load_idx %arg24[%add3A_980, %add3A_1806] : memref<320x128xf32, #tpu.memory_space<vmem>>[vector<16xi32>, vector<16xi32>], vector<16xf32>,
        %mul3A_1808 = arith.mulf %gather3A_1789, %gather3A_1807 : vector<16xf32>
        %add3A_1809 = arith.addf %scan3A_1777, %mul3A_1808 : vector<16xf32>
        %add3A_1810 = arith.addi %shift_left3A_826, %and3A_1787 : vector<16xi32>
        %gather3A_1811 = tpu.vector_load_idx %arg24[%add3A_986, %add3A_1810] : memref<320x128xf32, #tpu.memory_space<vmem>>[vector<16xi32>, vector<16xi32>], vector<16xf32>,
        %mul3A_1812 = arith.mulf %gather3A_1789, %gather3A_1811 : vector<16xf32>
        %add3A_1813 = arith.addf %scan3A_1778, %mul3A_1812 : vector<16xf32>
        %add3A_1814 = arith.addi %shift_left3A_842, %and3A_1787 : vector<16xi32>
        %gather3A_1815 = tpu.vector_load_idx %arg24[%add3A_992, %add3A_1814] : memref<320x128xf32, #tpu.memory_space<vmem>>[vector<16xi32>, vector<16xi32>], vector<16xf32>,
        %mul3A_1816 = arith.mulf %gather3A_1789, %gather3A_1815 : vector<16xf32>
        %add3A_1817 = arith.addf %scan3A_1779, %mul3A_1816 : vector<16xf32>
        %add3A_1818 = arith.addi %shift_left3A_858, %and3A_1787 : vector<16xi32>
        %gather3A_1819 = tpu.vector_load_idx %arg24[%add3A_998, %add3A_1818] : memref<320x128xf32, #tpu.memory_space<vmem>>[vector<16xi32>, vector<16xi32>], vector<16xf32>,
        %mul3A_1820 = arith.mulf %gather3A_1789, %gather3A_1819 : vector<16xf32>
        %add3A_1821 = arith.addf %scan3A_1780, %mul3A_1820 : vector<16xf32>
        %add3A_1822 = arith.addi %shift_left3A_874, %and3A_1787 : vector<16xi32>
        %gather3A_1823 = tpu.vector_load_idx %arg24[%add3A_1004, %add3A_1822] : memref<320x128xf32, #tpu.memory_space<vmem>>[vector<16xi32>, vector<16xi32>], vector<16xf32>,
        %mul3A_1824 = arith.mulf %gather3A_1789, %gather3A_1823 : vector<16xf32>
        %add3A_1825 = arith.addf %scan3A_1781, %mul3A_1824 : vector<16xf32>
        %add3A_1826 = arith.addi %shift_left3A_890, %and3A_1787 : vector<16xi32>
        %gather3A_1827 = tpu.vector_load_idx %arg24[%add3A_1010, %add3A_1826] : memref<320x128xf32, #tpu.memory_space<vmem>>[vector<16xi32>, vector<16xi32>], vector<16xf32>,
        %mul3A_1828 = arith.mulf %gather3A_1789, %gather3A_1827 : vector<16xf32>
        %add3A_1829 = arith.addf %scan3A_1782, %mul3A_1828 : vector<16xf32>
        scf.yield %add3A_1793, %add3A_1797, %add3A_1801, %add3A_1805, %add3A_1809, %add3A_1813, %add3A_1817, %add3A_1821, %add3A_1825, %add3A_1829 : vector<16xf32>, vector<16xf32>, vector<16xf32>, vector<16xf32>, vector<16xf32>, vector<16xf32>, vector<16xf32>, vector<16xf32>, vector<16xf32>, vector<16xf32>
      }
      %scan3A_1089 = arith.constant 64 : i32
      %mul3A_1090 = arith.constant 16 : i32
      %mul3A_1091 = arith.muli %mul3A_272, %mul3A_1090 : i32
      %add3A_1092 = arith.constant 5120 : i32
      %add3A_1093 = arith.addi %add3A_1092, %mul3A_1091 : i32
      %swap3A_1094 = arith.index_cast %add3A_1093 : i32 to index
      %swap3A_1095 = tpu.vector_load %arg29[%swap3A_1094] {strides = array<i32>} : memref<10240xf32, #tpu.memory_space<vmem>>, vector<16xf32>,
      tpu.vector_store %arg29[%swap3A_1094], %scan3A_1088#0 {strides = array<i32>} : memref<10240xf32, #tpu.memory_space<vmem>>, vector<16xf32>,
      %mul3A_1096 = arith.constant 16 : i32
      %mul3A_1097 = arith.muli %mul3A_272, %mul3A_1096 : i32
      %add3A_1098 = arith.constant 5632 : i32
      %add3A_1099 = arith.addi %add3A_1098, %mul3A_1097 : i32
      %swap3A_1100 = arith.index_cast %add3A_1099 : i32 to index
      %swap3A_1101 = tpu.vector_load %arg29[%swap3A_1100] {strides = array<i32>} : memref<10240xf32, #tpu.memory_space<vmem>>, vector<16xf32>,
      tpu.vector_store %arg29[%swap3A_1100], %scan3A_1088#1 {strides = array<i32>} : memref<10240xf32, #tpu.memory_space<vmem>>, vector<16xf32>,
      %mul3A_1102 = arith.constant 16 : i32
      %mul3A_1103 = arith.muli %mul3A_272, %mul3A_1102 : i32
      %add3A_1104 = arith.constant 6144 : i32
      %add3A_1105 = arith.addi %add3A_1104, %mul3A_1103 : i32
      %swap3A_1106 = arith.index_cast %add3A_1105 : i32 to index
      %swap3A_1107 = tpu.vector_load %arg29[%swap3A_1106] {strides = array<i32>} : memref<10240xf32, #tpu.memory_space<vmem>>, vector<16xf32>,
      tpu.vector_store %arg29[%swap3A_1106], %scan3A_1088#2 {strides = array<i32>} : memref<10240xf32, #tpu.memory_space<vmem>>, vector<16xf32>,
      %mul3A_1108 = arith.constant 16 : i32
      %mul3A_1109 = arith.muli %mul3A_272, %mul3A_1108 : i32
      %add3A_1110 = arith.constant 6656 : i32
      %add3A_1111 = arith.addi %add3A_1110, %mul3A_1109 : i32
      %swap3A_1112 = arith.index_cast %add3A_1111 : i32 to index
      %swap3A_1113 = tpu.vector_load %arg29[%swap3A_1112] {strides = array<i32>} : memref<10240xf32, #tpu.memory_space<vmem>>, vector<16xf32>,
      tpu.vector_store %arg29[%swap3A_1112], %scan3A_1088#3 {strides = array<i32>} : memref<10240xf32, #tpu.memory_space<vmem>>, vector<16xf32>,
      %mul3A_1114 = arith.constant 16 : i32
      %mul3A_1115 = arith.muli %mul3A_272, %mul3A_1114 : i32
      %add3A_1116 = arith.constant 7168 : i32
      %add3A_1117 = arith.addi %add3A_1116, %mul3A_1115 : i32
      %swap3A_1118 = arith.index_cast %add3A_1117 : i32 to index
      %swap3A_1119 = tpu.vector_load %arg29[%swap3A_1118] {strides = array<i32>} : memref<10240xf32, #tpu.memory_space<vmem>>, vector<16xf32>,
      tpu.vector_store %arg29[%swap3A_1118], %scan3A_1088#4 {strides = array<i32>} : memref<10240xf32, #tpu.memory_space<vmem>>, vector<16xf32>,
      %mul3A_1120 = arith.constant 16 : i32
      %mul3A_1121 = arith.muli %mul3A_272, %mul3A_1120 : i32
      %add3A_1122 = arith.constant 7680 : i32
      %add3A_1123 = arith.addi %add3A_1122, %mul3A_1121 : i32
      %swap3A_1124 = arith.index_cast %add3A_1123 : i32 to index
      %swap3A_1125 = tpu.vector_load %arg29[%swap3A_1124] {strides = array<i32>} : memref<10240xf32, #tpu.memory_space<vmem>>, vector<16xf32>,
      tpu.vector_store %arg29[%swap3A_1124], %scan3A_1088#5 {strides = array<i32>} : memref<10240xf32, #tpu.memory_space<vmem>>, vector<16xf32>,
      %mul3A_1126 = arith.constant 16 : i32
      %mul3A_1127 = arith.muli %mul3A_272, %mul3A_1126 : i32
      %add3A_1128 = arith.constant 8192 : i32
      %add3A_1129 = arith.addi %add3A_1128, %mul3A_1127 : i32
      %swap3A_1130 = arith.index_cast %add3A_1129 : i32 to index
      %swap3A_1131 = tpu.vector_load %arg29[%swap3A_1130] {strides = array<i32>} : memref<10240xf32, #tpu.memory_space<vmem>>, vector<16xf32>,
      tpu.vector_store %arg29[%swap3A_1130], %scan3A_1088#6 {strides = array<i32>} : memref<10240xf32, #tpu.memory_space<vmem>>, vector<16xf32>,
      %mul3A_1132 = arith.constant 16 : i32
      %mul3A_1133 = arith.muli %mul3A_272, %mul3A_1132 : i32
      %add3A_1134 = arith.constant 8704 : i32
      %add3A_1135 = arith.addi %add3A_1134, %mul3A_1133 : i32
      %swap3A_1136 = arith.index_cast %add3A_1135 : i32 to index
      %swap3A_1137 = tpu.vector_load %arg29[%swap3A_1136] {strides = array<i32>} : memref<10240xf32, #tpu.memory_space<vmem>>, vector<16xf32>,
      tpu.vector_store %arg29[%swap3A_1136], %scan3A_1088#7 {strides = array<i32>} : memref<10240xf32, #tpu.memory_space<vmem>>, vector<16xf32>,
      %mul3A_1138 = arith.constant 16 : i32
      %mul3A_1139 = arith.muli %mul3A_272, %mul3A_1138 : i32
      %add3A_1140 = arith.constant 9216 : i32
      %add3A_1141 = arith.addi %add3A_1140, %mul3A_1139 : i32
      %swap3A_1142 = arith.index_cast %add3A_1141 : i32 to index
      %swap3A_1143 = tpu.vector_load %arg29[%swap3A_1142] {strides = array<i32>} : memref<10240xf32, #tpu.memory_space<vmem>>, vector<16xf32>,
      tpu.vector_store %arg29[%swap3A_1142], %scan3A_1088#8 {strides = array<i32>} : memref<10240xf32, #tpu.memory_space<vmem>>, vector<16xf32>,
      %mul3A_1144 = arith.constant 16 : i32
      %mul3A_1145 = arith.muli %mul3A_272, %mul3A_1144 : i32
      %add3A_1146 = arith.constant 9728 : i32
      %add3A_1147 = arith.addi %add3A_1146, %mul3A_1145 : i32
      %swap3A_1148 = arith.index_cast %add3A_1147 : i32 to index
      %swap3A_1149 = tpu.vector_load %arg29[%swap3A_1148] {strides = array<i32>} : memref<10240xf32, #tpu.memory_space<vmem>>, vector<16xf32>,
      tpu.vector_store %arg29[%swap3A_1148], %scan3A_1088#9 {strides = array<i32>} : memref<10240xf32, #tpu.memory_space<vmem>>, vector<16xf32>,
      %lt3A = arith.constant 15 : i32
      %lt3A_1150 = arith.cmpi slt, %scan3A_270, %lt3A : i32
      %convert_element_type3A = arith.extui %lt3A_1150 : i1 to i32
      %cond3A = arith.constant 0 : i32
      %cond3A_1151 = arith.cmpi ne, %convert_element_type3A, %cond3A : i32
      scf.if %cond3A_1151 {
        %add3A_1772 = arith.constant 2 : i32
        %add3A_1773 = arith.addi %mul3A_272, %add3A_1772 : i32
        %mul3A_1774 = arith.constant 16 : i32
        %mul3A_1775 = arith.muli %add3A_1773, %mul3A_1774 : i32
        %get3A_1776 = arith.index_cast %mul3A_1775 : i32 to index
        %get3A_1777 = tpu.vector_load %arg9[%get3A_1776] {strides = array<i32>} : memref<512xi32, #tpu.memory_space<vmem>>, vector<16xi32>,
        %shift_right_arithmetic3A_1778 = arith.constant 1 : i32
        %shift_right_arithmetic3A_1779 = vector.broadcast %shift_right_arithmetic3A_1778 : i32 to vector<16xi32>
        %shift_right_arithmetic3A_1780 = arith.shrsi %get3A_1777, %shift_right_arithmetic3A_1779 : vector<16xi32>
        %swap3A_1781 = arith.constant 0 : index
        %swap3A_1782 = tpu.vector_load %arg12[%swap3A_1781] {strides = array<i32>} : memref<16xi32, #tpu.memory_space<vmem>>, vector<16xi32>,
        tpu.vector_store %arg12[%swap3A_1781], %shift_right_arithmetic3A_1780 {strides = array<i32>} : memref<16xi32, #tpu.memory_space<vmem>>, vector<16xi32>,
        %mul3A_1783 = arith.constant 16 : i32
        %mul3A_1784 = arith.muli %add3A_1773, %mul3A_1783 : i32
        %get3A_1785 = arith.index_cast %mul3A_1784 : i32 to index
        %get3A_1786 = tpu.vector_load %arg10[%get3A_1785] {strides = array<i32>} : memref<512xi32, #tpu.memory_space<vmem>>, vector<16xi32>,
        %shift_right_arithmetic3A_1787 = arith.constant 1 : i32
        %shift_right_arithmetic3A_1788 = vector.broadcast %shift_right_arithmetic3A_1787 : i32 to vector<16xi32>
        %shift_right_arithmetic3A_1789 = arith.shrsi %get3A_1786, %shift_right_arithmetic3A_1788 : vector<16xi32>
        %swap3A_1790 = arith.constant 0 : index
        %swap3A_1791 = tpu.vector_load %arg13[%swap3A_1790] {strides = array<i32>} : memref<16xi32, #tpu.memory_space<vmem>>, vector<16xi32>,
        tpu.vector_store %arg13[%swap3A_1790], %shift_right_arithmetic3A_1789 {strides = array<i32>} : memref<16xi32, #tpu.memory_space<vmem>>, vector<16xi32>,
        %mul3A_1792 = arith.constant 320 : i32
        %mul3A_1793 = arith.muli %add3A_1773, %mul3A_1792 : i32
        %add3A_1794 = arith.constant 0 : i32
        %add3A_1795 = arith.addi %mul3A_1793, %add3A_1794 : i32
        %get3A_1796 = arith.index_cast %add3A_1795 : i32 to index
        %get3A_1797 = tpu.vector_load %arg11[%get3A_1796] {strides = array<i32>} : memref<10240xi32, #tpu.memory_space<vmem>>, vector<16xi32>,
        %shift_right_arithmetic3A_1798 = arith.constant 1 : i32
        %shift_right_arithmetic3A_1799 = vector.broadcast %shift_right_arithmetic3A_1798 : i32 to vector<16xi32>
        %shift_right_arithmetic3A_1800 = arith.shrsi %get3A_1797, %shift_right_arithmetic3A_1799 : vector<16xi32>
        %swap3A_1801 = arith.constant 0 : index
        %swap3A_1802 = tpu.vector_load %arg14[%swap3A_1801] {strides = array<i32>} : memref<128xi32, #tpu.memory_space<vmem>>, vector<16xi32>,
        tpu.vector_store %arg14[%swap3A_1801], %shift_right_arithmetic3A_1800 {strides = array<i32>} : memref<128xi32, #tpu.memory_space<vmem>>, vector<16xi32>,
        %mul3A_1803 = arith.constant 320 : i32
        %mul3A_1804 = arith.muli %add3A_1773, %mul3A_1803 : i32
        %add3A_1805 = arith.constant 16 : i32
        %add3A_1806 = arith.addi %mul3A_1804, %add3A_1805 : i32
        %get3A_1807 = arith.index_cast %add3A_1806 : i32 to index
        %get3A_1808 = tpu.vector_load %arg11[%get3A_1807] {strides = array<i32>} : memref<10240xi32, #tpu.memory_space<vmem>>, vector<16xi32>,
        %shift_right_arithmetic3A_1809 = arith.constant 1 : i32
        %shift_right_arithmetic3A_1810 = vector.broadcast %shift_right_arithmetic3A_1809 : i32 to vector<16xi32>
        %shift_right_arithmetic3A_1811 = arith.shrsi %get3A_1808, %shift_right_arithmetic3A_1810 : vector<16xi32>
        %swap3A_1812 = arith.constant 16 : index
        %swap3A_1813 = tpu.vector_load %arg14[%swap3A_1812] {strides = array<i32>} : memref<128xi32, #tpu.memory_space<vmem>>, vector<16xi32>,
        tpu.vector_store %arg14[%swap3A_1812], %shift_right_arithmetic3A_1811 {strides = array<i32>} : memref<128xi32, #tpu.memory_space<vmem>>, vector<16xi32>,
        %mul3A_1814 = arith.constant 320 : i32
        %mul3A_1815 = arith.muli %add3A_1773, %mul3A_1814 : i32
        %add3A_1816 = arith.constant 32 : i32
        %add3A_1817 = arith.addi %mul3A_1815, %add3A_1816 : i32
        %get3A_1818 = arith.index_cast %add3A_1817 : i32 to index
        %get3A_1819 = tpu.vector_load %arg11[%get3A_1818] {strides = array<i32>} : memref<10240xi32, #tpu.memory_space<vmem>>, vector<16xi32>,
        %shift_right_arithmetic3A_1820 = arith.constant 1 : i32
        %shift_right_arithmetic3A_1821 = vector.broadcast %shift_right_arithmetic3A_1820 : i32 to vector<16xi32>
        %shift_right_arithmetic3A_1822 = arith.shrsi %get3A_1819, %shift_right_arithmetic3A_1821 : vector<16xi32>
        %swap3A_1823 = arith.constant 32 : index
        %swap3A_1824 = tpu.vector_load %arg14[%swap3A_1823] {strides = array<i32>} : memref<128xi32, #tpu.memory_space<vmem>>, vector<16xi32>,
        tpu.vector_store %arg14[%swap3A_1823], %shift_right_arithmetic3A_1822 {strides = array<i32>} : memref<128xi32, #tpu.memory_space<vmem>>, vector<16xi32>,
        %mul3A_1825 = arith.constant 320 : i32
        %mul3A_1826 = arith.muli %add3A_1773, %mul3A_1825 : i32
        %add3A_1827 = arith.constant 48 : i32
        %add3A_1828 = arith.addi %mul3A_1826, %add3A_1827 : i32
        %get3A_1829 = arith.index_cast %add3A_1828 : i32 to index
        %get3A_1830 = tpu.vector_load %arg11[%get3A_1829] {strides = array<i32>} : memref<10240xi32, #tpu.memory_space<vmem>>, vector<16xi32>,
        %shift_right_arithmetic3A_1831 = arith.constant 1 : i32
        %shift_right_arithmetic3A_1832 = vector.broadcast %shift_right_arithmetic3A_1831 : i32 to vector<16xi32>
        %shift_right_arithmetic3A_1833 = arith.shrsi %get3A_1830, %shift_right_arithmetic3A_1832 : vector<16xi32>
        %swap3A_1834 = arith.constant 48 : index
        %swap3A_1835 = tpu.vector_load %arg14[%swap3A_1834] {strides = array<i32>} : memref<128xi32, #tpu.memory_space<vmem>>, vector<16xi32>,
        tpu.vector_store %arg14[%swap3A_1834], %shift_right_arithmetic3A_1833 {strides = array<i32>} : memref<128xi32, #tpu.memory_space<vmem>>, vector<16xi32>,
        %mul3A_1836 = arith.constant 320 : i32
        %mul3A_1837 = arith.muli %add3A_1773, %mul3A_1836 : i32
        %add3A_1838 = arith.constant 64 : i32
        %add3A_1839 = arith.addi %mul3A_1837, %add3A_1838 : i32
        %get3A_1840 = arith.index_cast %add3A_1839 : i32 to index
        %get3A_1841 = tpu.vector_load %arg11[%get3A_1840] {strides = array<i32>} : memref<10240xi32, #tpu.memory_space<vmem>>, vector<16xi32>,
        %shift_right_arithmetic3A_1842 = arith.constant 1 : i32
        %shift_right_arithmetic3A_1843 = vector.broadcast %shift_right_arithmetic3A_1842 : i32 to vector<16xi32>
        %shift_right_arithmetic3A_1844 = arith.shrsi %get3A_1841, %shift_right_arithmetic3A_1843 : vector<16xi32>
        %swap3A_1845 = arith.constant 64 : index
        %swap3A_1846 = tpu.vector_load %arg14[%swap3A_1845] {strides = array<i32>} : memref<128xi32, #tpu.memory_space<vmem>>, vector<16xi32>,
        tpu.vector_store %arg14[%swap3A_1845], %shift_right_arithmetic3A_1844 {strides = array<i32>} : memref<128xi32, #tpu.memory_space<vmem>>, vector<16xi32>,
        %mul3A_1847 = arith.constant 320 : i32
        %mul3A_1848 = arith.muli %add3A_1773, %mul3A_1847 : i32
        %add3A_1849 = arith.constant 80 : i32
        %add3A_1850 = arith.addi %mul3A_1848, %add3A_1849 : i32
        %get3A_1851 = arith.index_cast %add3A_1850 : i32 to index
        %get3A_1852 = tpu.vector_load %arg11[%get3A_1851] {strides = array<i32>} : memref<10240xi32, #tpu.memory_space<vmem>>, vector<16xi32>,
        %shift_right_arithmetic3A_1853 = arith.constant 1 : i32
        %shift_right_arithmetic3A_1854 = vector.broadcast %shift_right_arithmetic3A_1853 : i32 to vector<16xi32>
        %shift_right_arithmetic3A_1855 = arith.shrsi %get3A_1852, %shift_right_arithmetic3A_1854 : vector<16xi32>
        %swap3A_1856 = arith.constant 80 : index
        %swap3A_1857 = tpu.vector_load %arg14[%swap3A_1856] {strides = array<i32>} : memref<128xi32, #tpu.memory_space<vmem>>, vector<16xi32>,
        tpu.vector_store %arg14[%swap3A_1856], %shift_right_arithmetic3A_1855 {strides = array<i32>} : memref<128xi32, #tpu.memory_space<vmem>>, vector<16xi32>,
        %mul3A_1858 = arith.constant 320 : i32
        %mul3A_1859 = arith.muli %add3A_1773, %mul3A_1858 : i32
        %add3A_1860 = arith.constant 96 : i32
        %add3A_1861 = arith.addi %mul3A_1859, %add3A_1860 : i32
        %get3A_1862 = arith.index_cast %add3A_1861 : i32 to index
        %get3A_1863 = tpu.vector_load %arg11[%get3A_1862] {strides = array<i32>} : memref<10240xi32, #tpu.memory_space<vmem>>, vector<16xi32>,
        %shift_right_arithmetic3A_1864 = arith.constant 1 : i32
        %shift_right_arithmetic3A_1865 = vector.broadcast %shift_right_arithmetic3A_1864 : i32 to vector<16xi32>
        %shift_right_arithmetic3A_1866 = arith.shrsi %get3A_1863, %shift_right_arithmetic3A_1865 : vector<16xi32>
        %swap3A_1867 = arith.constant 96 : index
        %swap3A_1868 = tpu.vector_load %arg14[%swap3A_1867] {strides = array<i32>} : memref<128xi32, #tpu.memory_space<vmem>>, vector<16xi32>,
        tpu.vector_store %arg14[%swap3A_1867], %shift_right_arithmetic3A_1866 {strides = array<i32>} : memref<128xi32, #tpu.memory_space<vmem>>, vector<16xi32>,
        %mul3A_1869 = arith.constant 320 : i32
        %mul3A_1870 = arith.muli %add3A_1773, %mul3A_1869 : i32
        %add3A_1871 = arith.constant 112 : i32
        %add3A_1872 = arith.addi %mul3A_1870, %add3A_1871 : i32
        %get3A_1873 = arith.index_cast %add3A_1872 : i32 to index
        %get3A_1874 = tpu.vector_load %arg11[%get3A_1873] {strides = array<i32>} : memref<10240xi32, #tpu.memory_space<vmem>>, vector<16xi32>,
        %shift_right_arithmetic3A_1875 = arith.constant 1 : i32
        %shift_right_arithmetic3A_1876 = vector.broadcast %shift_right_arithmetic3A_1875 : i32 to vector<16xi32>
        %shift_right_arithmetic3A_1877 = arith.shrsi %get3A_1874, %shift_right_arithmetic3A_1876 : vector<16xi32>
        %swap3A_1878 = arith.constant 112 : index
        %swap3A_1879 = tpu.vector_load %arg14[%swap3A_1878] {strides = array<i32>} : memref<128xi32, #tpu.memory_space<vmem>>, vector<16xi32>,
        tpu.vector_store %arg14[%swap3A_1878], %shift_right_arithmetic3A_1877 {strides = array<i32>} : memref<128xi32, #tpu.memory_space<vmem>>, vector<16xi32>,
        %mul3A_1880 = arith.constant 320 : i32
        %mul3A_1881 = arith.muli %add3A_1773, %mul3A_1880 : i32
        %add3A_1882 = arith.constant 128 : i32
        %add3A_1883 = arith.addi %mul3A_1881, %add3A_1882 : i32
        %get3A_1884 = arith.index_cast %add3A_1883 : i32 to index
        %get3A_1885 = tpu.vector_load %arg11[%get3A_1884] {strides = array<i32>} : memref<10240xi32, #tpu.memory_space<vmem>>, vector<16xi32>,
        %shift_right_arithmetic3A_1886 = arith.constant 1 : i32
        %shift_right_arithmetic3A_1887 = vector.broadcast %shift_right_arithmetic3A_1886 : i32 to vector<16xi32>
        %shift_right_arithmetic3A_1888 = arith.shrsi %get3A_1885, %shift_right_arithmetic3A_1887 : vector<16xi32>
        %swap3A_1889 = arith.constant 0 : index
        %swap3A_1890 = tpu.vector_load %arg15[%swap3A_1889] {strides = array<i32>} : memref<128xi32, #tpu.memory_space<vmem>>, vector<16xi32>,
        tpu.vector_store %arg15[%swap3A_1889], %shift_right_arithmetic3A_1888 {strides = array<i32>} : memref<128xi32, #tpu.memory_space<vmem>>, vector<16xi32>,
        %mul3A_1891 = arith.constant 320 : i32
        %mul3A_1892 = arith.muli %add3A_1773, %mul3A_1891 : i32
        %add3A_1893 = arith.constant 144 : i32
        %add3A_1894 = arith.addi %mul3A_1892, %add3A_1893 : i32
        %get3A_1895 = arith.index_cast %add3A_1894 : i32 to index
        %get3A_1896 = tpu.vector_load %arg11[%get3A_1895] {strides = array<i32>} : memref<10240xi32, #tpu.memory_space<vmem>>, vector<16xi32>,
        %shift_right_arithmetic3A_1897 = arith.constant 1 : i32
        %shift_right_arithmetic3A_1898 = vector.broadcast %shift_right_arithmetic3A_1897 : i32 to vector<16xi32>
        %shift_right_arithmetic3A_1899 = arith.shrsi %get3A_1896, %shift_right_arithmetic3A_1898 : vector<16xi32>
        %swap3A_1900 = arith.constant 16 : index
        %swap3A_1901 = tpu.vector_load %arg15[%swap3A_1900] {strides = array<i32>} : memref<128xi32, #tpu.memory_space<vmem>>, vector<16xi32>,
        tpu.vector_store %arg15[%swap3A_1900], %shift_right_arithmetic3A_1899 {strides = array<i32>} : memref<128xi32, #tpu.memory_space<vmem>>, vector<16xi32>,
        %mul3A_1902 = arith.constant 320 : i32
        %mul3A_1903 = arith.muli %add3A_1773, %mul3A_1902 : i32
        %add3A_1904 = arith.constant 160 : i32
        %add3A_1905 = arith.addi %mul3A_1903, %add3A_1904 : i32
        %get3A_1906 = arith.index_cast %add3A_1905 : i32 to index
        %get3A_1907 = tpu.vector_load %arg11[%get3A_1906] {strides = array<i32>} : memref<10240xi32, #tpu.memory_space<vmem>>, vector<16xi32>,
        %shift_right_arithmetic3A_1908 = arith.constant 1 : i32
        %shift_right_arithmetic3A_1909 = vector.broadcast %shift_right_arithmetic3A_1908 : i32 to vector<16xi32>
        %shift_right_arithmetic3A_1910 = arith.shrsi %get3A_1907, %shift_right_arithmetic3A_1909 : vector<16xi32>
        %swap3A_1911 = arith.constant 32 : index
        %swap3A_1912 = tpu.vector_load %arg15[%swap3A_1911] {strides = array<i32>} : memref<128xi32, #tpu.memory_space<vmem>>, vector<16xi32>,
        tpu.vector_store %arg15[%swap3A_1911], %shift_right_arithmetic3A_1910 {strides = array<i32>} : memref<128xi32, #tpu.memory_space<vmem>>, vector<16xi32>,
        %mul3A_1913 = arith.constant 320 : i32
        %mul3A_1914 = arith.muli %add3A_1773, %mul3A_1913 : i32
        %add3A_1915 = arith.constant 176 : i32
        %add3A_1916 = arith.addi %mul3A_1914, %add3A_1915 : i32
        %get3A_1917 = arith.index_cast %add3A_1916 : i32 to index
        %get3A_1918 = tpu.vector_load %arg11[%get3A_1917] {strides = array<i32>} : memref<10240xi32, #tpu.memory_space<vmem>>, vector<16xi32>,
        %shift_right_arithmetic3A_1919 = arith.constant 1 : i32
        %shift_right_arithmetic3A_1920 = vector.broadcast %shift_right_arithmetic3A_1919 : i32 to vector<16xi32>
        %shift_right_arithmetic3A_1921 = arith.shrsi %get3A_1918, %shift_right_arithmetic3A_1920 : vector<16xi32>
        %swap3A_1922 = arith.constant 48 : index
        %swap3A_1923 = tpu.vector_load %arg15[%swap3A_1922] {strides = array<i32>} : memref<128xi32, #tpu.memory_space<vmem>>, vector<16xi32>,
        tpu.vector_store %arg15[%swap3A_1922], %shift_right_arithmetic3A_1921 {strides = array<i32>} : memref<128xi32, #tpu.memory_space<vmem>>, vector<16xi32>,
        %mul3A_1924 = arith.constant 320 : i32
        %mul3A_1925 = arith.muli %add3A_1773, %mul3A_1924 : i32
        %add3A_1926 = arith.constant 192 : i32
        %add3A_1927 = arith.addi %mul3A_1925, %add3A_1926 : i32
        %get3A_1928 = arith.index_cast %add3A_1927 : i32 to index
        %get3A_1929 = tpu.vector_load %arg11[%get3A_1928] {strides = array<i32>} : memref<10240xi32, #tpu.memory_space<vmem>>, vector<16xi32>,
        %shift_right_arithmetic3A_1930 = arith.constant 1 : i32
        %shift_right_arithmetic3A_1931 = vector.broadcast %shift_right_arithmetic3A_1930 : i32 to vector<16xi32>
        %shift_right_arithmetic3A_1932 = arith.shrsi %get3A_1929, %shift_right_arithmetic3A_1931 : vector<16xi32>
        %swap3A_1933 = arith.constant 64 : index
        %swap3A_1934 = tpu.vector_load %arg15[%swap3A_1933] {strides = array<i32>} : memref<128xi32, #tpu.memory_space<vmem>>, vector<16xi32>,
        tpu.vector_store %arg15[%swap3A_1933], %shift_right_arithmetic3A_1932 {strides = array<i32>} : memref<128xi32, #tpu.memory_space<vmem>>, vector<16xi32>,
        %mul3A_1935 = arith.constant 320 : i32
        %mul3A_1936 = arith.muli %add3A_1773, %mul3A_1935 : i32
        %add3A_1937 = arith.constant 208 : i32
        %add3A_1938 = arith.addi %mul3A_1936, %add3A_1937 : i32
        %get3A_1939 = arith.index_cast %add3A_1938 : i32 to index
        %get3A_1940 = tpu.vector_load %arg11[%get3A_1939] {strides = array<i32>} : memref<10240xi32, #tpu.memory_space<vmem>>, vector<16xi32>,
        %shift_right_arithmetic3A_1941 = arith.constant 1 : i32
        %shift_right_arithmetic3A_1942 = vector.broadcast %shift_right_arithmetic3A_1941 : i32 to vector<16xi32>
        %shift_right_arithmetic3A_1943 = arith.shrsi %get3A_1940, %shift_right_arithmetic3A_1942 : vector<16xi32>
        %swap3A_1944 = arith.constant 80 : index
        %swap3A_1945 = tpu.vector_load %arg15[%swap3A_1944] {strides = array<i32>} : memref<128xi32, #tpu.memory_space<vmem>>, vector<16xi32>,
        tpu.vector_store %arg15[%swap3A_1944], %shift_right_arithmetic3A_1943 {strides = array<i32>} : memref<128xi32, #tpu.memory_space<vmem>>, vector<16xi32>,
        %mul3A_1946 = arith.constant 320 : i32
        %mul3A_1947 = arith.muli %add3A_1773, %mul3A_1946 : i32
        %add3A_1948 = arith.constant 224 : i32
        %add3A_1949 = arith.addi %mul3A_1947, %add3A_1948 : i32
        %get3A_1950 = arith.index_cast %add3A_1949 : i32 to index
        %get3A_1951 = tpu.vector_load %arg11[%get3A_1950] {strides = array<i32>} : memref<10240xi32, #tpu.memory_space<vmem>>, vector<16xi32>,
        %shift_right_arithmetic3A_1952 = arith.constant 1 : i32
        %shift_right_arithmetic3A_1953 = vector.broadcast %shift_right_arithmetic3A_1952 : i32 to vector<16xi32>
        %shift_right_arithmetic3A_1954 = arith.shrsi %get3A_1951, %shift_right_arithmetic3A_1953 : vector<16xi32>
        %swap3A_1955 = arith.constant 96 : index
        %swap3A_1956 = tpu.vector_load %arg15[%swap3A_1955] {strides = array<i32>} : memref<128xi32, #tpu.memory_space<vmem>>, vector<16xi32>,
        tpu.vector_store %arg15[%swap3A_1955], %shift_right_arithmetic3A_1954 {strides = array<i32>} : memref<128xi32, #tpu.memory_space<vmem>>, vector<16xi32>,
        %mul3A_1957 = arith.constant 320 : i32
        %mul3A_1958 = arith.muli %add3A_1773, %mul3A_1957 : i32
        %add3A_1959 = arith.constant 240 : i32
        %add3A_1960 = arith.addi %mul3A_1958, %add3A_1959 : i32
        %get3A_1961 = arith.index_cast %add3A_1960 : i32 to index
        %get3A_1962 = tpu.vector_load %arg11[%get3A_1961] {strides = array<i32>} : memref<10240xi32, #tpu.memory_space<vmem>>, vector<16xi32>,
        %shift_right_arithmetic3A_1963 = arith.constant 1 : i32
        %shift_right_arithmetic3A_1964 = vector.broadcast %shift_right_arithmetic3A_1963 : i32 to vector<16xi32>
        %shift_right_arithmetic3A_1965 = arith.shrsi %get3A_1962, %shift_right_arithmetic3A_1964 : vector<16xi32>
        %swap3A_1966 = arith.constant 112 : index
        %swap3A_1967 = tpu.vector_load %arg15[%swap3A_1966] {strides = array<i32>} : memref<128xi32, #tpu.memory_space<vmem>>, vector<16xi32>,
        tpu.vector_store %arg15[%swap3A_1966], %shift_right_arithmetic3A_1965 {strides = array<i32>} : memref<128xi32, #tpu.memory_space<vmem>>, vector<16xi32>,
        %mul3A_1968 = arith.constant 320 : i32
        %mul3A_1969 = arith.muli %add3A_1773, %mul3A_1968 : i32
        %add3A_1970 = arith.constant 256 : i32
        %add3A_1971 = arith.addi %mul3A_1969, %add3A_1970 : i32
        %get3A_1972 = arith.index_cast %add3A_1971 : i32 to index
        %get3A_1973 = tpu.vector_load %arg11[%get3A_1972] {strides = array<i32>} : memref<10240xi32, #tpu.memory_space<vmem>>, vector<16xi32>,
        %shift_right_arithmetic3A_1974 = arith.constant 1 : i32
        %shift_right_arithmetic3A_1975 = vector.broadcast %shift_right_arithmetic3A_1974 : i32 to vector<16xi32>
        %shift_right_arithmetic3A_1976 = arith.shrsi %get3A_1973, %shift_right_arithmetic3A_1975 : vector<16xi32>
        %swap3A_1977 = arith.constant 0 : index
        %swap3A_1978 = tpu.vector_load %arg16[%swap3A_1977] {strides = array<i32>} : memref<64xi32, #tpu.memory_space<vmem>>, vector<16xi32>,
        tpu.vector_store %arg16[%swap3A_1977], %shift_right_arithmetic3A_1976 {strides = array<i32>} : memref<64xi32, #tpu.memory_space<vmem>>, vector<16xi32>,
        %mul3A_1979 = arith.constant 320 : i32
        %mul3A_1980 = arith.muli %add3A_1773, %mul3A_1979 : i32
        %add3A_1981 = arith.constant 272 : i32
        %add3A_1982 = arith.addi %mul3A_1980, %add3A_1981 : i32
        %get3A_1983 = arith.index_cast %add3A_1982 : i32 to index
        %get3A_1984 = tpu.vector_load %arg11[%get3A_1983] {strides = array<i32>} : memref<10240xi32, #tpu.memory_space<vmem>>, vector<16xi32>,
        %shift_right_arithmetic3A_1985 = arith.constant 1 : i32
        %shift_right_arithmetic3A_1986 = vector.broadcast %shift_right_arithmetic3A_1985 : i32 to vector<16xi32>
        %shift_right_arithmetic3A_1987 = arith.shrsi %get3A_1984, %shift_right_arithmetic3A_1986 : vector<16xi32>
        %swap3A_1988 = arith.constant 16 : index
        %swap3A_1989 = tpu.vector_load %arg16[%swap3A_1988] {strides = array<i32>} : memref<64xi32, #tpu.memory_space<vmem>>, vector<16xi32>,
        tpu.vector_store %arg16[%swap3A_1988], %shift_right_arithmetic3A_1987 {strides = array<i32>} : memref<64xi32, #tpu.memory_space<vmem>>, vector<16xi32>,
        %mul3A_1990 = arith.constant 320 : i32
        %mul3A_1991 = arith.muli %add3A_1773, %mul3A_1990 : i32
        %add3A_1992 = arith.constant 288 : i32
        %add3A_1993 = arith.addi %mul3A_1991, %add3A_1992 : i32
        %get3A_1994 = arith.index_cast %add3A_1993 : i32 to index
        %get3A_1995 = tpu.vector_load %arg11[%get3A_1994] {strides = array<i32>} : memref<10240xi32, #tpu.memory_space<vmem>>, vector<16xi32>,
        %shift_right_arithmetic3A_1996 = arith.constant 1 : i32
        %shift_right_arithmetic3A_1997 = vector.broadcast %shift_right_arithmetic3A_1996 : i32 to vector<16xi32>
        %shift_right_arithmetic3A_1998 = arith.shrsi %get3A_1995, %shift_right_arithmetic3A_1997 : vector<16xi32>
        %swap3A_1999 = arith.constant 32 : index
        %swap3A_2000 = tpu.vector_load %arg16[%swap3A_1999] {strides = array<i32>} : memref<64xi32, #tpu.memory_space<vmem>>, vector<16xi32>,
        tpu.vector_store %arg16[%swap3A_1999], %shift_right_arithmetic3A_1998 {strides = array<i32>} : memref<64xi32, #tpu.memory_space<vmem>>, vector<16xi32>,
        %mul3A_2001 = arith.constant 320 : i32
        %mul3A_2002 = arith.muli %add3A_1773, %mul3A_2001 : i32
        %add3A_2003 = arith.constant 304 : i32
        %add3A_2004 = arith.addi %mul3A_2002, %add3A_2003 : i32
        %get3A_2005 = arith.index_cast %add3A_2004 : i32 to index
        %get3A_2006 = tpu.vector_load %arg11[%get3A_2005] {strides = array<i32>} : memref<10240xi32, #tpu.memory_space<vmem>>, vector<16xi32>,
        %shift_right_arithmetic3A_2007 = arith.constant 1 : i32
        %shift_right_arithmetic3A_2008 = vector.broadcast %shift_right_arithmetic3A_2007 : i32 to vector<16xi32>
        %shift_right_arithmetic3A_2009 = arith.shrsi %get3A_2006, %shift_right_arithmetic3A_2008 : vector<16xi32>
        %swap3A_2010 = arith.constant 48 : index
        %swap3A_2011 = tpu.vector_load %arg16[%swap3A_2010] {strides = array<i32>} : memref<64xi32, #tpu.memory_space<vmem>>, vector<16xi32>,
        tpu.vector_store %arg16[%swap3A_2010], %shift_right_arithmetic3A_2009 {strides = array<i32>} : memref<64xi32, #tpu.memory_space<vmem>>, vector<16xi32>,
        %dma_start3A_2012 = arith.constant 0 : i32
        %dma_start3A_2013 = arith.constant 0 : i32
        %dma_start3A_2014 = tpu.memref_slice %arg5[%dma_start3A_2012, %dma_start3A_2013] : memref<500000x128xf32, #tpu.memory_space<hbm>> -> memref<500000x128xf32, #tpu.memory_space<hbm>>
        tpu.enqueue_indirect_dma source(%dma_start3A_2014 : memref<500000x128xf32, #tpu.memory_space<hbm>>) target(%arg22 : memref<16x128xf32, #tpu.memory_space<vmem>>) offsets(%arg12 : memref<16xi32, #tpu.memory_space<vmem>>) semaphore(%arg30 : memref<!tpu.dma_semaphore, #tpu.memory_space<semaphore_mem>>)
        %dma_start3A_2015 = arith.constant 0 : i32
        %dma_start3A_2016 = arith.constant 0 : i32
        %dma_start3A_2017 = tpu.memref_slice %arg6[%dma_start3A_2015, %dma_start3A_2016] : memref<500000x128xf32, #tpu.memory_space<hbm>> -> memref<500000x128xf32, #tpu.memory_space<hbm>>
        tpu.enqueue_indirect_dma source(%dma_start3A_2017 : memref<500000x128xf32, #tpu.memory_space<hbm>>) target(%arg23 : memref<16x128xf32, #tpu.memory_space<vmem>>) offsets(%arg13 : memref<16xi32, #tpu.memory_space<vmem>>) semaphore(%arg30 : memref<!tpu.dma_semaphore, #tpu.memory_space<semaphore_mem>>)
        %dma_start3A_2018 = arith.constant 0 : i32
        %dma_start3A_2019 = arith.constant 0 : i32
        %dma_start3A_2020 = tpu.memref_slice %arg24[%dma_start3A_2018, %dma_start3A_2019] : memref<320x128xf32, #tpu.memory_space<vmem>> -> memref<128x128xf32, #tpu.memory_space<vmem>>
        %dma_start3A_2021 = arith.constant 0 : i32
        %dma_start3A_2022 = arith.constant 0 : i32
        %dma_start3A_2023 = tpu.memref_slice %arg6[%dma_start3A_2021, %dma_start3A_2022] : memref<500000x128xf32, #tpu.memory_space<hbm>> -> memref<500000x128xf32, #tpu.memory_space<hbm>>
        tpu.enqueue_indirect_dma source(%dma_start3A_2023 : memref<500000x128xf32, #tpu.memory_space<hbm>>) target(%dma_start3A_2020 : memref<128x128xf32, #tpu.memory_space<vmem>>) offsets(%arg14 : memref<128xi32, #tpu.memory_space<vmem>>) semaphore(%arg30 : memref<!tpu.dma_semaphore, #tpu.memory_space<semaphore_mem>>)
        %dma_start3A_2024 = arith.constant 128 : i32
        %dma_start3A_2025 = arith.constant 0 : i32
        %dma_start3A_2026 = tpu.memref_slice %arg24[%dma_start3A_2024, %dma_start3A_2025] : memref<320x128xf32, #tpu.memory_space<vmem>> -> memref<128x128xf32, #tpu.memory_space<vmem>>
        %dma_start3A_2027 = arith.constant 0 : i32
        %dma_start3A_2028 = arith.constant 0 : i32
        %dma_start3A_2029 = tpu.memref_slice %arg6[%dma_start3A_2027, %dma_start3A_2028] : memref<500000x128xf32, #tpu.memory_space<hbm>> -> memref<500000x128xf32, #tpu.memory_space<hbm>>
        tpu.enqueue_indirect_dma source(%dma_start3A_2029 : memref<500000x128xf32, #tpu.memory_space<hbm>>) target(%dma_start3A_2026 : memref<128x128xf32, #tpu.memory_space<vmem>>) offsets(%arg15 : memref<128xi32, #tpu.memory_space<vmem>>) semaphore(%arg30 : memref<!tpu.dma_semaphore, #tpu.memory_space<semaphore_mem>>)
        %dma_start3A_2030 = arith.constant 256 : i32
        %dma_start3A_2031 = arith.constant 0 : i32
        %dma_start3A_2032 = tpu.memref_slice %arg24[%dma_start3A_2030, %dma_start3A_2031] : memref<320x128xf32, #tpu.memory_space<vmem>> -> memref<64x128xf32, #tpu.memory_space<vmem>>
        %dma_start3A_2033 = arith.constant 0 : i32
        %dma_start3A_2034 = arith.constant 0 : i32
        %dma_start3A_2035 = tpu.memref_slice %arg6[%dma_start3A_2033, %dma_start3A_2034] : memref<500000x128xf32, #tpu.memory_space<hbm>> -> memref<500000x128xf32, #tpu.memory_space<hbm>>
        tpu.enqueue_indirect_dma source(%dma_start3A_2035 : memref<500000x128xf32, #tpu.memory_space<hbm>>) target(%dma_start3A_2032 : memref<64x128xf32, #tpu.memory_space<vmem>>) offsets(%arg16 : memref<64xi32, #tpu.memory_space<vmem>>) semaphore(%arg30 : memref<!tpu.dma_semaphore, #tpu.memory_space<semaphore_mem>>)
      } else {
      }
      %dma_wait3A_1152 = arith.constant 0 : i32
      %dma_wait3A_1153 = arith.constant 0 : i32
      %dma_wait3A_1154 = tpu.memref_slice %arg5[%dma_wait3A_1152, %dma_wait3A_1153] : memref<500000x128xf32, #tpu.memory_space<hbm>> -> memref<16x128xf32, #tpu.memory_space<hbm>>
      %dma_wait3A_1155 = arith.constant 0 : i32
      %dma_wait3A_1156 = arith.constant 0 : i32
      %dma_wait3A_1157 = tpu.memref_slice %arg5[%dma_wait3A_1155, %dma_wait3A_1156] : memref<500000x128xf32, #tpu.memory_space<hbm>> -> memref<16x128xf32, #tpu.memory_space<hbm>>
      tpu.wait_dma2 semaphore(%arg31 : memref<!tpu.dma_semaphore, #tpu.memory_space<semaphore_mem>>) src(%dma_wait3A_1157 : memref<16x128xf32, #tpu.memory_space<hbm>>) dst(%arg25 : memref<16x128xf32, #tpu.memory_space<vmem>>)
      %dma_wait3A_1158 = arith.constant 0 : i32
      %dma_wait3A_1159 = arith.constant 0 : i32
      %dma_wait3A_1160 = tpu.memref_slice %arg6[%dma_wait3A_1158, %dma_wait3A_1159] : memref<500000x128xf32, #tpu.memory_space<hbm>> -> memref<16x128xf32, #tpu.memory_space<hbm>>
      %dma_wait3A_1161 = arith.constant 0 : i32
      %dma_wait3A_1162 = arith.constant 0 : i32
      %dma_wait3A_1163 = tpu.memref_slice %arg6[%dma_wait3A_1161, %dma_wait3A_1162] : memref<500000x128xf32, #tpu.memory_space<hbm>> -> memref<16x128xf32, #tpu.memory_space<hbm>>
      tpu.wait_dma2 semaphore(%arg31 : memref<!tpu.dma_semaphore, #tpu.memory_space<semaphore_mem>>) src(%dma_wait3A_1163 : memref<16x128xf32, #tpu.memory_space<hbm>>) dst(%arg26 : memref<16x128xf32, #tpu.memory_space<vmem>>)
      %dma_wait3A_1164 = arith.constant 0 : i32
      %dma_wait3A_1165 = arith.constant 0 : i32
      %dma_wait3A_1166 = tpu.memref_slice %arg6[%dma_wait3A_1164, %dma_wait3A_1165] : memref<500000x128xf32, #tpu.memory_space<hbm>> -> memref<320x128xf32, #tpu.memory_space<hbm>>
      %dma_wait3A_1167 = arith.constant 0 : i32
      %dma_wait3A_1168 = arith.constant 0 : i32
      %dma_wait3A_1169 = tpu.memref_slice %arg6[%dma_wait3A_1167, %dma_wait3A_1168] : memref<500000x128xf32, #tpu.memory_space<hbm>> -> memref<320x128xf32, #tpu.memory_space<hbm>>
      tpu.wait_dma2 semaphore(%arg31 : memref<!tpu.dma_semaphore, #tpu.memory_space<semaphore_mem>>) src(%dma_wait3A_1169 : memref<320x128xf32, #tpu.memory_space<hbm>>) dst(%arg27 : memref<320x128xf32, #tpu.memory_space<vmem>>)
      %add3A_1170 = arith.constant 1 : i32
      %add3A_1171 = arith.addi %mul3A_272, %add3A_1170 : i32
      %mul3A_1172 = arith.constant 16 : i32
      %mul3A_1173 = arith.muli %add3A_1171, %mul3A_1172 : i32
      %get3A_1174 = arith.index_cast %mul3A_1173 : i32 to index
      %get3A_1175 = tpu.vector_load %arg9[%get3A_1174] {strides = array<i32>} : memref<512xi32, #tpu.memory_space<vmem>>, vector<16xi32>,
      %and3A_1176 = arith.constant 1 : i32
      %and3A_1177 = vector.broadcast %and3A_1176 : i32 to vector<16xi32>
      %and3A_1178 = arith.andi %get3A_1175, %and3A_1177 : vector<16xi32>
      %shift_left3A_1179 = arith.constant 6 : i32
      %shift_left3A_1180 = vector.broadcast %shift_left3A_1179 : i32 to vector<16xi32>
      %shift_left3A_1181 = arith.shli %and3A_1178, %shift_left3A_1180 : vector<16xi32>
      %mul3A_1182 = arith.constant 16 : i32
      %mul3A_1183 = arith.muli %add3A_1171, %mul3A_1182 : i32
      %get3A_1184 = arith.index_cast %mul3A_1183 : i32 to index
      %get3A_1185 = tpu.vector_load %arg10[%get3A_1184] {strides = array<i32>} : memref<512xi32, #tpu.memory_space<vmem>>, vector<16xi32>,
      %and3A_1186 = arith.constant 1 : i32
      %and3A_1187 = vector.broadcast %and3A_1186 : i32 to vector<16xi32>
      %and3A_1188 = arith.andi %get3A_1185, %and3A_1187 : vector<16xi32>
      %shift_left3A_1189 = arith.constant 6 : i32
      %shift_left3A_1190 = vector.broadcast %shift_left3A_1189 : i32 to vector<16xi32>
      %shift_left3A_1191 = arith.shli %and3A_1188, %shift_left3A_1190 : vector<16xi32>
      %mul3A_1192 = arith.constant 20 : i32
      %mul3A_1193 = vector.broadcast %mul3A_1192 : i32 to vector<16xi32>
      %mul3A_1194 = arith.muli %iota3A, %mul3A_1193 : vector<16xi32>
      %mul3A_1195 = arith.constant 320 : i32
      %mul3A_1196 = arith.muli %add3A_1171, %mul3A_1195 : i32
      %add3A_1197 = arith.constant 0 : i32
      %add3A_1198 = arith.addi %mul3A_1196, %add3A_1197 : i32
      %add3A_1199 = vector.broadcast %add3A_1198 : i32 to vector<16xi32>
      %add3A_1200 = arith.addi %mul3A_1194, %add3A_1199 : vector<16xi32>
      %gather3A_1201 = tpu.vector_load_idx %arg11[%add3A_1200] : memref<10240xi32, #tpu.memory_space<vmem>>[vector<16xi32>], vector<16xi32>,
      %and3A_1202 = arith.constant 1 : i32
      %and3A_1203 = vector.broadcast %and3A_1202 : i32 to vector<16xi32>
      %and3A_1204 = arith.andi %gather3A_1201, %and3A_1203 : vector<16xi32>
      %shift_left3A_1205 = arith.constant 6 : i32
      %shift_left3A_1206 = vector.broadcast %shift_left3A_1205 : i32 to vector<16xi32>
      %shift_left3A_1207 = arith.shli %and3A_1204, %shift_left3A_1206 : vector<16xi32>
      %mul3A_1208 = arith.constant 20 : i32
      %mul3A_1209 = vector.broadcast %mul3A_1208 : i32 to vector<16xi32>
      %mul3A_1210 = arith.muli %iota3A, %mul3A_1209 : vector<16xi32>
      %mul3A_1211 = arith.constant 320 : i32
      %mul3A_1212 = arith.muli %add3A_1171, %mul3A_1211 : i32
      %add3A_1213 = arith.constant 1 : i32
      %add3A_1214 = arith.addi %mul3A_1212, %add3A_1213 : i32
      %add3A_1215 = vector.broadcast %add3A_1214 : i32 to vector<16xi32>
      %add3A_1216 = arith.addi %mul3A_1210, %add3A_1215 : vector<16xi32>
      %gather3A_1217 = tpu.vector_load_idx %arg11[%add3A_1216] : memref<10240xi32, #tpu.memory_space<vmem>>[vector<16xi32>], vector<16xi32>,
      %and3A_1218 = arith.constant 1 : i32
      %and3A_1219 = vector.broadcast %and3A_1218 : i32 to vector<16xi32>
      %and3A_1220 = arith.andi %gather3A_1217, %and3A_1219 : vector<16xi32>
      %shift_left3A_1221 = arith.constant 6 : i32
      %shift_left3A_1222 = vector.broadcast %shift_left3A_1221 : i32 to vector<16xi32>
      %shift_left3A_1223 = arith.shli %and3A_1220, %shift_left3A_1222 : vector<16xi32>
      %mul3A_1224 = arith.constant 20 : i32
      %mul3A_1225 = vector.broadcast %mul3A_1224 : i32 to vector<16xi32>
      %mul3A_1226 = arith.muli %iota3A, %mul3A_1225 : vector<16xi32>
      %mul3A_1227 = arith.constant 320 : i32
      %mul3A_1228 = arith.muli %add3A_1171, %mul3A_1227 : i32
      %add3A_1229 = arith.constant 2 : i32
      %add3A_1230 = arith.addi %mul3A_1228, %add3A_1229 : i32
      %add3A_1231 = vector.broadcast %add3A_1230 : i32 to vector<16xi32>
      %add3A_1232 = arith.addi %mul3A_1226, %add3A_1231 : vector<16xi32>
      %gather3A_1233 = tpu.vector_load_idx %arg11[%add3A_1232] : memref<10240xi32, #tpu.memory_space<vmem>>[vector<16xi32>], vector<16xi32>,
      %and3A_1234 = arith.constant 1 : i32
      %and3A_1235 = vector.broadcast %and3A_1234 : i32 to vector<16xi32>
      %and3A_1236 = arith.andi %gather3A_1233, %and3A_1235 : vector<16xi32>
      %shift_left3A_1237 = arith.constant 6 : i32
      %shift_left3A_1238 = vector.broadcast %shift_left3A_1237 : i32 to vector<16xi32>
      %shift_left3A_1239 = arith.shli %and3A_1236, %shift_left3A_1238 : vector<16xi32>
      %mul3A_1240 = arith.constant 20 : i32
      %mul3A_1241 = vector.broadcast %mul3A_1240 : i32 to vector<16xi32>
      %mul3A_1242 = arith.muli %iota3A, %mul3A_1241 : vector<16xi32>
      %mul3A_1243 = arith.constant 320 : i32
      %mul3A_1244 = arith.muli %add3A_1171, %mul3A_1243 : i32
      %add3A_1245 = arith.constant 3 : i32
      %add3A_1246 = arith.addi %mul3A_1244, %add3A_1245 : i32
      %add3A_1247 = vector.broadcast %add3A_1246 : i32 to vector<16xi32>
      %add3A_1248 = arith.addi %mul3A_1242, %add3A_1247 : vector<16xi32>
      %gather3A_1249 = tpu.vector_load_idx %arg11[%add3A_1248] : memref<10240xi32, #tpu.memory_space<vmem>>[vector<16xi32>], vector<16xi32>,
      %and3A_1250 = arith.constant 1 : i32
      %and3A_1251 = vector.broadcast %and3A_1250 : i32 to vector<16xi32>
      %and3A_1252 = arith.andi %gather3A_1249, %and3A_1251 : vector<16xi32>
      %shift_left3A_1253 = arith.constant 6 : i32
      %shift_left3A_1254 = vector.broadcast %shift_left3A_1253 : i32 to vector<16xi32>
      %shift_left3A_1255 = arith.shli %and3A_1252, %shift_left3A_1254 : vector<16xi32>
      %mul3A_1256 = arith.constant 20 : i32
      %mul3A_1257 = vector.broadcast %mul3A_1256 : i32 to vector<16xi32>
      %mul3A_1258 = arith.muli %iota3A, %mul3A_1257 : vector<16xi32>
      %mul3A_1259 = arith.constant 320 : i32
      %mul3A_1260 = arith.muli %add3A_1171, %mul3A_1259 : i32
      %add3A_1261 = arith.constant 4 : i32
      %add3A_1262 = arith.addi %mul3A_1260, %add3A_1261 : i32
      %add3A_1263 = vector.broadcast %add3A_1262 : i32 to vector<16xi32>
      %add3A_1264 = arith.addi %mul3A_1258, %add3A_1263 : vector<16xi32>
      %gather3A_1265 = tpu.vector_load_idx %arg11[%add3A_1264] : memref<10240xi32, #tpu.memory_space<vmem>>[vector<16xi32>], vector<16xi32>,
      %and3A_1266 = arith.constant 1 : i32
      %and3A_1267 = vector.broadcast %and3A_1266 : i32 to vector<16xi32>
      %and3A_1268 = arith.andi %gather3A_1265, %and3A_1267 : vector<16xi32>
      %shift_left3A_1269 = arith.constant 6 : i32
      %shift_left3A_1270 = vector.broadcast %shift_left3A_1269 : i32 to vector<16xi32>
      %shift_left3A_1271 = arith.shli %and3A_1268, %shift_left3A_1270 : vector<16xi32>
      %mul3A_1272 = arith.constant 20 : i32
      %mul3A_1273 = vector.broadcast %mul3A_1272 : i32 to vector<16xi32>
      %mul3A_1274 = arith.muli %iota3A, %mul3A_1273 : vector<16xi32>
      %mul3A_1275 = arith.constant 320 : i32
      %mul3A_1276 = arith.muli %add3A_1171, %mul3A_1275 : i32
      %add3A_1277 = arith.constant 5 : i32
      %add3A_1278 = arith.addi %mul3A_1276, %add3A_1277 : i32
      %add3A_1279 = vector.broadcast %add3A_1278 : i32 to vector<16xi32>
      %add3A_1280 = arith.addi %mul3A_1274, %add3A_1279 : vector<16xi32>
      %gather3A_1281 = tpu.vector_load_idx %arg11[%add3A_1280] : memref<10240xi32, #tpu.memory_space<vmem>>[vector<16xi32>], vector<16xi32>,
      %and3A_1282 = arith.constant 1 : i32
      %and3A_1283 = vector.broadcast %and3A_1282 : i32 to vector<16xi32>
      %and3A_1284 = arith.andi %gather3A_1281, %and3A_1283 : vector<16xi32>
      %shift_left3A_1285 = arith.constant 6 : i32
      %shift_left3A_1286 = vector.broadcast %shift_left3A_1285 : i32 to vector<16xi32>
      %shift_left3A_1287 = arith.shli %and3A_1284, %shift_left3A_1286 : vector<16xi32>
      %mul3A_1288 = arith.constant 20 : i32
      %mul3A_1289 = vector.broadcast %mul3A_1288 : i32 to vector<16xi32>
      %mul3A_1290 = arith.muli %iota3A, %mul3A_1289 : vector<16xi32>
      %mul3A_1291 = arith.constant 320 : i32
      %mul3A_1292 = arith.muli %add3A_1171, %mul3A_1291 : i32
      %add3A_1293 = arith.constant 6 : i32
      %add3A_1294 = arith.addi %mul3A_1292, %add3A_1293 : i32
      %add3A_1295 = vector.broadcast %add3A_1294 : i32 to vector<16xi32>
      %add3A_1296 = arith.addi %mul3A_1290, %add3A_1295 : vector<16xi32>
      %gather3A_1297 = tpu.vector_load_idx %arg11[%add3A_1296] : memref<10240xi32, #tpu.memory_space<vmem>>[vector<16xi32>], vector<16xi32>,
      %and3A_1298 = arith.constant 1 : i32
      %and3A_1299 = vector.broadcast %and3A_1298 : i32 to vector<16xi32>
      %and3A_1300 = arith.andi %gather3A_1297, %and3A_1299 : vector<16xi32>
      %shift_left3A_1301 = arith.constant 6 : i32
      %shift_left3A_1302 = vector.broadcast %shift_left3A_1301 : i32 to vector<16xi32>
      %shift_left3A_1303 = arith.shli %and3A_1300, %shift_left3A_1302 : vector<16xi32>
      %mul3A_1304 = arith.constant 20 : i32
      %mul3A_1305 = vector.broadcast %mul3A_1304 : i32 to vector<16xi32>
      %mul3A_1306 = arith.muli %iota3A, %mul3A_1305 : vector<16xi32>
      %mul3A_1307 = arith.constant 320 : i32
      %mul3A_1308 = arith.muli %add3A_1171, %mul3A_1307 : i32
      %add3A_1309 = arith.constant 7 : i32
      %add3A_1310 = arith.addi %mul3A_1308, %add3A_1309 : i32
      %add3A_1311 = vector.broadcast %add3A_1310 : i32 to vector<16xi32>
      %add3A_1312 = arith.addi %mul3A_1306, %add3A_1311 : vector<16xi32>
      %gather3A_1313 = tpu.vector_load_idx %arg11[%add3A_1312] : memref<10240xi32, #tpu.memory_space<vmem>>[vector<16xi32>], vector<16xi32>,
      %and3A_1314 = arith.constant 1 : i32
      %and3A_1315 = vector.broadcast %and3A_1314 : i32 to vector<16xi32>
      %and3A_1316 = arith.andi %gather3A_1313, %and3A_1315 : vector<16xi32>
      %shift_left3A_1317 = arith.constant 6 : i32
      %shift_left3A_1318 = vector.broadcast %shift_left3A_1317 : i32 to vector<16xi32>
      %shift_left3A_1319 = arith.shli %and3A_1316, %shift_left3A_1318 : vector<16xi32>
      %mul3A_1320 = arith.constant 20 : i32
      %mul3A_1321 = vector.broadcast %mul3A_1320 : i32 to vector<16xi32>
      %mul3A_1322 = arith.muli %iota3A, %mul3A_1321 : vector<16xi32>
      %mul3A_1323 = arith.constant 320 : i32
      %mul3A_1324 = arith.muli %add3A_1171, %mul3A_1323 : i32
      %add3A_1325 = arith.constant 8 : i32
      %add3A_1326 = arith.addi %mul3A_1324, %add3A_1325 : i32
      %add3A_1327 = vector.broadcast %add3A_1326 : i32 to vector<16xi32>
      %add3A_1328 = arith.addi %mul3A_1322, %add3A_1327 : vector<16xi32>
      %gather3A_1329 = tpu.vector_load_idx %arg11[%add3A_1328] : memref<10240xi32, #tpu.memory_space<vmem>>[vector<16xi32>], vector<16xi32>,
      %and3A_1330 = arith.constant 1 : i32
      %and3A_1331 = vector.broadcast %and3A_1330 : i32 to vector<16xi32>
      %and3A_1332 = arith.andi %gather3A_1329, %and3A_1331 : vector<16xi32>
      %shift_left3A_1333 = arith.constant 6 : i32
      %shift_left3A_1334 = vector.broadcast %shift_left3A_1333 : i32 to vector<16xi32>
      %shift_left3A_1335 = arith.shli %and3A_1332, %shift_left3A_1334 : vector<16xi32>
      %mul3A_1336 = arith.constant 20 : i32
      %mul3A_1337 = vector.broadcast %mul3A_1336 : i32 to vector<16xi32>
      %mul3A_1338 = arith.muli %iota3A, %mul3A_1337 : vector<16xi32>
      %mul3A_1339 = arith.constant 320 : i32
      %mul3A_1340 = arith.muli %add3A_1171, %mul3A_1339 : i32
      %add3A_1341 = arith.constant 9 : i32
      %add3A_1342 = arith.addi %mul3A_1340, %add3A_1341 : i32
      %add3A_1343 = vector.broadcast %add3A_1342 : i32 to vector<16xi32>
      %add3A_1344 = arith.addi %mul3A_1338, %add3A_1343 : vector<16xi32>
      %gather3A_1345 = tpu.vector_load_idx %arg11[%add3A_1344] : memref<10240xi32, #tpu.memory_space<vmem>>[vector<16xi32>], vector<16xi32>,
      %and3A_1346 = arith.constant 1 : i32
      %and3A_1347 = vector.broadcast %and3A_1346 : i32 to vector<16xi32>
      %and3A_1348 = arith.andi %gather3A_1345, %and3A_1347 : vector<16xi32>
      %shift_left3A_1349 = arith.constant 6 : i32
      %shift_left3A_1350 = vector.broadcast %shift_left3A_1349 : i32 to vector<16xi32>
      %shift_left3A_1351 = arith.shli %and3A_1348, %shift_left3A_1350 : vector<16xi32>
      %mul3A_1352 = arith.constant 20 : i32
      %mul3A_1353 = vector.broadcast %mul3A_1352 : i32 to vector<16xi32>
      %mul3A_1354 = arith.muli %iota3A, %mul3A_1353 : vector<16xi32>
      %mul3A_1355 = arith.constant 320 : i32
      %mul3A_1356 = arith.muli %add3A_1171, %mul3A_1355 : i32
      %add3A_1357 = arith.constant 10 : i32
      %add3A_1358 = arith.addi %mul3A_1356, %add3A_1357 : i32
      %add3A_1359 = vector.broadcast %add3A_1358 : i32 to vector<16xi32>
      %add3A_1360 = arith.addi %mul3A_1354, %add3A_1359 : vector<16xi32>
      %gather3A_1361 = tpu.vector_load_idx %arg11[%add3A_1360] : memref<10240xi32, #tpu.memory_space<vmem>>[vector<16xi32>], vector<16xi32>,
      %and3A_1362 = arith.constant 1 : i32
      %and3A_1363 = vector.broadcast %and3A_1362 : i32 to vector<16xi32>
      %and3A_1364 = arith.andi %gather3A_1361, %and3A_1363 : vector<16xi32>
      %shift_left3A_1365 = arith.constant 6 : i32
      %shift_left3A_1366 = vector.broadcast %shift_left3A_1365 : i32 to vector<16xi32>
      %shift_left3A_1367 = arith.shli %and3A_1364, %shift_left3A_1366 : vector<16xi32>
      %mul3A_1368 = arith.constant 20 : i32
      %mul3A_1369 = vector.broadcast %mul3A_1368 : i32 to vector<16xi32>
      %mul3A_1370 = arith.muli %iota3A, %mul3A_1369 : vector<16xi32>
      %mul3A_1371 = arith.constant 320 : i32
      %mul3A_1372 = arith.muli %add3A_1171, %mul3A_1371 : i32
      %add3A_1373 = arith.constant 11 : i32
      %add3A_1374 = arith.addi %mul3A_1372, %add3A_1373 : i32
      %add3A_1375 = vector.broadcast %add3A_1374 : i32 to vector<16xi32>
      %add3A_1376 = arith.addi %mul3A_1370, %add3A_1375 : vector<16xi32>
      %gather3A_1377 = tpu.vector_load_idx %arg11[%add3A_1376] : memref<10240xi32, #tpu.memory_space<vmem>>[vector<16xi32>], vector<16xi32>,
      %and3A_1378 = arith.constant 1 : i32
      %and3A_1379 = vector.broadcast %and3A_1378 : i32 to vector<16xi32>
      %and3A_1380 = arith.andi %gather3A_1377, %and3A_1379 : vector<16xi32>
      %shift_left3A_1381 = arith.constant 6 : i32
      %shift_left3A_1382 = vector.broadcast %shift_left3A_1381 : i32 to vector<16xi32>
      %shift_left3A_1383 = arith.shli %and3A_1380, %shift_left3A_1382 : vector<16xi32>
      %mul3A_1384 = arith.constant 20 : i32
      %mul3A_1385 = vector.broadcast %mul3A_1384 : i32 to vector<16xi32>
      %mul3A_1386 = arith.muli %iota3A, %mul3A_1385 : vector<16xi32>
      %mul3A_1387 = arith.constant 320 : i32
      %mul3A_1388 = arith.muli %add3A_1171, %mul3A_1387 : i32
      %add3A_1389 = arith.constant 12 : i32
      %add3A_1390 = arith.addi %mul3A_1388, %add3A_1389 : i32
      %add3A_1391 = vector.broadcast %add3A_1390 : i32 to vector<16xi32>
      %add3A_1392 = arith.addi %mul3A_1386, %add3A_1391 : vector<16xi32>
      %gather3A_1393 = tpu.vector_load_idx %arg11[%add3A_1392] : memref<10240xi32, #tpu.memory_space<vmem>>[vector<16xi32>], vector<16xi32>,
      %and3A_1394 = arith.constant 1 : i32
      %and3A_1395 = vector.broadcast %and3A_1394 : i32 to vector<16xi32>
      %and3A_1396 = arith.andi %gather3A_1393, %and3A_1395 : vector<16xi32>
      %shift_left3A_1397 = arith.constant 6 : i32
      %shift_left3A_1398 = vector.broadcast %shift_left3A_1397 : i32 to vector<16xi32>
      %shift_left3A_1399 = arith.shli %and3A_1396, %shift_left3A_1398 : vector<16xi32>
      %mul3A_1400 = arith.constant 20 : i32
      %mul3A_1401 = vector.broadcast %mul3A_1400 : i32 to vector<16xi32>
      %mul3A_1402 = arith.muli %iota3A, %mul3A_1401 : vector<16xi32>
      %mul3A_1403 = arith.constant 320 : i32
      %mul3A_1404 = arith.muli %add3A_1171, %mul3A_1403 : i32
      %add3A_1405 = arith.constant 13 : i32
      %add3A_1406 = arith.addi %mul3A_1404, %add3A_1405 : i32
      %add3A_1407 = vector.broadcast %add3A_1406 : i32 to vector<16xi32>
      %add3A_1408 = arith.addi %mul3A_1402, %add3A_1407 : vector<16xi32>
      %gather3A_1409 = tpu.vector_load_idx %arg11[%add3A_1408] : memref<10240xi32, #tpu.memory_space<vmem>>[vector<16xi32>], vector<16xi32>,
      %and3A_1410 = arith.constant 1 : i32
      %and3A_1411 = vector.broadcast %and3A_1410 : i32 to vector<16xi32>
      %and3A_1412 = arith.andi %gather3A_1409, %and3A_1411 : vector<16xi32>
      %shift_left3A_1413 = arith.constant 6 : i32
      %shift_left3A_1414 = vector.broadcast %shift_left3A_1413 : i32 to vector<16xi32>
      %shift_left3A_1415 = arith.shli %and3A_1412, %shift_left3A_1414 : vector<16xi32>
      %mul3A_1416 = arith.constant 20 : i32
      %mul3A_1417 = vector.broadcast %mul3A_1416 : i32 to vector<16xi32>
      %mul3A_1418 = arith.muli %iota3A, %mul3A_1417 : vector<16xi32>
      %mul3A_1419 = arith.constant 320 : i32
      %mul3A_1420 = arith.muli %add3A_1171, %mul3A_1419 : i32
      %add3A_1421 = arith.constant 14 : i32
      %add3A_1422 = arith.addi %mul3A_1420, %add3A_1421 : i32
      %add3A_1423 = vector.broadcast %add3A_1422 : i32 to vector<16xi32>
      %add3A_1424 = arith.addi %mul3A_1418, %add3A_1423 : vector<16xi32>
      %gather3A_1425 = tpu.vector_load_idx %arg11[%add3A_1424] : memref<10240xi32, #tpu.memory_space<vmem>>[vector<16xi32>], vector<16xi32>,
      %and3A_1426 = arith.constant 1 : i32
      %and3A_1427 = vector.broadcast %and3A_1426 : i32 to vector<16xi32>
      %and3A_1428 = arith.andi %gather3A_1425, %and3A_1427 : vector<16xi32>
      %shift_left3A_1429 = arith.constant 6 : i32
      %shift_left3A_1430 = vector.broadcast %shift_left3A_1429 : i32 to vector<16xi32>
      %shift_left3A_1431 = arith.shli %and3A_1428, %shift_left3A_1430 : vector<16xi32>
      %mul3A_1432 = arith.constant 20 : i32
      %mul3A_1433 = vector.broadcast %mul3A_1432 : i32 to vector<16xi32>
      %mul3A_1434 = arith.muli %iota3A, %mul3A_1433 : vector<16xi32>
      %mul3A_1435 = arith.constant 320 : i32
      %mul3A_1436 = arith.muli %add3A_1171, %mul3A_1435 : i32
      %add3A_1437 = arith.constant 15 : i32
      %add3A_1438 = arith.addi %mul3A_1436, %add3A_1437 : i32
      %add3A_1439 = vector.broadcast %add3A_1438 : i32 to vector<16xi32>
      %add3A_1440 = arith.addi %mul3A_1434, %add3A_1439 : vector<16xi32>
      %gather3A_1441 = tpu.vector_load_idx %arg11[%add3A_1440] : memref<10240xi32, #tpu.memory_space<vmem>>[vector<16xi32>], vector<16xi32>,
      %and3A_1442 = arith.constant 1 : i32
      %and3A_1443 = vector.broadcast %and3A_1442 : i32 to vector<16xi32>
      %and3A_1444 = arith.andi %gather3A_1441, %and3A_1443 : vector<16xi32>
      %shift_left3A_1445 = arith.constant 6 : i32
      %shift_left3A_1446 = vector.broadcast %shift_left3A_1445 : i32 to vector<16xi32>
      %shift_left3A_1447 = arith.shli %and3A_1444, %shift_left3A_1446 : vector<16xi32>
      %mul3A_1448 = arith.constant 20 : i32
      %mul3A_1449 = vector.broadcast %mul3A_1448 : i32 to vector<16xi32>
      %mul3A_1450 = arith.muli %iota3A, %mul3A_1449 : vector<16xi32>
      %mul3A_1451 = arith.constant 320 : i32
      %mul3A_1452 = arith.muli %add3A_1171, %mul3A_1451 : i32
      %add3A_1453 = arith.constant 16 : i32
      %add3A_1454 = arith.addi %mul3A_1452, %add3A_1453 : i32
      %add3A_1455 = vector.broadcast %add3A_1454 : i32 to vector<16xi32>
      %add3A_1456 = arith.addi %mul3A_1450, %add3A_1455 : vector<16xi32>
      %gather3A_1457 = tpu.vector_load_idx %arg11[%add3A_1456] : memref<10240xi32, #tpu.memory_space<vmem>>[vector<16xi32>], vector<16xi32>,
      %and3A_1458 = arith.constant 1 : i32
      %and3A_1459 = vector.broadcast %and3A_1458 : i32 to vector<16xi32>
      %and3A_1460 = arith.andi %gather3A_1457, %and3A_1459 : vector<16xi32>
      %shift_left3A_1461 = arith.constant 6 : i32
      %shift_left3A_1462 = vector.broadcast %shift_left3A_1461 : i32 to vector<16xi32>
      %shift_left3A_1463 = arith.shli %and3A_1460, %shift_left3A_1462 : vector<16xi32>
      %mul3A_1464 = arith.constant 20 : i32
      %mul3A_1465 = vector.broadcast %mul3A_1464 : i32 to vector<16xi32>
      %mul3A_1466 = arith.muli %iota3A, %mul3A_1465 : vector<16xi32>
      %mul3A_1467 = arith.constant 320 : i32
      %mul3A_1468 = arith.muli %add3A_1171, %mul3A_1467 : i32
      %add3A_1469 = arith.constant 17 : i32
      %add3A_1470 = arith.addi %mul3A_1468, %add3A_1469 : i32
      %add3A_1471 = vector.broadcast %add3A_1470 : i32 to vector<16xi32>
      %add3A_1472 = arith.addi %mul3A_1466, %add3A_1471 : vector<16xi32>
      %gather3A_1473 = tpu.vector_load_idx %arg11[%add3A_1472] : memref<10240xi32, #tpu.memory_space<vmem>>[vector<16xi32>], vector<16xi32>,
      %and3A_1474 = arith.constant 1 : i32
      %and3A_1475 = vector.broadcast %and3A_1474 : i32 to vector<16xi32>
      %and3A_1476 = arith.andi %gather3A_1473, %and3A_1475 : vector<16xi32>
      %shift_left3A_1477 = arith.constant 6 : i32
      %shift_left3A_1478 = vector.broadcast %shift_left3A_1477 : i32 to vector<16xi32>
      %shift_left3A_1479 = arith.shli %and3A_1476, %shift_left3A_1478 : vector<16xi32>
      %mul3A_1480 = arith.constant 20 : i32
      %mul3A_1481 = vector.broadcast %mul3A_1480 : i32 to vector<16xi32>
      %mul3A_1482 = arith.muli %iota3A, %mul3A_1481 : vector<16xi32>
      %mul3A_1483 = arith.constant 320 : i32
      %mul3A_1484 = arith.muli %add3A_1171, %mul3A_1483 : i32
      %add3A_1485 = arith.constant 18 : i32
      %add3A_1486 = arith.addi %mul3A_1484, %add3A_1485 : i32
      %add3A_1487 = vector.broadcast %add3A_1486 : i32 to vector<16xi32>
      %add3A_1488 = arith.addi %mul3A_1482, %add3A_1487 : vector<16xi32>
      %gather3A_1489 = tpu.vector_load_idx %arg11[%add3A_1488] : memref<10240xi32, #tpu.memory_space<vmem>>[vector<16xi32>], vector<16xi32>,
      %and3A_1490 = arith.constant 1 : i32
      %and3A_1491 = vector.broadcast %and3A_1490 : i32 to vector<16xi32>
      %and3A_1492 = arith.andi %gather3A_1489, %and3A_1491 : vector<16xi32>
      %shift_left3A_1493 = arith.constant 6 : i32
      %shift_left3A_1494 = vector.broadcast %shift_left3A_1493 : i32 to vector<16xi32>
      %shift_left3A_1495 = arith.shli %and3A_1492, %shift_left3A_1494 : vector<16xi32>
      %mul3A_1496 = arith.constant 20 : i32
      %mul3A_1497 = vector.broadcast %mul3A_1496 : i32 to vector<16xi32>
      %mul3A_1498 = arith.muli %iota3A, %mul3A_1497 : vector<16xi32>
      %mul3A_1499 = arith.constant 320 : i32
      %mul3A_1500 = arith.muli %add3A_1171, %mul3A_1499 : i32
      %add3A_1501 = arith.constant 19 : i32
      %add3A_1502 = arith.addi %mul3A_1500, %add3A_1501 : i32
      %add3A_1503 = vector.broadcast %add3A_1502 : i32 to vector<16xi32>
      %add3A_1504 = arith.addi %mul3A_1498, %add3A_1503 : vector<16xi32>
      %gather3A_1505 = tpu.vector_load_idx %arg11[%add3A_1504] : memref<10240xi32, #tpu.memory_space<vmem>>[vector<16xi32>], vector<16xi32>,
      %and3A_1506 = arith.constant 1 : i32
      %and3A_1507 = vector.broadcast %and3A_1506 : i32 to vector<16xi32>
      %and3A_1508 = arith.andi %gather3A_1505, %and3A_1507 : vector<16xi32>
      %shift_left3A_1509 = arith.constant 6 : i32
      %shift_left3A_1510 = vector.broadcast %shift_left3A_1509 : i32 to vector<16xi32>
      %shift_left3A_1511 = arith.shli %and3A_1508, %shift_left3A_1510 : vector<16xi32>
      %mul3A_1512 = arith.constant 20 : i32
      %mul3A_1513 = vector.broadcast %mul3A_1512 : i32 to vector<16xi32>
      %mul3A_1514 = arith.muli %iota3A, %mul3A_1513 : vector<16xi32>
      %add3A_1515 = arith.constant 0 : i32
      %add3A_1516 = vector.broadcast %add3A_1515 : i32 to vector<16xi32>
      %add3A_1517 = arith.addi %mul3A_1514, %add3A_1516 : vector<16xi32>
      %mul3A_1518 = arith.constant 20 : i32
      %mul3A_1519 = vector.broadcast %mul3A_1518 : i32 to vector<16xi32>
      %mul3A_1520 = arith.muli %iota3A, %mul3A_1519 : vector<16xi32>
      %add3A_1521 = arith.constant 1 : i32
      %add3A_1522 = vector.broadcast %add3A_1521 : i32 to vector<16xi32>
      %add3A_1523 = arith.addi %mul3A_1520, %add3A_1522 : vector<16xi32>
      %mul3A_1524 = arith.constant 20 : i32
      %mul3A_1525 = vector.broadcast %mul3A_1524 : i32 to vector<16xi32>
      %mul3A_1526 = arith.muli %iota3A, %mul3A_1525 : vector<16xi32>
      %add3A_1527 = arith.constant 2 : i32
      %add3A_1528 = vector.broadcast %add3A_1527 : i32 to vector<16xi32>
      %add3A_1529 = arith.addi %mul3A_1526, %add3A_1528 : vector<16xi32>
      %mul3A_1530 = arith.constant 20 : i32
      %mul3A_1531 = vector.broadcast %mul3A_1530 : i32 to vector<16xi32>
      %mul3A_1532 = arith.muli %iota3A, %mul3A_1531 : vector<16xi32>
      %add3A_1533 = arith.constant 3 : i32
      %add3A_1534 = vector.broadcast %add3A_1533 : i32 to vector<16xi32>
      %add3A_1535 = arith.addi %mul3A_1532, %add3A_1534 : vector<16xi32>
      %mul3A_1536 = arith.constant 20 : i32
      %mul3A_1537 = vector.broadcast %mul3A_1536 : i32 to vector<16xi32>
      %mul3A_1538 = arith.muli %iota3A, %mul3A_1537 : vector<16xi32>
      %add3A_1539 = arith.constant 4 : i32
      %add3A_1540 = vector.broadcast %add3A_1539 : i32 to vector<16xi32>
      %add3A_1541 = arith.addi %mul3A_1538, %add3A_1540 : vector<16xi32>
      %mul3A_1542 = arith.constant 20 : i32
      %mul3A_1543 = vector.broadcast %mul3A_1542 : i32 to vector<16xi32>
      %mul3A_1544 = arith.muli %iota3A, %mul3A_1543 : vector<16xi32>
      %add3A_1545 = arith.constant 5 : i32
      %add3A_1546 = vector.broadcast %add3A_1545 : i32 to vector<16xi32>
      %add3A_1547 = arith.addi %mul3A_1544, %add3A_1546 : vector<16xi32>
      %mul3A_1548 = arith.constant 20 : i32
      %mul3A_1549 = vector.broadcast %mul3A_1548 : i32 to vector<16xi32>
      %mul3A_1550 = arith.muli %iota3A, %mul3A_1549 : vector<16xi32>
      %add3A_1551 = arith.constant 6 : i32
      %add3A_1552 = vector.broadcast %add3A_1551 : i32 to vector<16xi32>
      %add3A_1553 = arith.addi %mul3A_1550, %add3A_1552 : vector<16xi32>
      %mul3A_1554 = arith.constant 20 : i32
      %mul3A_1555 = vector.broadcast %mul3A_1554 : i32 to vector<16xi32>
      %mul3A_1556 = arith.muli %iota3A, %mul3A_1555 : vector<16xi32>
      %add3A_1557 = arith.constant 7 : i32
      %add3A_1558 = vector.broadcast %add3A_1557 : i32 to vector<16xi32>
      %add3A_1559 = arith.addi %mul3A_1556, %add3A_1558 : vector<16xi32>
      %mul3A_1560 = arith.constant 20 : i32
      %mul3A_1561 = vector.broadcast %mul3A_1560 : i32 to vector<16xi32>
      %mul3A_1562 = arith.muli %iota3A, %mul3A_1561 : vector<16xi32>
      %add3A_1563 = arith.constant 8 : i32
      %add3A_1564 = vector.broadcast %add3A_1563 : i32 to vector<16xi32>
      %add3A_1565 = arith.addi %mul3A_1562, %add3A_1564 : vector<16xi32>
      %mul3A_1566 = arith.constant 20 : i32
      %mul3A_1567 = vector.broadcast %mul3A_1566 : i32 to vector<16xi32>
      %mul3A_1568 = arith.muli %iota3A, %mul3A_1567 : vector<16xi32>
      %add3A_1569 = arith.constant 9 : i32
      %add3A_1570 = vector.broadcast %add3A_1569 : i32 to vector<16xi32>
      %add3A_1571 = arith.addi %mul3A_1568, %add3A_1570 : vector<16xi32>
      %mul3A_1572 = arith.constant 20 : i32
      %mul3A_1573 = vector.broadcast %mul3A_1572 : i32 to vector<16xi32>
      %mul3A_1574 = arith.muli %iota3A, %mul3A_1573 : vector<16xi32>
      %add3A_1575 = arith.constant 10 : i32
      %add3A_1576 = vector.broadcast %add3A_1575 : i32 to vector<16xi32>
      %add3A_1577 = arith.addi %mul3A_1574, %add3A_1576 : vector<16xi32>
      %mul3A_1578 = arith.constant 20 : i32
      %mul3A_1579 = vector.broadcast %mul3A_1578 : i32 to vector<16xi32>
      %mul3A_1580 = arith.muli %iota3A, %mul3A_1579 : vector<16xi32>
      %add3A_1581 = arith.constant 11 : i32
      %add3A_1582 = vector.broadcast %add3A_1581 : i32 to vector<16xi32>
      %add3A_1583 = arith.addi %mul3A_1580, %add3A_1582 : vector<16xi32>
      %mul3A_1584 = arith.constant 20 : i32
      %mul3A_1585 = vector.broadcast %mul3A_1584 : i32 to vector<16xi32>
      %mul3A_1586 = arith.muli %iota3A, %mul3A_1585 : vector<16xi32>
      %add3A_1587 = arith.constant 12 : i32
      %add3A_1588 = vector.broadcast %add3A_1587 : i32 to vector<16xi32>
      %add3A_1589 = arith.addi %mul3A_1586, %add3A_1588 : vector<16xi32>
      %mul3A_1590 = arith.constant 20 : i32
      %mul3A_1591 = vector.broadcast %mul3A_1590 : i32 to vector<16xi32>
      %mul3A_1592 = arith.muli %iota3A, %mul3A_1591 : vector<16xi32>
      %add3A_1593 = arith.constant 13 : i32
      %add3A_1594 = vector.broadcast %add3A_1593 : i32 to vector<16xi32>
      %add3A_1595 = arith.addi %mul3A_1592, %add3A_1594 : vector<16xi32>
      %mul3A_1596 = arith.constant 20 : i32
      %mul3A_1597 = vector.broadcast %mul3A_1596 : i32 to vector<16xi32>
      %mul3A_1598 = arith.muli %iota3A, %mul3A_1597 : vector<16xi32>
      %add3A_1599 = arith.constant 14 : i32
      %add3A_1600 = vector.broadcast %add3A_1599 : i32 to vector<16xi32>
      %add3A_1601 = arith.addi %mul3A_1598, %add3A_1600 : vector<16xi32>
      %mul3A_1602 = arith.constant 20 : i32
      %mul3A_1603 = vector.broadcast %mul3A_1602 : i32 to vector<16xi32>
      %mul3A_1604 = arith.muli %iota3A, %mul3A_1603 : vector<16xi32>
      %add3A_1605 = arith.constant 15 : i32
      %add3A_1606 = vector.broadcast %add3A_1605 : i32 to vector<16xi32>
      %add3A_1607 = arith.addi %mul3A_1604, %add3A_1606 : vector<16xi32>
      %mul3A_1608 = arith.constant 20 : i32
      %mul3A_1609 = vector.broadcast %mul3A_1608 : i32 to vector<16xi32>
      %mul3A_1610 = arith.muli %iota3A, %mul3A_1609 : vector<16xi32>
      %add3A_1611 = arith.constant 16 : i32
      %add3A_1612 = vector.broadcast %add3A_1611 : i32 to vector<16xi32>
      %add3A_1613 = arith.addi %mul3A_1610, %add3A_1612 : vector<16xi32>
      %mul3A_1614 = arith.constant 20 : i32
      %mul3A_1615 = vector.broadcast %mul3A_1614 : i32 to vector<16xi32>
      %mul3A_1616 = arith.muli %iota3A, %mul3A_1615 : vector<16xi32>
      %add3A_1617 = arith.constant 17 : i32
      %add3A_1618 = vector.broadcast %add3A_1617 : i32 to vector<16xi32>
      %add3A_1619 = arith.addi %mul3A_1616, %add3A_1618 : vector<16xi32>
      %mul3A_1620 = arith.constant 20 : i32
      %mul3A_1621 = vector.broadcast %mul3A_1620 : i32 to vector<16xi32>
      %mul3A_1622 = arith.muli %iota3A, %mul3A_1621 : vector<16xi32>
      %add3A_1623 = arith.constant 18 : i32
      %add3A_1624 = vector.broadcast %add3A_1623 : i32 to vector<16xi32>
      %add3A_1625 = arith.addi %mul3A_1622, %add3A_1624 : vector<16xi32>
      %mul3A_1626 = arith.constant 20 : i32
      %mul3A_1627 = vector.broadcast %mul3A_1626 : i32 to vector<16xi32>
      %mul3A_1628 = arith.muli %iota3A, %mul3A_1627 : vector<16xi32>
      %add3A_1629 = arith.constant 19 : i32
      %add3A_1630 = vector.broadcast %add3A_1629 : i32 to vector<16xi32>
      %add3A_1631 = arith.addi %mul3A_1628, %add3A_1630 : vector<16xi32>
      %broadcast_in_dim3A_1632 = arith.constant 0.000000e+00 : f32
      %broadcast_in_dim3A_1633 = vector.broadcast %broadcast_in_dim3A_1632 : f32 to vector<16xf32>
      %scan3A_1634 = arith.constant 0 : i32
      %scan3A_1635 = arith.constant 64 : i32
      %scan3A_1636 = arith.addi %scan3A_1634, %scan3A_1635 : i32
      %scan3A_1637 = arith.constant 1 : i32
      %scan3A_1638:11 = scf.for %scan3A_1772 = %scan3A_1634 to %scan3A_1636 step %scan3A_1637 iter_args(%scan3A_1773 = %broadcast_in_dim3A_1633, %scan3A_1774 = %broadcast_in_dim3A_1633, %scan3A_1775 = %broadcast_in_dim3A_1633, %scan3A_1776 = %broadcast_in_dim3A_1633, %scan3A_1777 = %broadcast_in_dim3A_1633, %scan3A_1778 = %broadcast_in_dim3A_1633, %scan3A_1779 = %broadcast_in_dim3A_1633, %scan3A_1780 = %broadcast_in_dim3A_1633, %scan3A_1781 = %broadcast_in_dim3A_1633, %scan3A_1782 = %broadcast_in_dim3A_1633, %scan3A_1783 = %broadcast_in_dim3A_1633) -> (vector<16xf32>, vector<16xf32>, vector<16xf32>, vector<16xf32>, vector<16xf32>, vector<16xf32>, vector<16xf32>, vector<16xf32>, vector<16xf32>, vector<16xf32>, vector<16xf32>)  : i32 {
        %add3A_1784 = vector.broadcast %scan3A_1772 : i32 to vector<16xi32>
        %add3A_1785 = arith.addi %iota3A, %add3A_1784 : vector<16xi32>
        %and3A_1786 = arith.constant 63 : i32
        %and3A_1787 = vector.broadcast %and3A_1786 : i32 to vector<16xi32>
        %and3A_1788 = arith.andi %add3A_1785, %and3A_1787 : vector<16xi32>
        %add3A_1789 = arith.addi %shift_left3A_1181, %and3A_1788 : vector<16xi32>
        %gather3A_1790 = tpu.vector_load_idx %arg25[%iota3A, %add3A_1789] : memref<16x128xf32, #tpu.memory_space<vmem>>[vector<16xi32>, vector<16xi32>], vector<16xf32>,
        %add3A_1791 = arith.addi %shift_left3A_1191, %and3A_1788 : vector<16xi32>
        %gather3A_1792 = tpu.vector_load_idx %arg26[%iota3A, %add3A_1791] : memref<16x128xf32, #tpu.memory_space<vmem>>[vector<16xi32>, vector<16xi32>], vector<16xf32>,
        %mul3A_1793 = arith.mulf %gather3A_1790, %gather3A_1792 : vector<16xf32>
        %add3A_1794 = arith.addf %scan3A_1773, %mul3A_1793 : vector<16xf32>
        %add3A_1795 = arith.addi %shift_left3A_1207, %and3A_1788 : vector<16xi32>
        %gather3A_1796 = tpu.vector_load_idx %arg27[%add3A_1517, %add3A_1795] : memref<320x128xf32, #tpu.memory_space<vmem>>[vector<16xi32>, vector<16xi32>], vector<16xf32>,
        %mul3A_1797 = arith.mulf %gather3A_1790, %gather3A_1796 : vector<16xf32>
        %add3A_1798 = arith.addf %scan3A_1774, %mul3A_1797 : vector<16xf32>
        %add3A_1799 = arith.addi %shift_left3A_1223, %and3A_1788 : vector<16xi32>
        %gather3A_1800 = tpu.vector_load_idx %arg27[%add3A_1523, %add3A_1799] : memref<320x128xf32, #tpu.memory_space<vmem>>[vector<16xi32>, vector<16xi32>], vector<16xf32>,
        %mul3A_1801 = arith.mulf %gather3A_1790, %gather3A_1800 : vector<16xf32>
        %add3A_1802 = arith.addf %scan3A_1775, %mul3A_1801 : vector<16xf32>
        %add3A_1803 = arith.addi %shift_left3A_1239, %and3A_1788 : vector<16xi32>
        %gather3A_1804 = tpu.vector_load_idx %arg27[%add3A_1529, %add3A_1803] : memref<320x128xf32, #tpu.memory_space<vmem>>[vector<16xi32>, vector<16xi32>], vector<16xf32>,
        %mul3A_1805 = arith.mulf %gather3A_1790, %gather3A_1804 : vector<16xf32>
        %add3A_1806 = arith.addf %scan3A_1776, %mul3A_1805 : vector<16xf32>
        %add3A_1807 = arith.addi %shift_left3A_1255, %and3A_1788 : vector<16xi32>
        %gather3A_1808 = tpu.vector_load_idx %arg27[%add3A_1535, %add3A_1807] : memref<320x128xf32, #tpu.memory_space<vmem>>[vector<16xi32>, vector<16xi32>], vector<16xf32>,
        %mul3A_1809 = arith.mulf %gather3A_1790, %gather3A_1808 : vector<16xf32>
        %add3A_1810 = arith.addf %scan3A_1777, %mul3A_1809 : vector<16xf32>
        %add3A_1811 = arith.addi %shift_left3A_1271, %and3A_1788 : vector<16xi32>
        %gather3A_1812 = tpu.vector_load_idx %arg27[%add3A_1541, %add3A_1811] : memref<320x128xf32, #tpu.memory_space<vmem>>[vector<16xi32>, vector<16xi32>], vector<16xf32>,
        %mul3A_1813 = arith.mulf %gather3A_1790, %gather3A_1812 : vector<16xf32>
        %add3A_1814 = arith.addf %scan3A_1778, %mul3A_1813 : vector<16xf32>
        %add3A_1815 = arith.addi %shift_left3A_1287, %and3A_1788 : vector<16xi32>
        %gather3A_1816 = tpu.vector_load_idx %arg27[%add3A_1547, %add3A_1815] : memref<320x128xf32, #tpu.memory_space<vmem>>[vector<16xi32>, vector<16xi32>], vector<16xf32>,
        %mul3A_1817 = arith.mulf %gather3A_1790, %gather3A_1816 : vector<16xf32>
        %add3A_1818 = arith.addf %scan3A_1779, %mul3A_1817 : vector<16xf32>
        %add3A_1819 = arith.addi %shift_left3A_1303, %and3A_1788 : vector<16xi32>
        %gather3A_1820 = tpu.vector_load_idx %arg27[%add3A_1553, %add3A_1819] : memref<320x128xf32, #tpu.memory_space<vmem>>[vector<16xi32>, vector<16xi32>], vector<16xf32>,
        %mul3A_1821 = arith.mulf %gather3A_1790, %gather3A_1820 : vector<16xf32>
        %add3A_1822 = arith.addf %scan3A_1780, %mul3A_1821 : vector<16xf32>
        %add3A_1823 = arith.addi %shift_left3A_1319, %and3A_1788 : vector<16xi32>
        %gather3A_1824 = tpu.vector_load_idx %arg27[%add3A_1559, %add3A_1823] : memref<320x128xf32, #tpu.memory_space<vmem>>[vector<16xi32>, vector<16xi32>], vector<16xf32>,
        %mul3A_1825 = arith.mulf %gather3A_1790, %gather3A_1824 : vector<16xf32>
        %add3A_1826 = arith.addf %scan3A_1781, %mul3A_1825 : vector<16xf32>
        %add3A_1827 = arith.addi %shift_left3A_1335, %and3A_1788 : vector<16xi32>
        %gather3A_1828 = tpu.vector_load_idx %arg27[%add3A_1565, %add3A_1827] : memref<320x128xf32, #tpu.memory_space<vmem>>[vector<16xi32>, vector<16xi32>], vector<16xf32>,
        %mul3A_1829 = arith.mulf %gather3A_1790, %gather3A_1828 : vector<16xf32>
        %add3A_1830 = arith.addf %scan3A_1782, %mul3A_1829 : vector<16xf32>
        %add3A_1831 = arith.addi %shift_left3A_1351, %and3A_1788 : vector<16xi32>
        %gather3A_1832 = tpu.vector_load_idx %arg27[%add3A_1571, %add3A_1831] : memref<320x128xf32, #tpu.memory_space<vmem>>[vector<16xi32>, vector<16xi32>], vector<16xf32>,
        %mul3A_1833 = arith.mulf %gather3A_1790, %gather3A_1832 : vector<16xf32>
        %add3A_1834 = arith.addf %scan3A_1783, %mul3A_1833 : vector<16xf32>
        scf.yield %add3A_1794, %add3A_1798, %add3A_1802, %add3A_1806, %add3A_1810, %add3A_1814, %add3A_1818, %add3A_1822, %add3A_1826, %add3A_1830, %add3A_1834 : vector<16xf32>, vector<16xf32>, vector<16xf32>, vector<16xf32>, vector<16xf32>, vector<16xf32>, vector<16xf32>, vector<16xf32>, vector<16xf32>, vector<16xf32>, vector<16xf32>
      }
      %scan3A_1639 = arith.constant 64 : i32
      %mul3A_1640 = arith.constant 16 : i32
      %mul3A_1641 = arith.muli %add3A_1171, %mul3A_1640 : i32
      %swap3A_1642 = arith.index_cast %mul3A_1641 : i32 to index
      %swap3A_1643 = tpu.vector_load %arg28[%swap3A_1642] {strides = array<i32>} : memref<512xf32, #tpu.memory_space<vmem>>, vector<16xf32>,
      tpu.vector_store %arg28[%swap3A_1642], %scan3A_1638#0 {strides = array<i32>} : memref<512xf32, #tpu.memory_space<vmem>>, vector<16xf32>,
      %mul3A_1644 = arith.constant 16 : i32
      %mul3A_1645 = arith.muli %add3A_1171, %mul3A_1644 : i32
      %add3A_1646 = arith.constant 0 : i32
      %add3A_1647 = arith.addi %add3A_1646, %mul3A_1645 : i32
      %swap3A_1648 = arith.index_cast %add3A_1647 : i32 to index
      %swap3A_1649 = tpu.vector_load %arg29[%swap3A_1648] {strides = array<i32>} : memref<10240xf32, #tpu.memory_space<vmem>>, vector<16xf32>,
      tpu.vector_store %arg29[%swap3A_1648], %scan3A_1638#1 {strides = array<i32>} : memref<10240xf32, #tpu.memory_space<vmem>>, vector<16xf32>,
      %mul3A_1650 = arith.constant 16 : i32
      %mul3A_1651 = arith.muli %add3A_1171, %mul3A_1650 : i32
      %add3A_1652 = arith.constant 512 : i32
      %add3A_1653 = arith.addi %add3A_1652, %mul3A_1651 : i32
      %swap3A_1654 = arith.index_cast %add3A_1653 : i32 to index
      %swap3A_1655 = tpu.vector_load %arg29[%swap3A_1654] {strides = array<i32>} : memref<10240xf32, #tpu.memory_space<vmem>>, vector<16xf32>,
      tpu.vector_store %arg29[%swap3A_1654], %scan3A_1638#2 {strides = array<i32>} : memref<10240xf32, #tpu.memory_space<vmem>>, vector<16xf32>,
      %mul3A_1656 = arith.constant 16 : i32
      %mul3A_1657 = arith.muli %add3A_1171, %mul3A_1656 : i32
      %add3A_1658 = arith.constant 1024 : i32
      %add3A_1659 = arith.addi %add3A_1658, %mul3A_1657 : i32
      %swap3A_1660 = arith.index_cast %add3A_1659 : i32 to index
      %swap3A_1661 = tpu.vector_load %arg29[%swap3A_1660] {strides = array<i32>} : memref<10240xf32, #tpu.memory_space<vmem>>, vector<16xf32>,
      tpu.vector_store %arg29[%swap3A_1660], %scan3A_1638#3 {strides = array<i32>} : memref<10240xf32, #tpu.memory_space<vmem>>, vector<16xf32>,
      %mul3A_1662 = arith.constant 16 : i32
      %mul3A_1663 = arith.muli %add3A_1171, %mul3A_1662 : i32
      %add3A_1664 = arith.constant 1536 : i32
      %add3A_1665 = arith.addi %add3A_1664, %mul3A_1663 : i32
      %swap3A_1666 = arith.index_cast %add3A_1665 : i32 to index
      %swap3A_1667 = tpu.vector_load %arg29[%swap3A_1666] {strides = array<i32>} : memref<10240xf32, #tpu.memory_space<vmem>>, vector<16xf32>,
      tpu.vector_store %arg29[%swap3A_1666], %scan3A_1638#4 {strides = array<i32>} : memref<10240xf32, #tpu.memory_space<vmem>>, vector<16xf32>,
      %mul3A_1668 = arith.constant 16 : i32
      %mul3A_1669 = arith.muli %add3A_1171, %mul3A_1668 : i32
      %add3A_1670 = arith.constant 2048 : i32
      %add3A_1671 = arith.addi %add3A_1670, %mul3A_1669 : i32
      %swap3A_1672 = arith.index_cast %add3A_1671 : i32 to index
      %swap3A_1673 = tpu.vector_load %arg29[%swap3A_1672] {strides = array<i32>} : memref<10240xf32, #tpu.memory_space<vmem>>, vector<16xf32>,
      tpu.vector_store %arg29[%swap3A_1672], %scan3A_1638#5 {strides = array<i32>} : memref<10240xf32, #tpu.memory_space<vmem>>, vector<16xf32>,
      %mul3A_1674 = arith.constant 16 : i32
      %mul3A_1675 = arith.muli %add3A_1171, %mul3A_1674 : i32
      %add3A_1676 = arith.constant 2560 : i32
      %add3A_1677 = arith.addi %add3A_1676, %mul3A_1675 : i32
      %swap3A_1678 = arith.index_cast %add3A_1677 : i32 to index
      %swap3A_1679 = tpu.vector_load %arg29[%swap3A_1678] {strides = array<i32>} : memref<10240xf32, #tpu.memory_space<vmem>>, vector<16xf32>,
      tpu.vector_store %arg29[%swap3A_1678], %scan3A_1638#6 {strides = array<i32>} : memref<10240xf32, #tpu.memory_space<vmem>>, vector<16xf32>,
      %mul3A_1680 = arith.constant 16 : i32
      %mul3A_1681 = arith.muli %add3A_1171, %mul3A_1680 : i32
      %add3A_1682 = arith.constant 3072 : i32
      %add3A_1683 = arith.addi %add3A_1682, %mul3A_1681 : i32
      %swap3A_1684 = arith.index_cast %add3A_1683 : i32 to index
      %swap3A_1685 = tpu.vector_load %arg29[%swap3A_1684] {strides = array<i32>} : memref<10240xf32, #tpu.memory_space<vmem>>, vector<16xf32>,
      tpu.vector_store %arg29[%swap3A_1684], %scan3A_1638#7 {strides = array<i32>} : memref<10240xf32, #tpu.memory_space<vmem>>, vector<16xf32>,
      %mul3A_1686 = arith.constant 16 : i32
      %mul3A_1687 = arith.muli %add3A_1171, %mul3A_1686 : i32
      %add3A_1688 = arith.constant 3584 : i32
      %add3A_1689 = arith.addi %add3A_1688, %mul3A_1687 : i32
      %swap3A_1690 = arith.index_cast %add3A_1689 : i32 to index
      %swap3A_1691 = tpu.vector_load %arg29[%swap3A_1690] {strides = array<i32>} : memref<10240xf32, #tpu.memory_space<vmem>>, vector<16xf32>,
      tpu.vector_store %arg29[%swap3A_1690], %scan3A_1638#8 {strides = array<i32>} : memref<10240xf32, #tpu.memory_space<vmem>>, vector<16xf32>,
      %mul3A_1692 = arith.constant 16 : i32
      %mul3A_1693 = arith.muli %add3A_1171, %mul3A_1692 : i32
      %add3A_1694 = arith.constant 4096 : i32
      %add3A_1695 = arith.addi %add3A_1694, %mul3A_1693 : i32
      %swap3A_1696 = arith.index_cast %add3A_1695 : i32 to index
      %swap3A_1697 = tpu.vector_load %arg29[%swap3A_1696] {strides = array<i32>} : memref<10240xf32, #tpu.memory_space<vmem>>, vector<16xf32>,
      tpu.vector_store %arg29[%swap3A_1696], %scan3A_1638#9 {strides = array<i32>} : memref<10240xf32, #tpu.memory_space<vmem>>, vector<16xf32>,
      %mul3A_1698 = arith.constant 16 : i32
      %mul3A_1699 = arith.muli %add3A_1171, %mul3A_1698 : i32
      %add3A_1700 = arith.constant 4608 : i32
      %add3A_1701 = arith.addi %add3A_1700, %mul3A_1699 : i32
      %swap3A_1702 = arith.index_cast %add3A_1701 : i32 to index
      %swap3A_1703 = tpu.vector_load %arg29[%swap3A_1702] {strides = array<i32>} : memref<10240xf32, #tpu.memory_space<vmem>>, vector<16xf32>,
      tpu.vector_store %arg29[%swap3A_1702], %scan3A_1638#10 {strides = array<i32>} : memref<10240xf32, #tpu.memory_space<vmem>>, vector<16xf32>,
      %broadcast_in_dim3A_1704 = arith.constant 0.000000e+00 : f32
      %broadcast_in_dim3A_1705 = vector.broadcast %broadcast_in_dim3A_1704 : f32 to vector<16xf32>
      %scan3A_1706 = arith.constant 0 : i32
      %scan3A_1707 = arith.constant 64 : i32
      %scan3A_1708 = arith.addi %scan3A_1706, %scan3A_1707 : i32
      %scan3A_1709 = arith.constant 1 : i32
      %scan3A_1710:10 = scf.for %scan3A_1772 = %scan3A_1706 to %scan3A_1708 step %scan3A_1709 iter_args(%scan3A_1773 = %broadcast_in_dim3A_1705, %scan3A_1774 = %broadcast_in_dim3A_1705, %scan3A_1775 = %broadcast_in_dim3A_1705, %scan3A_1776 = %broadcast_in_dim3A_1705, %scan3A_1777 = %broadcast_in_dim3A_1705, %scan3A_1778 = %broadcast_in_dim3A_1705, %scan3A_1779 = %broadcast_in_dim3A_1705, %scan3A_1780 = %broadcast_in_dim3A_1705, %scan3A_1781 = %broadcast_in_dim3A_1705, %scan3A_1782 = %broadcast_in_dim3A_1705) -> (vector<16xf32>, vector<16xf32>, vector<16xf32>, vector<16xf32>, vector<16xf32>, vector<16xf32>, vector<16xf32>, vector<16xf32>, vector<16xf32>, vector<16xf32>)  : i32 {
        %add3A_1783 = vector.broadcast %scan3A_1772 : i32 to vector<16xi32>
        %add3A_1784 = arith.addi %iota3A, %add3A_1783 : vector<16xi32>
        %and3A_1785 = arith.constant 63 : i32
        %and3A_1786 = vector.broadcast %and3A_1785 : i32 to vector<16xi32>
        %and3A_1787 = arith.andi %add3A_1784, %and3A_1786 : vector<16xi32>
        %add3A_1788 = arith.addi %shift_left3A_1181, %and3A_1787 : vector<16xi32>
        %gather3A_1789 = tpu.vector_load_idx %arg25[%iota3A, %add3A_1788] : memref<16x128xf32, #tpu.memory_space<vmem>>[vector<16xi32>, vector<16xi32>], vector<16xf32>,
        %add3A_1790 = arith.addi %shift_left3A_1367, %and3A_1787 : vector<16xi32>
        %gather3A_1791 = tpu.vector_load_idx %arg27[%add3A_1577, %add3A_1790] : memref<320x128xf32, #tpu.memory_space<vmem>>[vector<16xi32>, vector<16xi32>], vector<16xf32>,
        %mul3A_1792 = arith.mulf %gather3A_1789, %gather3A_1791 : vector<16xf32>
        %add3A_1793 = arith.addf %scan3A_1773, %mul3A_1792 : vector<16xf32>
        %add3A_1794 = arith.addi %shift_left3A_1383, %and3A_1787 : vector<16xi32>
        %gather3A_1795 = tpu.vector_load_idx %arg27[%add3A_1583, %add3A_1794] : memref<320x128xf32, #tpu.memory_space<vmem>>[vector<16xi32>, vector<16xi32>], vector<16xf32>,
        %mul3A_1796 = arith.mulf %gather3A_1789, %gather3A_1795 : vector<16xf32>
        %add3A_1797 = arith.addf %scan3A_1774, %mul3A_1796 : vector<16xf32>
        %add3A_1798 = arith.addi %shift_left3A_1399, %and3A_1787 : vector<16xi32>
        %gather3A_1799 = tpu.vector_load_idx %arg27[%add3A_1589, %add3A_1798] : memref<320x128xf32, #tpu.memory_space<vmem>>[vector<16xi32>, vector<16xi32>], vector<16xf32>,
        %mul3A_1800 = arith.mulf %gather3A_1789, %gather3A_1799 : vector<16xf32>
        %add3A_1801 = arith.addf %scan3A_1775, %mul3A_1800 : vector<16xf32>
        %add3A_1802 = arith.addi %shift_left3A_1415, %and3A_1787 : vector<16xi32>
        %gather3A_1803 = tpu.vector_load_idx %arg27[%add3A_1595, %add3A_1802] : memref<320x128xf32, #tpu.memory_space<vmem>>[vector<16xi32>, vector<16xi32>], vector<16xf32>,
        %mul3A_1804 = arith.mulf %gather3A_1789, %gather3A_1803 : vector<16xf32>
        %add3A_1805 = arith.addf %scan3A_1776, %mul3A_1804 : vector<16xf32>
        %add3A_1806 = arith.addi %shift_left3A_1431, %and3A_1787 : vector<16xi32>
        %gather3A_1807 = tpu.vector_load_idx %arg27[%add3A_1601, %add3A_1806] : memref<320x128xf32, #tpu.memory_space<vmem>>[vector<16xi32>, vector<16xi32>], vector<16xf32>,
        %mul3A_1808 = arith.mulf %gather3A_1789, %gather3A_1807 : vector<16xf32>
        %add3A_1809 = arith.addf %scan3A_1777, %mul3A_1808 : vector<16xf32>
        %add3A_1810 = arith.addi %shift_left3A_1447, %and3A_1787 : vector<16xi32>
        %gather3A_1811 = tpu.vector_load_idx %arg27[%add3A_1607, %add3A_1810] : memref<320x128xf32, #tpu.memory_space<vmem>>[vector<16xi32>, vector<16xi32>], vector<16xf32>,
        %mul3A_1812 = arith.mulf %gather3A_1789, %gather3A_1811 : vector<16xf32>
        %add3A_1813 = arith.addf %scan3A_1778, %mul3A_1812 : vector<16xf32>
        %add3A_1814 = arith.addi %shift_left3A_1463, %and3A_1787 : vector<16xi32>
        %gather3A_1815 = tpu.vector_load_idx %arg27[%add3A_1613, %add3A_1814] : memref<320x128xf32, #tpu.memory_space<vmem>>[vector<16xi32>, vector<16xi32>], vector<16xf32>,
        %mul3A_1816 = arith.mulf %gather3A_1789, %gather3A_1815 : vector<16xf32>
        %add3A_1817 = arith.addf %scan3A_1779, %mul3A_1816 : vector<16xf32>
        %add3A_1818 = arith.addi %shift_left3A_1479, %and3A_1787 : vector<16xi32>
        %gather3A_1819 = tpu.vector_load_idx %arg27[%add3A_1619, %add3A_1818] : memref<320x128xf32, #tpu.memory_space<vmem>>[vector<16xi32>, vector<16xi32>], vector<16xf32>,
        %mul3A_1820 = arith.mulf %gather3A_1789, %gather3A_1819 : vector<16xf32>
        %add3A_1821 = arith.addf %scan3A_1780, %mul3A_1820 : vector<16xf32>
        %add3A_1822 = arith.addi %shift_left3A_1495, %and3A_1787 : vector<16xi32>
        %gather3A_1823 = tpu.vector_load_idx %arg27[%add3A_1625, %add3A_1822] : memref<320x128xf32, #tpu.memory_space<vmem>>[vector<16xi32>, vector<16xi32>], vector<16xf32>,
        %mul3A_1824 = arith.mulf %gather3A_1789, %gather3A_1823 : vector<16xf32>
        %add3A_1825 = arith.addf %scan3A_1781, %mul3A_1824 : vector<16xf32>
        %add3A_1826 = arith.addi %shift_left3A_1511, %and3A_1787 : vector<16xi32>
        %gather3A_1827 = tpu.vector_load_idx %arg27[%add3A_1631, %add3A_1826] : memref<320x128xf32, #tpu.memory_space<vmem>>[vector<16xi32>, vector<16xi32>], vector<16xf32>,
        %mul3A_1828 = arith.mulf %gather3A_1789, %gather3A_1827 : vector<16xf32>
        %add3A_1829 = arith.addf %scan3A_1782, %mul3A_1828 : vector<16xf32>
        scf.yield %add3A_1793, %add3A_1797, %add3A_1801, %add3A_1805, %add3A_1809, %add3A_1813, %add3A_1817, %add3A_1821, %add3A_1825, %add3A_1829 : vector<16xf32>, vector<16xf32>, vector<16xf32>, vector<16xf32>, vector<16xf32>, vector<16xf32>, vector<16xf32>, vector<16xf32>, vector<16xf32>, vector<16xf32>
      }
      %scan3A_1711 = arith.constant 64 : i32
      %mul3A_1712 = arith.constant 16 : i32
      %mul3A_1713 = arith.muli %add3A_1171, %mul3A_1712 : i32
      %add3A_1714 = arith.constant 5120 : i32
      %add3A_1715 = arith.addi %add3A_1714, %mul3A_1713 : i32
      %swap3A_1716 = arith.index_cast %add3A_1715 : i32 to index
      %swap3A_1717 = tpu.vector_load %arg29[%swap3A_1716] {strides = array<i32>} : memref<10240xf32, #tpu.memory_space<vmem>>, vector<16xf32>,
      tpu.vector_store %arg29[%swap3A_1716], %scan3A_1710#0 {strides = array<i32>} : memref<10240xf32, #tpu.memory_space<vmem>>, vector<16xf32>,
      %mul3A_1718 = arith.constant 16 : i32
      %mul3A_1719 = arith.muli %add3A_1171, %mul3A_1718 : i32
      %add3A_1720 = arith.constant 5632 : i32
      %add3A_1721 = arith.addi %add3A_1720, %mul3A_1719 : i32
      %swap3A_1722 = arith.index_cast %add3A_1721 : i32 to index
      %swap3A_1723 = tpu.vector_load %arg29[%swap3A_1722] {strides = array<i32>} : memref<10240xf32, #tpu.memory_space<vmem>>, vector<16xf32>,
      tpu.vector_store %arg29[%swap3A_1722], %scan3A_1710#1 {strides = array<i32>} : memref<10240xf32, #tpu.memory_space<vmem>>, vector<16xf32>,
      %mul3A_1724 = arith.constant 16 : i32
      %mul3A_1725 = arith.muli %add3A_1171, %mul3A_1724 : i32
      %add3A_1726 = arith.constant 6144 : i32
      %add3A_1727 = arith.addi %add3A_1726, %mul3A_1725 : i32
      %swap3A_1728 = arith.index_cast %add3A_1727 : i32 to index
      %swap3A_1729 = tpu.vector_load %arg29[%swap3A_1728] {strides = array<i32>} : memref<10240xf32, #tpu.memory_space<vmem>>, vector<16xf32>,
      tpu.vector_store %arg29[%swap3A_1728], %scan3A_1710#2 {strides = array<i32>} : memref<10240xf32, #tpu.memory_space<vmem>>, vector<16xf32>,
      %mul3A_1730 = arith.constant 16 : i32
      %mul3A_1731 = arith.muli %add3A_1171, %mul3A_1730 : i32
      %add3A_1732 = arith.constant 6656 : i32
      %add3A_1733 = arith.addi %add3A_1732, %mul3A_1731 : i32
      %swap3A_1734 = arith.index_cast %add3A_1733 : i32 to index
      %swap3A_1735 = tpu.vector_load %arg29[%swap3A_1734] {strides = array<i32>} : memref<10240xf32, #tpu.memory_space<vmem>>, vector<16xf32>,
      tpu.vector_store %arg29[%swap3A_1734], %scan3A_1710#3 {strides = array<i32>} : memref<10240xf32, #tpu.memory_space<vmem>>, vector<16xf32>,
      %mul3A_1736 = arith.constant 16 : i32
      %mul3A_1737 = arith.muli %add3A_1171, %mul3A_1736 : i32
      %add3A_1738 = arith.constant 7168 : i32
      %add3A_1739 = arith.addi %add3A_1738, %mul3A_1737 : i32
      %swap3A_1740 = arith.index_cast %add3A_1739 : i32 to index
      %swap3A_1741 = tpu.vector_load %arg29[%swap3A_1740] {strides = array<i32>} : memref<10240xf32, #tpu.memory_space<vmem>>, vector<16xf32>,
      tpu.vector_store %arg29[%swap3A_1740], %scan3A_1710#4 {strides = array<i32>} : memref<10240xf32, #tpu.memory_space<vmem>>, vector<16xf32>,
      %mul3A_1742 = arith.constant 16 : i32
      %mul3A_1743 = arith.muli %add3A_1171, %mul3A_1742 : i32
      %add3A_1744 = arith.constant 7680 : i32
      %add3A_1745 = arith.addi %add3A_1744, %mul3A_1743 : i32
      %swap3A_1746 = arith.index_cast %add3A_1745 : i32 to index
      %swap3A_1747 = tpu.vector_load %arg29[%swap3A_1746] {strides = array<i32>} : memref<10240xf32, #tpu.memory_space<vmem>>, vector<16xf32>,
      tpu.vector_store %arg29[%swap3A_1746], %scan3A_1710#5 {strides = array<i32>} : memref<10240xf32, #tpu.memory_space<vmem>>, vector<16xf32>,
      %mul3A_1748 = arith.constant 16 : i32
      %mul3A_1749 = arith.muli %add3A_1171, %mul3A_1748 : i32
      %add3A_1750 = arith.constant 8192 : i32
      %add3A_1751 = arith.addi %add3A_1750, %mul3A_1749 : i32
      %swap3A_1752 = arith.index_cast %add3A_1751 : i32 to index
      %swap3A_1753 = tpu.vector_load %arg29[%swap3A_1752] {strides = array<i32>} : memref<10240xf32, #tpu.memory_space<vmem>>, vector<16xf32>,
      tpu.vector_store %arg29[%swap3A_1752], %scan3A_1710#6 {strides = array<i32>} : memref<10240xf32, #tpu.memory_space<vmem>>, vector<16xf32>,
      %mul3A_1754 = arith.constant 16 : i32
      %mul3A_1755 = arith.muli %add3A_1171, %mul3A_1754 : i32
      %add3A_1756 = arith.constant 8704 : i32
      %add3A_1757 = arith.addi %add3A_1756, %mul3A_1755 : i32
      %swap3A_1758 = arith.index_cast %add3A_1757 : i32 to index
      %swap3A_1759 = tpu.vector_load %arg29[%swap3A_1758] {strides = array<i32>} : memref<10240xf32, #tpu.memory_space<vmem>>, vector<16xf32>,
      tpu.vector_store %arg29[%swap3A_1758], %scan3A_1710#7 {strides = array<i32>} : memref<10240xf32, #tpu.memory_space<vmem>>, vector<16xf32>,
      %mul3A_1760 = arith.constant 16 : i32
      %mul3A_1761 = arith.muli %add3A_1171, %mul3A_1760 : i32
      %add3A_1762 = arith.constant 9216 : i32
      %add3A_1763 = arith.addi %add3A_1762, %mul3A_1761 : i32
      %swap3A_1764 = arith.index_cast %add3A_1763 : i32 to index
      %swap3A_1765 = tpu.vector_load %arg29[%swap3A_1764] {strides = array<i32>} : memref<10240xf32, #tpu.memory_space<vmem>>, vector<16xf32>,
      tpu.vector_store %arg29[%swap3A_1764], %scan3A_1710#8 {strides = array<i32>} : memref<10240xf32, #tpu.memory_space<vmem>>, vector<16xf32>,
      %mul3A_1766 = arith.constant 16 : i32
      %mul3A_1767 = arith.muli %add3A_1171, %mul3A_1766 : i32
      %add3A_1768 = arith.constant 9728 : i32
      %add3A_1769 = arith.addi %add3A_1768, %mul3A_1767 : i32
      %swap3A_1770 = arith.index_cast %add3A_1769 : i32 to index
      %swap3A_1771 = tpu.vector_load %arg29[%swap3A_1770] {strides = array<i32>} : memref<10240xf32, #tpu.memory_space<vmem>>, vector<16xf32>,
      tpu.vector_store %arg29[%swap3A_1770], %scan3A_1710#9 {strides = array<i32>} : memref<10240xf32, #tpu.memory_space<vmem>>, vector<16xf32>,
    }
    %scan3A_187 = arith.constant 16 : i32
    %mul3A_188 = arith.constant 512 : i32
    %mul3A_189 = arith.muli %add3A, %mul3A_188 : i32
    "tpu.region"() ({
      %run_scoped3A = tpu.sem_alloc : memref<!tpu.dma_semaphore, #tpu.memory_space<semaphore_mem>>
      %dma_start3A_270 = tpu.memref_slice %arg7[%mul3A_189] : memref<16384xf32, #tpu.memory_space<hbm>> -> memref<512xf32, #tpu.memory_space<hbm>>
      %dma_start3A_271 = tpu.memref_slice %arg7[%mul3A_189] : memref<16384xf32, #tpu.memory_space<hbm>> -> memref<512xf32, #tpu.memory_space<hbm>>
      tpu.enqueue_dma source(%arg28 : memref<512xf32, #tpu.memory_space<vmem>>) target(%dma_start3A_271 : memref<512xf32, #tpu.memory_space<hbm>>) target_semaphore(%run_scoped3A : memref<!tpu.dma_semaphore, #tpu.memory_space<semaphore_mem>>)
      %dma_wait3A = tpu.memref_slice %arg7[%mul3A_189] : memref<16384xf32, #tpu.memory_space<hbm>> -> memref<512xf32, #tpu.memory_space<hbm>>
      %dma_wait3A_272 = tpu.memref_slice %arg7[%mul3A_189] : memref<16384xf32, #tpu.memory_space<hbm>> -> memref<512xf32, #tpu.memory_space<hbm>>
      tpu.wait_dma2 semaphore(%run_scoped3A : memref<!tpu.dma_semaphore, #tpu.memory_space<semaphore_mem>>) src(%arg28 : memref<512xf32, #tpu.memory_space<vmem>>) dst(%dma_wait3A_272 : memref<512xf32, #tpu.memory_space<hbm>>)
      tpu.yield
    }) : () -> ()
    %mul3A_190 = arith.constant 512 : i32
    %mul3A_191 = arith.muli %add3A, %mul3A_190 : i32
    %add3A_192 = arith.constant 0 : i32
    %add3A_193 = arith.addi %add3A_192, %mul3A_191 : i32
    "tpu.region"() ({
      %run_scoped3A = tpu.sem_alloc : memref<!tpu.dma_semaphore, #tpu.memory_space<semaphore_mem>>
      %dma_start3A_270 = arith.constant 0 : i32
      %dma_start3A_271 = tpu.memref_slice %arg29[%dma_start3A_270] : memref<10240xf32, #tpu.memory_space<vmem>> -> memref<512xf32, #tpu.memory_space<vmem>>
      %dma_start3A_272 = tpu.memref_slice %arg8[%add3A_193] : memref<327680xf32, #tpu.memory_space<hbm>> -> memref<512xf32, #tpu.memory_space<hbm>>
      %dma_start3A_273 = tpu.memref_slice %arg8[%add3A_193] : memref<327680xf32, #tpu.memory_space<hbm>> -> memref<512xf32, #tpu.memory_space<hbm>>
      %dma_start3A_274 = arith.constant 0 : i32
      %dma_start3A_275 = tpu.memref_slice %arg29[%dma_start3A_274] : memref<10240xf32, #tpu.memory_space<vmem>> -> memref<512xf32, #tpu.memory_space<vmem>>
      tpu.enqueue_dma source(%dma_start3A_275 : memref<512xf32, #tpu.memory_space<vmem>>) target(%dma_start3A_273 : memref<512xf32, #tpu.memory_space<hbm>>) target_semaphore(%run_scoped3A : memref<!tpu.dma_semaphore, #tpu.memory_space<semaphore_mem>>)
      %dma_wait3A = arith.constant 0 : i32
      %dma_wait3A_276 = tpu.memref_slice %arg29[%dma_wait3A] : memref<10240xf32, #tpu.memory_space<vmem>> -> memref<512xf32, #tpu.memory_space<vmem>>
      %dma_wait3A_277 = tpu.memref_slice %arg8[%add3A_193] : memref<327680xf32, #tpu.memory_space<hbm>> -> memref<512xf32, #tpu.memory_space<hbm>>
      %dma_wait3A_278 = tpu.memref_slice %arg8[%add3A_193] : memref<327680xf32, #tpu.memory_space<hbm>> -> memref<512xf32, #tpu.memory_space<hbm>>
      %dma_wait3A_279 = arith.constant 0 : i32
      %dma_wait3A_280 = tpu.memref_slice %arg29[%dma_wait3A_279] : memref<10240xf32, #tpu.memory_space<vmem>> -> memref<512xf32, #tpu.memory_space<vmem>>
      tpu.wait_dma2 semaphore(%run_scoped3A : memref<!tpu.dma_semaphore, #tpu.memory_space<semaphore_mem>>) src(%dma_wait3A_280 : memref<512xf32, #tpu.memory_space<vmem>>) dst(%dma_wait3A_278 : memref<512xf32, #tpu.memory_space<hbm>>)
      tpu.yield
    }) : () -> ()
    %mul3A_194 = arith.constant 512 : i32
    %mul3A_195 = arith.muli %add3A, %mul3A_194 : i32
    %add3A_196 = arith.constant 16384 : i32
    %add3A_197 = arith.addi %add3A_196, %mul3A_195 : i32
    "tpu.region"() ({
      %run_scoped3A = tpu.sem_alloc : memref<!tpu.dma_semaphore, #tpu.memory_space<semaphore_mem>>
      %dma_start3A_270 = arith.constant 512 : i32
      %dma_start3A_271 = tpu.memref_slice %arg29[%dma_start3A_270] : memref<10240xf32, #tpu.memory_space<vmem>> -> memref<512xf32, #tpu.memory_space<vmem>>
      %dma_start3A_272 = tpu.memref_slice %arg8[%add3A_197] : memref<327680xf32, #tpu.memory_space<hbm>> -> memref<512xf32, #tpu.memory_space<hbm>>
      %dma_start3A_273 = tpu.memref_slice %arg8[%add3A_197] : memref<327680xf32, #tpu.memory_space<hbm>> -> memref<512xf32, #tpu.memory_space<hbm>>
      %dma_start3A_274 = arith.constant 512 : i32
      %dma_start3A_275 = tpu.memref_slice %arg29[%dma_start3A_274] : memref<10240xf32, #tpu.memory_space<vmem>> -> memref<512xf32, #tpu.memory_space<vmem>>
      tpu.enqueue_dma source(%dma_start3A_275 : memref<512xf32, #tpu.memory_space<vmem>>) target(%dma_start3A_273 : memref<512xf32, #tpu.memory_space<hbm>>) target_semaphore(%run_scoped3A : memref<!tpu.dma_semaphore, #tpu.memory_space<semaphore_mem>>)
      %dma_wait3A = arith.constant 512 : i32
      %dma_wait3A_276 = tpu.memref_slice %arg29[%dma_wait3A] : memref<10240xf32, #tpu.memory_space<vmem>> -> memref<512xf32, #tpu.memory_space<vmem>>
      %dma_wait3A_277 = tpu.memref_slice %arg8[%add3A_197] : memref<327680xf32, #tpu.memory_space<hbm>> -> memref<512xf32, #tpu.memory_space<hbm>>
      %dma_wait3A_278 = tpu.memref_slice %arg8[%add3A_197] : memref<327680xf32, #tpu.memory_space<hbm>> -> memref<512xf32, #tpu.memory_space<hbm>>
      %dma_wait3A_279 = arith.constant 512 : i32
      %dma_wait3A_280 = tpu.memref_slice %arg29[%dma_wait3A_279] : memref<10240xf32, #tpu.memory_space<vmem>> -> memref<512xf32, #tpu.memory_space<vmem>>
      tpu.wait_dma2 semaphore(%run_scoped3A : memref<!tpu.dma_semaphore, #tpu.memory_space<semaphore_mem>>) src(%dma_wait3A_280 : memref<512xf32, #tpu.memory_space<vmem>>) dst(%dma_wait3A_278 : memref<512xf32, #tpu.memory_space<hbm>>)
      tpu.yield
    }) : () -> ()
    %mul3A_198 = arith.constant 512 : i32
    %mul3A_199 = arith.muli %add3A, %mul3A_198 : i32
    %add3A_200 = arith.constant 32768 : i32
    %add3A_201 = arith.addi %add3A_200, %mul3A_199 : i32
    "tpu.region"() ({
      %run_scoped3A = tpu.sem_alloc : memref<!tpu.dma_semaphore, #tpu.memory_space<semaphore_mem>>
      %dma_start3A_270 = arith.constant 1024 : i32
      %dma_start3A_271 = tpu.memref_slice %arg29[%dma_start3A_270] : memref<10240xf32, #tpu.memory_space<vmem>> -> memref<512xf32, #tpu.memory_space<vmem>>
      %dma_start3A_272 = tpu.memref_slice %arg8[%add3A_201] : memref<327680xf32, #tpu.memory_space<hbm>> -> memref<512xf32, #tpu.memory_space<hbm>>
      %dma_start3A_273 = tpu.memref_slice %arg8[%add3A_201] : memref<327680xf32, #tpu.memory_space<hbm>> -> memref<512xf32, #tpu.memory_space<hbm>>
      %dma_start3A_274 = arith.constant 1024 : i32
      %dma_start3A_275 = tpu.memref_slice %arg29[%dma_start3A_274] : memref<10240xf32, #tpu.memory_space<vmem>> -> memref<512xf32, #tpu.memory_space<vmem>>
      tpu.enqueue_dma source(%dma_start3A_275 : memref<512xf32, #tpu.memory_space<vmem>>) target(%dma_start3A_273 : memref<512xf32, #tpu.memory_space<hbm>>) target_semaphore(%run_scoped3A : memref<!tpu.dma_semaphore, #tpu.memory_space<semaphore_mem>>)
      %dma_wait3A = arith.constant 1024 : i32
      %dma_wait3A_276 = tpu.memref_slice %arg29[%dma_wait3A] : memref<10240xf32, #tpu.memory_space<vmem>> -> memref<512xf32, #tpu.memory_space<vmem>>
      %dma_wait3A_277 = tpu.memref_slice %arg8[%add3A_201] : memref<327680xf32, #tpu.memory_space<hbm>> -> memref<512xf32, #tpu.memory_space<hbm>>
      %dma_wait3A_278 = tpu.memref_slice %arg8[%add3A_201] : memref<327680xf32, #tpu.memory_space<hbm>> -> memref<512xf32, #tpu.memory_space<hbm>>
      %dma_wait3A_279 = arith.constant 1024 : i32
      %dma_wait3A_280 = tpu.memref_slice %arg29[%dma_wait3A_279] : memref<10240xf32, #tpu.memory_space<vmem>> -> memref<512xf32, #tpu.memory_space<vmem>>
      tpu.wait_dma2 semaphore(%run_scoped3A : memref<!tpu.dma_semaphore, #tpu.memory_space<semaphore_mem>>) src(%dma_wait3A_280 : memref<512xf32, #tpu.memory_space<vmem>>) dst(%dma_wait3A_278 : memref<512xf32, #tpu.memory_space<hbm>>)
      tpu.yield
    }) : () -> ()
    %mul3A_202 = arith.constant 512 : i32
    %mul3A_203 = arith.muli %add3A, %mul3A_202 : i32
    %add3A_204 = arith.constant 49152 : i32
    %add3A_205 = arith.addi %add3A_204, %mul3A_203 : i32
    "tpu.region"() ({
      %run_scoped3A = tpu.sem_alloc : memref<!tpu.dma_semaphore, #tpu.memory_space<semaphore_mem>>
      %dma_start3A_270 = arith.constant 1536 : i32
      %dma_start3A_271 = tpu.memref_slice %arg29[%dma_start3A_270] : memref<10240xf32, #tpu.memory_space<vmem>> -> memref<512xf32, #tpu.memory_space<vmem>>
      %dma_start3A_272 = tpu.memref_slice %arg8[%add3A_205] : memref<327680xf32, #tpu.memory_space<hbm>> -> memref<512xf32, #tpu.memory_space<hbm>>
      %dma_start3A_273 = tpu.memref_slice %arg8[%add3A_205] : memref<327680xf32, #tpu.memory_space<hbm>> -> memref<512xf32, #tpu.memory_space<hbm>>
      %dma_start3A_274 = arith.constant 1536 : i32
      %dma_start3A_275 = tpu.memref_slice %arg29[%dma_start3A_274] : memref<10240xf32, #tpu.memory_space<vmem>> -> memref<512xf32, #tpu.memory_space<vmem>>
      tpu.enqueue_dma source(%dma_start3A_275 : memref<512xf32, #tpu.memory_space<vmem>>) target(%dma_start3A_273 : memref<512xf32, #tpu.memory_space<hbm>>) target_semaphore(%run_scoped3A : memref<!tpu.dma_semaphore, #tpu.memory_space<semaphore_mem>>)
      %dma_wait3A = arith.constant 1536 : i32
      %dma_wait3A_276 = tpu.memref_slice %arg29[%dma_wait3A] : memref<10240xf32, #tpu.memory_space<vmem>> -> memref<512xf32, #tpu.memory_space<vmem>>
      %dma_wait3A_277 = tpu.memref_slice %arg8[%add3A_205] : memref<327680xf32, #tpu.memory_space<hbm>> -> memref<512xf32, #tpu.memory_space<hbm>>
      %dma_wait3A_278 = tpu.memref_slice %arg8[%add3A_205] : memref<327680xf32, #tpu.memory_space<hbm>> -> memref<512xf32, #tpu.memory_space<hbm>>
      %dma_wait3A_279 = arith.constant 1536 : i32
      %dma_wait3A_280 = tpu.memref_slice %arg29[%dma_wait3A_279] : memref<10240xf32, #tpu.memory_space<vmem>> -> memref<512xf32, #tpu.memory_space<vmem>>
      tpu.wait_dma2 semaphore(%run_scoped3A : memref<!tpu.dma_semaphore, #tpu.memory_space<semaphore_mem>>) src(%dma_wait3A_280 : memref<512xf32, #tpu.memory_space<vmem>>) dst(%dma_wait3A_278 : memref<512xf32, #tpu.memory_space<hbm>>)
      tpu.yield
    }) : () -> ()
    %mul3A_206 = arith.constant 512 : i32
    %mul3A_207 = arith.muli %add3A, %mul3A_206 : i32
    %add3A_208 = arith.constant 65536 : i32
    %add3A_209 = arith.addi %add3A_208, %mul3A_207 : i32
    "tpu.region"() ({
      %run_scoped3A = tpu.sem_alloc : memref<!tpu.dma_semaphore, #tpu.memory_space<semaphore_mem>>
      %dma_start3A_270 = arith.constant 2048 : i32
      %dma_start3A_271 = tpu.memref_slice %arg29[%dma_start3A_270] : memref<10240xf32, #tpu.memory_space<vmem>> -> memref<512xf32, #tpu.memory_space<vmem>>
      %dma_start3A_272 = tpu.memref_slice %arg8[%add3A_209] : memref<327680xf32, #tpu.memory_space<hbm>> -> memref<512xf32, #tpu.memory_space<hbm>>
      %dma_start3A_273 = tpu.memref_slice %arg8[%add3A_209] : memref<327680xf32, #tpu.memory_space<hbm>> -> memref<512xf32, #tpu.memory_space<hbm>>
      %dma_start3A_274 = arith.constant 2048 : i32
      %dma_start3A_275 = tpu.memref_slice %arg29[%dma_start3A_274] : memref<10240xf32, #tpu.memory_space<vmem>> -> memref<512xf32, #tpu.memory_space<vmem>>
      tpu.enqueue_dma source(%dma_start3A_275 : memref<512xf32, #tpu.memory_space<vmem>>) target(%dma_start3A_273 : memref<512xf32, #tpu.memory_space<hbm>>) target_semaphore(%run_scoped3A : memref<!tpu.dma_semaphore, #tpu.memory_space<semaphore_mem>>)
      %dma_wait3A = arith.constant 2048 : i32
      %dma_wait3A_276 = tpu.memref_slice %arg29[%dma_wait3A] : memref<10240xf32, #tpu.memory_space<vmem>> -> memref<512xf32, #tpu.memory_space<vmem>>
      %dma_wait3A_277 = tpu.memref_slice %arg8[%add3A_209] : memref<327680xf32, #tpu.memory_space<hbm>> -> memref<512xf32, #tpu.memory_space<hbm>>
      %dma_wait3A_278 = tpu.memref_slice %arg8[%add3A_209] : memref<327680xf32, #tpu.memory_space<hbm>> -> memref<512xf32, #tpu.memory_space<hbm>>
      %dma_wait3A_279 = arith.constant 2048 : i32
      %dma_wait3A_280 = tpu.memref_slice %arg29[%dma_wait3A_279] : memref<10240xf32, #tpu.memory_space<vmem>> -> memref<512xf32, #tpu.memory_space<vmem>>
      tpu.wait_dma2 semaphore(%run_scoped3A : memref<!tpu.dma_semaphore, #tpu.memory_space<semaphore_mem>>) src(%dma_wait3A_280 : memref<512xf32, #tpu.memory_space<vmem>>) dst(%dma_wait3A_278 : memref<512xf32, #tpu.memory_space<hbm>>)
      tpu.yield
    }) : () -> ()
    %mul3A_210 = arith.constant 512 : i32
    %mul3A_211 = arith.muli %add3A, %mul3A_210 : i32
    %add3A_212 = arith.constant 81920 : i32
    %add3A_213 = arith.addi %add3A_212, %mul3A_211 : i32
    "tpu.region"() ({
      %run_scoped3A = tpu.sem_alloc : memref<!tpu.dma_semaphore, #tpu.memory_space<semaphore_mem>>
      %dma_start3A_270 = arith.constant 2560 : i32
      %dma_start3A_271 = tpu.memref_slice %arg29[%dma_start3A_270] : memref<10240xf32, #tpu.memory_space<vmem>> -> memref<512xf32, #tpu.memory_space<vmem>>
      %dma_start3A_272 = tpu.memref_slice %arg8[%add3A_213] : memref<327680xf32, #tpu.memory_space<hbm>> -> memref<512xf32, #tpu.memory_space<hbm>>
      %dma_start3A_273 = tpu.memref_slice %arg8[%add3A_213] : memref<327680xf32, #tpu.memory_space<hbm>> -> memref<512xf32, #tpu.memory_space<hbm>>
      %dma_start3A_274 = arith.constant 2560 : i32
      %dma_start3A_275 = tpu.memref_slice %arg29[%dma_start3A_274] : memref<10240xf32, #tpu.memory_space<vmem>> -> memref<512xf32, #tpu.memory_space<vmem>>
      tpu.enqueue_dma source(%dma_start3A_275 : memref<512xf32, #tpu.memory_space<vmem>>) target(%dma_start3A_273 : memref<512xf32, #tpu.memory_space<hbm>>) target_semaphore(%run_scoped3A : memref<!tpu.dma_semaphore, #tpu.memory_space<semaphore_mem>>)
      %dma_wait3A = arith.constant 2560 : i32
      %dma_wait3A_276 = tpu.memref_slice %arg29[%dma_wait3A] : memref<10240xf32, #tpu.memory_space<vmem>> -> memref<512xf32, #tpu.memory_space<vmem>>
      %dma_wait3A_277 = tpu.memref_slice %arg8[%add3A_213] : memref<327680xf32, #tpu.memory_space<hbm>> -> memref<512xf32, #tpu.memory_space<hbm>>
      %dma_wait3A_278 = tpu.memref_slice %arg8[%add3A_213] : memref<327680xf32, #tpu.memory_space<hbm>> -> memref<512xf32, #tpu.memory_space<hbm>>
      %dma_wait3A_279 = arith.constant 2560 : i32
      %dma_wait3A_280 = tpu.memref_slice %arg29[%dma_wait3A_279] : memref<10240xf32, #tpu.memory_space<vmem>> -> memref<512xf32, #tpu.memory_space<vmem>>
      tpu.wait_dma2 semaphore(%run_scoped3A : memref<!tpu.dma_semaphore, #tpu.memory_space<semaphore_mem>>) src(%dma_wait3A_280 : memref<512xf32, #tpu.memory_space<vmem>>) dst(%dma_wait3A_278 : memref<512xf32, #tpu.memory_space<hbm>>)
      tpu.yield
    }) : () -> ()
    %mul3A_214 = arith.constant 512 : i32
    %mul3A_215 = arith.muli %add3A, %mul3A_214 : i32
    %add3A_216 = arith.constant 98304 : i32
    %add3A_217 = arith.addi %add3A_216, %mul3A_215 : i32
    "tpu.region"() ({
      %run_scoped3A = tpu.sem_alloc : memref<!tpu.dma_semaphore, #tpu.memory_space<semaphore_mem>>
      %dma_start3A_270 = arith.constant 3072 : i32
      %dma_start3A_271 = tpu.memref_slice %arg29[%dma_start3A_270] : memref<10240xf32, #tpu.memory_space<vmem>> -> memref<512xf32, #tpu.memory_space<vmem>>
      %dma_start3A_272 = tpu.memref_slice %arg8[%add3A_217] : memref<327680xf32, #tpu.memory_space<hbm>> -> memref<512xf32, #tpu.memory_space<hbm>>
      %dma_start3A_273 = tpu.memref_slice %arg8[%add3A_217] : memref<327680xf32, #tpu.memory_space<hbm>> -> memref<512xf32, #tpu.memory_space<hbm>>
      %dma_start3A_274 = arith.constant 3072 : i32
      %dma_start3A_275 = tpu.memref_slice %arg29[%dma_start3A_274] : memref<10240xf32, #tpu.memory_space<vmem>> -> memref<512xf32, #tpu.memory_space<vmem>>
      tpu.enqueue_dma source(%dma_start3A_275 : memref<512xf32, #tpu.memory_space<vmem>>) target(%dma_start3A_273 : memref<512xf32, #tpu.memory_space<hbm>>) target_semaphore(%run_scoped3A : memref<!tpu.dma_semaphore, #tpu.memory_space<semaphore_mem>>)
      %dma_wait3A = arith.constant 3072 : i32
      %dma_wait3A_276 = tpu.memref_slice %arg29[%dma_wait3A] : memref<10240xf32, #tpu.memory_space<vmem>> -> memref<512xf32, #tpu.memory_space<vmem>>
      %dma_wait3A_277 = tpu.memref_slice %arg8[%add3A_217] : memref<327680xf32, #tpu.memory_space<hbm>> -> memref<512xf32, #tpu.memory_space<hbm>>
      %dma_wait3A_278 = tpu.memref_slice %arg8[%add3A_217] : memref<327680xf32, #tpu.memory_space<hbm>> -> memref<512xf32, #tpu.memory_space<hbm>>
      %dma_wait3A_279 = arith.constant 3072 : i32
      %dma_wait3A_280 = tpu.memref_slice %arg29[%dma_wait3A_279] : memref<10240xf32, #tpu.memory_space<vmem>> -> memref<512xf32, #tpu.memory_space<vmem>>
      tpu.wait_dma2 semaphore(%run_scoped3A : memref<!tpu.dma_semaphore, #tpu.memory_space<semaphore_mem>>) src(%dma_wait3A_280 : memref<512xf32, #tpu.memory_space<vmem>>) dst(%dma_wait3A_278 : memref<512xf32, #tpu.memory_space<hbm>>)
      tpu.yield
    }) : () -> ()
    %mul3A_218 = arith.constant 512 : i32
    %mul3A_219 = arith.muli %add3A, %mul3A_218 : i32
    %add3A_220 = arith.constant 114688 : i32
    %add3A_221 = arith.addi %add3A_220, %mul3A_219 : i32
    "tpu.region"() ({
      %run_scoped3A = tpu.sem_alloc : memref<!tpu.dma_semaphore, #tpu.memory_space<semaphore_mem>>
      %dma_start3A_270 = arith.constant 3584 : i32
      %dma_start3A_271 = tpu.memref_slice %arg29[%dma_start3A_270] : memref<10240xf32, #tpu.memory_space<vmem>> -> memref<512xf32, #tpu.memory_space<vmem>>
      %dma_start3A_272 = tpu.memref_slice %arg8[%add3A_221] : memref<327680xf32, #tpu.memory_space<hbm>> -> memref<512xf32, #tpu.memory_space<hbm>>
      %dma_start3A_273 = tpu.memref_slice %arg8[%add3A_221] : memref<327680xf32, #tpu.memory_space<hbm>> -> memref<512xf32, #tpu.memory_space<hbm>>
      %dma_start3A_274 = arith.constant 3584 : i32
      %dma_start3A_275 = tpu.memref_slice %arg29[%dma_start3A_274] : memref<10240xf32, #tpu.memory_space<vmem>> -> memref<512xf32, #tpu.memory_space<vmem>>
      tpu.enqueue_dma source(%dma_start3A_275 : memref<512xf32, #tpu.memory_space<vmem>>) target(%dma_start3A_273 : memref<512xf32, #tpu.memory_space<hbm>>) target_semaphore(%run_scoped3A : memref<!tpu.dma_semaphore, #tpu.memory_space<semaphore_mem>>)
      %dma_wait3A = arith.constant 3584 : i32
      %dma_wait3A_276 = tpu.memref_slice %arg29[%dma_wait3A] : memref<10240xf32, #tpu.memory_space<vmem>> -> memref<512xf32, #tpu.memory_space<vmem>>
      %dma_wait3A_277 = tpu.memref_slice %arg8[%add3A_221] : memref<327680xf32, #tpu.memory_space<hbm>> -> memref<512xf32, #tpu.memory_space<hbm>>
      %dma_wait3A_278 = tpu.memref_slice %arg8[%add3A_221] : memref<327680xf32, #tpu.memory_space<hbm>> -> memref<512xf32, #tpu.memory_space<hbm>>
      %dma_wait3A_279 = arith.constant 3584 : i32
      %dma_wait3A_280 = tpu.memref_slice %arg29[%dma_wait3A_279] : memref<10240xf32, #tpu.memory_space<vmem>> -> memref<512xf32, #tpu.memory_space<vmem>>
      tpu.wait_dma2 semaphore(%run_scoped3A : memref<!tpu.dma_semaphore, #tpu.memory_space<semaphore_mem>>) src(%dma_wait3A_280 : memref<512xf32, #tpu.memory_space<vmem>>) dst(%dma_wait3A_278 : memref<512xf32, #tpu.memory_space<hbm>>)
      tpu.yield
    }) : () -> ()
    %mul3A_222 = arith.constant 512 : i32
    %mul3A_223 = arith.muli %add3A, %mul3A_222 : i32
    %add3A_224 = arith.constant 131072 : i32
    %add3A_225 = arith.addi %add3A_224, %mul3A_223 : i32
    "tpu.region"() ({
      %run_scoped3A = tpu.sem_alloc : memref<!tpu.dma_semaphore, #tpu.memory_space<semaphore_mem>>
      %dma_start3A_270 = arith.constant 4096 : i32
      %dma_start3A_271 = tpu.memref_slice %arg29[%dma_start3A_270] : memref<10240xf32, #tpu.memory_space<vmem>> -> memref<512xf32, #tpu.memory_space<vmem>>
      %dma_start3A_272 = tpu.memref_slice %arg8[%add3A_225] : memref<327680xf32, #tpu.memory_space<hbm>> -> memref<512xf32, #tpu.memory_space<hbm>>
      %dma_start3A_273 = tpu.memref_slice %arg8[%add3A_225] : memref<327680xf32, #tpu.memory_space<hbm>> -> memref<512xf32, #tpu.memory_space<hbm>>
      %dma_start3A_274 = arith.constant 4096 : i32
      %dma_start3A_275 = tpu.memref_slice %arg29[%dma_start3A_274] : memref<10240xf32, #tpu.memory_space<vmem>> -> memref<512xf32, #tpu.memory_space<vmem>>
      tpu.enqueue_dma source(%dma_start3A_275 : memref<512xf32, #tpu.memory_space<vmem>>) target(%dma_start3A_273 : memref<512xf32, #tpu.memory_space<hbm>>) target_semaphore(%run_scoped3A : memref<!tpu.dma_semaphore, #tpu.memory_space<semaphore_mem>>)
      %dma_wait3A = arith.constant 4096 : i32
      %dma_wait3A_276 = tpu.memref_slice %arg29[%dma_wait3A] : memref<10240xf32, #tpu.memory_space<vmem>> -> memref<512xf32, #tpu.memory_space<vmem>>
      %dma_wait3A_277 = tpu.memref_slice %arg8[%add3A_225] : memref<327680xf32, #tpu.memory_space<hbm>> -> memref<512xf32, #tpu.memory_space<hbm>>
      %dma_wait3A_278 = tpu.memref_slice %arg8[%add3A_225] : memref<327680xf32, #tpu.memory_space<hbm>> -> memref<512xf32, #tpu.memory_space<hbm>>
      %dma_wait3A_279 = arith.constant 4096 : i32
      %dma_wait3A_280 = tpu.memref_slice %arg29[%dma_wait3A_279] : memref<10240xf32, #tpu.memory_space<vmem>> -> memref<512xf32, #tpu.memory_space<vmem>>
      tpu.wait_dma2 semaphore(%run_scoped3A : memref<!tpu.dma_semaphore, #tpu.memory_space<semaphore_mem>>) src(%dma_wait3A_280 : memref<512xf32, #tpu.memory_space<vmem>>) dst(%dma_wait3A_278 : memref<512xf32, #tpu.memory_space<hbm>>)
      tpu.yield
    }) : () -> ()
    %mul3A_226 = arith.constant 512 : i32
    %mul3A_227 = arith.muli %add3A, %mul3A_226 : i32
    %add3A_228 = arith.constant 147456 : i32
    %add3A_229 = arith.addi %add3A_228, %mul3A_227 : i32
    "tpu.region"() ({
      %run_scoped3A = tpu.sem_alloc : memref<!tpu.dma_semaphore, #tpu.memory_space<semaphore_mem>>
      %dma_start3A_270 = arith.constant 4608 : i32
      %dma_start3A_271 = tpu.memref_slice %arg29[%dma_start3A_270] : memref<10240xf32, #tpu.memory_space<vmem>> -> memref<512xf32, #tpu.memory_space<vmem>>
      %dma_start3A_272 = tpu.memref_slice %arg8[%add3A_229] : memref<327680xf32, #tpu.memory_space<hbm>> -> memref<512xf32, #tpu.memory_space<hbm>>
      %dma_start3A_273 = tpu.memref_slice %arg8[%add3A_229] : memref<327680xf32, #tpu.memory_space<hbm>> -> memref<512xf32, #tpu.memory_space<hbm>>
      %dma_start3A_274 = arith.constant 4608 : i32
      %dma_start3A_275 = tpu.memref_slice %arg29[%dma_start3A_274] : memref<10240xf32, #tpu.memory_space<vmem>> -> memref<512xf32, #tpu.memory_space<vmem>>
      tpu.enqueue_dma source(%dma_start3A_275 : memref<512xf32, #tpu.memory_space<vmem>>) target(%dma_start3A_273 : memref<512xf32, #tpu.memory_space<hbm>>) target_semaphore(%run_scoped3A : memref<!tpu.dma_semaphore, #tpu.memory_space<semaphore_mem>>)
      %dma_wait3A = arith.constant 4608 : i32
      %dma_wait3A_276 = tpu.memref_slice %arg29[%dma_wait3A] : memref<10240xf32, #tpu.memory_space<vmem>> -> memref<512xf32, #tpu.memory_space<vmem>>
      %dma_wait3A_277 = tpu.memref_slice %arg8[%add3A_229] : memref<327680xf32, #tpu.memory_space<hbm>> -> memref<512xf32, #tpu.memory_space<hbm>>
      %dma_wait3A_278 = tpu.memref_slice %arg8[%add3A_229] : memref<327680xf32, #tpu.memory_space<hbm>> -> memref<512xf32, #tpu.memory_space<hbm>>
      %dma_wait3A_279 = arith.constant 4608 : i32
      %dma_wait3A_280 = tpu.memref_slice %arg29[%dma_wait3A_279] : memref<10240xf32, #tpu.memory_space<vmem>> -> memref<512xf32, #tpu.memory_space<vmem>>
      tpu.wait_dma2 semaphore(%run_scoped3A : memref<!tpu.dma_semaphore, #tpu.memory_space<semaphore_mem>>) src(%dma_wait3A_280 : memref<512xf32, #tpu.memory_space<vmem>>) dst(%dma_wait3A_278 : memref<512xf32, #tpu.memory_space<hbm>>)
      tpu.yield
    }) : () -> ()
    %mul3A_230 = arith.constant 512 : i32
    %mul3A_231 = arith.muli %add3A, %mul3A_230 : i32
    %add3A_232 = arith.constant 163840 : i32
    %add3A_233 = arith.addi %add3A_232, %mul3A_231 : i32
    "tpu.region"() ({
      %run_scoped3A = tpu.sem_alloc : memref<!tpu.dma_semaphore, #tpu.memory_space<semaphore_mem>>
      %dma_start3A_270 = arith.constant 5120 : i32
      %dma_start3A_271 = tpu.memref_slice %arg29[%dma_start3A_270] : memref<10240xf32, #tpu.memory_space<vmem>> -> memref<512xf32, #tpu.memory_space<vmem>>
      %dma_start3A_272 = tpu.memref_slice %arg8[%add3A_233] : memref<327680xf32, #tpu.memory_space<hbm>> -> memref<512xf32, #tpu.memory_space<hbm>>
      %dma_start3A_273 = tpu.memref_slice %arg8[%add3A_233] : memref<327680xf32, #tpu.memory_space<hbm>> -> memref<512xf32, #tpu.memory_space<hbm>>
      %dma_start3A_274 = arith.constant 5120 : i32
      %dma_start3A_275 = tpu.memref_slice %arg29[%dma_start3A_274] : memref<10240xf32, #tpu.memory_space<vmem>> -> memref<512xf32, #tpu.memory_space<vmem>>
      tpu.enqueue_dma source(%dma_start3A_275 : memref<512xf32, #tpu.memory_space<vmem>>) target(%dma_start3A_273 : memref<512xf32, #tpu.memory_space<hbm>>) target_semaphore(%run_scoped3A : memref<!tpu.dma_semaphore, #tpu.memory_space<semaphore_mem>>)
      %dma_wait3A = arith.constant 5120 : i32
      %dma_wait3A_276 = tpu.memref_slice %arg29[%dma_wait3A] : memref<10240xf32, #tpu.memory_space<vmem>> -> memref<512xf32, #tpu.memory_space<vmem>>
      %dma_wait3A_277 = tpu.memref_slice %arg8[%add3A_233] : memref<327680xf32, #tpu.memory_space<hbm>> -> memref<512xf32, #tpu.memory_space<hbm>>
      %dma_wait3A_278 = tpu.memref_slice %arg8[%add3A_233] : memref<327680xf32, #tpu.memory_space<hbm>> -> memref<512xf32, #tpu.memory_space<hbm>>
      %dma_wait3A_279 = arith.constant 5120 : i32
      %dma_wait3A_280 = tpu.memref_slice %arg29[%dma_wait3A_279] : memref<10240xf32, #tpu.memory_space<vmem>> -> memref<512xf32, #tpu.memory_space<vmem>>
      tpu.wait_dma2 semaphore(%run_scoped3A : memref<!tpu.dma_semaphore, #tpu.memory_space<semaphore_mem>>) src(%dma_wait3A_280 : memref<512xf32, #tpu.memory_space<vmem>>) dst(%dma_wait3A_278 : memref<512xf32, #tpu.memory_space<hbm>>)
      tpu.yield
    }) : () -> ()
    %mul3A_234 = arith.constant 512 : i32
    %mul3A_235 = arith.muli %add3A, %mul3A_234 : i32
    %add3A_236 = arith.constant 180224 : i32
    %add3A_237 = arith.addi %add3A_236, %mul3A_235 : i32
    "tpu.region"() ({
      %run_scoped3A = tpu.sem_alloc : memref<!tpu.dma_semaphore, #tpu.memory_space<semaphore_mem>>
      %dma_start3A_270 = arith.constant 5632 : i32
      %dma_start3A_271 = tpu.memref_slice %arg29[%dma_start3A_270] : memref<10240xf32, #tpu.memory_space<vmem>> -> memref<512xf32, #tpu.memory_space<vmem>>
      %dma_start3A_272 = tpu.memref_slice %arg8[%add3A_237] : memref<327680xf32, #tpu.memory_space<hbm>> -> memref<512xf32, #tpu.memory_space<hbm>>
      %dma_start3A_273 = tpu.memref_slice %arg8[%add3A_237] : memref<327680xf32, #tpu.memory_space<hbm>> -> memref<512xf32, #tpu.memory_space<hbm>>
      %dma_start3A_274 = arith.constant 5632 : i32
      %dma_start3A_275 = tpu.memref_slice %arg29[%dma_start3A_274] : memref<10240xf32, #tpu.memory_space<vmem>> -> memref<512xf32, #tpu.memory_space<vmem>>
      tpu.enqueue_dma source(%dma_start3A_275 : memref<512xf32, #tpu.memory_space<vmem>>) target(%dma_start3A_273 : memref<512xf32, #tpu.memory_space<hbm>>) target_semaphore(%run_scoped3A : memref<!tpu.dma_semaphore, #tpu.memory_space<semaphore_mem>>)
      %dma_wait3A = arith.constant 5632 : i32
      %dma_wait3A_276 = tpu.memref_slice %arg29[%dma_wait3A] : memref<10240xf32, #tpu.memory_space<vmem>> -> memref<512xf32, #tpu.memory_space<vmem>>
      %dma_wait3A_277 = tpu.memref_slice %arg8[%add3A_237] : memref<327680xf32, #tpu.memory_space<hbm>> -> memref<512xf32, #tpu.memory_space<hbm>>
      %dma_wait3A_278 = tpu.memref_slice %arg8[%add3A_237] : memref<327680xf32, #tpu.memory_space<hbm>> -> memref<512xf32, #tpu.memory_space<hbm>>
      %dma_wait3A_279 = arith.constant 5632 : i32
      %dma_wait3A_280 = tpu.memref_slice %arg29[%dma_wait3A_279] : memref<10240xf32, #tpu.memory_space<vmem>> -> memref<512xf32, #tpu.memory_space<vmem>>
      tpu.wait_dma2 semaphore(%run_scoped3A : memref<!tpu.dma_semaphore, #tpu.memory_space<semaphore_mem>>) src(%dma_wait3A_280 : memref<512xf32, #tpu.memory_space<vmem>>) dst(%dma_wait3A_278 : memref<512xf32, #tpu.memory_space<hbm>>)
      tpu.yield
    }) : () -> ()
    %mul3A_238 = arith.constant 512 : i32
    %mul3A_239 = arith.muli %add3A, %mul3A_238 : i32
    %add3A_240 = arith.constant 196608 : i32
    %add3A_241 = arith.addi %add3A_240, %mul3A_239 : i32
    "tpu.region"() ({
      %run_scoped3A = tpu.sem_alloc : memref<!tpu.dma_semaphore, #tpu.memory_space<semaphore_mem>>
      %dma_start3A_270 = arith.constant 6144 : i32
      %dma_start3A_271 = tpu.memref_slice %arg29[%dma_start3A_270] : memref<10240xf32, #tpu.memory_space<vmem>> -> memref<512xf32, #tpu.memory_space<vmem>>
      %dma_start3A_272 = tpu.memref_slice %arg8[%add3A_241] : memref<327680xf32, #tpu.memory_space<hbm>> -> memref<512xf32, #tpu.memory_space<hbm>>
      %dma_start3A_273 = tpu.memref_slice %arg8[%add3A_241] : memref<327680xf32, #tpu.memory_space<hbm>> -> memref<512xf32, #tpu.memory_space<hbm>>
      %dma_start3A_274 = arith.constant 6144 : i32
      %dma_start3A_275 = tpu.memref_slice %arg29[%dma_start3A_274] : memref<10240xf32, #tpu.memory_space<vmem>> -> memref<512xf32, #tpu.memory_space<vmem>>
      tpu.enqueue_dma source(%dma_start3A_275 : memref<512xf32, #tpu.memory_space<vmem>>) target(%dma_start3A_273 : memref<512xf32, #tpu.memory_space<hbm>>) target_semaphore(%run_scoped3A : memref<!tpu.dma_semaphore, #tpu.memory_space<semaphore_mem>>)
      %dma_wait3A = arith.constant 6144 : i32
      %dma_wait3A_276 = tpu.memref_slice %arg29[%dma_wait3A] : memref<10240xf32, #tpu.memory_space<vmem>> -> memref<512xf32, #tpu.memory_space<vmem>>
      %dma_wait3A_277 = tpu.memref_slice %arg8[%add3A_241] : memref<327680xf32, #tpu.memory_space<hbm>> -> memref<512xf32, #tpu.memory_space<hbm>>
      %dma_wait3A_278 = tpu.memref_slice %arg8[%add3A_241] : memref<327680xf32, #tpu.memory_space<hbm>> -> memref<512xf32, #tpu.memory_space<hbm>>
      %dma_wait3A_279 = arith.constant 6144 : i32
      %dma_wait3A_280 = tpu.memref_slice %arg29[%dma_wait3A_279] : memref<10240xf32, #tpu.memory_space<vmem>> -> memref<512xf32, #tpu.memory_space<vmem>>
      tpu.wait_dma2 semaphore(%run_scoped3A : memref<!tpu.dma_semaphore, #tpu.memory_space<semaphore_mem>>) src(%dma_wait3A_280 : memref<512xf32, #tpu.memory_space<vmem>>) dst(%dma_wait3A_278 : memref<512xf32, #tpu.memory_space<hbm>>)
      tpu.yield
    }) : () -> ()
    %mul3A_242 = arith.constant 512 : i32
    %mul3A_243 = arith.muli %add3A, %mul3A_242 : i32
    %add3A_244 = arith.constant 212992 : i32
    %add3A_245 = arith.addi %add3A_244, %mul3A_243 : i32
    "tpu.region"() ({
      %run_scoped3A = tpu.sem_alloc : memref<!tpu.dma_semaphore, #tpu.memory_space<semaphore_mem>>
      %dma_start3A_270 = arith.constant 6656 : i32
      %dma_start3A_271 = tpu.memref_slice %arg29[%dma_start3A_270] : memref<10240xf32, #tpu.memory_space<vmem>> -> memref<512xf32, #tpu.memory_space<vmem>>
      %dma_start3A_272 = tpu.memref_slice %arg8[%add3A_245] : memref<327680xf32, #tpu.memory_space<hbm>> -> memref<512xf32, #tpu.memory_space<hbm>>
      %dma_start3A_273 = tpu.memref_slice %arg8[%add3A_245] : memref<327680xf32, #tpu.memory_space<hbm>> -> memref<512xf32, #tpu.memory_space<hbm>>
      %dma_start3A_274 = arith.constant 6656 : i32
      %dma_start3A_275 = tpu.memref_slice %arg29[%dma_start3A_274] : memref<10240xf32, #tpu.memory_space<vmem>> -> memref<512xf32, #tpu.memory_space<vmem>>
      tpu.enqueue_dma source(%dma_start3A_275 : memref<512xf32, #tpu.memory_space<vmem>>) target(%dma_start3A_273 : memref<512xf32, #tpu.memory_space<hbm>>) target_semaphore(%run_scoped3A : memref<!tpu.dma_semaphore, #tpu.memory_space<semaphore_mem>>)
      %dma_wait3A = arith.constant 6656 : i32
      %dma_wait3A_276 = tpu.memref_slice %arg29[%dma_wait3A] : memref<10240xf32, #tpu.memory_space<vmem>> -> memref<512xf32, #tpu.memory_space<vmem>>
      %dma_wait3A_277 = tpu.memref_slice %arg8[%add3A_245] : memref<327680xf32, #tpu.memory_space<hbm>> -> memref<512xf32, #tpu.memory_space<hbm>>
      %dma_wait3A_278 = tpu.memref_slice %arg8[%add3A_245] : memref<327680xf32, #tpu.memory_space<hbm>> -> memref<512xf32, #tpu.memory_space<hbm>>
      %dma_wait3A_279 = arith.constant 6656 : i32
      %dma_wait3A_280 = tpu.memref_slice %arg29[%dma_wait3A_279] : memref<10240xf32, #tpu.memory_space<vmem>> -> memref<512xf32, #tpu.memory_space<vmem>>
      tpu.wait_dma2 semaphore(%run_scoped3A : memref<!tpu.dma_semaphore, #tpu.memory_space<semaphore_mem>>) src(%dma_wait3A_280 : memref<512xf32, #tpu.memory_space<vmem>>) dst(%dma_wait3A_278 : memref<512xf32, #tpu.memory_space<hbm>>)
      tpu.yield
    }) : () -> ()
    %mul3A_246 = arith.constant 512 : i32
    %mul3A_247 = arith.muli %add3A, %mul3A_246 : i32
    %add3A_248 = arith.constant 229376 : i32
    %add3A_249 = arith.addi %add3A_248, %mul3A_247 : i32
    "tpu.region"() ({
      %run_scoped3A = tpu.sem_alloc : memref<!tpu.dma_semaphore, #tpu.memory_space<semaphore_mem>>
      %dma_start3A_270 = arith.constant 7168 : i32
      %dma_start3A_271 = tpu.memref_slice %arg29[%dma_start3A_270] : memref<10240xf32, #tpu.memory_space<vmem>> -> memref<512xf32, #tpu.memory_space<vmem>>
      %dma_start3A_272 = tpu.memref_slice %arg8[%add3A_249] : memref<327680xf32, #tpu.memory_space<hbm>> -> memref<512xf32, #tpu.memory_space<hbm>>
      %dma_start3A_273 = tpu.memref_slice %arg8[%add3A_249] : memref<327680xf32, #tpu.memory_space<hbm>> -> memref<512xf32, #tpu.memory_space<hbm>>
      %dma_start3A_274 = arith.constant 7168 : i32
      %dma_start3A_275 = tpu.memref_slice %arg29[%dma_start3A_274] : memref<10240xf32, #tpu.memory_space<vmem>> -> memref<512xf32, #tpu.memory_space<vmem>>
      tpu.enqueue_dma source(%dma_start3A_275 : memref<512xf32, #tpu.memory_space<vmem>>) target(%dma_start3A_273 : memref<512xf32, #tpu.memory_space<hbm>>) target_semaphore(%run_scoped3A : memref<!tpu.dma_semaphore, #tpu.memory_space<semaphore_mem>>)
      %dma_wait3A = arith.constant 7168 : i32
      %dma_wait3A_276 = tpu.memref_slice %arg29[%dma_wait3A] : memref<10240xf32, #tpu.memory_space<vmem>> -> memref<512xf32, #tpu.memory_space<vmem>>
      %dma_wait3A_277 = tpu.memref_slice %arg8[%add3A_249] : memref<327680xf32, #tpu.memory_space<hbm>> -> memref<512xf32, #tpu.memory_space<hbm>>
      %dma_wait3A_278 = tpu.memref_slice %arg8[%add3A_249] : memref<327680xf32, #tpu.memory_space<hbm>> -> memref<512xf32, #tpu.memory_space<hbm>>
      %dma_wait3A_279 = arith.constant 7168 : i32
      %dma_wait3A_280 = tpu.memref_slice %arg29[%dma_wait3A_279] : memref<10240xf32, #tpu.memory_space<vmem>> -> memref<512xf32, #tpu.memory_space<vmem>>
      tpu.wait_dma2 semaphore(%run_scoped3A : memref<!tpu.dma_semaphore, #tpu.memory_space<semaphore_mem>>) src(%dma_wait3A_280 : memref<512xf32, #tpu.memory_space<vmem>>) dst(%dma_wait3A_278 : memref<512xf32, #tpu.memory_space<hbm>>)
      tpu.yield
    }) : () -> ()
    %mul3A_250 = arith.constant 512 : i32
    %mul3A_251 = arith.muli %add3A, %mul3A_250 : i32
    %add3A_252 = arith.constant 245760 : i32
    %add3A_253 = arith.addi %add3A_252, %mul3A_251 : i32
    "tpu.region"() ({
      %run_scoped3A = tpu.sem_alloc : memref<!tpu.dma_semaphore, #tpu.memory_space<semaphore_mem>>
      %dma_start3A_270 = arith.constant 7680 : i32
      %dma_start3A_271 = tpu.memref_slice %arg29[%dma_start3A_270] : memref<10240xf32, #tpu.memory_space<vmem>> -> memref<512xf32, #tpu.memory_space<vmem>>
      %dma_start3A_272 = tpu.memref_slice %arg8[%add3A_253] : memref<327680xf32, #tpu.memory_space<hbm>> -> memref<512xf32, #tpu.memory_space<hbm>>
      %dma_start3A_273 = tpu.memref_slice %arg8[%add3A_253] : memref<327680xf32, #tpu.memory_space<hbm>> -> memref<512xf32, #tpu.memory_space<hbm>>
      %dma_start3A_274 = arith.constant 7680 : i32
      %dma_start3A_275 = tpu.memref_slice %arg29[%dma_start3A_274] : memref<10240xf32, #tpu.memory_space<vmem>> -> memref<512xf32, #tpu.memory_space<vmem>>
      tpu.enqueue_dma source(%dma_start3A_275 : memref<512xf32, #tpu.memory_space<vmem>>) target(%dma_start3A_273 : memref<512xf32, #tpu.memory_space<hbm>>) target_semaphore(%run_scoped3A : memref<!tpu.dma_semaphore, #tpu.memory_space<semaphore_mem>>)
      %dma_wait3A = arith.constant 7680 : i32
      %dma_wait3A_276 = tpu.memref_slice %arg29[%dma_wait3A] : memref<10240xf32, #tpu.memory_space<vmem>> -> memref<512xf32, #tpu.memory_space<vmem>>
      %dma_wait3A_277 = tpu.memref_slice %arg8[%add3A_253] : memref<327680xf32, #tpu.memory_space<hbm>> -> memref<512xf32, #tpu.memory_space<hbm>>
      %dma_wait3A_278 = tpu.memref_slice %arg8[%add3A_253] : memref<327680xf32, #tpu.memory_space<hbm>> -> memref<512xf32, #tpu.memory_space<hbm>>
      %dma_wait3A_279 = arith.constant 7680 : i32
      %dma_wait3A_280 = tpu.memref_slice %arg29[%dma_wait3A_279] : memref<10240xf32, #tpu.memory_space<vmem>> -> memref<512xf32, #tpu.memory_space<vmem>>
      tpu.wait_dma2 semaphore(%run_scoped3A : memref<!tpu.dma_semaphore, #tpu.memory_space<semaphore_mem>>) src(%dma_wait3A_280 : memref<512xf32, #tpu.memory_space<vmem>>) dst(%dma_wait3A_278 : memref<512xf32, #tpu.memory_space<hbm>>)
      tpu.yield
    }) : () -> ()
    %mul3A_254 = arith.constant 512 : i32
    %mul3A_255 = arith.muli %add3A, %mul3A_254 : i32
    %add3A_256 = arith.constant 262144 : i32
    %add3A_257 = arith.addi %add3A_256, %mul3A_255 : i32
    "tpu.region"() ({
      %run_scoped3A = tpu.sem_alloc : memref<!tpu.dma_semaphore, #tpu.memory_space<semaphore_mem>>
      %dma_start3A_270 = arith.constant 8192 : i32
      %dma_start3A_271 = tpu.memref_slice %arg29[%dma_start3A_270] : memref<10240xf32, #tpu.memory_space<vmem>> -> memref<512xf32, #tpu.memory_space<vmem>>
      %dma_start3A_272 = tpu.memref_slice %arg8[%add3A_257] : memref<327680xf32, #tpu.memory_space<hbm>> -> memref<512xf32, #tpu.memory_space<hbm>>
      %dma_start3A_273 = tpu.memref_slice %arg8[%add3A_257] : memref<327680xf32, #tpu.memory_space<hbm>> -> memref<512xf32, #tpu.memory_space<hbm>>
      %dma_start3A_274 = arith.constant 8192 : i32
      %dma_start3A_275 = tpu.memref_slice %arg29[%dma_start3A_274] : memref<10240xf32, #tpu.memory_space<vmem>> -> memref<512xf32, #tpu.memory_space<vmem>>
      tpu.enqueue_dma source(%dma_start3A_275 : memref<512xf32, #tpu.memory_space<vmem>>) target(%dma_start3A_273 : memref<512xf32, #tpu.memory_space<hbm>>) target_semaphore(%run_scoped3A : memref<!tpu.dma_semaphore, #tpu.memory_space<semaphore_mem>>)
      %dma_wait3A = arith.constant 8192 : i32
      %dma_wait3A_276 = tpu.memref_slice %arg29[%dma_wait3A] : memref<10240xf32, #tpu.memory_space<vmem>> -> memref<512xf32, #tpu.memory_space<vmem>>
      %dma_wait3A_277 = tpu.memref_slice %arg8[%add3A_257] : memref<327680xf32, #tpu.memory_space<hbm>> -> memref<512xf32, #tpu.memory_space<hbm>>
      %dma_wait3A_278 = tpu.memref_slice %arg8[%add3A_257] : memref<327680xf32, #tpu.memory_space<hbm>> -> memref<512xf32, #tpu.memory_space<hbm>>
      %dma_wait3A_279 = arith.constant 8192 : i32
      %dma_wait3A_280 = tpu.memref_slice %arg29[%dma_wait3A_279] : memref<10240xf32, #tpu.memory_space<vmem>> -> memref<512xf32, #tpu.memory_space<vmem>>
      tpu.wait_dma2 semaphore(%run_scoped3A : memref<!tpu.dma_semaphore, #tpu.memory_space<semaphore_mem>>) src(%dma_wait3A_280 : memref<512xf32, #tpu.memory_space<vmem>>) dst(%dma_wait3A_278 : memref<512xf32, #tpu.memory_space<hbm>>)
      tpu.yield
    }) : () -> ()
    %mul3A_258 = arith.constant 512 : i32
    %mul3A_259 = arith.muli %add3A, %mul3A_258 : i32
    %add3A_260 = arith.constant 278528 : i32
    %add3A_261 = arith.addi %add3A_260, %mul3A_259 : i32
    "tpu.region"() ({
      %run_scoped3A = tpu.sem_alloc : memref<!tpu.dma_semaphore, #tpu.memory_space<semaphore_mem>>
      %dma_start3A_270 = arith.constant 8704 : i32
      %dma_start3A_271 = tpu.memref_slice %arg29[%dma_start3A_270] : memref<10240xf32, #tpu.memory_space<vmem>> -> memref<512xf32, #tpu.memory_space<vmem>>
      %dma_start3A_272 = tpu.memref_slice %arg8[%add3A_261] : memref<327680xf32, #tpu.memory_space<hbm>> -> memref<512xf32, #tpu.memory_space<hbm>>
      %dma_start3A_273 = tpu.memref_slice %arg8[%add3A_261] : memref<327680xf32, #tpu.memory_space<hbm>> -> memref<512xf32, #tpu.memory_space<hbm>>
      %dma_start3A_274 = arith.constant 8704 : i32
      %dma_start3A_275 = tpu.memref_slice %arg29[%dma_start3A_274] : memref<10240xf32, #tpu.memory_space<vmem>> -> memref<512xf32, #tpu.memory_space<vmem>>
      tpu.enqueue_dma source(%dma_start3A_275 : memref<512xf32, #tpu.memory_space<vmem>>) target(%dma_start3A_273 : memref<512xf32, #tpu.memory_space<hbm>>) target_semaphore(%run_scoped3A : memref<!tpu.dma_semaphore, #tpu.memory_space<semaphore_mem>>)
      %dma_wait3A = arith.constant 8704 : i32
      %dma_wait3A_276 = tpu.memref_slice %arg29[%dma_wait3A] : memref<10240xf32, #tpu.memory_space<vmem>> -> memref<512xf32, #tpu.memory_space<vmem>>
      %dma_wait3A_277 = tpu.memref_slice %arg8[%add3A_261] : memref<327680xf32, #tpu.memory_space<hbm>> -> memref<512xf32, #tpu.memory_space<hbm>>
      %dma_wait3A_278 = tpu.memref_slice %arg8[%add3A_261] : memref<327680xf32, #tpu.memory_space<hbm>> -> memref<512xf32, #tpu.memory_space<hbm>>
      %dma_wait3A_279 = arith.constant 8704 : i32
      %dma_wait3A_280 = tpu.memref_slice %arg29[%dma_wait3A_279] : memref<10240xf32, #tpu.memory_space<vmem>> -> memref<512xf32, #tpu.memory_space<vmem>>
      tpu.wait_dma2 semaphore(%run_scoped3A : memref<!tpu.dma_semaphore, #tpu.memory_space<semaphore_mem>>) src(%dma_wait3A_280 : memref<512xf32, #tpu.memory_space<vmem>>) dst(%dma_wait3A_278 : memref<512xf32, #tpu.memory_space<hbm>>)
      tpu.yield
    }) : () -> ()
    %mul3A_262 = arith.constant 512 : i32
    %mul3A_263 = arith.muli %add3A, %mul3A_262 : i32
    %add3A_264 = arith.constant 294912 : i32
    %add3A_265 = arith.addi %add3A_264, %mul3A_263 : i32
    "tpu.region"() ({
      %run_scoped3A = tpu.sem_alloc : memref<!tpu.dma_semaphore, #tpu.memory_space<semaphore_mem>>
      %dma_start3A_270 = arith.constant 9216 : i32
      %dma_start3A_271 = tpu.memref_slice %arg29[%dma_start3A_270] : memref<10240xf32, #tpu.memory_space<vmem>> -> memref<512xf32, #tpu.memory_space<vmem>>
      %dma_start3A_272 = tpu.memref_slice %arg8[%add3A_265] : memref<327680xf32, #tpu.memory_space<hbm>> -> memref<512xf32, #tpu.memory_space<hbm>>
      %dma_start3A_273 = tpu.memref_slice %arg8[%add3A_265] : memref<327680xf32, #tpu.memory_space<hbm>> -> memref<512xf32, #tpu.memory_space<hbm>>
      %dma_start3A_274 = arith.constant 9216 : i32
      %dma_start3A_275 = tpu.memref_slice %arg29[%dma_start3A_274] : memref<10240xf32, #tpu.memory_space<vmem>> -> memref<512xf32, #tpu.memory_space<vmem>>
      tpu.enqueue_dma source(%dma_start3A_275 : memref<512xf32, #tpu.memory_space<vmem>>) target(%dma_start3A_273 : memref<512xf32, #tpu.memory_space<hbm>>) target_semaphore(%run_scoped3A : memref<!tpu.dma_semaphore, #tpu.memory_space<semaphore_mem>>)
      %dma_wait3A = arith.constant 9216 : i32
      %dma_wait3A_276 = tpu.memref_slice %arg29[%dma_wait3A] : memref<10240xf32, #tpu.memory_space<vmem>> -> memref<512xf32, #tpu.memory_space<vmem>>
      %dma_wait3A_277 = tpu.memref_slice %arg8[%add3A_265] : memref<327680xf32, #tpu.memory_space<hbm>> -> memref<512xf32, #tpu.memory_space<hbm>>
      %dma_wait3A_278 = tpu.memref_slice %arg8[%add3A_265] : memref<327680xf32, #tpu.memory_space<hbm>> -> memref<512xf32, #tpu.memory_space<hbm>>
      %dma_wait3A_279 = arith.constant 9216 : i32
      %dma_wait3A_280 = tpu.memref_slice %arg29[%dma_wait3A_279] : memref<10240xf32, #tpu.memory_space<vmem>> -> memref<512xf32, #tpu.memory_space<vmem>>
      tpu.wait_dma2 semaphore(%run_scoped3A : memref<!tpu.dma_semaphore, #tpu.memory_space<semaphore_mem>>) src(%dma_wait3A_280 : memref<512xf32, #tpu.memory_space<vmem>>) dst(%dma_wait3A_278 : memref<512xf32, #tpu.memory_space<hbm>>)
      tpu.yield
    }) : () -> ()
    %mul3A_266 = arith.constant 512 : i32
    %mul3A_267 = arith.muli %add3A, %mul3A_266 : i32
    %add3A_268 = arith.constant 311296 : i32
    %add3A_269 = arith.addi %add3A_268, %mul3A_267 : i32
    "tpu.region"() ({
      %run_scoped3A = tpu.sem_alloc : memref<!tpu.dma_semaphore, #tpu.memory_space<semaphore_mem>>
      %dma_start3A_270 = arith.constant 9728 : i32
      %dma_start3A_271 = tpu.memref_slice %arg29[%dma_start3A_270] : memref<10240xf32, #tpu.memory_space<vmem>> -> memref<512xf32, #tpu.memory_space<vmem>>
      %dma_start3A_272 = tpu.memref_slice %arg8[%add3A_269] : memref<327680xf32, #tpu.memory_space<hbm>> -> memref<512xf32, #tpu.memory_space<hbm>>
      %dma_start3A_273 = tpu.memref_slice %arg8[%add3A_269] : memref<327680xf32, #tpu.memory_space<hbm>> -> memref<512xf32, #tpu.memory_space<hbm>>
      %dma_start3A_274 = arith.constant 9728 : i32
      %dma_start3A_275 = tpu.memref_slice %arg29[%dma_start3A_274] : memref<10240xf32, #tpu.memory_space<vmem>> -> memref<512xf32, #tpu.memory_space<vmem>>
      tpu.enqueue_dma source(%dma_start3A_275 : memref<512xf32, #tpu.memory_space<vmem>>) target(%dma_start3A_273 : memref<512xf32, #tpu.memory_space<hbm>>) target_semaphore(%run_scoped3A : memref<!tpu.dma_semaphore, #tpu.memory_space<semaphore_mem>>)
      %dma_wait3A = arith.constant 9728 : i32
      %dma_wait3A_276 = tpu.memref_slice %arg29[%dma_wait3A] : memref<10240xf32, #tpu.memory_space<vmem>> -> memref<512xf32, #tpu.memory_space<vmem>>
      %dma_wait3A_277 = tpu.memref_slice %arg8[%add3A_269] : memref<327680xf32, #tpu.memory_space<hbm>> -> memref<512xf32, #tpu.memory_space<hbm>>
      %dma_wait3A_278 = tpu.memref_slice %arg8[%add3A_269] : memref<327680xf32, #tpu.memory_space<hbm>> -> memref<512xf32, #tpu.memory_space<hbm>>
      %dma_wait3A_279 = arith.constant 9728 : i32
      %dma_wait3A_280 = tpu.memref_slice %arg29[%dma_wait3A_279] : memref<10240xf32, #tpu.memory_space<vmem>> -> memref<512xf32, #tpu.memory_space<vmem>>
      tpu.wait_dma2 semaphore(%run_scoped3A : memref<!tpu.dma_semaphore, #tpu.memory_space<semaphore_mem>>) src(%dma_wait3A_280 : memref<512xf32, #tpu.memory_space<vmem>>) dst(%dma_wait3A_278 : memref<512xf32, #tpu.memory_space<hbm>>)
      tpu.yield
    }) : () -> ()
    return
  }
}

</mosaic_0001>

<sc_bundles>
// kernel: kernel.3.cloned.1.call-start
scs
__scs_entry_jumppad:
0x0: {  	(pc) =	sbr.rel $0x88, $3  }
0x1: {  	(tag) =	ssettag $0x0;
	lr =	simm.s32 $0x1  }
0x2: {  	[smem:$0x3F9C] =	sst lr;
	_ =	strace $0xD0000000  }
0x3: {  	_ = 	snop  }
0x4: {  	_ = 	snop  }
0x5: {  	_ = 	snop  }
0x6: {  	_ = 	snop  }
0x7: {  	_ = 	snop  }
__scs_overlays_trampoline_lowered:
0x8: {  	[smem:$0x3FAB] =	sst s0  }
0x9: {  	[smem:$0x3FAC] =	sst s1  }
0xa: {  	[smem:$0x3FAD] =	sst s2  }
0xb: {  	[smem:$0x3FAE] =	sst s3  }
0xc: {  	[smem:$0x3FAF] =	sst s4  }
0xd: {  	[smem:$0x3FB0] =	sst s5  }
0xe: {  	[smem:$0x3FB1] =	sst s6  }
0xf: {  	[smem:$0x3FB2] =	sst s7  }
0x10: {  	[smem:$0x3FB3] =	sst s8  }
0x11: {  	[smem:$0x3FB4] =	sst s9;
	s0 =	simm.s32 @!p0 $0x0  }
0x12: {  	s1 =	sld [smem:$0x3F9A];
	s0 =	simm.s32 @p0 $0x1  }
0x13: {  	[smem:$0x3FB5] =	sst s0;
	s0 =	simm.s32 @!p1 $0x0  }
0x14: {  	s2 =	sld [smem:$0x3F99];
	s0 =	simm.s32 @p1 $0x1  }
0x15: {  	[smem:$0x3FB6] =	sst s0;
	s0 =	simm.s32 @!p2 $0x0  }
0x16: {  	s3 =	sld [smem:$0x3FDB];
	s0 =	simm.s32 @p2 $0x1  }
0x17: {  	s4 =	simm.s32 $0x1BF5;
	[smem:$0x3FB8] =	sst s0  }
0x18: {  	s0 =	sld [smem:$0x3F9B];
	_ =	swait.ge [sflag:s4], $0x0  }
0x19: {  	s7 =	sld [smem:$0x3F9C]  }
0x1a: {  	s8 =	sadd.s32 $0xFFFFE003, lr  }
0x1b: {  	s9 =	sadd.s32 $0xFFFFFEF7, lr;
	s5 =	simm.s32 $0xFFFFFFFF;
	p2 =	slt.u32 s8, $0xFFFFF086  }
0x1c: {  	p1 =	slt.u32 s9, $0xF7A;
	s5 =	simm.s32 @!p2 $0x0  }
0x1d: {  	s5 =	simm.s32 @p1 $0x1;
	p0 =	seq.s32 s7, s2  }
0x1e: {  	s7 =	smul.u32 @!p0 $0xF7A, s2;
	p2 =	seq.s32 @!p0 s5, $0x0  }
0x1f: {  	s9 =	smul.u32 $0xF7A, s1;
	s8 =	simm.s32 @!p0 $0x1BF5;
	p2 =	por !p2, p0  }
0x20: {  	[sflag:s8] =	ssyncset.s32 @!p0 $0xFFFFF086;
	s6 =	sadd.s32 @!p0 s3, s7;
	s7 =	simm.s32 @!p0 $0x108  }
0x21: {  	s3 =	sadd.s32 s3, s9;
	s6 =	sadd.s32 @!p0 $0x88, s6;
	s7 =	simm.s32 @p2 $0x1082  }
0x22: {  	[simem:s7], [sflag:s8] =	dma.local @!p0 [hbm:s6], $0xF7A  }
0x23: {  	s9 =	sor.u32 $0xD0000000, s2;
	s6 =	simm.s32 $0x108;
	_ =	swait.ge @!p0 [sflag:s8], $0x0  }
0x24: {  	s3 =	sadd.s32 $0x88, s3;
	s6 =	simm.s32 @!p1 $0x1082;
	[sflag:s4] =	ssyncset.s32 $0xFFFFF086  }
0x25: {  	[simem:s6], [sflag:s4] =	dma.local [hbm:s3], $0xF7A  }
0x26: {  	[smem:$0x3F9C] =	sst s1;
	(tag) =	ssettag s2;
	_ =	strace s9  }
0x27: {  	s1 =	sld [smem:$0x3FAC]  }
0x28: {  	s2 =	sld [smem:$0x3FAD]  }
0x29: {  	s4 =	sld [smem:$0x3FAF]  }
0x2a: {  	p0 =	seq.s32 s5, $0x0;
	s5 =	sld [smem:$0x3FB0]  }
0x2b: {  	s6 =	sld [smem:$0x3FB1]  }
0x2c: {  	s7 =	sld [smem:$0x3FB2]  }
0x2d: {  	s3 =	simm.s32 $0x108;
	s8 =	sld [smem:$0x3FB3]  }
0x2e: {  	s3 =	simm.s32 @!p0 $0x1082;
	s9 =	sld [smem:$0x3FB4]  }
0x2f: {  	lr =	sadd.s32 s0, s3;
	s0 =	sld [smem:$0x3FAB]  }
0x30: {  	s3 =	sld [smem:$0x3FAE]  }
0x31: {  	[smem:$0x3FB7] =	sst s10  }
0x32: {  	s10 =	sld [smem:$0x3FB5];
	_ =	sdelay $0x3  }
0x33: {  	p0 =	seq.s32 s10, $0x1;
	s10 =	sld [smem:$0x3FB7];
	_ =	sdelay $0x3  }
0x34: {  	[smem:$0x3FB7] =	sst s10  }
0x35: {  	s10 =	sld [smem:$0x3FB6];
	_ =	sdelay $0x3  }
0x36: {  	p1 =	seq.s32 s10, $0x1;
	s10 =	sld [smem:$0x3FB7];
	_ =	sdelay $0x3  }
0x37: {  	[smem:$0x3FB7] =	sst s10  }
0x38: {  	s10 =	sld [smem:$0x3FB8]  }
0x39: {  	_ = 	snop;
	(pc) =	sbr.ind lr, $3  }
0x3a: {  	_ = 	snop  }
0x3b: {  	_ = 	snop  }
0x3c: {  	p2 =	seq.s32 s10, $0x1;
	s10 =	sld [smem:$0x3FB7]  }
0x3d: {  	_ =	shalt  }
0x3e: {  	_ =	shalt  }
0x3f: {  	_ =	shalt  }
0x40: {  	_ =	shalt  }
0x41: {  	_ =	shalt  }
0x42: {  	_ =	shalt  }
0x43: {  	_ =	shalt  }
0x44: {  	_ =	shalt  }
0x45: {  	_ =	shalt  }
0x46: {  	_ =	shalt  }
0x47: {  	_ =	shalt  }
0x48: {  	_ =	shalt  }
0x49: {  	_ =	shalt  }
0x4a: {  	_ =	shalt  }
0x4b: {  	_ =	shalt  }
0x4c: {  	_ =	shalt  }
0x4d: {  	_ =	shalt  }
0x4e: {  	_ =	shalt  }
0x4f: {  	_ =	shalt  }
0x50: {  	_ =	shalt  }
0x51: {  	_ =	shalt  }
0x52: {  	_ =	shalt  }
0x53: {  	_ =	shalt  }
0x54: {  	_ =	shalt  }
0x55: {  	_ =	shalt  }
0x56: {  	_ =	shalt  }
0x57: {  	_ =	shalt  }
0x58: {  	_ =	shalt  }
0x59: {  	_ =	shalt  }
0x5a: {  	_ =	shalt  }
0x5b: {  	_ =	shalt  }
0x5c: {  	_ =	shalt  }
0x5d: {  	_ =	shalt  }
0x5e: {  	_ =	shalt  }
0x5f: {  	_ =	shalt  }
0x60: {  	_ =	shalt  }
0x61: {  	_ =	shalt  }
0x62: {  	_ =	shalt  }
0x63: {  	_ =	shalt  }
0x64: {  	_ =	shalt  }
0x65: {  	_ =	shalt  }
0x66: {  	_ =	shalt  }
0x67: {  	_ =	shalt  }
0x68: {  	_ =	shalt  }
0x69: {  	_ =	shalt  }
0x6a: {  	_ =	shalt  }
0x6b: {  	_ =	shalt  }
0x6c: {  	_ =	shalt  }
0x6d: {  	_ =	shalt  }
0x6e: {  	_ =	shalt  }
0x6f: {  	_ =	shalt  }
0x70: {  	_ =	shalt  }
0x71: {  	_ =	shalt  }
0x72: {  	_ =	shalt  }
0x73: {  	_ =	shalt  }
0x74: {  	_ =	shalt  }
0x75: {  	_ =	shalt  }
0x76: {  	_ =	shalt  }
0x77: {  	_ =	shalt  }
0x78: {  	_ =	shalt  }
0x79: {  	_ =	shalt  }
0x7a: {  	_ =	shalt  }
0x7b: {  	_ =	shalt  }
0x7c: {  	_ =	shalt  }
0x7d: {  	_ =	shalt  }
0x7e: {  	_ =	shalt  }
0x7f: {  	_ =	shalt  }
0x80: {  	_ =	shalt  }
0x81: {  	_ =	shalt  }
0x82: {  	_ =	shalt  }
0x83: {  	_ =	shalt  }
0x84: {  	_ =	shalt  }
0x85: {  	_ =	shalt  }
0x86: {  	_ =	shalt  }
0x87: {  	_ =	shalt  }
.Lfunc_end0:
.L_simem_size_0:
called_computation_lowered:
.L_overlay_start_0:
0x88: {  	s2 =	sld [smem:$0x3FD9]  }
0x89: {  	s3 =	sld [smem:$0x3FFE];
	_ =	sdelay $0x1  }
0x8a: {  	s1 =	srdreg.scid  }
0x8b: {  	s0 =	sand.u32 $0x1, s1  }
0x8c: {  	s14 =	sshll.u32 s0, $0xA;
	s2 =	sadd.s32 s3, s2  }
0x8d: {  	s2 =	sadd.s32 s2, s14  }
0x8e: {  	[smem:$0x3FC3] =	sst s2  }
0x8f: {  	_ = 	snop  }
0x90: {  	s2 =	sld [smem:$0x3FD0];
	_ =	sdelay $0x1  }
0x91: {  	s15 =	sld [smem:$0x3FC9]  }
0x92: {  	s5 =	simm.s32 $0xA;
	s6 =	simm.s32 $0x10;
	s4 =	sld [smem:$0x3FC8]  }
0x93: {  	[smem:s6], [sflag:s5] =	dma.local [hbm:s2], $0x1  }
0x94: {  	_ =	swait.eq [sflag:s5], $0x1  }
0x95: {  	[sflag:s5] =	ssyncset.done $0x0  }
0x96: {  	s16 =	sld [smem:$0x10];
	[sflag:s5] =	ssyncadd.s32 $0xFFFFFFFF  }
0x97: {  	s17 =	sld [smem:$0x11];
	(tm) =	ssettm $0x1  }
0x98: {  	s18 =	sld [smem:$0x3FFB];
	_ =	sdelay $0x3  }
0x99: {  	_ =	strace s18  }
0x9a: {  	s6 =	sld [smem:$0x3FFC];
	_ =	sdelay $0x3  }
0x9b: {  	_ =	strace s6  }
0x9c: {  	s6 =	sld [smem:$0x3FFD];
	_ =	sdelay $0x3  }
0x9d: {  	_ =	strace s6  }
0x9e: {  	_ =	strace $0x8FFFFFFF  }
0x9f: {  	s19 =	sld [smem:$0x3FDB];
	_ =	sdelay $0x1  }
0xa0: {  	s7 =	simm.s32 $_scs_section_size  }
0xa1: {  	s8 =	simm.s32 $_size__tile_overlayer_lowered;
	s9 =	simm.s32 $_tile_overlayer_lowered  }
0xa2: {  	s22 =	simm.s32 $0x1BFF;
	s21 =	sshll.u32 s9, $0x1;
	s6 =	sadd.s32 s7, s19  }
0xa3: {  	s10 =	simm.s32 $0x0;
	s20 =	sshll.u32 s8, $0x1;
	s8 =	sadd.s32 s21, s6  }
0xa4: {  	[timem:s10], [sflag:s22] =	dma.local [hbm:s8], s20  }
0xa5: {  	_ =	swait.ge [sflag:s22], s20  }
0xa6: {  	s7 =	ssub.s32 $0x0, s20;
	[sflag:s22] =	ssyncset.done $0x0  }
0xa7: {  	[sflag:s22] =	ssyncadd.s32 s7;
	_ =	sdelay $0x1  }
0xa8: {  	s23 =	simm.s32 $0x1B8B  }
0xa9: {  	_ =	swait.ge [sflag:s23], $0x1  }
0xaa: {  	[sflag:s23] =	ssyncset.done $0x0  }
0xab: {  	s25 =	simm.s32 $0x1B8E;
	s24 =	sld [smem:$0x3FFE];
	[sflag:s23] =	ssyncadd.s32 $0xFFFFFFFF  }
0xac: {  	s26 =	simm.s32 $execute0_lowered;
	[smem:$0x3FD2] =	sst s25  }
0xad: {  	s8 =	sshll.u32 s26, $0x1;
	_ =	strace $0x80000046;
	[dreg:$0x1] =	wrdreg $0xFFFFFFFF  }
0xae: {  	s28 =	simm.s32 $_size_execute0_lowered;
	s6 =	sadd.s32 s6, s8;
	[dreg:$0x0] =	wrdreg $0x0  }
0xaf: {  	s8 =	sshll.u32 s28, $0x1;
	[dreg:$0x2] =	wrdreg s6  }
0xb0: {  	[dreg:$0x3] =	wrdreg s8  }
0xb1: {  	[dreg:$0x4] =	wrdreg $0xC0  }
0xb2: {  	_ =	task [dreg:s10], $0x5FFFF  }
0xb3: {  	[dreg:$0x1] =	wrdreg $0xFFFFFFFF  }
0xb4: {  	[dreg:$0x0] =	wrdreg $0x60  }
0xb5: {  	[dreg:$0x2] =	wrdreg s15  }
0xb6: {  	[dreg:$0x3] =	wrdreg s4  }
0xb7: {  	[dreg:$0x4] =	wrdreg s17  }
0xb8: {  	[dreg:$0x5] =	wrdreg s24  }
0xb9: {  	[dreg:$0x6] =	wrdreg s16  }
0xba: {  	[dreg:$0x7] =	wrdreg $0x9  }
0xbb: {  	_ =	task.clear_ibuf [dreg:s10], $0x8FFFF;
	_ =	strace $0x90000046  }
0xbc: {  	s29 =	simm.s32 $0x9;
	_ =	strace $0x80000048  }
0xbd: {  	_ =	swait.ge [sflag:s29], $0x1  }
0xbe: {  	[sflag:s29] =	ssyncadd.s32 $0xFFFFFFFF  }
0xbf: {  	_ =	strace $0x90000048  }
0xc0: {  	_ =	sfence  }
0xc1: {  	s30 =	sld [smem:$0x0];
	_ =	sdelay $0x2  }
0xc2: {  	s31 =	sshll.u32 s1, $0xD;
	s1 =	sshrl.u32 s1, $0x2  }
0xc3: {  	s3 =	sand.u32 $0x4000, s31;
	s1 =	sadd.s32 s1, s30  }
0xc4: {  	s0 =	sor.u32 s3, s0;
	s1 =	sshll.u32 s1, $0x11  }
0xc5: {  	s0 =	sor.u32 s1, s0  }
0xc6: {  	s0 =	sadd.s32 $0x8F2B, s0  }
0xc7: {  	[sflag:s0] =	ssyncadd.remote.s32 $0x1  }
0xc8: {  	_ =	sfence.sel $0xFFFF  }
0xc9: {  	[dreg:$0x0] =	wrdreg $0xFFFFFFFF;
	(pc) =	sbr.abs _section_cstart, $3  }
0xca: {  	[dreg:$0x1] =	wrdreg $0xFFFFFFFF  }
0xcb: {  	_ =	task.clear_ibuf [dreg:s10], $0x2FFFF;
	_ =	strace $0x9FFFFFFF  }
0xcc: {  	(tm) =	ssettm $0x7FFFFFFF  }
0xcd: {  	_ =	shalt  }
tec
execute0_lowered:
.L_overlay_start_1:
0x0: {  	(tag) =	ssettag $0x1  }
0x1: {  	s0 =	rddreg [dreg:$0x0]  }
0x2: {  	s1 =	rddreg [dreg:$0x1]  }
0x3: {  	s5 =	rddreg [dreg:$0x2]  }
0x4: {  	s3 =	srdreg.scid;
	s8 =	stileid.u32  }
0x5: {  	s6 =	rddreg [dreg:$0x3];
	s4 =	sand.u32 $0x1, s3;
	s8 =	sshll.u32 s8, $0x1  }
0x6: {  	s7 =	rddreg [dreg:$0x4];
	s2 =	simm.s32 $0x0;
	s8 =	sor.u32 s4, s8  }
0x7: {  	[smem:$0x7FF] =	sst s2;
	s3 =	sadd.s32 $0xF42E00, s6;
	s10 =	sshll.u32 s8, $0x6  }
0x8: {  	_ =	strace $0x80000047;
	s9 =	ssub.s32 $0x2, s4;
	s0 =	sadd.s32 s0, s10  }
0x9: {  	s8 =	smul.u32 $0x500, s8;
	s26 =	sadd.s32 s1, s10;
	[dreg:$0x6] =	wrdreg s0  }
0xa: {  	s4 =	sadd.s32 $0x16E4000, s6;
	s1 =	sadd.s32 s7, s10;
	[dreg:$0x7] =	wrdreg s26  }
0xb: {  	s6 =	sadd.s32 s10, s6;
	s30 =	sadd.s32 s5, s8;
	[dreg:$0x9] =	wrdreg s1  }
0xc: {  	s5 =	sadd.s32 $0xA00, s6;
	[dreg:$0x8] =	wrdreg s30  }
0xd: {  	v1 =	vimm.s32 $0x5C483420;
	v2 =	vimm.s32 $0x2C180470;
	s7 =	sadd.s32 $0x1200, s6;
	[dreg:$0xa] =	wrdreg s5  }
0xe: {  	v3 =	vimm.s32 $0x3C281400;
	v4 =	vimm.s32 $0xC786450;
	v1 =	vunpack.c.0.s8.s32 v1;
	s8 =	sadd.s32 $0x1A00, s6;
	[dreg:$0xb] =	wrdreg s7  }
0xf: {  	v5 =	vunpack.c.0.s8.s32 v2;
	v3 =	vunpack.c.0.s8.s32 v3;
	v4 =	vunpack.c.0.s8.s32 v4;
	s11 =	sshrl.u32 s9, $0x1;
	s10 =	sadd.s32 $0x2200, s6;
	[dreg:$0xc] =	wrdreg s8  }
0x10: {  	vm0 =	vcmask $0x1F10;
	s9 =	ssub.s32 s9, s11;
	s11 =	sadd.s32 $0x2A00, s6;
	[dreg:$0xd] =	wrdreg s10  }
0x11: {  	v0 =	vlaneseq.u32;
	v1 =	vsel vm0, v5, v1;
	v3 =	vsel vm0, v4, v3;
	s12 =	sadd.s32 $0x3200, s6;
	[dreg:$0xe] =	wrdreg s11  }
0x12: {  	v21 =	vmul.u32 $0xA00, v0;
	v1 =	vcombine.low v3, v1;
	s13 =	sadd.s32 $0x3A00, s6;
	[dreg:$0xf] =	wrdreg s12  }
0x13: {  	s14 =	sadd.s32 $0x4200, s6;
	[dreg:$0x10] =	wrdreg s13  }
0x14: {  	s15 =	sadd.s32 $0x4A00, s6;
	[dreg:$0x11] =	wrdreg s14;
	[tilespmem:$0x1FED0] =	vst v1;
	v1 =	vor.u32 $0x80, v21  }
0x15: {  	s16 =	sadd.s32 $0x5200, s6;
	[dreg:$0x12] =	wrdreg s15;
	[tilespmem:$0x1FEE0] =	vst v1;
	v1 =	vor.u32 $0x100, v21  }
0x16: {  	s17 =	sadd.s32 $0x5A00, s6;
	[dreg:$0x13] =	wrdreg s16;
	[tilespmem:$0x1FEF0] =	vst v1;
	v1 =	vor.u32 $0x180, v21  }
0x17: {  	s18 =	sadd.s32 $0x6200, s6;
	[dreg:$0x14] =	wrdreg s17;
	[tilespmem:$0x1FF00] =	vst v1;
	v1 =	vadd.s32 $0x200, v21  }
0x18: {  	s19 =	sadd.s32 $0x6A00, s6;
	[dreg:$0x15] =	wrdreg s18;
	[tilespmem:$0x1FF10] =	vst v1;
	v1 =	vadd.s32 $0x280, v21  }
0x19: {  	s20 =	sadd.s32 $0x7200, s6;
	[dreg:$0x16] =	wrdreg s19;
	[tilespmem:$0x1FF20] =	vst v1;
	v1 =	vadd.s32 $0x300, v21  }
0x1a: {  	s21 =	sadd.s32 $0x7A00, s6;
	[dreg:$0x17] =	wrdreg s20;
	[tilespmem:$0x1FF30] =	vst v1;
	v1 =	vadd.s32 $0x380, v21  }
0x1b: {  	s22 =	sadd.s32 $0x8200, s6;
	[dreg:$0x18] =	wrdreg s21;
	[tilespmem:$0x1FF40] =	vst v1;
	v1 =	vadd.s32 $0x400, v21  }
0x1c: {  	s31 =	simm.s32 $0x3;
	s23 =	sadd.s32 $0x8A00, s6;
	[dreg:$0x19] =	wrdreg s22;
	[tilespmem:$0x1FF50] =	vst v1;
	v1 =	vadd.s32 $0x500, v21  }
0x1d: {  	s28 =	simm.s32 $0x1;
	s24 =	sadd.s32 $0x9200, s6;
	[dreg:$0x1a] =	wrdreg s23;
	[tilespmem:$0x1FF60] =	vst v1;
	v1 =	vadd.s32 $0x580, v21  }
0x1e: {  	s29 =	simm.s32 $0x2;
	s25 =	sadd.s32 $0x9A00, s6;
	[dreg:$0x1b] =	wrdreg s24;
	[tilespmem:$0x1FF70] =	vst v1;
	v1 =	vadd.s32 $0x600, v21  }
0x1f: {  	s26 =	sadd.s32 $0xA200, s6;
	s1 =	simm.s32 $0x400;
	[dreg:$0x1c] =	wrdreg s25;
	[tilespmem:$0x1FF80] =	vst v1;
	v1 =	vadd.s32 $0x680, v21  }
0x20: {  	s0 =	simm.s32 $0x10;
	s6 =	simm.s32 $0x3100;
	[dreg:$0x1d] =	wrdreg s26;
	[tilespmem:$0x1FF90] =	vst v1;
	v1 =	vadd.s32 $0x700, v21  }
0x21: {  	s30 =	smax.u32 s9, $0x1;
	s8 =	simm.s32 $0x3900;
	s9 =	simm.s32 $0x80;
	[tilespmem:$0x1FFA0] =	vst v1;
	v1 =	vadd.s32 $0x780, v21  }
0x22: {  	s11 =	simm.s32 $0x4100;
	s14 =	simm.s32 $0x40;
	s17 =	simm.s32 $0x2E80;
	[tilespmem:$0x1FFB0] =	vst v1;
	v1 =	vadd.s32 $0x800, v21  }
0x23: {  	s18 =	simm.s32 $0xE100;
	s19 =	simm.s32 $0x2F00;
	s20 =	simm.s32 $0xE900;
	[tilespmem:$0x1FFC0] =	vst v1;
	v1 =	vadd.s32 $0x880, v21  }
0x24: {  	s21 =	simm.s32 $0x2F80;
	s22 =	simm.s32 $0xF100;
	s23 =	simm.s32 $0x3000;
	[tilespmem:$0x1FFD0] =	vst v1;
	v1 =	vadd.s32 $0x900, v21  }
0x25: {  	s24 =	simm.s32 $0x13100;
	s25 =	simm.s32 $0x3080;
	s26 =	simm.s32 $0x17100;
	[tilespmem:$0x1FFE0] =	vst v1;
	v1 =	vadd.s32 $0x980, v21  }
0x26: {  	v2 =	vmul.u32 $0x14, v0;
	v4 =	vmul.u32 $0x80, v0;
	v22 =	vadd.s32 $0x480, v21;
	s7 =	simm.s32 $0x0;
	s16 =	simm.s32 $0x0;
	[dreg:$0x1e] =	wrdreg s30;
	[tilespmem:$0x1FFF0] =	vst v1  }
.LBB2_1:
0x27: {  	[dreg:$0x1f] =	wrdreg s7  }
0x28: {  	s5 =	rddreg [dreg:$0x6]  }
0x29: {  	[tilespmem:s2], [sflag:$0x3] =	stream.linear.gather [hbm4b:s5+s2], $0x200, $0x38;
	[tilespmem:$0x1BB00] =	vst v63  }
0x2a: {  	_ =	swait.ge [sflag:s31], $0x200  }
0x2b: {  	[sflag:s31] =	ssyncset.done $0x0  }
0x2c: {  	s10 =	simm.s32 $0x200;
	s7 =	rddreg [dreg:$0x7];
	[sflag:s31] =	ssyncadd.s32 $0xFFFFFE00  }
0x2d: {  	[tilespmem:s10], [sflag:$0x3] =	stream.linear.gather [hbm4b:s7+s2], $0x200, $0x38;
	[tilespmem:$0x1BB00] =	vst v63  }
0x2e: {  	_ =	swait.ge [sflag:s31], $0x200  }
0x2f: {  	[sflag:s31] =	ssyncset.done $0x0  }
0x30: {  	s12 =	rddreg [dreg:$0x8];
	[sflag:s31] =	ssyncadd.s32 $0xFFFFFE00  }
0x31: {  	[tilespmem:s1], [sflag:$0x3] =	stream.linear.gather [hbm4b:s12+s2], $0x2800, $0x38;
	[tilespmem:$0x1BB00] =	vst v63  }
0x32: {  	_ =	swait.ge [sflag:s31], $0x2800  }
0x33: {  	[sflag:s31] =	ssyncset.done $0x0  }
0x34: {  	[sflag:s31] =	ssyncadd.s32 $0xFFFFD800  }
0x35: {  	v1 =	vld [tilespmem:$0x0]  }
0x36: {  	v3 =	vld [tilespmem:$0x200]  }
0x37: {  	v5 =	vld [tilespmem:$0x400]  }
0x38: {  	v6 =	vld [tilespmem:$0x410]  }
0x39: {  	v7 =	vld [tilespmem:$0x420]  }
0x3a: {  	v8 =	vld [tilespmem:$0x430];
	v1 =	vshra.s32 v1, $0x1  }
0x3b: {  	[tilespmem:$0x2C00] =	vst v1;
	v1 =	vshra.s32 v3, $0x1;
	v3 =	vld [tilespmem:$0x440]  }
0x3c: {  	[tilespmem:$0x2C80] =	vst v1;
	v1 =	vshra.s32 v5, $0x1;
	v5 =	vld [tilespmem:$0x450]  }
0x3d: {  	[tilespmem:$0x2D00] =	vst v1;
	v1 =	vshra.s32 v6, $0x1;
	v6 =	vld [tilespmem:$0x460]  }
0x3e: {  	[tilespmem:$0x2D10] =	vst v1;
	v1 =	vshra.s32 v7, $0x1;
	v7 =	vld [tilespmem:$0x470]  }
0x3f: {  	v61 =	vld [tilespmem:$0x480];
	[tilespmem:$0x2D20] =	vst v1;
	v1 =	vshra.s32 v8, $0x1  }
0x40: {  	[tilespmem:$0x2D30] =	vst v1;
	v1 =	vshra.s32 v3, $0x1;
	v3 =	vld [tilespmem:$0x490]  }
0x41: {  	[tilespmem:$0x2D40] =	vst v1;
	v1 =	vshra.s32 v5, $0x1;
	v5 =	vld [tilespmem:$0x4A0]  }
0x42: {  	[tilespmem:$0x2D50] =	vst v1;
	v1 =	vshra.s32 v6, $0x1;
	v6 =	vld [tilespmem:$0x4B0]  }
0x43: {  	[tilespmem:$0x2D60] =	vst v1;
	v1 =	vshra.s32 v7, $0x1;
	v7 =	vld [tilespmem:$0x4C0]  }
0x44: {  	v62 =	vld [tilespmem:$0x4D0];
	[tilespmem:$0x2D70] =	vst v1;
	v1 =	vshra.s32 v61, $0x1  }
0x45: {  	[tilespmem:$0x2D80] =	vst v1;
	v1 =	vshra.s32 v3, $0x1;
	v3 =	vld [tilespmem:$0x4E0]  }
0x46: {  	[tilespmem:$0x2D90] =	vst v1;
	v1 =	vshra.s32 v5, $0x1;
	v5 =	vld [tilespmem:$0x4F0]  }
0x47: {  	[tilespmem:$0x2DA0] =	vst v1;
	v1 =	vshra.s32 v6, $0x1;
	v6 =	vld [tilespmem:$0x500]  }
0x48: {  	[tilespmem:$0x2DB0] =	vst v1;
	v1 =	vshra.s32 v7, $0x1;
	v7 =	vld [tilespmem:$0x510]  }
0x49: {  	v63 =	vld [tilespmem:$0x520];
	[tilespmem:$0x2DC0] =	vst v1;
	v1 =	vshra.s32 v62, $0x1  }
0x4a: {  	[tilespmem:$0x2DD0] =	vst v1;
	v1 =	vshra.s32 v3, $0x1;
	v3 =	vld [tilespmem:$0x530]  }
0x4b: {  	[tilespmem:$0x2DE0] =	vst v1;
	v1 =	vshra.s32 v5, $0x1  }
0x4c: {  	[tilespmem:$0x2DF0] =	vst v1;
	v1 =	vshra.s32 v6, $0x1  }
0x4d: {  	[tilespmem:$0x2E00] =	vst v1;
	v1 =	vshra.s32 v7, $0x1  }
0x4e: {  	[tilespmem:$0x2E10] =	vst v1;
	v1 =	vshra.s32 v63, $0x1  }
0x4f: {  	[tilespmem:$0x2E20] =	vst v1;
	v1 =	vshra.s32 v3, $0x1  }
0x50: {  	s13 =	simm.s32 $0x2C00;
	[tilespmem:$0x2E30] =	vst v1  }
0x51: {  	[tilespmem:s6], [sflag:$0x1] =	stream.indirect.gather [hbm4b:s3+s0], $0x80, s13, s0, $0xb8;
	[tilespmem:$0x1BB00] =	vst v63  }
0x52: {  	s15 =	simm.s32 $0x2C80  }
0x53: {  	[tilespmem:s8], [sflag:$0x1] =	stream.indirect.gather [hbm4b:s4+s0], $0x80, s15, s0, $0xb8;
	[tilespmem:$0x1BB00] =	vst v63  }
0x54: {  	s7 =	simm.s32 $0x2D00  }
0x55: {  	[tilespmem:s11], [sflag:$0x1] =	stream.indirect.gather [hbm4b:s4+s9], $0x80, s7, s9, $0xb8;
	[tilespmem:$0x1BB00] =	vst v63  }
0x56: {  	s10 =	simm.s32 $0x2D80;
	s12 =	simm.s32 $0x8100  }
0x57: {  	[tilespmem:s12], [sflag:$0x1] =	stream.indirect.gather [hbm4b:s4+s9], $0x80, s10, s9, $0xb8;
	[tilespmem:$0x1BB00] =	vst v63  }
0x58: {  	s30 =	simm.s32 $0x0;
	s13 =	simm.s32 $0x2E00;
	s15 =	simm.s32 $0xC100  }
0x59: {  	[tilespmem:s15], [sflag:$0x1] =	stream.indirect.gather [hbm4b:s4+s14], $0x80, s13, s14, $0xb8;
	[tilespmem:$0x1BB00] =	vst v63  }
.LBB2_2:
0x5a: {  	s7 =	sshllo.u32 s30, $0x1  }
0x5b: {  	s5 =	sshll.u32 s7, $0x4  }
0x5c: {  	v1 =	vld [tilespmem:s5+$0x0];
	_ =	sdelay $0x4  }
0x5d: {  	v1 =	vshra.s32 v1, $0x1  }
0x5e: {  	[tilespmem:$0x2E80] =	vst v1  }
0x5f: {  	v1 =	vld [tilespmem:s5+$0x200];
	_ =	sdelay $0x4  }
0x60: {  	s7 =	smul.u32 $0x140, s7;
	v1 =	vshra.s32 v1, $0x1  }
0x61: {  	[tilespmem:$0x2F00] =	vst v1  }
0x62: {  	v1 =	vld [tilespmem:s7+$0x400];
	_ =	sdelay $0x4  }
0x63: {  	v1 =	vshra.s32 v1, $0x1  }
0x64: {  	s10 =	sor.u32 $0x50, s7;
	[tilespmem:$0x2F80] =	vst v1  }
0x65: {  	v1 =	vld [tilespmem:s10+$0x400];
	_ =	sdelay $0x4  }
0x66: {  	v1 =	vshra.s32 v1, $0x1  }
0x67: {  	s15 =	sor.u32 $0x60, s7;
	[tilespmem:$0x2F90] =	vst v1  }
0x68: {  	v1 =	vld [tilespmem:s15+$0x400];
	_ =	sdelay $0x4  }
0x69: {  	v1 =	vshra.s32 v1, $0x1  }
0x6a: {  	s12 =	sor.u32 $0x70, s7;
	[tilespmem:$0x2FA0] =	vst v1  }
0x6b: {  	v1 =	vld [tilespmem:s12+$0x400];
	_ =	sdelay $0x4  }
0x6c: {  	v1 =	vshra.s32 v1, $0x1  }
0x6d: {  	[tilespmem:$0x2FB0] =	vst v1  }
0x6e: {  	v1 =	vld [tilespmem:s7+$0x440];
	_ =	sdelay $0x4  }
0x6f: {  	v1 =	vshra.s32 v1, $0x1  }
0x70: {  	[tilespmem:$0x2FC0] =	vst v1  }
0x71: {  	v1 =	vld [tilespmem:s7+$0x450];
	_ =	sdelay $0x4  }
0x72: {  	v1 =	vshra.s32 v1, $0x1  }
0x73: {  	[tilespmem:$0x2FD0] =	vst v1  }
0x74: {  	v1 =	vld [tilespmem:s7+$0x460];
	_ =	sdelay $0x4  }
0x75: {  	v1 =	vshra.s32 v1, $0x1  }
0x76: {  	[tilespmem:$0x2FE0] =	vst v1  }
0x77: {  	v1 =	vld [tilespmem:s7+$0x470];
	_ =	sdelay $0x4  }
0x78: {  	v1 =	vshra.s32 v1, $0x1  }
0x79: {  	s13 =	sand.u32 $0x3F80, s7;
	[tilespmem:$0x2FF0] =	vst v1  }
0x7a: {  	v1 =	vld [tilespmem:s13+$0x4C0];
	_ =	sdelay $0x4  }
0x7b: {  	v1 =	vshra.s32 v1, $0x1  }
0x7c: {  	[tilespmem:$0x3000] =	vst v1  }
0x7d: {  	v1 =	vld [tilespmem:s13+$0x4D0];
	_ =	sdelay $0x4  }
0x7e: {  	v1 =	vshra.s32 v1, $0x1  }
0x7f: {  	[tilespmem:$0x3010] =	vst v1  }
0x80: {  	v1 =	vld [tilespmem:s13+$0x4E0];
	_ =	sdelay $0x4  }
0x81: {  	v1 =	vshra.s32 v1, $0x1  }
0x82: {  	[tilespmem:$0x3020] =	vst v1  }
0x83: {  	v1 =	vld [tilespmem:s13+$0x4F0];
	_ =	sdelay $0x4  }
0x84: {  	v1 =	vshra.s32 v1, $0x1  }
0x85: {  	[tilespmem:$0x3030] =	vst v1  }
0x86: {  	v1 =	vld [tilespmem:s7+$0x4C0];
	_ =	sdelay $0x4  }
0x87: {  	v1 =	vshra.s32 v1, $0x1  }
0x88: {  	[tilespmem:$0x3040] =	vst v1  }
0x89: {  	v1 =	vld [tilespmem:s7+$0x4D0];
	_ =	sdelay $0x4  }
0x8a: {  	v1 =	vshra.s32 v1, $0x1  }
0x8b: {  	[tilespmem:$0x3050] =	vst v1  }
0x8c: {  	v1 =	vld [tilespmem:s7+$0x4E0];
	_ =	sdelay $0x4  }
0x8d: {  	v1 =	vshra.s32 v1, $0x1  }
0x8e: {  	[tilespmem:$0x3060] =	vst v1  }
0x8f: {  	v1 =	vld [tilespmem:s7+$0x4F0];
	_ =	sdelay $0x4  }
0x90: {  	v1 =	vshra.s32 v1, $0x1  }
0x91: {  	[tilespmem:$0x3070] =	vst v1  }
0x92: {  	v1 =	vld [tilespmem:s13+$0x540];
	_ =	sdelay $0x4  }
0x93: {  	v1 =	vshra.s32 v1, $0x1  }
0x94: {  	[tilespmem:$0x3080] =	vst v1  }
0x95: {  	v1 =	vld [tilespmem:s13+$0x550];
	_ =	sdelay $0x4  }
0x96: {  	v1 =	vshra.s32 v1, $0x1  }
0x97: {  	[tilespmem:$0x3090] =	vst v1  }
0x98: {  	v1 =	vld [tilespmem:s13+$0x560];
	_ =	sdelay $0x4  }
0x99: {  	v1 =	vshra.s32 v1, $0x1  }
0x9a: {  	[tilespmem:$0x30A0] =	vst v1  }
0x9b: {  	v1 =	vld [tilespmem:s13+$0x570];
	_ =	sdelay $0x4  }
0x9c: {  	v1 =	vshra.s32 v1, $0x1  }
0x9d: {  	[tilespmem:$0x30B0] =	vst v1  }
0x9e: {  	[tilespmem:s18], [sflag:$0x2] =	stream.indirect.gather [hbm4b:s3+s0], $0x80, s17, s0, $0xb8;
	[tilespmem:$0x1BB00] =	vst v63  }
0x9f: {  	_ = 	snop  }
0xa0: {  	[tilespmem:s20], [sflag:$0x2] =	stream.indirect.gather [hbm4b:s4+s0], $0x80, s19, s0, $0xb8;
	[tilespmem:$0x1BB00] =	vst v63  }
0xa1: {  	_ = 	snop  }
0xa2: {  	[tilespmem:s22], [sflag:$0x2] =	stream.indirect.gather [hbm4b:s4+s9], $0x80, s21, s9, $0xb8;
	[tilespmem:$0x1BB00] =	vst v63  }
0xa3: {  	_ = 	snop  }
0xa4: {  	[tilespmem:s24], [sflag:$0x2] =	stream.indirect.gather [hbm4b:s4+s9], $0x80, s23, s9, $0xb8;
	[tilespmem:$0x1BB00] =	vst v63  }
0xa5: {  	_ = 	snop  }
0xa6: {  	[tilespmem:s26], [sflag:$0x2] =	stream.indirect.gather [hbm4b:s4+s14], $0x80, s25, s14, $0xb8;
	[tilespmem:$0x1BB00] =	vst v63  }
0xa7: {  	s10 =	smul.u32 $0x280, s30;
	_ =	swait.ge [sflag:s28], $0x800  }
0xa8: {  	[sflag:s28] =	ssyncset.done $0x0  }
0xa9: {  	s15 =	sor.u32 $0x3, s10;
	[sflag:s28] =	ssyncadd.s32 $0xFFFFF800  }
0xaa: {  	v7 =	vadd.s32 s15, v2;
	s15 =	sor.u32 $0x4, s10;
	_ =	swait.ge [sflag:s28], $0x800  }
0xab: {  	v9 =	vadd.s32 s15, v2;
	s15 =	sor.u32 $0x5, s10;
	[sflag:s28] =	ssyncset.done $0x0  }
0xac: {  	v24 =	vadd.s32 s15, v2;
	s15 =	sor.u32 $0x6, s10;
	[sflag:s28] =	ssyncadd.s32 $0xFFFFF800  }
0xad: {  	v25 =	vadd.s32 s15, v2;
	s13 =	sor.u32 $0x2, s10;
	_ =	swait.ge [sflag:s28], $0xA000  }
0xae: {  	s15 =	sor.u32 $0x7, s10;
	v5 =	vadd.s32 s13, v2;
	v3 =	vld [tilespmem:$0x1FED0]  }
0xaf: {  	v27 =	vadd.s32 s15, v2;
	s15 =	sor.u32 $0x8, s10;
	[sflag:s28] =	ssyncset.done $0x0  }
0xb0: {  	v28 =	vadd.s32 s15, v2;
	s15 =	sor.u32 $0xA, s10;
	s13 =	sor.u32 $0x9, s10;
	v10 =	vld [tilespmem:$0x1FEE0];
	[sflag:s28] =	ssyncadd.s32 $0xFFFF6000  }
0xb1: {  	v26 =	vadd.s32 s13, v2;
	v1 =	vadd.s32 s10, v2;
	v34 =	vld.idx.msk [tilespmem:v24+s1+$0x0], $0xffff;
	v24 =	vadd.s32 s15, v2;
	s15 =	sor.u32 $0xB, s10  }
0xb2: {  	s12 =	sor.u32 $0x1, s10;
	v1 =	vand.u32 $0x7F80, v1;
	v39 =	vld.idx.msk [tilespmem:v25+s1+$0x0], $0xffff;
	v25 =	vadd.s32 s15, v2  }
0xb3: {  	v5 =	vld.idx.msk [tilespmem:v5+s1+$0x0], $0xffff;
	s15 =	sor.u32 $0xD, s10;
	v1 =	vor.u32 v3, v1;
	v3 =	vadd.s32 s12, v2  }
0xb4: {  	s13 =	sor.u32 $0xC, s10;
	v41 =	vld.idx.msk [tilespmem:v27+s1+$0x0], $0xffff;
	v32 =	vadd.s32 s15, v2;
	s15 =	sor.u32 $0xE, s10;
	s12 =	sshll.u32 s30, $0x5  }
0xb5: {  	v30 =	vadd.s32 s13, v2;
	v27 =	vadd.s32 s15, v2;
	s15 =	sor.u32 $0xF, s10;
	v6 =	vld [tilespmem:s12+$0x0]  }
0xb6: {  	v26 =	vld.idx.msk [tilespmem:v26+s1+$0x0], $0xffff;
	v35 =	vadd.s32 s15, v2;
	s15 =	sor.u32 $0x10, s10  }
0xb7: {  	v36 =	vadd.s32 s15, v2;
	s15 =	sor.u32 $0x11, s10;
	v29 =	vld.idx.msk [tilespmem:v25+s1+$0x0], $0xffff  }
0xb8: {  	v25 =	vadd.s32 s15, v2;
	s15 =	sor.u32 $0x12, s10;
	v3 =	vld.idx.msk [tilespmem:v3+s1+$0x0], $0xffff  }
0xb9: {  	v43 =	vld.idx.msk [tilespmem:v28+s1+$0x0], $0xffff;
	v38 =	vadd.s32 s15, v2  }
0xba: {  	v31 =	vld.idx.msk [tilespmem:v30+s1+$0x0], $0xffff;
	s15 =	simm.s32 $0x0;
	v6 =	vshll.u32 v6, $0x6  }
0xbb: {  	v28 =	vld.idx.msk [tilespmem:v24+s1+$0x0], $0xffff;
	v24 =	vshll.u32 v26, $0x6;
	v30 =	vadd.s32 s15, v0;
	v6 =	vand.u32 $0x40, v6  }
0xbc: {  	v26 =	vand.u32 $0x40, v24;
	v24 =	vor.u32 v4, v6;
	v6 =	vand.u32 $0x3F, v30;
	v30 =	vld.idx.msk [tilespmem:v35+s1+$0x0], $0xffff  }
0xbd: {  	v35 =	vor.u32 v22, v26;
	v26 =	vld.idx.msk [tilespmem:v25+s1+$0x0], $0xffff;
	v3 =	vshll.u32 v3, $0x6  }
0xbe: {  	v25 =	vld.idx.msk [tilespmem:v38+s1+$0x0], $0xffff;
	v3 =	vand.u32 $0x40, v3  }
0xbf: {  	v38 =	vor.u32 v10, v3;
	v10 =	vld [tilespmem:$0x1FEF0];
	_ =	sdelay $0x2  }
0xc0: {  	v7 =	vld.idx.msk [tilespmem:v7+s1+$0x0], $0xffff;
	v5 =	vshll.u32 v5, $0x6;
	s10 =	sor.u32 $0x13, s10  }
0xc1: {  	v5 =	vand.u32 $0x40, v5;
	v40 =	vadd.s32 s10, v2  }
0xc2: {  	v45 =	vshll.u32 v39, $0x6;
	v39 =	vor.u32 v10, v5;
	v10 =	vld [tilespmem:$0x1FF00];
	_ =	sdelay $0x2  }
0xc3: {  	v9 =	vld.idx.msk [tilespmem:v9+s1+$0x0], $0xffff;
	v7 =	vshll.u32 v7, $0x6;
	v34 =	vshll.u32 v34, $0x6  }
0xc4: {  	v7 =	vand.u32 $0x40, v7;
	v44 =	vand.u32 $0x40, v34;
	v34 =	vld.idx.msk [tilespmem:v40+s1+$0x0], $0xffff  }
0xc5: {  	v40 =	vor.u32 v10, v7;
	v10 =	vld [tilespmem:$0x1FF10];
	_ =	sdelay $0x2  }
0xc6: {  	v9 =	vshll.u32 v9, $0x6  }
0xc7: {  	v9 =	vand.u32 $0x40, v9;
	v42 =	vor.u32 v6, v24  }
0xc8: {  	v16 =	vshll.u32 v41, $0x6;
	v41 =	vor.u32 v10, v9;
	v10 =	vld [tilespmem:$0x1FF20]  }
0xc9: {  	v8 =	vld [tilespmem:s12+$0x200]  }
0xca: {  	v1 =	vld.idx.msk [tilespmem:v1+s1+$0x0], $0xffff;
	_ =	sdelay $0x1  }
0xcb: {  	v56 =	vld.idx.msk [tilespmem:v42+s6+$0x0], $0xffff  }
0xcc: {  	v42 =	vor.u32 v10, v44;
	v10 =	vld [tilespmem:$0x1FF30]  }
0xcd: {  	v33 =	vld.idx.msk [tilespmem:v32+s1+$0x0], $0xffff;
	v8 =	vshll.u32 v8, $0x6  }
0xce: {  	v32 =	vld.idx.msk [tilespmem:v27+s1+$0x0], $0xffff;
	v8 =	vand.u32 $0x40, v8;
	v1 =	vshll.u32 v1, $0x6  }
0xcf: {  	v27 =	vld.idx.msk [tilespmem:v36+s1+$0x0], $0xffff;
	v36 =	vor.u32 v4, v8;
	v1 =	vand.u32 $0x40, v1  }
0xd0: {  	v45 =	vand.u32 $0x40, v45;
	v37 =	vor.u32 v21, v1;
	v1 =	vor.u32 v6, v36  }
0xd1: {  	v17 =	vshll.u32 v43, $0x6;
	v43 =	vor.u32 v10, v45;
	v10 =	vld [tilespmem:$0x1FF40]  }
0xd2: {  	v3 =	vor.u32 v6, v37  }
0xd3: {  	v5 =	vor.u32 v6, v38  }
0xd4: {  	v9 =	vor.u32 v6, v40  }
0xd5: {  	v46 =	vand.u32 $0x40, v16;
	v1 =	vld.idx.msk [tilespmem:v1+s8+$0x0], $0xffff;
	v47 =	vor.u32 v6, v41  }
0xd6: {  	v8 =	vor.u32 v6, v35;
	v44 =	vor.u32 v10, v46;
	v10 =	vld [tilespmem:$0x1FF50]  }
0xd7: {  	v50 =	vld.idx.msk [tilespmem:v3+s11+$0x0], $0xffff;
	v7 =	vor.u32 v6, v39  }
0xd8: {  	v5 =	vld.idx.msk [tilespmem:v5+s11+$0x0], $0xffff  }
0xd9: {  	v9 =	vld.idx.msk [tilespmem:v9+s11+$0x0], $0xffff;
	v48 =	vor.u32 v6, v42  }
0xda: {  	s13 =	simm.s32 $0x1;
	v3 =	vand.u32 $0x40, v17;
	v55 =	vld.idx.msk [tilespmem:v47+s11+$0x0], $0xffff;
	v49 =	vor.u32 v6, v43  }
0xdb: {  	v8 =	vld.idx.msk [tilespmem:v8+s11+$0x0], $0xffff;
	v51 =	vor.u32 v6, v44;
	v45 =	vor.u32 v10, v3;
	v3 =	vadd.s32 s13, v0  }
0xdc: {  	v52 =	vld.idx.msk [tilespmem:v7+s11+$0x0], $0xffff;
	v6 =	vor.u32 v6, v45;
	v7 =	vand.u32 $0x3F, v3  }
0xdd: {  	v1 =	vmul.f32 v1, v56;
	v18 =	vmul.f32 v50, v56;
	v53 =	vor.u32 v7, v24  }
0xde: {  	v5 =	vmul.f32 v5, v56;
	v9 =	vmul.f32 v9, v56;
	v48 =	vld.idx.msk [tilespmem:v48+s11+$0x0], $0xffff;
	v57 =	vor.u32 v7, v35  }
0xdf: {  	v19 =	vmul.f32 v55, v56;
	v46 =	vimm.f32 $0.0e+00;
	v13 =	vld.idx.msk [tilespmem:v49+s11+$0x0], $0xffff;
	v54 =	vor.u32 v7, v36  }
0xe0: {  	v50 =	vadd.f32 v1, v46;
	v3 =	vmul.f32 v8, v56;
	v14 =	vld.idx.msk [tilespmem:v51+s11+$0x0], $0xffff;
	v8 =	vor.u32 v7, v37  }
0xe1: {  	v10 =	vor.u32 v7, v38;
	v11 =	vor.u32 v7, v39;
	v12 =	vor.u32 v7, v40;
	v6 =	vld.idx.msk [tilespmem:v6+s11+$0x0], $0xffff  }
0xe2: {  	v61 =	vor.u32 v7, v42;
	v60 =	vor.u32 v7, v43;
	v59 =	vor.u32 v7, v44;
	v47 =	vld.idx.msk [tilespmem:v53+s6+$0x0], $0xffff  }
0xe3: {  	v58 =	vor.u32 v7, v45;
	v49 =	vadd.f32 v3, v46;
	v3 =	vor.u32 v7, v41;
	v7 =	vld.idx.msk [tilespmem:v57+s11+$0x0], $0xffff  }
0xe4: {  	s15 =	simm.s32 $0x2;
	v1 =	vmul.f32 v52, v56;
	v52 =	vadd.f32 v5, v46;
	v55 =	vadd.f32 v9, v46;
	v62 =	vld.idx.msk [tilespmem:v54+s8+$0x0], $0xffff  }
0xe5: {  	v9 =	vadd.s32 s15, v0;
	v51 =	vadd.f32 v18, v46;
	v57 =	vmul.f32 v48, v56;
	v63 =	vld.idx.msk [tilespmem:v8+s11+$0x0], $0xffff  }
0xe6: {  	v13 =	vmul.f32 v13, v56;
	v48 =	vadd.f32 v1, v46;
	v5 =	vld.idx.msk [tilespmem:v10+s11+$0x0], $0xffff;
	v10 =	vmul.f32 v14, v56  }
0xe7: {  	v9 =	vand.u32 $0x3F, v9;
	v53 =	vadd.f32 v19, v46;
	v1 =	vld.idx.msk [tilespmem:v11+s11+$0x0], $0xffff;
	v54 =	vadd.f32 v57, v46  }
0xe8: {  	s10 =	sshll.u32 s30, $0x1;
	s13 =	simm.s32 $0x3;
	v57 =	vadd.f32 v13, v46;
	v8 =	vmul.f32 v6, v56;
	v6 =	vld.idx.msk [tilespmem:v12+s11+$0x0], $0xffff;
	v56 =	vadd.f32 v10, v46  }
.LBB2_3:
0xe9: {  	p0 =	sne.s32 s13, $0x3F;
	v10 =	vor.u32 v9, v24;
	v11 =	vor.u32 v9, v36;
	v12 =	vld.idx.msk [tilespmem:v3+s11+$0x0], $0xffff;
	v3 =	vmul.f32 v7, v47  }
0xea: {  	v13 =	vor.u32 v9, v37;
	v14 =	vor.u32 v9, v38;
	v7 =	vor.u32 v9, v35;
	v15 =	vld.idx.msk [tilespmem:v61+s11+$0x0], $0xffff  }
0xeb: {  	v16 =	vor.u32 v9, v39;
	v17 =	vor.u32 v9, v40;
	v18 =	vld.idx.msk [tilespmem:v60+s11+$0x0], $0xffff;
	v49 =	vadd.f32 v3, v49  }
0xec: {  	v61 =	vor.u32 v9, v42;
	v3 =	vor.u32 v9, v41;
	v60 =	vor.u32 v9, v43;
	v19 =	vld.idx.msk [tilespmem:v59+s11+$0x0], $0xffff  }
0xed: {  	v62 =	vmul.f32 v62, v47;
	v59 =	vor.u32 v9, v44;
	v20 =	vld.idx.msk [tilespmem:v58+s11+$0x0], $0xffff;
	v58 =	vor.u32 v9, v45  }
0xee: {  	v46 =	vadd.f32 v8, v46;
	v5 =	vmul.f32 v5, v47;
	v9 =	vmul.f32 v63, v47;
	v10 =	vld.idx.msk [tilespmem:v10+s6+$0x0], $0xffff  }
0xef: {  	v50 =	vadd.f32 v62, v50;
	v1 =	vmul.f32 v1, v47;
	v6 =	vmul.f32 v6, v47;
	v7 =	vld.idx.msk [tilespmem:v7+s11+$0x0], $0xffff  }
.Ltmp0:
0xf0: {  	v8 =	vmul.f32 v12, v47;
	v51 =	vadd.f32 v9, v51;
	v9 =	vmul.f32 v15, v47;
	v62 =	vld.idx.msk [tilespmem:v11+s8+$0x0], $0xffff;
	(pc) =	sbr.rel @p0 .LBB2_3-.Ltmp0, $4  }
0xf1: {  	v52 =	vadd.f32 v5, v52;
	v48 =	vadd.f32 v1, v48;
	v11 =	vmul.f32 v18, v47;
	v63 =	vld.idx.msk [tilespmem:v13+s11+$0x0], $0xffff  }
0xf2: {  	v55 =	vadd.f32 v6, v55;
	v53 =	vadd.f32 v8, v53;
	v12 =	vmul.f32 v19, v47;
	v5 =	vld.idx.msk [tilespmem:v14+s11+$0x0], $0xffff  }
0xf3: {  	v6 =	vadd.s32 s13, v0;
	v54 =	vadd.f32 v9, v54;
	v8 =	vmul.f32 v20, v47;
	v1 =	vld.idx.msk [tilespmem:v16+s11+$0x0], $0xffff  }
0xf4: {  	s13 =	sadd.s32 $0x1, s13;
	v9 =	vand.u32 $0x3F, v6;
	v57 =	vadd.f32 v11, v57;
	v56 =	vadd.f32 v12, v56;
	v47 =	vmovc v10;
	v6 =	vld.idx.msk [tilespmem:v17+s11+$0x0], $0xffff  }
0xf5: {  	_ =	sdelay $0x3  }
0xf6: {  	v10 =	vor.u32 v9, v24;
	v3 =	vld.idx.msk [tilespmem:v3+s11+$0x0], $0xffff  }
0xf7: {  	v11 =	vor.u32 v9, v35;
	v12 =	vld.idx.msk [tilespmem:v61+s11+$0x0], $0xffff  }
0xf8: {  	v13 =	vor.u32 v9, v36;
	v14 =	vld.idx.msk [tilespmem:v60+s11+$0x0], $0xffff  }
0xf9: {  	v15 =	vor.u32 v9, v37;
	v16 =	vld.idx.msk [tilespmem:v59+s11+$0x0], $0xffff;
	v7 =	vmul.f32 v7, v47  }
0xfa: {  	v17 =	vor.u32 v9, v38;
	v18 =	vld.idx.msk [tilespmem:v58+s11+$0x0], $0xffff;
	v19 =	vor.u32 v9, v39;
	v20 =	vor.u32 v9, v40  }
0xfb: {  	v35 =	vor.u32 v9, v41;
	v58 =	vor.u32 v9, v43;
	v59 =	vmul.f32 v62, v47;
	v10 =	vld.idx.msk [tilespmem:v10+s6+$0x0], $0xffff  }
0xfc: {  	v60 =	vor.u32 v9, v44;
	v8 =	vadd.f32 v8, v46;
	v41 =	vadd.s32 s16, v0;
	v11 =	vld.idx.msk [tilespmem:v11+s11+$0x0], $0xffff  }
0xfd: {  	v43 =	vshll.u32 v31, $0x6;
	v44 =	vshll.u32 v33, $0x6;
	v46 =	vshll.u32 v34, $0x6;
	v13 =	vld.idx.msk [tilespmem:v13+s8+$0x0], $0xffff  }
0xfe: {  	v61 =	vmul.f32 v63, v47;
	v7 =	vadd.f32 v7, v49;
	v49 =	vor.u32 v9, v42;
	v15 =	vld.idx.msk [tilespmem:v15+s11+$0x0], $0xffff  }
0xff: {  	v9 =	vor.u32 v9, v45;
	v5 =	vmul.f32 v5, v47;
	v38 =	vadd.f32 v59, v50;
	v17 =	vld.idx.msk [tilespmem:v17+s11+$0x0], $0xffff  }
0x100: {  	v42 =	vshll.u32 v29, $0x6;
	v45 =	vand.u32 $0x40, v44;
	v1 =	vmul.f32 v1, v47;
	v19 =	vld.idx.msk [tilespmem:v19+s11+$0x0], $0xffff  }
0x101: {  	v40 =	vadd.f32 v61, v51;
	v6 =	vmul.f32 v6, v47;
	v5 =	vadd.f32 v5, v52;
	v20 =	vld.idx.msk [tilespmem:v20+s11+$0x0], $0xffff  }
0x102: {  	v52 =	vshll.u32 v25, $0x6;
	v3 =	vmul.f32 v3, v47;
	v12 =	vmul.f32 v12, v47;
	v35 =	vld.idx.msk [tilespmem:v35+s11+$0x0], $0xffff  }
0x103: {  	v1 =	vadd.f32 v1, v48;
	v14 =	vmul.f32 v14, v47;
	v37 =	vld.idx.msk [tilespmem:v58+s11+$0x0], $0xffff;
	v11 =	vmul.f32 v11, v10  }
0x104: {  	v16 =	vmul.f32 v16, v47;
	v6 =	vadd.f32 v6, v55;
	v36 =	vld.idx.msk [tilespmem:v49+s11+$0x0], $0xffff;
	v13 =	vmul.f32 v13, v10  }
0x105: {  	v3 =	vadd.f32 v3, v53;
	v15 =	vmul.f32 v15, v10;
	v7 =	vadd.f32 v11, v7;
	v11 =	vld.idx.msk [tilespmem:v60+s11+$0x0], $0xffff  }
0x106: {  	v12 =	vadd.f32 v12, v54;
	v9 =	vld.idx.msk [tilespmem:v9+s11+$0x0], $0xffff;
	v17 =	vmul.f32 v17, v10;
	v13 =	vadd.f32 v13, v38  }
0x107: {  	v63 =	vmul.f32 v20, v10;
	v20 =	vmul.f32 v35, v10;
	v15 =	vadd.f32 v15, v40  }
0x108: {  	s13 =	sand.u32 $0x180, s12;
	s15 =	sand.u32 $0x60, s12;
	v18 =	vmul.f32 v18, v47;
	v14 =	vadd.f32 v14, v57;
	v5 =	vadd.f32 v17, v5;
	[tilespmem:s12+$0x19100] =	vst v13  }
0x109: {  	v16 =	vadd.f32 v16, v56;
	v39 =	vmul.f32 v37, v10;
	v3 =	vadd.f32 v20, v3;
	[tilespmem:s12+$0x19300] =	vst v15;
	s12 =	sor.u32 s15, s13  }
0x10a: {  	v47 =	vld [tilespmem:$0x1FFF0];
	v8 =	vadd.f32 v18, v8;
	v62 =	vmul.f32 v19, v10;
	[tilespmem:s12+$0x19500] =	vst v5;
	v11 =	vmul.f32 v11, v10  }
0x10b: {  	v55 =	vld [tilespmem:$0x1FFE0];
	v38 =	vmul.f32 v36, v10;
	v9 =	vmul.f32 v9, v10;
	[tilespmem:s12+$0x19B00] =	vst v3;
	v10 =	vadd.f32 v39, v14  }
0x10c: {  	v49 =	vshll.u32 v30, $0x6;
	v1 =	vadd.f32 v62, v1;
	[tilespmem:s12+$0x1A500] =	vst v7;
	v7 =	vld [tilespmem:$0x1FF90];
	v11 =	vadd.f32 v11, v16  }
0x10d: {  	v6 =	vadd.f32 v63, v6;
	v40 =	vshll.u32 v28, $0x6;
	v8 =	vadd.f32 v9, v8;
	[tilespmem:s12+$0x19F00] =	vst v10;
	v10 =	vld [tilespmem:$0x1FF60]  }
0x10e: {  	v12 =	vadd.f32 v38, v12;
	v9 =	vand.u32 $0x40, v40;
	v15 =	vand.u32 $0x40, v46;
	[tilespmem:s12+$0x1A100] =	vst v11;
	v11 =	vld [tilespmem:$0x1FF70]  }
0x10f: {  	v13 =	vand.u32 $0x40, v52;
	v5 =	vand.u32 $0x40, v42;
	v3 =	vand.u32 $0x3F, v41;
	[tilespmem:s12+$0x1A300] =	vst v8;
	v8 =	vld [tilespmem:$0x1FF80]  }
0x110: {  	[tilespmem:s12+$0x19700] =	vst v1;
	v1 =	vand.u32 $0x40, v43;
	v35 =	vor.u32 v55, v13;
	v48 =	vor.u32 v3, v24  }
0x111: {  	v50 =	vld [tilespmem:$0x1FFA0];
	[tilespmem:s12+$0x19900] =	vst v6;
	v6 =	vshll.u32 v32, $0x6;
	v28 =	vor.u32 v47, v15;
	v58 =	vor.u32 v3, v35  }
0x112: {  	v51 =	vld [tilespmem:$0x1FFB0];
	v6 =	vand.u32 $0x40, v6;
	v29 =	vor.u32 v10, v9;
	v9 =	vor.u32 v3, v28  }
0x113: {  	v53 =	vld [tilespmem:$0x1FFC0];
	v31 =	vor.u32 v7, v45;
	v30 =	vor.u32 v11, v5;
	v5 =	vor.u32 v3, v29  }
0x114: {  	v54 =	vld [tilespmem:$0x1FFD0];
	[tilespmem:s12+$0x19D00] =	vst v12;
	v11 =	vshll.u32 v27, $0x6;
	v27 =	vor.u32 v8, v1;
	v1 =	vor.u32 v3, v30  }
0x115: {  	v12 =	vld.idx.msk [tilespmem:v48+s6+$0x0], $0xffff;
	v10 =	vand.u32 $0x40, v49;
	v8 =	vand.u32 $0x40, v11;
	v7 =	vor.u32 v3, v27  }
0x116: {  	s12 =	simm.s32 $0x1;
	v15 =	vld.idx.msk [tilespmem:v58+s11+$0x0], $0xffff;
	v11 =	vshll.u32 v26, $0x6;
	v26 =	vor.u32 v50, v6;
	v6 =	vor.u32 v3, v31  }
0x117: {  	v57 =	vadd.s32 s12, v0;
	v32 =	vor.u32 v51, v10;
	v10 =	vor.u32 v3, v26;
	v9 =	vld.idx.msk [tilespmem:v9+s11+$0x0], $0xffff  }
0x118: {  	v11 =	vand.u32 $0x40, v11;
	v33 =	vor.u32 v53, v8;
	v8 =	vor.u32 v3, v32;
	v5 =	vld.idx.msk [tilespmem:v5+s11+$0x0], $0xffff  }
0x119: {  	v14 =	vand.u32 $0x3F, v57;
	v34 =	vor.u32 v54, v11;
	v11 =	vor.u32 v3, v33;
	v1 =	vld.idx.msk [tilespmem:v1+s11+$0x0], $0xffff  }
0x11a: {  	v59 =	vor.u32 v14, v24;
	v7 =	vld.idx.msk [tilespmem:v7+s11+$0x0], $0xffff  }
0x11b: {  	v36 =	vimm.f32 $0.0e+00;
	v45 =	vimm.f32 $0.0e+00;
	v56 =	vor.u32 v3, v34;
	v6 =	vld.idx.msk [tilespmem:v6+s11+$0x0], $0xffff  }
0x11c: {  	v20 =	vor.u32 v14, v28;
	v63 =	vor.u32 v14, v31;
	v48 =	vor.u32 v14, v35;
	v10 =	vld.idx.msk [tilespmem:v10+s11+$0x0], $0xffff  }
0x11d: {  	v60 =	vor.u32 v14, v29;
	v49 =	vor.u32 v14, v32;
	v61 =	vor.u32 v14, v30;
	v8 =	vld.idx.msk [tilespmem:v8+s11+$0x0], $0xffff  }
0x11e: {  	v62 =	vor.u32 v14, v27;
	v50 =	vmul.f32 v15, v12;
	v9 =	vmul.f32 v9, v12;
	v11 =	vld.idx.msk [tilespmem:v11+s11+$0x0], $0xffff  }
0x11f: {  	v47 =	vor.u32 v14, v33;
	v37 =	vld.idx.msk [tilespmem:v59+s6+$0x0], $0xffff;
	v3 =	vor.u32 v14, v26;
	v5 =	vmul.f32 v5, v12  }
0x120: {  	v13 =	vld.idx.msk [tilespmem:v56+s11+$0x0], $0xffff;
	v25 =	vadd.f32 v9, v36;
	v7 =	vmul.f32 v7, v12;
	v9 =	vmul.f32 v6, v12  }
0x121: {  	v51 =	vld.idx.msk [tilespmem:v63+s11+$0x0], $0xffff;
	v1 =	vmul.f32 v1, v12;
	v42 =	vadd.f32 v5, v36;
	v10 =	vmul.f32 v10, v12  }
0x122: {  	s12 =	simm.s32 $0x2;
	v6 =	vld.idx.msk [tilespmem:v20+s11+$0x0], $0xffff;
	v44 =	vadd.f32 v7, v36;
	v43 =	vadd.f32 v9, v36;
	v7 =	vmul.f32 v8, v12  }
0x123: {  	v5 =	vld.idx.msk [tilespmem:v61+s11+$0x0], $0xffff;
	v9 =	vadd.s32 s12, v0;
	v41 =	vadd.f32 v10, v36;
	v10 =	vmul.f32 v11, v12  }
0x124: {  	v46 =	vor.u32 v14, v34;
	v40 =	vadd.f32 v1, v36;
	v1 =	vld.idx.msk [tilespmem:v60+s11+$0x0], $0xffff;
	v9 =	vand.u32 $0x3F, v9  }
0x125: {  	v8 =	vld.idx.msk [tilespmem:v62+s11+$0x0], $0xffff;
	s12 =	simm.s32 $0x3;
	v39 =	vadd.f32 v7, v36;
	v7 =	vmul.f32 v13, v12;
	v38 =	vadd.f32 v10, v36  }
.LBB2_5:
0x126: {  	v10 =	vor.u32 v9, v24  }
0x127: {  	p0 =	sne.s32 s12, $0x3F;
	v11 =	vor.u32 v9, v29;
	v12 =	vor.u32 v9, v30;
	v13 =	vld.idx.msk [tilespmem:v3+s11+$0x0], $0xffff;
	v14 =	vmov v37  }
0x128: {  	v15 =	vor.u32 v9, v27;
	v16 =	vor.u32 v9, v28;
	v17 =	vld.idx.msk [tilespmem:v49+s11+$0x0], $0xffff;
	v6 =	vmul.f32 v6, v14  }
0x129: {  	v18 =	vor.u32 v9, v31;
	v3 =	vor.u32 v9, v26;
	v49 =	vor.u32 v9, v32;
	v19 =	vld.idx.msk [tilespmem:v47+s11+$0x0], $0xffff  }
0x12a: {  	v47 =	vor.u32 v9, v33;
	v20 =	vld.idx.msk [tilespmem:v46+s11+$0x0], $0xffff;
	v46 =	vor.u32 v9, v34;
	v25 =	vadd.f32 v6, v25  }
0x12b: {  	v1 =	vmul.f32 v1, v14;
	v5 =	vmul.f32 v5, v14;
	v52 =	vld.idx.msk [tilespmem:v48+s11+$0x0], $0xffff;
	v48 =	vor.u32 v9, v35  }
0x12c: {  	v36 =	vadd.f32 v7, v36;
	v8 =	vmul.f32 v8, v14;
	v9 =	vmul.f32 v51, v14;
	v37 =	vld.idx.msk [tilespmem:v10+s6+$0x0], $0xffff  }
.Ltmp1:
0x12d: {  	v42 =	vadd.f32 v1, v42;
	v40 =	vadd.f32 v5, v40;
	v7 =	vmul.f32 v13, v14;
	v6 =	vld.idx.msk [tilespmem:v16+s11+$0x0], $0xffff;
	(pc) =	sbr.rel @p0 .LBB2_5-.Ltmp1, $4  }
0x12e: {  	v44 =	vadd.f32 v8, v44;
	v43 =	vadd.f32 v9, v43;
	v9 =	vmul.f32 v17, v14;
	v1 =	vld.idx.msk [tilespmem:v11+s11+$0x0], $0xffff  }
0x12f: {  	v45 =	vadd.f32 v50, v45;
	v41 =	vadd.f32 v7, v41;
	v10 =	vmul.f32 v19, v14;
	v5 =	vld.idx.msk [tilespmem:v12+s11+$0x0], $0xffff  }
0x130: {  	v11 =	vadd.s32 s12, v0;
	v39 =	vadd.f32 v9, v39;
	v7 =	vmul.f32 v20, v14;
	v8 =	vld.idx.msk [tilespmem:v15+s11+$0x0], $0xffff  }
0x131: {  	s12 =	sadd.s32 $0x1, s12;
	v9 =	vand.u32 $0x3F, v11;
	v38 =	vadd.f32 v10, v38;
	v50 =	vmul.f32 v52, v14;
	v51 =	vld.idx.msk [tilespmem:v18+s11+$0x0], $0xffff  }
0x132: {  	_ =	sdelay $0x3  }
0x133: {  	v10 =	vor.u32 v9, v24;
	v3 =	vld.idx.msk [tilespmem:v3+s11+$0x0], $0xffff  }
0x134: {  	v11 =	vor.u32 v9, v28;
	v12 =	vld.idx.msk [tilespmem:v49+s11+$0x0], $0xffff  }
0x135: {  	v13 =	vor.u32 v9, v29;
	v14 =	vld.idx.msk [tilespmem:v47+s11+$0x0], $0xffff  }
0x136: {  	v15 =	vor.u32 v9, v30;
	v16 =	vld.idx.msk [tilespmem:v46+s11+$0x0], $0xffff  }
0x137: {  	v17 =	vor.u32 v9, v27;
	v18 =	vld.idx.msk [tilespmem:v48+s11+$0x0], $0xffff  }
0x138: {  	v19 =	vor.u32 v9, v31;
	v10 =	vld.idx.msk [tilespmem:v10+s6+$0x0], $0xffff  }
0x139: {  	v20 =	vor.u32 v9, v26;
	v11 =	vld.idx.msk [tilespmem:v11+s11+$0x0], $0xffff  }
0x13a: {  	v6 =	vmul.f32 v6, v37;
	v49 =	vor.u32 v9, v32;
	v13 =	vld.idx.msk [tilespmem:v13+s11+$0x0], $0xffff  }
0x13b: {  	v52 =	vor.u32 v9, v33;
	v53 =	vor.u32 v9, v34;
	v54 =	vor.u32 v9, v35;
	v15 =	vld.idx.msk [tilespmem:v15+s11+$0x0], $0xffff  }
0x13c: {  	v7 =	vadd.f32 v7, v36;
	v1 =	vmul.f32 v1, v37;
	v5 =	vmul.f32 v5, v37;
	v17 =	vld.idx.msk [tilespmem:v17+s11+$0x0], $0xffff  }
0x13d: {  	v56 =	vadd.f32 v50, v45;
	v8 =	vmul.f32 v8, v37;
	v55 =	vmul.f32 v51, v37;
	v19 =	vld.idx.msk [tilespmem:v19+s11+$0x0], $0xffff  }
0x13e: {  	v1 =	vadd.f32 v1, v42;
	v3 =	vmul.f32 v3, v37;
	v20 =	vld.idx.msk [tilespmem:v20+s11+$0x0], $0xffff;
	v12 =	vmul.f32 v12, v37  }
0x13f: {  	v5 =	vadd.f32 v5, v40;
	v24 =	vld.idx.msk [tilespmem:v49+s11+$0x0], $0xffff;
	v14 =	vmul.f32 v14, v37;
	v13 =	vmul.f32 v13, v10  }
0x140: {  	v8 =	vadd.f32 v8, v44;
	v27 =	vld.idx.msk [tilespmem:v53+s11+$0x0], $0xffff;
	v58 =	vmul.f32 v16, v37;
	v15 =	vmul.f32 v15, v10  }
0x141: {  	v26 =	vld.idx.msk [tilespmem:v52+s11+$0x0], $0xffff;
	v28 =	vadd.f32 v55, v43;
	v17 =	vmul.f32 v17, v10;
	v1 =	vadd.f32 v13, v1  }
0x142: {  	s12 =	sadd.s32 s15, s13;
	v9 =	vld.idx.msk [tilespmem:v54+s11+$0x0], $0xffff;
	v3 =	vadd.f32 v3, v41;
	v57 =	vmul.f32 v19, v10;
	v5 =	vadd.f32 v15, v5  }
0x143: {  	v12 =	vadd.f32 v12, v39;
	v59 =	vmul.f32 v20, v10;
	v8 =	vadd.f32 v17, v8;
	[tilespmem:s12+$0x1A700] =	vst v1  }
0x144: {  	v7 =	vadd.f32 v58, v7;
	v60 =	vmul.f32 v24, v10;
	v13 =	vadd.f32 v57, v28;
	[tilespmem:s12+$0x1A900] =	vst v5  }
0x145: {  	v63 =	vmul.f32 v27, v10;
	v3 =	vadd.f32 v59, v3;
	v5 =	vmul.f32 v18, v37;
	[tilespmem:s12+$0x1AB00] =	vst v8  }
0x146: {  	v61 =	vmul.f32 v26, v10;
	v62 =	vadd.f32 v60, v12;
	v1 =	vadd.f32 v14, v38;
	[tilespmem:s12+$0x1AD00] =	vst v13  }
0x147: {  	p0 =	seq.s32 s30, $0xF;
	v9 =	vmul.f32 v9, v10;
	v7 =	vadd.f32 v63, v7;
	[tilespmem:s12+$0x1AF00] =	vst v3;
	v5 =	vadd.f32 v5, v56  }
.Ltmp2:
0x148: {  	v3 =	vadd.f32 v6, v25;
	v6 =	vmul.f32 v11, v10;
	[tilespmem:s12+$0x1B100] =	vst v62;
	v1 =	vadd.f32 v61, v1;
	(pc) =	sbr.rel @p0 .LBB2_8-.Ltmp2, $4  }
0x149: {  	[tilespmem:s12+$0x1B500] =	vst v7;
	v5 =	vadd.f32 v9, v5  }
0x14a: {  	[tilespmem:s12+$0x1B300] =	vst v1;
	v1 =	vadd.f32 v6, v3  }
0x14b: {  	[tilespmem:s12+$0x1B700] =	vst v5  }
0x14c: {  	[tilespmem:s12+$0x1B900] =	vst v1  }
0x14d: {  	s10 =	sadd.s32 $0x2, s10  }
0x14e: {  	s12 =	sshll.u32 s10, $0x4  }
0x14f: {  	v1 =	vld [tilespmem:s12+$0x0];
	_ =	sdelay $0x4  }
0x150: {  	v1 =	vshra.s32 v1, $0x1  }
0x151: {  	[tilespmem:$0x2C00] =	vst v1  }
0x152: {  	v1 =	vld [tilespmem:s12+$0x200];
	_ =	sdelay $0x3  }
0x153: {  	s10 =	smul.u32 $0x500, s10  }
0x154: {  	v1 =	vshra.s32 v1, $0x1  }
0x155: {  	s10 =	sshra.s32 s10, $0x2;
	[tilespmem:$0x2C80] =	vst v1  }
0x156: {  	v1 =	vld [tilespmem:s10+$0x400];
	_ =	sdelay $0x4  }
0x157: {  	v1 =	vshra.s32 v1, $0x1  }
0x158: {  	[tilespmem:$0x2D00] =	vst v1  }
0x159: {  	v1 =	vld [tilespmem:s10+$0x410];
	_ =	sdelay $0x4  }
0x15a: {  	v1 =	vshra.s32 v1, $0x1  }
0x15b: {  	[tilespmem:$0x2D10] =	vst v1  }
0x15c: {  	v1 =	vld [tilespmem:s10+$0x420];
	_ =	sdelay $0x4  }
0x15d: {  	v1 =	vshra.s32 v1, $0x1  }
0x15e: {  	[tilespmem:$0x2D20] =	vst v1  }
0x15f: {  	v1 =	vld [tilespmem:s10+$0x430];
	_ =	sdelay $0x4  }
0x160: {  	v1 =	vshra.s32 v1, $0x1  }
0x161: {  	[tilespmem:$0x2D30] =	vst v1  }
0x162: {  	v1 =	vld [tilespmem:s10+$0x440];
	_ =	sdelay $0x4  }
0x163: {  	v1 =	vshra.s32 v1, $0x1  }
0x164: {  	[tilespmem:$0x2D40] =	vst v1  }
0x165: {  	v1 =	vld [tilespmem:s10+$0x450];
	_ =	sdelay $0x4  }
0x166: {  	v1 =	vshra.s32 v1, $0x1  }
0x167: {  	[tilespmem:$0x2D50] =	vst v1  }
0x168: {  	v1 =	vld [tilespmem:s10+$0x460];
	_ =	sdelay $0x4  }
0x169: {  	v1 =	vshra.s32 v1, $0x1  }
0x16a: {  	[tilespmem:$0x2D60] =	vst v1  }
0x16b: {  	v1 =	vld [tilespmem:s10+$0x470];
	_ =	sdelay $0x4  }
0x16c: {  	v1 =	vshra.s32 v1, $0x1  }
0x16d: {  	[tilespmem:$0x2D70] =	vst v1  }
0x16e: {  	v1 =	vld [tilespmem:s10+$0x480];
	_ =	sdelay $0x4  }
0x16f: {  	v1 =	vshra.s32 v1, $0x1  }
0x170: {  	[tilespmem:$0x2D80] =	vst v1  }
0x171: {  	v1 =	vld [tilespmem:s10+$0x490];
	_ =	sdelay $0x4  }
0x172: {  	v1 =	vshra.s32 v1, $0x1  }
0x173: {  	[tilespmem:$0x2D90] =	vst v1  }
0x174: {  	v1 =	vld [tilespmem:s10+$0x4A0];
	_ =	sdelay $0x4  }
0x175: {  	v1 =	vshra.s32 v1, $0x1  }
0x176: {  	[tilespmem:$0x2DA0] =	vst v1  }
0x177: {  	v1 =	vld [tilespmem:s10+$0x4B0];
	_ =	sdelay $0x4  }
0x178: {  	v1 =	vshra.s32 v1, $0x1  }
0x179: {  	[tilespmem:$0x2DB0] =	vst v1  }
0x17a: {  	v1 =	vld [tilespmem:s10+$0x4C0];
	_ =	sdelay $0x4  }
0x17b: {  	v1 =	vshra.s32 v1, $0x1  }
0x17c: {  	[tilespmem:$0x2DC0] =	vst v1  }
0x17d: {  	v1 =	vld [tilespmem:s10+$0x4D0];
	_ =	sdelay $0x4  }
0x17e: {  	v1 =	vshra.s32 v1, $0x1  }
0x17f: {  	[tilespmem:$0x2DD0] =	vst v1  }
0x180: {  	v1 =	vld [tilespmem:s10+$0x4E0];
	_ =	sdelay $0x4  }
0x181: {  	v1 =	vshra.s32 v1, $0x1  }
0x182: {  	[tilespmem:$0x2DE0] =	vst v1  }
0x183: {  	v1 =	vld [tilespmem:s10+$0x4F0];
	_ =	sdelay $0x4  }
0x184: {  	v1 =	vshra.s32 v1, $0x1  }
0x185: {  	[tilespmem:$0x2DF0] =	vst v1  }
0x186: {  	v1 =	vld [tilespmem:s10+$0x500];
	_ =	sdelay $0x4  }
0x187: {  	v1 =	vshra.s32 v1, $0x1  }
0x188: {  	[tilespmem:$0x2E00] =	vst v1  }
0x189: {  	v1 =	vld [tilespmem:s10+$0x510];
	_ =	sdelay $0x4  }
0x18a: {  	v1 =	vshra.s32 v1, $0x1  }
0x18b: {  	[tilespmem:$0x2E10] =	vst v1  }
0x18c: {  	v1 =	vld [tilespmem:s10+$0x520];
	_ =	sdelay $0x4  }
0x18d: {  	v1 =	vshra.s32 v1, $0x1  }
0x18e: {  	[tilespmem:$0x2E20] =	vst v1  }
0x18f: {  	v1 =	vld [tilespmem:s10+$0x530];
	_ =	sdelay $0x4  }
0x190: {  	v1 =	vshra.s32 v1, $0x1  }
0x191: {  	s13 =	simm.s32 $0x2C00;
	[tilespmem:$0x2E30] =	vst v1  }
0x192: {  	[tilespmem:s6], [sflag:$0x1] =	stream.indirect.gather [hbm4b:s3+s0], $0x80, s13, s0, $0xb8;
	[tilespmem:$0x1BB00] =	vst v63  }
0x193: {  	s15 =	simm.s32 $0x2C80  }
0x194: {  	[tilespmem:s8], [sflag:$0x1] =	stream.indirect.gather [hbm4b:s4+s0], $0x80, s15, s0, $0xb8;
	[tilespmem:$0x1BB00] =	vst v63  }
0x195: {  	s12 =	simm.s32 $0x2D00  }
0x196: {  	[tilespmem:s11], [sflag:$0x1] =	stream.indirect.gather [hbm4b:s4+s9], $0x80, s12, s9, $0xb8;
	[tilespmem:$0x1BB00] =	vst v63  }
0x197: {  	s13 =	simm.s32 $0x2D80;
	s15 =	simm.s32 $0x8100  }
0x198: {  	[tilespmem:s15], [sflag:$0x1] =	stream.indirect.gather [hbm4b:s4+s9], $0x80, s13, s9, $0xb8;
	[tilespmem:$0x1BB00] =	vst v63  }
0x199: {  	s13 =	simm.s32 $0x2E00;
	s15 =	simm.s32 $0xC100  }
0x19a: {  	[tilespmem:s15], [sflag:$0x1] =	stream.indirect.gather [hbm4b:s4+s14], $0x80, s13, s14, $0xb8;
	[tilespmem:$0x1BB00] =	vst v63  }
.LBB2_8:
0x19b: {  	_ =	swait.ge [sflag:s29], $0x800  }
0x19c: {  	[sflag:s29] =	ssyncset.done $0x0  }
0x19d: {  	[sflag:s29] =	ssyncadd.s32 $0xFFFFF800  }
0x19e: {  	_ =	swait.ge [sflag:s29], $0x800  }
0x19f: {  	[sflag:s29] =	ssyncset.done $0x0  }
0x1a0: {  	[sflag:s29] =	ssyncadd.s32 $0xFFFFF800  }
0x1a1: {  	_ =	swait.ge [sflag:s29], $0xA000  }
0x1a2: {  	v56 =	vld [tilespmem:$0x1FEE0]  }
0x1a3: {  	v57 =	vld [tilespmem:$0x1FEF0]  }
0x1a4: {  	v58 =	vld [tilespmem:$0x1FF00]  }
0x1a5: {  	v59 =	vld [tilespmem:$0x1FF10]  }
0x1a6: {  	v1 =	vadd.s32 s7, v2;
	s10 =	sor.u32 $0x1, s7;
	v60 =	vld [tilespmem:$0x1FF20]  }
0x1a7: {  	s12 =	sor.u32 $0x2, s7;
	v3 =	vadd.s32 s10, v2;
	[sflag:s29] =	ssyncset.done $0x0;
	v61 =	vld [tilespmem:$0x1FF30]  }
0x1a8: {  	s13 =	sor.u32 $0x3, s7;
	v5 =	vadd.s32 s12, v2;
	v62 =	vld [tilespmem:$0x1FF40];
	[sflag:s29] =	ssyncadd.s32 $0xFFFF6000  }
0x1a9: {  	s15 =	sor.u32 $0x4, s7;
	v7 =	vadd.s32 s13, v2;
	v6 =	vld [tilespmem:s5+$0x0]  }
0x1aa: {  	v9 =	vadd.s32 s15, v2;
	s12 =	sor.u32 $0x5, s7;
	v8 =	vld [tilespmem:s5+$0x200]  }
0x1ab: {  	s13 =	sor.u32 $0x6, s7;
	v10 =	vadd.s32 s12, v2;
	v1 =	vld.idx.msk [tilespmem:v1+s1+$0x0], $0xffff  }
0x1ac: {  	s15 =	sor.u32 $0x9, s7;
	v11 =	vadd.s32 s13, v2;
	v3 =	vld.idx.msk [tilespmem:v3+s1+$0x0], $0xffff  }
0x1ad: {  	s12 =	sor.u32 $0x7, s7;
	v12 =	vadd.s32 s15, v2;
	v5 =	vld.idx.msk [tilespmem:v5+s1+$0x0], $0xffff  }
0x1ae: {  	s13 =	sor.u32 $0x8, s7;
	v13 =	vadd.s32 s12, v2;
	v7 =	vld.idx.msk [tilespmem:v7+s1+$0x0], $0xffff  }
0x1af: {  	v14 =	vadd.s32 s13, v2;
	v9 =	vld.idx.msk [tilespmem:v9+s1+$0x0], $0xffff  }
0x1b0: {  	s15 =	sor.u32 $0xA, s7;
	v10 =	vld.idx.msk [tilespmem:v10+s1+$0x0], $0xffff  }
0x1b1: {  	s10 =	sor.u32 $0x13, s7;
	v15 =	vadd.s32 s15, v2;
	s12 =	sor.u32 $0xB, s7;
	v11 =	vld.idx.msk [tilespmem:v11+s1+$0x0], $0xffff  }
0x1b2: {  	v54 =	vadd.s32 s10, v2;
	s13 =	sor.u32 $0xC, s7;
	s15 =	sor.u32 $0xD, s7;
	v16 =	vadd.s32 s12, v2;
	s12 =	sor.u32 $0xE, s7;
	v12 =	vld.idx.msk [tilespmem:v12+s1+$0x0], $0xffff  }
0x1b3: {  	v17 =	vadd.s32 s13, v2;
	v18 =	vadd.s32 s15, v2;
	s13 =	sor.u32 $0xF, s7;
	s15 =	sor.u32 $0x10, s7;
	v19 =	vadd.s32 s12, v2;
	s12 =	sor.u32 $0x11, s7;
	v13 =	vld.idx.msk [tilespmem:v13+s1+$0x0], $0xffff  }
0x1b4: {  	v50 =	vadd.s32 s13, v2;
	v51 =	vadd.s32 s15, v2;
	s13 =	sor.u32 $0x12, s7;
	s15 =	simm.s32 $0x0;
	v52 =	vadd.s32 s12, v2;
	v14 =	vld.idx.msk [tilespmem:v14+s1+$0x0], $0xffff  }
0x1b5: {  	v53 =	vadd.s32 s13, v2;
	v20 =	vadd.s32 s15, v0;
	v46 =	vld [tilespmem:$0x1FF50];
	v6 =	vshll.u32 v6, $0x6  }
0x1b6: {  	v29 =	vld.idx.msk [tilespmem:v15+s1+$0x0], $0xffff;
	v8 =	vshll.u32 v8, $0x6;
	v1 =	vshll.u32 v1, $0x6;
	v3 =	vshll.u32 v3, $0x6  }
0x1b7: {  	v28 =	vld.idx.msk [tilespmem:v16+s1+$0x0], $0xffff;
	v5 =	vshll.u32 v5, $0x6;
	v7 =	vshll.u32 v7, $0x6;
	v12 =	vshll.u32 v12, $0x6  }
0x1b8: {  	v31 =	vld.idx.msk [tilespmem:v17+s1+$0x0], $0xffff;
	v9 =	vshll.u32 v9, $0x6;
	v10 =	vshll.u32 v10, $0x6;
	v11 =	vshll.u32 v11, $0x6  }
0x1b9: {  	v33 =	vld.idx.msk [tilespmem:v18+s1+$0x0], $0xffff;
	v13 =	vshll.u32 v13, $0x6;
	v14 =	vshll.u32 v14, $0x6;
	v6 =	vand.u32 $0x40, v6  }
0x1ba: {  	v34 =	vld.idx.msk [tilespmem:v54+s1+$0x0], $0xffff;
	v12 =	vand.u32 $0x40, v12;
	v24 =	vor.u32 v4, v6;
	v6 =	vand.u32 $0x3F, v20  }
0x1bb: {  	v32 =	vld.idx.msk [tilespmem:v19+s1+$0x0], $0xffff;
	v8 =	vand.u32 $0x40, v8;
	v35 =	vor.u32 v22, v12;
	v55 =	vor.u32 v6, v24  }
0x1bc: {  	v30 =	vld.idx.msk [tilespmem:v50+s1+$0x0], $0xffff;
	v1 =	vand.u32 $0x40, v1;
	v36 =	vor.u32 v4, v8;
	v8 =	vor.u32 v6, v35  }
0x1bd: {  	v27 =	vld.idx.msk [tilespmem:v51+s1+$0x0], $0xffff;
	v3 =	vand.u32 $0x40, v3;
	v37 =	vor.u32 v21, v1;
	v1 =	vor.u32 v6, v36  }
0x1be: {  	v26 =	vld.idx.msk [tilespmem:v52+s1+$0x0], $0xffff;
	v5 =	vand.u32 $0x40, v5;
	v38 =	vor.u32 v56, v3;
	v3 =	vor.u32 v6, v37  }
0x1bf: {  	v25 =	vld.idx.msk [tilespmem:v53+s1+$0x0], $0xffff;
	v7 =	vand.u32 $0x40, v7;
	v39 =	vor.u32 v57, v5;
	v5 =	vor.u32 v6, v38  }
0x1c0: {  	v9 =	vand.u32 $0x40, v9;
	v40 =	vor.u32 v58, v7;
	v7 =	vor.u32 v6, v39;
	v12 =	vld.idx.msk [tilespmem:v55+s18+$0x0], $0xffff  }
0x1c1: {  	v10 =	vand.u32 $0x40, v10;
	v41 =	vor.u32 v59, v9;
	v9 =	vor.u32 v6, v40;
	v8 =	vld.idx.msk [tilespmem:v8+s22+$0x0], $0xffff  }
0x1c2: {  	v11 =	vand.u32 $0x40, v11;
	v42 =	vor.u32 v60, v10;
	v10 =	vor.u32 v6, v41;
	v1 =	vld.idx.msk [tilespmem:v1+s20+$0x0], $0xffff  }
0x1c3: {  	v13 =	vand.u32 $0x40, v13;
	v43 =	vor.u32 v61, v11;
	v11 =	vor.u32 v6, v42;
	v15 =	vld.idx.msk [tilespmem:v3+s22+$0x0], $0xffff  }
0x1c4: {  	s13 =	simm.s32 $0x1;
	v44 =	vor.u32 v62, v13;
	v63 =	vor.u32 v6, v43;
	v3 =	vand.u32 $0x40, v14;
	v5 =	vld.idx.msk [tilespmem:v5+s22+$0x0], $0xffff  }
0x1c5: {  	v14 =	vor.u32 v6, v44;
	v16 =	vld.idx.msk [tilespmem:v7+s22+$0x0], $0xffff;
	v45 =	vor.u32 v46, v3;
	v3 =	vadd.s32 s13, v0  }
0x1c6: {  	v9 =	vld.idx.msk [tilespmem:v9+s22+$0x0], $0xffff;
	v6 =	vor.u32 v6, v45;
	v7 =	vand.u32 $0x3F, v3  }
0x1c7: {  	v10 =	vld.idx.msk [tilespmem:v10+s22+$0x0], $0xffff;
	v46 =	vimm.f32 $0.0e+00;
	v47 =	vor.u32 v7, v24;
	v18 =	vor.u32 v7, v36  }
0x1c8: {  	v11 =	vld.idx.msk [tilespmem:v11+s22+$0x0], $0xffff;
	v19 =	vor.u32 v7, v35;
	v20 =	vor.u32 v7, v38;
	v54 =	vor.u32 v7, v39  }
0x1c9: {  	v13 =	vld.idx.msk [tilespmem:v63+s22+$0x0], $0xffff;
	v56 =	vor.u32 v7, v40;
	v61 =	vor.u32 v7, v42;
	v60 =	vor.u32 v7, v43  }
0x1ca: {  	v59 =	vor.u32 v7, v44;
	v3 =	vmul.f32 v8, v12;
	v14 =	vld.idx.msk [tilespmem:v14+s22+$0x0], $0xffff;
	v1 =	vmul.f32 v1, v12  }
0x1cb: {  	v58 =	vor.u32 v7, v45;
	v15 =	vmul.f32 v15, v12;
	v5 =	vmul.f32 v5, v12;
	v6 =	vld.idx.msk [tilespmem:v6+s22+$0x0], $0xffff  }
0x1cc: {  	v8 =	vor.u32 v7, v37;
	v9 =	vmul.f32 v9, v12;
	v10 =	vmul.f32 v10, v12;
	v47 =	vld.idx.msk [tilespmem:v47+s18+$0x0], $0xffff  }
0x1cd: {  	v11 =	vmul.f32 v11, v12;
	v49 =	vadd.f32 v3, v46;
	v3 =	vor.u32 v7, v41;
	v7 =	vld.idx.msk [tilespmem:v19+s22+$0x0], $0xffff  }
0x1ce: {  	v50 =	vadd.f32 v1, v46;
	v1 =	vmul.f32 v16, v12;
	v52 =	vadd.f32 v5, v46;
	v62 =	vld.idx.msk [tilespmem:v18+s20+$0x0], $0xffff  }
0x1cf: {  	s15 =	simm.s32 $0x2;
	v13 =	vmul.f32 v13, v12;
	v55 =	vadd.f32 v9, v46;
	v53 =	vadd.f32 v10, v46;
	v5 =	vld.idx.msk [tilespmem:v20+s22+$0x0], $0xffff  }
0x1d0: {  	v23 =	vmovc v22;
	v9 =	vadd.s32 s15, v0;
	v48 =	vadd.f32 v1, v46;
	v1 =	vld.idx.msk [tilespmem:v54+s22+$0x0], $0xffff;
	v10 =	vmul.f32 v14, v12  }
0x1d1: {  	v22 =	vmovc v21;
	v51 =	vadd.f32 v15, v46;
	v57 =	vadd.f32 v13, v46;
	v9 =	vand.u32 $0x3F, v9;
	v63 =	vld.idx.msk [tilespmem:v8+s22+$0x0], $0xffff  }
0x1d2: {  	s7 =	simm.s32 $0x3;
	v54 =	vadd.f32 v11, v46;
	v8 =	vmul.f32 v6, v12;
	v6 =	vld.idx.msk [tilespmem:v56+s22+$0x0], $0xffff;
	v56 =	vadd.f32 v10, v46  }
.LBB2_9:
0x1d3: {  	p0 =	sne.s32 s7, $0x3F;
	v10 =	vor.u32 v9, v24;
	v11 =	vor.u32 v9, v36;
	v12 =	vld.idx.msk [tilespmem:v3+s22+$0x0], $0xffff;
	v3 =	vmul.f32 v7, v47  }
0x1d4: {  	v13 =	vor.u32 v9, v37;
	v14 =	vor.u32 v9, v38;
	v7 =	vor.u32 v9, v35;
	v15 =	vld.idx.msk [tilespmem:v61+s22+$0x0], $0xffff  }
0x1d5: {  	v16 =	vor.u32 v9, v39;
	v17 =	vor.u32 v9, v40;
	v18 =	vld.idx.msk [tilespmem:v60+s22+$0x0], $0xffff;
	v49 =	vadd.f32 v3, v49  }
0x1d6: {  	v61 =	vor.u32 v9, v42;
	v3 =	vor.u32 v9, v41;
	v60 =	vor.u32 v9, v43;
	v19 =	vld.idx.msk [tilespmem:v59+s22+$0x0], $0xffff  }
0x1d7: {  	v20 =	vmul.f32 v62, v47;
	v59 =	vor.u32 v9, v44;
	v21 =	vld.idx.msk [tilespmem:v58+s22+$0x0], $0xffff;
	v58 =	vor.u32 v9, v45  }
0x1d8: {  	v46 =	vadd.f32 v8, v46;
	v5 =	vmul.f32 v5, v47;
	v9 =	vmul.f32 v63, v47;
	v10 =	vld.idx.msk [tilespmem:v10+s18+$0x0], $0xffff  }
0x1d9: {  	v50 =	vadd.f32 v20, v50;
	v1 =	vmul.f32 v1, v47;
	v6 =	vmul.f32 v6, v47;
	v7 =	vld.idx.msk [tilespmem:v7+s22+$0x0], $0xffff  }
.Ltmp3:
0x1da: {  	v8 =	vmul.f32 v12, v47;
	v51 =	vadd.f32 v9, v51;
	v9 =	vmul.f32 v15, v47;
	v62 =	vld.idx.msk [tilespmem:v11+s20+$0x0], $0xffff;
	(pc) =	sbr.rel @p0 .LBB2_9-.Ltmp3, $4  }
0x1db: {  	v52 =	vadd.f32 v5, v52;
	v48 =	vadd.f32 v1, v48;
	v11 =	vmul.f32 v18, v47;
	v63 =	vld.idx.msk [tilespmem:v13+s22+$0x0], $0xffff  }
0x1dc: {  	v55 =	vadd.f32 v6, v55;
	v53 =	vadd.f32 v8, v53;
	v12 =	vmul.f32 v19, v47;
	v5 =	vld.idx.msk [tilespmem:v14+s22+$0x0], $0xffff  }
0x1dd: {  	v6 =	vadd.s32 s7, v0;
	v54 =	vadd.f32 v9, v54;
	v8 =	vmul.f32 v21, v47;
	v1 =	vld.idx.msk [tilespmem:v16+s22+$0x0], $0xffff  }
0x1de: {  	s7 =	sadd.s32 $0x1, s7;
	v9 =	vand.u32 $0x3F, v6;
	v57 =	vadd.f32 v11, v57;
	v56 =	vadd.f32 v12, v56;
	v47 =	vmovc v10;
	v6 =	vld.idx.msk [tilespmem:v17+s22+$0x0], $0xffff  }
0x1df: {  	_ =	sdelay $0x3  }
0x1e0: {  	v10 =	vor.u32 v9, v24;
	v3 =	vld.idx.msk [tilespmem:v3+s22+$0x0], $0xffff  }
0x1e1: {  	v11 =	vor.u32 v9, v35;
	v12 =	vld.idx.msk [tilespmem:v61+s22+$0x0], $0xffff  }
0x1e2: {  	v13 =	vor.u32 v9, v36;
	v14 =	vld.idx.msk [tilespmem:v60+s22+$0x0], $0xffff  }
0x1e3: {  	v15 =	vor.u32 v9, v37;
	v16 =	vld.idx.msk [tilespmem:v59+s22+$0x0], $0xffff;
	v7 =	vmul.f32 v7, v47  }
0x1e4: {  	v17 =	vor.u32 v9, v38;
	v18 =	vld.idx.msk [tilespmem:v58+s22+$0x0], $0xffff;
	v19 =	vor.u32 v9, v39;
	v20 =	vor.u32 v9, v40  }
0x1e5: {  	v21 =	vor.u32 v9, v41;
	v59 =	vor.u32 v9, v42;
	v60 =	vor.u32 v9, v43;
	v10 =	vld.idx.msk [tilespmem:v10+s18+$0x0], $0xffff  }
0x1e6: {  	v61 =	vmul.f32 v62, v47;
	v62 =	vor.u32 v9, v44;
	v9 =	vor.u32 v9, v45;
	v11 =	vld.idx.msk [tilespmem:v11+s22+$0x0], $0xffff  }
0x1e7: {  	v8 =	vadd.f32 v8, v46;
	v41 =	vshll.u32 v29, $0x6;
	v43 =	vshll.u32 v28, $0x6;
	v13 =	vld.idx.msk [tilespmem:v13+s20+$0x0], $0xffff  }
0x1e8: {  	s12 =	simm.s32 $0x0;
	v44 =	vshll.u32 v31, $0x6;
	v45 =	vshll.u32 v33, $0x6;
	v63 =	vmul.f32 v63, v47;
	v15 =	vld.idx.msk [tilespmem:v15+s22+$0x0], $0xffff  }
0x1e9: {  	v42 =	vadd.s32 s12, v0;
	v46 =	vand.u32 $0x40, v45;
	v7 =	vadd.f32 v7, v49;
	v17 =	vld.idx.msk [tilespmem:v17+s22+$0x0], $0xffff  }
0x1ea: {  	v5 =	vmul.f32 v5, v47;
	v37 =	vadd.f32 v61, v50;
	v50 =	vshll.u32 v30, $0x6;
	v19 =	vld.idx.msk [tilespmem:v19+s22+$0x0], $0xffff  }
0x1eb: {  	v1 =	vmul.f32 v1, v47;
	v39 =	vadd.f32 v63, v51;
	v6 =	vmul.f32 v6, v47;
	v20 =	vld.idx.msk [tilespmem:v20+s22+$0x0], $0xffff  }
0x1ec: {  	v5 =	vadd.f32 v5, v52;
	v3 =	vmul.f32 v3, v47;
	v12 =	vmul.f32 v12, v47;
	v21 =	vld.idx.msk [tilespmem:v21+s22+$0x0], $0xffff  }
0x1ed: {  	v1 =	vadd.f32 v1, v48;
	v14 =	vmul.f32 v14, v47;
	v35 =	vld.idx.msk [tilespmem:v59+s22+$0x0], $0xffff;
	v11 =	vmul.f32 v11, v10  }
0x1ee: {  	v16 =	vmul.f32 v16, v47;
	v36 =	vld.idx.msk [tilespmem:v60+s22+$0x0], $0xffff;
	v6 =	vadd.f32 v6, v55;
	v13 =	vmul.f32 v13, v10  }
0x1ef: {  	v3 =	vadd.f32 v3, v53;
	v15 =	vmul.f32 v15, v10;
	v7 =	vadd.f32 v11, v7;
	v11 =	vld.idx.msk [tilespmem:v62+s22+$0x0], $0xffff  }
0x1f0: {  	v9 =	vld.idx.msk [tilespmem:v9+s22+$0x0], $0xffff;
	v12 =	vadd.f32 v12, v54;
	v17 =	vmul.f32 v17, v10;
	v13 =	vadd.f32 v13, v37  }
0x1f1: {  	v38 =	vmul.f32 v20, v10;
	v20 =	vmul.f32 v21, v10;
	v15 =	vadd.f32 v15, v39  }
0x1f2: {  	s7 =	sand.u32 $0x180, s5;
	s10 =	sand.u32 $0x70, s5;
	v18 =	vmul.f32 v18, v47;
	v14 =	vadd.f32 v14, v57;
	v5 =	vadd.f32 v17, v5;
	[tilespmem:s5+$0x19100] =	vst v13  }
0x1f3: {  	s12 =	sor.u32 s10, s7;
	v16 =	vadd.f32 v16, v56;
	v40 =	vmul.f32 v36, v10;
	v3 =	vadd.f32 v20, v3;
	[tilespmem:s5+$0x19300] =	vst v15  }
0x1f4: {  	v48 =	vld [tilespmem:$0x1FFF0];
	v8 =	vadd.f32 v18, v8;
	v21 =	vmul.f32 v35, v10;
	[tilespmem:s12+$0x19500] =	vst v5;
	v11 =	vmul.f32 v11, v10  }
0x1f5: {  	v56 =	vld [tilespmem:$0x1FFE0];
	v9 =	vmul.f32 v9, v10;
	v37 =	vmul.f32 v19, v10;
	[tilespmem:s12+$0x19B00] =	vst v3;
	v10 =	vadd.f32 v40, v14  }
0x1f6: {  	v47 =	vshll.u32 v34, $0x6;
	v6 =	vadd.f32 v38, v6;
	[tilespmem:s12+$0x1A500] =	vst v7;
	v7 =	vld [tilespmem:$0x1FF90];
	v11 =	vadd.f32 v11, v16  }
0x1f7: {  	v53 =	vshll.u32 v25, $0x6;
	v12 =	vadd.f32 v21, v12;
	v8 =	vadd.f32 v9, v8;
	[tilespmem:s12+$0x19F00] =	vst v10;
	v10 =	vld [tilespmem:$0x1FF60]  }
0x1f8: {  	v9 =	vand.u32 $0x40, v41;
	v1 =	vadd.f32 v37, v1;
	v15 =	vand.u32 $0x40, v47;
	[tilespmem:s12+$0x1A100] =	vst v11;
	v11 =	vld [tilespmem:$0x1FF70]  }
0x1f9: {  	v13 =	vand.u32 $0x40, v53;
	v5 =	vand.u32 $0x40, v43;
	v3 =	vand.u32 $0x3F, v42;
	[tilespmem:s12+$0x1A300] =	vst v8;
	v8 =	vld [tilespmem:$0x1FF80]  }
0x1fa: {  	[tilespmem:s12+$0x19900] =	vst v6;
	v6 =	vshll.u32 v32, $0x6;
	v35 =	vor.u32 v56, v13;
	v49 =	vor.u32 v3, v24  }
0x1fb: {  	v51 =	vld [tilespmem:$0x1FFA0];
	v28 =	vor.u32 v48, v15;
	[tilespmem:s12+$0x19700] =	vst v1;
	v1 =	vand.u32 $0x40, v44;
	v59 =	vor.u32 v3, v35  }
0x1fc: {  	v52 =	vld [tilespmem:$0x1FFB0];
	v6 =	vand.u32 $0x40, v6;
	v29 =	vor.u32 v10, v9;
	v9 =	vor.u32 v3, v28  }
0x1fd: {  	v54 =	vld [tilespmem:$0x1FFC0];
	v31 =	vor.u32 v7, v46;
	v30 =	vor.u32 v11, v5;
	v5 =	vor.u32 v3, v29  }
0x1fe: {  	v55 =	vld [tilespmem:$0x1FFD0];
	[tilespmem:s12+$0x19D00] =	vst v12;
	v11 =	vshll.u32 v27, $0x6;
	v27 =	vor.u32 v8, v1;
	v1 =	vor.u32 v3, v30  }
0x1ff: {  	v12 =	vld.idx.msk [tilespmem:v49+s18+$0x0], $0xffff;
	v10 =	vand.u32 $0x40, v50;
	v8 =	vand.u32 $0x40, v11;
	v7 =	vor.u32 v3, v27  }
0x200: {  	s13 =	simm.s32 $0x1;
	v15 =	vld.idx.msk [tilespmem:v59+s22+$0x0], $0xffff;
	v11 =	vshll.u32 v26, $0x6;
	v26 =	vor.u32 v51, v6;
	v6 =	vor.u32 v3, v31  }
0x201: {  	v58 =	vadd.s32 s13, v0;
	v32 =	vor.u32 v52, v10;
	v10 =	vor.u32 v3, v26;
	v9 =	vld.idx.msk [tilespmem:v9+s22+$0x0], $0xffff  }
0x202: {  	v11 =	vand.u32 $0x40, v11;
	v33 =	vor.u32 v54, v8;
	v8 =	vor.u32 v3, v32;
	v5 =	vld.idx.msk [tilespmem:v5+s22+$0x0], $0xffff  }
0x203: {  	v14 =	vand.u32 $0x3F, v58;
	v34 =	vor.u32 v55, v11;
	v11 =	vor.u32 v3, v33;
	v1 =	vld.idx.msk [tilespmem:v1+s22+$0x0], $0xffff  }
0x204: {  	v60 =	vor.u32 v14, v24;
	v7 =	vld.idx.msk [tilespmem:v7+s22+$0x0], $0xffff  }
0x205: {  	v45 =	vimm.f32 $0.0e+00;
	v36 =	vimm.f32 $0.0e+00;
	v57 =	vor.u32 v3, v34;
	v6 =	vld.idx.msk [tilespmem:v6+s22+$0x0], $0xffff  }
0x206: {  	v20 =	vor.u32 v14, v28;
	v48 =	vor.u32 v14, v35;
	v21 =	vor.u32 v14, v31;
	v10 =	vld.idx.msk [tilespmem:v10+s22+$0x0], $0xffff  }
0x207: {  	v61 =	vor.u32 v14, v29;
	v49 =	vor.u32 v14, v32;
	v62 =	vor.u32 v14, v30;
	v8 =	vld.idx.msk [tilespmem:v8+s22+$0x0], $0xffff  }
0x208: {  	v63 =	vor.u32 v14, v27;
	v50 =	vmul.f32 v15, v12;
	v9 =	vmul.f32 v9, v12;
	v11 =	vld.idx.msk [tilespmem:v11+s22+$0x0], $0xffff  }
0x209: {  	v37 =	vld.idx.msk [tilespmem:v60+s18+$0x0], $0xffff;
	v47 =	vor.u32 v14, v33;
	v3 =	vor.u32 v14, v26;
	v5 =	vmul.f32 v5, v12  }
0x20a: {  	v13 =	vld.idx.msk [tilespmem:v57+s22+$0x0], $0xffff;
	v25 =	vadd.f32 v9, v36;
	v7 =	vmul.f32 v7, v12;
	v9 =	vmul.f32 v6, v12  }
0x20b: {  	v51 =	vld.idx.msk [tilespmem:v21+s22+$0x0], $0xffff;
	v1 =	vmul.f32 v1, v12;
	v42 =	vadd.f32 v5, v36;
	v10 =	vmul.f32 v10, v12  }
0x20c: {  	s15 =	simm.s32 $0x2;
	v6 =	vld.idx.msk [tilespmem:v20+s22+$0x0], $0xffff;
	v44 =	vadd.f32 v7, v36;
	v43 =	vadd.f32 v9, v36;
	v7 =	vmul.f32 v8, v12  }
0x20d: {  	v5 =	vld.idx.msk [tilespmem:v62+s22+$0x0], $0xffff;
	v9 =	vadd.s32 s15, v0;
	v41 =	vadd.f32 v10, v36;
	v10 =	vmul.f32 v11, v12  }
0x20e: {  	v46 =	vor.u32 v14, v34;
	v40 =	vadd.f32 v1, v36;
	v1 =	vld.idx.msk [tilespmem:v61+s22+$0x0], $0xffff;
	v9 =	vand.u32 $0x3F, v9  }
0x20f: {  	s5 =	simm.s32 $0x3;
	v8 =	vld.idx.msk [tilespmem:v63+s22+$0x0], $0xffff;
	v39 =	vadd.f32 v7, v36;
	v7 =	vmul.f32 v13, v12;
	v38 =	vadd.f32 v10, v36  }
.LBB2_11:
0x210: {  	v10 =	vor.u32 v9, v24  }
0x211: {  	p0 =	sne.s32 s5, $0x3F;
	v11 =	vor.u32 v9, v29;
	v12 =	vor.u32 v9, v30;
	v13 =	vld.idx.msk [tilespmem:v3+s22+$0x0], $0xffff;
	v14 =	vmov v37  }
0x212: {  	v15 =	vor.u32 v9, v27;
	v16 =	vor.u32 v9, v28;
	v17 =	vld.idx.msk [tilespmem:v49+s22+$0x0], $0xffff;
	v6 =	vmul.f32 v6, v14  }
0x213: {  	v18 =	vor.u32 v9, v31;
	v3 =	vor.u32 v9, v26;
	v49 =	vor.u32 v9, v32;
	v19 =	vld.idx.msk [tilespmem:v47+s22+$0x0], $0xffff  }
0x214: {  	v47 =	vor.u32 v9, v33;
	v20 =	vld.idx.msk [tilespmem:v46+s22+$0x0], $0xffff;
	v46 =	vor.u32 v9, v34;
	v25 =	vadd.f32 v6, v25  }
0x215: {  	v1 =	vmul.f32 v1, v14;
	v5 =	vmul.f32 v5, v14;
	v21 =	vld.idx.msk [tilespmem:v48+s22+$0x0], $0xffff;
	v48 =	vor.u32 v9, v35  }
0x216: {  	v36 =	vadd.f32 v7, v36;
	v8 =	vmul.f32 v8, v14;
	v9 =	vmul.f32 v51, v14;
	v37 =	vld.idx.msk [tilespmem:v10+s18+$0x0], $0xffff  }
.Ltmp4:
0x217: {  	v42 =	vadd.f32 v1, v42;
	v40 =	vadd.f32 v5, v40;
	v7 =	vmul.f32 v13, v14;
	v6 =	vld.idx.msk [tilespmem:v16+s22+$0x0], $0xffff;
	(pc) =	sbr.rel @p0 .LBB2_11-.Ltmp4, $4  }
0x218: {  	v44 =	vadd.f32 v8, v44;
	v43 =	vadd.f32 v9, v43;
	v9 =	vmul.f32 v17, v14;
	v1 =	vld.idx.msk [tilespmem:v11+s22+$0x0], $0xffff  }
0x219: {  	v45 =	vadd.f32 v50, v45;
	v41 =	vadd.f32 v7, v41;
	v10 =	vmul.f32 v19, v14;
	v5 =	vld.idx.msk [tilespmem:v12+s22+$0x0], $0xffff  }
0x21a: {  	v11 =	vadd.s32 s5, v0;
	v39 =	vadd.f32 v9, v39;
	v7 =	vmul.f32 v20, v14;
	v8 =	vld.idx.msk [tilespmem:v15+s22+$0x0], $0xffff  }
0x21b: {  	s5 =	sadd.s32 $0x1, s5;
	v9 =	vand.u32 $0x3F, v11;
	v38 =	vadd.f32 v10, v38;
	v50 =	vmul.f32 v21, v14;
	v51 =	vld.idx.msk [tilespmem:v18+s22+$0x0], $0xffff  }
0x21c: {  	_ =	sdelay $0x3  }
0x21d: {  	v10 =	vor.u32 v9, v24;
	v3 =	vld.idx.msk [tilespmem:v3+s22+$0x0], $0xffff  }
0x21e: {  	v11 =	vor.u32 v9, v28;
	v12 =	vld.idx.msk [tilespmem:v49+s22+$0x0], $0xffff  }
0x21f: {  	v13 =	vor.u32 v9, v29;
	v14 =	vld.idx.msk [tilespmem:v47+s22+$0x0], $0xffff  }
0x220: {  	v15 =	vor.u32 v9, v30;
	v16 =	vld.idx.msk [tilespmem:v46+s22+$0x0], $0xffff  }
0x221: {  	v17 =	vor.u32 v9, v27;
	v18 =	vld.idx.msk [tilespmem:v48+s22+$0x0], $0xffff  }
0x222: {  	v19 =	vor.u32 v9, v31;
	v10 =	vld.idx.msk [tilespmem:v10+s18+$0x0], $0xffff  }
0x223: {  	v20 =	vor.u32 v9, v26;
	v11 =	vld.idx.msk [tilespmem:v11+s22+$0x0], $0xffff  }
0x224: {  	v6 =	vmul.f32 v6, v37;
	v21 =	vor.u32 v9, v32;
	v13 =	vld.idx.msk [tilespmem:v13+s22+$0x0], $0xffff  }
0x225: {  	v52 =	vor.u32 v9, v33;
	v53 =	vor.u32 v9, v34;
	v54 =	vor.u32 v9, v35;
	v15 =	vld.idx.msk [tilespmem:v15+s22+$0x0], $0xffff  }
0x226: {  	v7 =	vadd.f32 v7, v36;
	v1 =	vmul.f32 v1, v37;
	v5 =	vmul.f32 v5, v37;
	v17 =	vld.idx.msk [tilespmem:v17+s22+$0x0], $0xffff  }
0x227: {  	v56 =	vadd.f32 v50, v45;
	v8 =	vmul.f32 v8, v37;
	v55 =	vmul.f32 v51, v37;
	v19 =	vld.idx.msk [tilespmem:v19+s22+$0x0], $0xffff  }
0x228: {  	v1 =	vadd.f32 v1, v42;
	v3 =	vmul.f32 v3, v37;
	v20 =	vld.idx.msk [tilespmem:v20+s22+$0x0], $0xffff;
	v12 =	vmul.f32 v12, v37  }
0x229: {  	v5 =	vadd.f32 v5, v40;
	v21 =	vld.idx.msk [tilespmem:v21+s22+$0x0], $0xffff;
	v14 =	vmul.f32 v14, v37;
	v13 =	vmul.f32 v13, v10  }
0x22a: {  	v8 =	vadd.f32 v8, v44;
	v26 =	vld.idx.msk [tilespmem:v53+s22+$0x0], $0xffff;
	v58 =	vmul.f32 v16, v37;
	v15 =	vmul.f32 v15, v10  }
0x22b: {  	v24 =	vld.idx.msk [tilespmem:v52+s22+$0x0], $0xffff;
	v27 =	vadd.f32 v55, v43;
	v17 =	vmul.f32 v17, v10;
	v1 =	vadd.f32 v13, v1  }
0x22c: {  	s5 =	sadd.s32 s10, s7;
	v9 =	vld.idx.msk [tilespmem:v54+s22+$0x0], $0xffff;
	v3 =	vadd.f32 v3, v41;
	v57 =	vmul.f32 v19, v10;
	v5 =	vadd.f32 v15, v5  }
0x22d: {  	v12 =	vadd.f32 v12, v39;
	v59 =	vmul.f32 v20, v10;
	v8 =	vadd.f32 v17, v8;
	[tilespmem:s5+$0x1A700] =	vst v1  }
0x22e: {  	v7 =	vadd.f32 v58, v7;
	v60 =	vmul.f32 v21, v10;
	v13 =	vadd.f32 v57, v27;
	[tilespmem:s5+$0x1A900] =	vst v5  }
0x22f: {  	v63 =	vmul.f32 v26, v10;
	v3 =	vadd.f32 v59, v3;
	v5 =	vmul.f32 v18, v37;
	[tilespmem:s5+$0x1AB00] =	vst v8  }
0x230: {  	s30 =	sadd.s32 $0x1, s30;
	v61 =	vmul.f32 v24, v10;
	v62 =	vadd.f32 v60, v12;
	v1 =	vadd.f32 v14, v38;
	[tilespmem:s5+$0x1AD00] =	vst v13  }
0x231: {  	p0 =	sne.s32 s30, $0x10;
	v9 =	vmul.f32 v9, v10;
	v7 =	vadd.f32 v63, v7;
	[tilespmem:s5+$0x1AF00] =	vst v3;
	v5 =	vadd.f32 v5, v56  }
.Ltmp5:
0x232: {  	v3 =	vadd.f32 v6, v25;
	v6 =	vmul.f32 v11, v10;
	[tilespmem:s5+$0x1B100] =	vst v62;
	v1 =	vadd.f32 v61, v1;
	(pc) =	sbr.rel @p0 .LBB2_2-.Ltmp5, $4  }
0x233: {  	[tilespmem:s5+$0x1B500] =	vst v7;
	v5 =	vadd.f32 v9, v5  }
0x234: {  	[tilespmem:s5+$0x1B300] =	vst v1;
	v1 =	vadd.f32 v6, v3  }
0x235: {  	[tilespmem:s5+$0x1B700] =	vst v5  }
0x236: {  	v21 =	vmov v22;
	v22 =	vmov v23;
	[tilespmem:s5+$0x1B900] =	vst v1  }
0x237: {  	s5 =	rddreg [dreg:$0x9];
	s7 =	simm.s32 $0x19100  }
0x238: {  	[hbm4b:s5+s2] =	stream.linear.scatter [tilespmem:s7], [sflag:$0x3], $0x200, $0x38;
	[tilespmem:$0x1BB00] =	vst v63  }
0x239: {  	_ =	swait.ge [sflag:s31], $0x200  }
0x23a: {  	[sflag:s31] =	ssyncset.done $0x0  }
0x23b: {  	s10 =	simm.s32 $0x19300;
	s7 =	rddreg [dreg:$0xa];
	[sflag:s31] =	ssyncadd.s32 $0xFFFFFE00  }
0x23c: {  	[hbm4b:s7+s2] =	stream.linear.scatter [tilespmem:s10], [sflag:$0x3], $0x200, $0x38;
	[tilespmem:$0x1BB00] =	vst v63  }
0x23d: {  	_ =	swait.ge [sflag:s31], $0x200  }
0x23e: {  	[sflag:s31] =	ssyncset.done $0x0  }
0x23f: {  	s13 =	simm.s32 $0x19500;
	s12 =	rddreg [dreg:$0xb];
	[sflag:s31] =	ssyncadd.s32 $0xFFFFFE00  }
0x240: {  	[hbm4b:s12+s2] =	stream.linear.scatter [tilespmem:s13], [sflag:$0x3], $0x200, $0x38;
	[tilespmem:$0x1BB00] =	vst v63  }
0x241: {  	_ =	swait.ge [sflag:s31], $0x200  }
0x242: {  	[sflag:s31] =	ssyncset.done $0x0  }
0x243: {  	s30 =	simm.s32 $0x19700;
	s15 =	rddreg [dreg:$0xc];
	[sflag:s31] =	ssyncadd.s32 $0xFFFFFE00  }
0x244: {  	[hbm4b:s15+s2] =	stream.linear.scatter [tilespmem:s30], [sflag:$0x3], $0x200, $0x38;
	[tilespmem:$0x1BB00] =	vst v63  }
0x245: {  	_ =	swait.ge [sflag:s31], $0x200  }
0x246: {  	[sflag:s31] =	ssyncset.done $0x0  }
0x247: {  	s10 =	simm.s32 $0x19900;
	s7 =	rddreg [dreg:$0xd];
	[sflag:s31] =	ssyncadd.s32 $0xFFFFFE00  }
0x248: {  	[hbm4b:s7+s2] =	stream.linear.scatter [tilespmem:s10], [sflag:$0x3], $0x200, $0x38;
	[tilespmem:$0x1BB00] =	vst v63  }
0x249: {  	_ =	swait.ge [sflag:s31], $0x200  }
0x24a: {  	[sflag:s31] =	ssyncset.done $0x0  }
0x24b: {  	s13 =	simm.s32 $0x19B00;
	s12 =	rddreg [dreg:$0xe];
	[sflag:s31] =	ssyncadd.s32 $0xFFFFFE00  }
0x24c: {  	[hbm4b:s12+s2] =	stream.linear.scatter [tilespmem:s13], [sflag:$0x3], $0x200, $0x38;
	[tilespmem:$0x1BB00] =	vst v63  }
0x24d: {  	_ =	swait.ge [sflag:s31], $0x200  }
0x24e: {  	[sflag:s31] =	ssyncset.done $0x0  }
0x24f: {  	s30 =	simm.s32 $0x19D00;
	s15 =	rddreg [dreg:$0xf];
	[sflag:s31] =	ssyncadd.s32 $0xFFFFFE00  }
0x250: {  	[hbm4b:s15+s2] =	stream.linear.scatter [tilespmem:s30], [sflag:$0x3], $0x200, $0x38;
	[tilespmem:$0x1BB00] =	vst v63  }
0x251: {  	_ =	swait.ge [sflag:s31], $0x200  }
0x252: {  	[sflag:s31] =	ssyncset.done $0x0  }
0x253: {  	s10 =	simm.s32 $0x19F00;
	s7 =	rddreg [dreg:$0x10];
	[sflag:s31] =	ssyncadd.s32 $0xFFFFFE00  }
0x254: {  	[hbm4b:s7+s2] =	stream.linear.scatter [tilespmem:s10], [sflag:$0x3], $0x200, $0x38;
	[tilespmem:$0x1BB00] =	vst v63  }
0x255: {  	_ =	swait.ge [sflag:s31], $0x200  }
0x256: {  	[sflag:s31] =	ssyncset.done $0x0  }
0x257: {  	s13 =	simm.s32 $0x1A100;
	s12 =	rddreg [dreg:$0x11];
	[sflag:s31] =	ssyncadd.s32 $0xFFFFFE00  }
0x258: {  	[hbm4b:s12+s2] =	stream.linear.scatter [tilespmem:s13], [sflag:$0x3], $0x200, $0x38;
	[tilespmem:$0x1BB00] =	vst v63  }
0x259: {  	_ =	swait.ge [sflag:s31], $0x200  }
0x25a: {  	[sflag:s31] =	ssyncset.done $0x0  }
0x25b: {  	s30 =	simm.s32 $0x1A300;
	s15 =	rddreg [dreg:$0x12];
	[sflag:s31] =	ssyncadd.s32 $0xFFFFFE00  }
0x25c: {  	[hbm4b:s15+s2] =	stream.linear.scatter [tilespmem:s30], [sflag:$0x3], $0x200, $0x38;
	[tilespmem:$0x1BB00] =	vst v63  }
0x25d: {  	_ =	swait.ge [sflag:s31], $0x200  }
0x25e: {  	[sflag:s31] =	ssyncset.done $0x0  }
0x25f: {  	s10 =	simm.s32 $0x1A500;
	s7 =	rddreg [dreg:$0x13];
	[sflag:s31] =	ssyncadd.s32 $0xFFFFFE00  }
0x260: {  	[hbm4b:s7+s2] =	stream.linear.scatter [tilespmem:s10], [sflag:$0x3], $0x200, $0x38;
	[tilespmem:$0x1BB00] =	vst v63  }
0x261: {  	_ =	swait.ge [sflag:s31], $0x200  }
0x262: {  	[sflag:s31] =	ssyncset.done $0x0  }
0x263: {  	s13 =	simm.s32 $0x1A700;
	s12 =	rddreg [dreg:$0x14];
	[sflag:s31] =	ssyncadd.s32 $0xFFFFFE00  }
0x264: {  	[hbm4b:s12+s2] =	stream.linear.scatter [tilespmem:s13], [sflag:$0x3], $0x200, $0x38;
	[tilespmem:$0x1BB00] =	vst v63  }
0x265: {  	_ =	swait.ge [sflag:s31], $0x200  }
0x266: {  	[sflag:s31] =	ssyncset.done $0x0  }
0x267: {  	s30 =	simm.s32 $0x1A900;
	s15 =	rddreg [dreg:$0x15];
	[sflag:s31] =	ssyncadd.s32 $0xFFFFFE00  }
0x268: {  	[hbm4b:s15+s2] =	stream.linear.scatter [tilespmem:s30], [sflag:$0x3], $0x200, $0x38;
	[tilespmem:$0x1BB00] =	vst v63  }
0x269: {  	_ =	swait.ge [sflag:s31], $0x200  }
0x26a: {  	[sflag:s31] =	ssyncset.done $0x0  }
0x26b: {  	s10 =	simm.s32 $0x1AB00;
	s7 =	rddreg [dreg:$0x16];
	[sflag:s31] =	ssyncadd.s32 $0xFFFFFE00  }
0x26c: {  	[hbm4b:s7+s2] =	stream.linear.scatter [tilespmem:s10], [sflag:$0x3], $0x200, $0x38;
	[tilespmem:$0x1BB00] =	vst v63  }
0x26d: {  	_ =	swait.ge [sflag:s31], $0x200  }
0x26e: {  	[sflag:s31] =	ssyncset.done $0x0  }
0x26f: {  	s13 =	simm.s32 $0x1AD00;
	s12 =	rddreg [dreg:$0x17];
	[sflag:s31] =	ssyncadd.s32 $0xFFFFFE00  }
0x270: {  	[hbm4b:s12+s2] =	stream.linear.scatter [tilespmem:s13], [sflag:$0x3], $0x200, $0x38;
	[tilespmem:$0x1BB00] =	vst v63  }
0x271: {  	_ =	swait.ge [sflag:s31], $0x200  }
0x272: {  	[sflag:s31] =	ssyncset.done $0x0  }
0x273: {  	s30 =	simm.s32 $0x1AF00;
	s15 =	rddreg [dreg:$0x18];
	[sflag:s31] =	ssyncadd.s32 $0xFFFFFE00  }
0x274: {  	[hbm4b:s15+s2] =	stream.linear.scatter [tilespmem:s30], [sflag:$0x3], $0x200, $0x38;
	[tilespmem:$0x1BB00] =	vst v63  }
0x275: {  	_ =	swait.ge [sflag:s31], $0x200  }
0x276: {  	[sflag:s31] =	ssyncset.done $0x0  }
0x277: {  	s10 =	simm.s32 $0x1B100;
	s7 =	rddreg [dreg:$0x19];
	[sflag:s31] =	ssyncadd.s32 $0xFFFFFE00  }
0x278: {  	[hbm4b:s7+s2] =	stream.linear.scatter [tilespmem:s10], [sflag:$0x3], $0x200, $0x38;
	[tilespmem:$0x1BB00] =	vst v63  }
0x279: {  	_ =	swait.ge [sflag:s31], $0x200  }
0x27a: {  	[sflag:s31] =	ssyncset.done $0x0  }
0x27b: {  	s13 =	simm.s32 $0x1B300;
	s12 =	rddreg [dreg:$0x1a];
	[sflag:s31] =	ssyncadd.s32 $0xFFFFFE00  }
0x27c: {  	[hbm4b:s12+s2] =	stream.linear.scatter [tilespmem:s13], [sflag:$0x3], $0x200, $0x38;
	[tilespmem:$0x1BB00] =	vst v63  }
0x27d: {  	_ =	swait.ge [sflag:s31], $0x200  }
0x27e: {  	[sflag:s31] =	ssyncset.done $0x0  }
0x27f: {  	s30 =	simm.s32 $0x1B500;
	s15 =	rddreg [dreg:$0x1b];
	[sflag:s31] =	ssyncadd.s32 $0xFFFFFE00  }
0x280: {  	[hbm4b:s15+s2] =	stream.linear.scatter [tilespmem:s30], [sflag:$0x3], $0x200, $0x38;
	[tilespmem:$0x1BB00] =	vst v63  }
0x281: {  	_ =	swait.ge [sflag:s31], $0x200  }
0x282: {  	[sflag:s31] =	ssyncset.done $0x0  }
0x283: {  	s10 =	simm.s32 $0x1B700;
	s7 =	rddreg [dreg:$0x1c];
	[sflag:s31] =	ssyncadd.s32 $0xFFFFFE00  }
0x284: {  	[hbm4b:s7+s2] =	stream.linear.scatter [tilespmem:s10], [sflag:$0x3], $0x200, $0x38;
	[tilespmem:$0x1BB00] =	vst v63  }
0x285: {  	_ =	swait.ge [sflag:s31], $0x200  }
0x286: {  	[sflag:s31] =	ssyncset.done $0x0  }
0x287: {  	s13 =	simm.s32 $0x1B900;
	s12 =	rddreg [dreg:$0x1d];
	[sflag:s31] =	ssyncadd.s32 $0xFFFFFE00  }
0x288: {  	[hbm4b:s12+s2] =	stream.linear.scatter [tilespmem:s13], [sflag:$0x3], $0x200, $0x38;
	[tilespmem:$0x1BB00] =	vst v63  }
0x289: {  	_ =	swait.ge [sflag:s31], $0x200  }
0x28a: {  	s15 =	rddreg [dreg:$0x1f]  }
0x28b: {  	s30 =	rddreg [dreg:$0x1e];
	s7 =	sadd.s32 $0x1, s15  }
0x28c: {  	p0 =	sne.s32 s7, s30  }
.Ltmp6:
0x28d: {  	_ = 	snop;
	(pc) =	sbr.rel @p0 .LBB2_1-.Ltmp6, $3  }
0x28e: {  	_ =	sdelay $0x1  }
0x28f: {  	[sflag:s31] =	ssyncset.done $0x0  }
0x290: {  	[sflag:s31] =	ssyncadd.s32 $0xFFFFFE00  }
0x291: {  	_ =	sfence.sel $0x180000  }
0x292: {  	[bflag:$0x0] =	sbarrier.arrive $0xFFFF  }
0x293: {  	_ =	strace $0x90000047  }
0x294: {  	s0 =	stileid.u32;
	[bflag:$0x2] =	sbarrier.arrive $0xFFFF  }
0x295: {  	p0 =	sne.s32 s0, $0x0;
	s0 =	rddreg [dreg:$0x5]  }
0x296: {  	s0 =	sadd.s32 @!p0 $0x100000, s0  }
0x297: {  	[sflag:s0] =	ssyncadd.tile.s32 @!p0 $0x1;
	_ =	shalt  }
.Lfunc_end2:
_tile_overlayer_lowered:
.L_overlay_start_2:
0x298: {  	(tag) =	ssettag $0x2  }
0x299: {  	s0 =	rddreg [dreg:$0x0];
	s2 =	stileid.u32  }
0x29a: {  	s1 =	rddreg [dreg:$0x1];
	p0 =	sne.s32 s2, $0x0  }
0x29b: {  	s3 =	rddreg [dreg:$0x2];
	[bflag:$0x3] =	sbarrier.arrive $0xFFFF;
	s2 =	simm.s32 @!p0 $0x1C03  }
0x29c: {  	[timem:s3], [sflag:s2] =	dma.local @!p0 [hbm:s0], s1  }
0x29d: {  	s0 =	simm.s32 @!p0 $0x3  }
0x29e: {  	_ =	swait.ge @!p0 [sflag:s0], s1  }
0x29f: {  	s1 =	ssub.s32 @!p0 $0x0, s1;
	[sflag:s0] =	ssyncset.done @!p0 $0x0  }
0x2a0: {  	[sflag:s0] =	ssyncadd.s32 @!p0 s1  }
0x2a1: {  	[bflag:$0x3] =	sbarrier.arrive $0xFFFF  }
0x2a2: {  	_ =	shalt  }

</sc_bundles>
